<compile_context>
chip_gen: v7x
topology: tpu7x:2x2x1
jax: 0.10.2.dev20260603
libtpu: 0.0.44.dev20260713+nightly
codegen_flags: <defaults>
</compile_context>

<pallas_src>
import jax
import jax.numpy as jnp
from jax import lax
from jax.experimental import pallas as pl
from jax.experimental.pallas import tpu as pltpu
from jax.experimental.pallas import tpu_sc as plsc

N = 50000
HALF = 25000
D = 64
E = 800000
EPT = 51200
EP = EPT * 16
CHUNK = 2048
NCHUNK = EPT // CHUNK
BLK = 128
ACC = 25088
RPT = ACC // 16
NWB = 13

_mesh = plsc.VectorSubcoreMesh(
    core_axis_name="c", subcore_axis_name="s", num_cores=2, num_subcores=16)
_params = pltpu.CompilerParams(needs_layout_passes=False,
                               use_tc_tiling_on_sc=False)


def _wo_loc(s, j):
    return jnp.minimum(s * RPT + jnp.minimum(j * BLK, RPT - BLK), HALF - BLK)


def _deg_body(row_hbm, ones_hbm, zeros_hbm, deg_out,
              stage_r, sel0, sel1, onesb, zerosb, dacc, ssem0, ssem1):
    c = lax.axis_index("c")
    s = lax.axis_index("s")
    rbase = c * HALF
    iota = lax.iota(jnp.int32, 16)

    pltpu.sync_copy(ones_hbm, onesb)
    pltpu.sync_copy(zeros_hbm, zerosb)
    zb = s * RPT

    def z_body(j, carry):
        pltpu.sync_copy(zerosb, dacc.at[pl.ds(zb + j * BLK, BLK)])
        return carry

    lax.fori_loop(0, RPT // BLK, z_body, 0)
    pltpu.sync_copy(zerosb.at[pl.ds(0, RPT % BLK)],
                    dacc.at[pl.ds(zb + RPT - RPT % BLK, RPT % BLK)])
    plsc.subcore_barrier()

    e_base = s * EPT
    bpc = CHUNK // BLK

    def build(g, selbuf):
        for v in range(8):
            r = stage_r[pl.ds((g % bpc) * BLK + v * 16, 16)]
            owned = (r >= rbase) & (r < rbase + HALF)
            dmy = HALF + (v & 3) * 16 + iota
            sel = jnp.where(owned, r - rbase, dmy)
            selbuf[pl.ds(v * 16, 16)] = sel

    def g_body(g, carry):
        @pl.when(g % bpc == 0)
        def _():
            pltpu.sync_copy(
                row_hbm.at[pl.ds(e_base + (g // bpc) * CHUNK, CHUNK)],
                stage_r)

        @pl.when(g % 2 == 0)
        def _():
            @pl.when(g >= 2)
            def _():
                pltpu.make_async_copy(onesb, dacc.at[sel0], ssem0).wait()
            build(g, sel0)
            pltpu.async_copy(onesb, dacc.at[sel0], ssem0, add=True)

        @pl.when(g % 2 == 1)
        def _():
            @pl.when(g >= 2)
            def _():
                pltpu.make_async_copy(onesb, dacc.at[sel1], ssem1).wait()
            build(g, sel1)
            pltpu.async_copy(onesb, dacc.at[sel1], ssem1, add=True)

        return carry

    lax.fori_loop(0, NCHUNK * bpc, g_body, 0)
    pltpu.make_async_copy(onesb, dacc.at[sel0], ssem0).wait()
    pltpu.make_async_copy(onesb, dacc.at[sel1], ssem1).wait()
    plsc.subcore_barrier()

    def w_body(j, carry):
        loc = _wo_loc(s, j)
        pltpu.sync_copy(dacc.at[pl.ds(loc, BLK)], zerosb)
        pltpu.sync_copy(zerosb, deg_out.at[pl.ds(rbase + loc, BLK)])
        return carry

    lax.fori_loop(0, NWB, w_body, 0)


def _degree(row_p, ones16, zeros16):
    return pl.kernel(
        _deg_body,
        out_type=jax.ShapeDtypeStruct((N, 16), jnp.float32),
        mesh=_mesh,
        scratch_types=[
            pltpu.VMEM((CHUNK,), jnp.int32),
            pltpu.VMEM((BLK,), jnp.int32),
            pltpu.VMEM((BLK,), jnp.int32),
            pltpu.VMEM((BLK, 16), jnp.float32),
            pltpu.VMEM((BLK, 16), jnp.float32),
            pltpu.VMEM_SHARED((ACC, 16), jnp.float32),
            pltpu.SemaphoreType.DMA,
            pltpu.SemaphoreType.DMA,
        ],
        compiler_params=_params,
    )(row_p, ones16, zeros16)


def _make_round_body(final):

    def body(xs_hbm, row_hbm, col_hbm, dinv_hbm, aux_hbm, zeros_hbm,
             *refs):
        if final:
            (out_hbm, stage_r, stage_c, cr, cc, rb0, rb1, acc,
             gsem, ssem0, ssem1) = refs
        else:
            (hs_hbm, xh_hbm, stage_r, stage_c, cr, cc, rb0, rb1, acc,
             gsem, ssem0, ssem1) = refs
        c = lax.axis_index("c")
        s = lax.axis_index("s")
        cbase = c * HALF
        iota = lax.iota(jnp.int32, 16)

        pltpu.sync_copy(zeros_hbm, rb0)
        zb = s * RPT

        def z_body(j, carry):
            pltpu.sync_copy(rb0, acc.at[pl.ds(zb + j * BLK, BLK)])
            return carry

        lax.fori_loop(0, RPT // BLK, z_body, 0)
        pltpu.sync_copy(rb0.at[pl.ds(0, RPT % BLK)],
                        acc.at[pl.ds(zb + RPT - RPT % BLK, RPT % BLK)])
        plsc.subcore_barrier()

        e_base = s * EPT

        def chunk_body(k, carry):
            pltpu.sync_copy(row_hbm.at[pl.ds(e_base + k * CHUNK, CHUNK)],
                            stage_r)
            pltpu.sync_copy(col_hbm.at[pl.ds(e_base + k * CHUNK, CHUNK)],
                            stage_c)

            def comp_body(v, mv):
                r = stage_r[pl.ds(v * 16, 16)]
                cv = stage_c[pl.ds(v * 16, 16)]
                owned = (cv >= cbase) & (cv < cbase + HALF)
                inc = plsc.cumsum(owned.astype(jnp.int32))
                pos = mv + inc - 1
                hi = lax.shift_right_logical(pos, 7)
                lo = pos & (BLK - 1)
                plsc.store_scatter(cr, [hi, lo], r, mask=owned)
                plsc.store_scatter(cc, [hi, lo], cv - cbase, mask=owned)
                return mv + plsc.all_reduce_population_count(owned)

            mv = lax.fori_loop(0, CHUNK // 16, comp_body,
                               jnp.zeros((16,), jnp.int32))
            m = mv[0]
            nb = (m + BLK - 1) // BLK

            def pad_at(pos):
                hi = lax.shift_right_logical(pos, 7)
                lo = pos & (BLK - 1)
                sr = ((pos + s * 37 + k) * 797) % N
                plsc.store_scatter(cr, [hi, lo], sr)
                plsc.store_scatter(cc, [hi, lo], HALF + iota)

            pad_at(m + iota)

            def pad_body(j, carry):
                pad_at(j * 16 + iota)
                return carry

            lax.fori_loop(m // 16 + 1, nb * (BLK // 16), pad_body, 0)

            @pl.when(nb > 0)
            def _():
                pltpu.async_copy(xs_hbm.at[cr.at[0]], rb0, gsem)

            def blk_body(b, carry):
                nxt = b + 1

                @pl.when(b % 2 == 0)
                def _():
                    pltpu.make_async_copy(xs_hbm.at[cr.at[b]], rb0,
                                          gsem).wait()
                    pltpu.async_copy(rb0, acc.at[cc.at[b]], ssem0, add=True)

                    @pl.when(nxt < nb)
                    def _():
                        @pl.when(b >= 1)
                        def _():
                            pltpu.make_async_copy(
                                rb1, acc.at[cc.at[b - 1]], ssem1).wait()

                        pltpu.async_copy(xs_hbm.at[cr.at[nxt]], rb1, gsem)

                @pl.when(b % 2 == 1)
                def _():
                    pltpu.make_async_copy(xs_hbm.at[cr.at[b]], rb1,
                                          gsem).wait()
                    pltpu.async_copy(rb1, acc.at[cc.at[b]], ssem1, add=True)

                    @pl.when(nxt < nb)
                    def _():
                        pltpu.make_async_copy(
                            rb0, acc.at[cc.at[b - 1]], ssem0).wait()
                        pltpu.async_copy(xs_hbm.at[cr.at[nxt]], rb0, gsem)

                return carry

            lax.fori_loop(0, nb, blk_body, 0)

            @pl.when(nb >= 1)
            def _():
                last = nb - 1

                @pl.when(last % 2 == 0)
                def _():
                    pltpu.make_async_copy(rb0, acc.at[cc.at[last]],
                                          ssem0).wait()

                @pl.when(last % 2 == 1)
                def _():
                    pltpu.make_async_copy(rb1, acc.at[cc.at[last]],
                                          ssem1).wait()

            @pl.when(nb >= 2)
            def _():
                prev = nb - 2

                @pl.when(prev % 2 == 0)
                def _():
                    pltpu.make_async_copy(rb0, acc.at[cc.at[prev]],
                                          ssem0).wait()

                @pl.when(prev % 2 == 1)
                def _():
                    pltpu.make_async_copy(rb1, acc.at[cc.at[prev]],
                                          ssem1).wait()

            return carry

        lax.fori_loop(0, NCHUNK, chunk_body, 0)
        plsc.subcore_barrier()

        WB = BLK // 2

        def w_body(j, carry):
            loc = jnp.minimum(s * RPT + jnp.minimum(j * WB, RPT - WB),
                              HALF - WB)
            pltpu.sync_copy(acc.at[pl.ds(loc, WB)], rb0.at[pl.ds(0, WB)])
            pltpu.sync_copy(aux_hbm.at[pl.ds(cbase + loc, WB)],
                            rb0.at[pl.ds(WB, WB)])
            pltpu.sync_copy(dinv_hbm.at[pl.ds(cbase + loc, WB)],
                            rb1.at[pl.ds(0, WB)])

            def r_body(r, carry):
                for q in range(D // 16):
                    v = rb0[r, pl.ds(q * 16, 16)]
                    dv = rb1[r, pl.ds(q * 16, 16)]
                    a = rb0[WB + r, pl.ds(q * 16, 16)]
                    t = v * dv
                    rb1[WB + r, pl.ds(q * 16, 16)] = a + t
                    if not final:
                        rb0[r, pl.ds(q * 16, 16)] = t * dv
                return carry

            lax.fori_loop(0, WB, r_body, 0)
            if final:
                pltpu.sync_copy(rb1.at[pl.ds(WB, WB)],
                                out_hbm.at[pl.ds(cbase + loc, WB)])
            else:
                pltpu.sync_copy(rb0.at[pl.ds(0, WB)],
                                hs_hbm.at[pl.ds(cbase + loc, WB)])
                pltpu.sync_copy(rb1.at[pl.ds(WB, WB)],
                                xh_hbm.at[pl.ds(cbase + loc, WB)])
            return carry

        lax.fori_loop(0, RPT // WB + 1, w_body, 0)

    return body


_round1_body = _make_round_body(final=False)
_round2_body = _make_round_body(final=True)


def _round_scratch():
    return [
        pltpu.VMEM((CHUNK,), jnp.int32),
        pltpu.VMEM((CHUNK,), jnp.int32),
        pltpu.VMEM((CHUNK // BLK + 1, BLK), jnp.int32),
        pltpu.VMEM((CHUNK // BLK + 1, BLK), jnp.int32),
        pltpu.VMEM((BLK, D), jnp.float32),
        pltpu.VMEM((BLK, D), jnp.float32),
        pltpu.VMEM_SHARED((ACC, D), jnp.float32),
        pltpu.SemaphoreType.DMA,
        pltpu.SemaphoreType.DMA,
        pltpu.SemaphoreType.DMA,
    ]


def _gcn_round1(xs, row_p, col_p, dinvw, x, zeros64):
    return pl.kernel(
        _round1_body,
        out_type=[
            jax.ShapeDtypeStruct((N, D), jnp.float32),
            jax.ShapeDtypeStruct((N, D), jnp.float32),
        ],
        mesh=_mesh,
        scratch_types=_round_scratch(),
        compiler_params=_params,
    )(xs, row_p, col_p, dinvw, x, zeros64)


def _gcn_round2(hs, row_p, col_p, dinvw, xh, zeros64):
    return pl.kernel(
        _round2_body,
        out_type=jax.ShapeDtypeStruct((N, D), jnp.float32),
        mesh=_mesh,
        scratch_types=_round_scratch(),
        compiler_params=_params,
    )(hs, row_p, col_p, dinvw, xh, zeros64)


BK = 200
NBLK_HALF = HALF // BK


def _feat_body(pref, feat, degw, W1r, b1r, W2r, b2r, x_ref, xs_ref, dw_ref):
    i = pl.program_id(0)
    deg = degw[:, 0:1]
    dinv = jnp.where(deg > 0, lax.rsqrt(deg), 0.0)
    dw_ref[...] = jnp.broadcast_to(dinv, (BK, D))

    @pl.when(i < NBLK_HALF)
    def _():
        v = pref[...]
        nrm = jnp.maximum(jnp.sqrt(jnp.sum(v * v, axis=1, keepdims=True)),
                          1e-12)
        xb = v / nrm
        x_ref[...] = xb
        xs_ref[...] = xb * dinv

    @pl.when(i >= NBLK_HALF)
    def _():
        t = jnp.dot(feat[...], W1r[...],
                    preferred_element_type=jnp.float32) + b1r[...]
        t = jnp.where(t >= 0, t, 0.01 * t)
        t = jnp.dot(t, W2r[...],
                    preferred_element_type=jnp.float32) + b2r[...]
        nrm = jnp.maximum(jnp.sqrt(jnp.sum(t * t, axis=1, keepdims=True)),
                          1e-12)
        xb = t / nrm
        x_ref[...] = xb
        xs_ref[...] = xb * dinv


def _feat(features, preference, deg_wide, W1, b1, W2, b2):
    nb = 2 * NBLK_HALF
    return pl.pallas_call(
        _feat_body,
        out_shape=[
            jax.ShapeDtypeStruct((N, D), jnp.float32),
            jax.ShapeDtypeStruct((N, D), jnp.float32),
            jax.ShapeDtypeStruct((N, D), jnp.float32),
        ],
        grid=(nb,),
        in_specs=[
            pl.BlockSpec((BK, D), lambda i: (jnp.minimum(i, NBLK_HALF - 1), 0)),
            pl.BlockSpec((BK, 128),
                         lambda i: (jnp.maximum(i - NBLK_HALF, 0), 0)),
            pl.BlockSpec((BK, 16), lambda i: (i, 0)),
            pl.BlockSpec((128, 256), lambda i: (0, 0)),
            pl.BlockSpec((256,), lambda i: (0,)),
            pl.BlockSpec((256, D), lambda i: (0, 0)),
            pl.BlockSpec((D,), lambda i: (0,)),
        ],
        out_specs=[
            pl.BlockSpec((BK, D), lambda i: (i, 0)),
            pl.BlockSpec((BK, D), lambda i: (i, 0)),
            pl.BlockSpec((BK, D), lambda i: (i, 0)),
        ],
    )(preference, features, deg_wide, W1, b1, W2, b2)


def kernel(edge_index, features, preference, W1, b1, W2, b2):
    row = edge_index[0].astype(jnp.int32)
    col = edge_index[1].astype(jnp.int32)
    pad = jnp.full((EP - E,), N, jnp.int32)
    row_p = jnp.concatenate([row, pad])
    col_p = jnp.concatenate([col, pad])
    ones16 = jnp.ones((BLK, 16), jnp.float32)
    zeros16 = jnp.zeros((BLK, 16), jnp.float32)
    zeros64 = jnp.zeros((BLK, D), jnp.float32)

    deg_wide = _degree(row_p, ones16, zeros16)
    x, xs, dinvw = _feat(features, preference, deg_wide, W1, b1, W2, b2)
    hs, xh = _gcn_round1(xs, row_p, col_p, dinvw, x, zeros64)
    return _gcn_round2(hs, row_p, col_p, dinvw, xh, zeros64)

# --- scband reference (transcript-rebuilt; emitter-appended) ---
"""Pipeline reference for scband-multi-graph-73306501808378 (READ-ONLY COPY).

The authoritative reference and input builder live on the scoring server;
editing this copy changes nothing except your own understanding.
"""

import jax, jax.numpy as jnp
import numpy as np

NUM_USER = 25000
NUM_ITEM = 25000
DIM_FEAT = 128
DIM_LATENT = 64
N_EDGES = 800000
N_NODES = NUM_USER + NUM_ITEM


def setup_inputs(seed: int = 0) -> dict:
    key = jax.random.key(seed)
    k = jax.random.split(key, 7)
    edge_index = jax.random.randint(k[0], (2, N_EDGES), 0, N_NODES, dtype=jnp.int32)
    features = jax.random.normal(k[1], (NUM_ITEM, DIM_FEAT), dtype=jnp.float32)
    # learned parameters (GCN branch of MultiGraph: preference + MLP + MLP_1 + Base_gcn)
    preference = jax.random.normal(k[2], (NUM_USER, DIM_LATENT), dtype=jnp.float32) * (1.0 / np.sqrt(DIM_LATENT))
    W1 = jax.random.normal(k[3], (DIM_FEAT, 4 * DIM_LATENT), dtype=jnp.float32) * (1.0 / np.sqrt(DIM_FEAT))
    b1 = jnp.zeros((4 * DIM_LATENT,), dtype=jnp.float32)
    W2 = jax.random.normal(k[4], (4 * DIM_LATENT, DIM_LATENT), dtype=jnp.float32) * (1.0 / np.sqrt(4 * DIM_LATENT))
    b2 = jnp.zeros((DIM_LATENT,), dtype=jnp.float32)
    return {"edge_index": edge_index, "features": features, "preference": preference,
            "W1": W1, "b1": b1, "W2": W2, "b2": b2}


def _base_gcn(x, edge_index):
    # PyG Base_gcn with aggr='add': message = deg^{-1/2}[row] * deg^{-1/2}[col] * x_j,
    # x_j gathered from source (edge_index[0]), scattered (add) to target (edge_index[1]).
    n = x.shape[0]
    row = edge_index[0]
    col = edge_index[1]
    deg = jnp.zeros((n,), dtype=x.dtype).at[row].add(1.0)
    deg_inv_sqrt = jnp.where(deg > 0, deg ** -0.5, 0.0)
    norm = deg_inv_sqrt[row] * deg_inv_sqrt[col]
    msgs = x[row] * norm[:, None]
    out = jnp.zeros_like(x).at[col].add(msgs)
    return out


def reference(edge_index, features, preference, W1, b1, W2, b2):
    # GCN.forward: temp_features = MLP_1(leaky_relu(MLP(features)))
    temp = features @ W1 + b1
    temp = jax.nn.leaky_relu(temp, negative_slope=0.01)
    temp = temp @ W2 + b2
    # x = normalize(cat(preference, temp_features))
    x = jnp.concatenate([preference, temp], axis=0)
    nrm = jnp.maximum(jnp.linalg.norm(x, axis=1, keepdims=True), 1e-12)
    x = x / nrm
    # two rounds of Base_gcn message passing, residual combine
    h = _base_gcn(x, edge_index)
    h1 = _base_gcn(h, edge_index)
    x_hat = h + x + h1
    return x_hat

if __name__ == "__main__":
    import jax
    _d = setup_inputs()
    print(jax.jit(kernel)(*tuple(_d.values())))

</pallas_src>

<mosaic_0001>
#map = affine_map<(d0, d1) -> (0)>
#map1 = affine_map<(d0, d1) -> (0, 0)>
module attributes {stable_mosaic.version = 14 : i64} {
  func.func @_deg_body(%arg0: i32, %arg1: i32, %arg2: memref<819200xi32, #tpu.memory_space<hbm>>, %arg3: memref<128x16xf32, #tpu.memory_space<hbm>>, %arg4: memref<128x16xf32, #tpu.memory_space<hbm>>, %arg5: memref<50000x16xf32, #tpu.memory_space<hbm>>, %arg6: memref<2048xi32, #tpu.memory_space<vmem>>, %arg7: memref<128xi32, #tpu.memory_space<vmem>>, %arg8: memref<128xi32, #tpu.memory_space<vmem>>, %arg9: memref<128x16xf32, #tpu.memory_space<vmem>>, %arg10: memref<128x16xf32, #tpu.memory_space<vmem>>, %arg11: memref<25088x16xf32, #tpu.memory_space<vmem_shared>>, %arg12: memref<!tpu.dma_semaphore, #tpu.memory_space<semaphore_mem>>, %arg13: memref<!tpu.dma_semaphore, #tpu.memory_space<semaphore_mem>>) attributes {dimension_semantics = [#tpu.dimension_semantics<core_parallel>, #tpu.dimension_semantics<subcore_parallel>], iteration_bounds = array<i64: 2, 16>, scalar_prefetch = 0 : i64, scratch_operands = 8 : i64, tpu.core_type = #tpu.core_type<sc_vector_subcore>, window_params = [{transform_indices = #map}, {transform_indices = #map1}, {transform_indices = #map1}, {transform_indices = #map1}]} {
    %mul3A = arith.constant 25000 : i32
    %mul3A_0 = arith.muli %arg0, %mul3A : i32
    %iota3A = tpu.iota {dimensions = array<i32: 0>} : vector<16xi32>
    "tpu.region"() ({
      %run_scoped3A = tpu.sem_alloc : memref<!tpu.dma_semaphore, #tpu.memory_space<semaphore_mem>>
      tpu.enqueue_dma source(%arg3 : memref<128x16xf32, #tpu.memory_space<hbm>>) target(%arg9 : memref<128x16xf32, #tpu.memory_space<vmem>>) target_semaphore(%run_scoped3A : memref<!tpu.dma_semaphore, #tpu.memory_space<semaphore_mem>>)
      tpu.wait_dma2 semaphore(%run_scoped3A : memref<!tpu.dma_semaphore, #tpu.memory_space<semaphore_mem>>) src(%arg3 : memref<128x16xf32, #tpu.memory_space<hbm>>) dst(%arg9 : memref<128x16xf32, #tpu.memory_space<vmem>>)
      tpu.yield
    }) : () -> ()
    "tpu.region"() ({
      %run_scoped3A = tpu.sem_alloc : memref<!tpu.dma_semaphore, #tpu.memory_space<semaphore_mem>>
      tpu.enqueue_dma source(%arg4 : memref<128x16xf32, #tpu.memory_space<hbm>>) target(%arg10 : memref<128x16xf32, #tpu.memory_space<vmem>>) target_semaphore(%run_scoped3A : memref<!tpu.dma_semaphore, #tpu.memory_space<semaphore_mem>>)
      tpu.wait_dma2 semaphore(%run_scoped3A : memref<!tpu.dma_semaphore, #tpu.memory_space<semaphore_mem>>) src(%arg4 : memref<128x16xf32, #tpu.memory_space<hbm>>) dst(%arg10 : memref<128x16xf32, #tpu.memory_space<vmem>>)
      tpu.yield
    }) : () -> ()
    %mul3A_1 = arith.constant 1568 : i32
    %mul3A_2 = arith.muli %arg1, %mul3A_1 : i32
    %scan3A = arith.constant 0 : i32
    %scan3A_3 = arith.constant 0 : i32
    %scan3A_4 = arith.constant 12 : i32
    %scan3A_5 = arith.addi %scan3A_3, %scan3A_4 : i32
    %scan3A_6 = arith.constant 1 : i32
    scf.for %scan3A_30 = %scan3A_3 to %scan3A_5 step %scan3A_6  : i32 {
      %mul3A_31 = arith.constant 128 : i32
      %mul3A_32 = arith.muli %scan3A_30, %mul3A_31 : i32
      %add3A_33 = arith.addi %mul3A_2, %mul3A_32 : i32
      "tpu.region"() ({
        %run_scoped3A = tpu.sem_alloc : memref<!tpu.dma_semaphore, #tpu.memory_space<semaphore_mem>>
        %dma_start3A = arith.constant 0 : i32
        %dma_start3A_34 = tpu.memref_slice %arg11[%add3A_33, %dma_start3A] : memref<25088x16xf32, #tpu.memory_space<vmem_shared>> -> memref<128x16xf32, #tpu.memory_space<vmem_shared>>
        %dma_start3A_35 = arith.constant 0 : i32
        %dma_start3A_36 = tpu.memref_slice %arg11[%add3A_33, %dma_start3A_35] : memref<25088x16xf32, #tpu.memory_space<vmem_shared>> -> memref<128x16xf32, #tpu.memory_space<vmem_shared>>
        tpu.enqueue_dma source(%arg10 : memref<128x16xf32, #tpu.memory_space<vmem>>) target(%dma_start3A_36 : memref<128x16xf32, #tpu.memory_space<vmem_shared>>) target_semaphore(%run_scoped3A : memref<!tpu.dma_semaphore, #tpu.memory_space<semaphore_mem>>)
        %dma_wait3A_37 = arith.constant 0 : i32
        %dma_wait3A_38 = tpu.memref_slice %arg11[%add3A_33, %dma_wait3A_37] : memref<25088x16xf32, #tpu.memory_space<vmem_shared>> -> memref<128x16xf32, #tpu.memory_space<vmem_shared>>
        %dma_wait3A_39 = arith.constant 0 : i32
        %dma_wait3A_40 = tpu.memref_slice %arg11[%add3A_33, %dma_wait3A_39] : memref<25088x16xf32, #tpu.memory_space<vmem_shared>> -> memref<128x16xf32, #tpu.memory_space<vmem_shared>>
        tpu.wait_dma2 semaphore(%run_scoped3A : memref<!tpu.dma_semaphore, #tpu.memory_space<semaphore_mem>>) src(%arg10 : memref<128x16xf32, #tpu.memory_space<vmem>>) dst(%dma_wait3A_40 : memref<128x16xf32, #tpu.memory_space<vmem_shared>>)
        tpu.yield
      }) : () -> ()
    }
    %scan3A_7 = arith.constant 12 : i32
    %add3A = arith.constant 1568 : i32
    %add3A_8 = arith.addi %mul3A_2, %add3A : i32
    %sub3A = arith.constant 32 : i32
    %sub3A_9 = arith.subi %add3A_8, %sub3A : i32
    "tpu.region"() ({
      %run_scoped3A = tpu.sem_alloc : memref<!tpu.dma_semaphore, #tpu.memory_space<semaphore_mem>>
      %dma_start3A = arith.constant 0 : i32
      %dma_start3A_30 = arith.constant 0 : i32
      %dma_start3A_31 = tpu.memref_slice %arg10[%dma_start3A, %dma_start3A_30] : memref<128x16xf32, #tpu.memory_space<vmem>> -> memref<32x16xf32, #tpu.memory_space<vmem>>
      %dma_start3A_32 = arith.constant 0 : i32
      %dma_start3A_33 = tpu.memref_slice %arg11[%sub3A_9, %dma_start3A_32] : memref<25088x16xf32, #tpu.memory_space<vmem_shared>> -> memref<32x16xf32, #tpu.memory_space<vmem_shared>>
      %dma_start3A_34 = arith.constant 0 : i32
      %dma_start3A_35 = tpu.memref_slice %arg11[%sub3A_9, %dma_start3A_34] : memref<25088x16xf32, #tpu.memory_space<vmem_shared>> -> memref<32x16xf32, #tpu.memory_space<vmem_shared>>
      %dma_start3A_36 = arith.constant 0 : i32
      %dma_start3A_37 = arith.constant 0 : i32
      %dma_start3A_38 = tpu.memref_slice %arg10[%dma_start3A_36, %dma_start3A_37] : memref<128x16xf32, #tpu.memory_space<vmem>> -> memref<32x16xf32, #tpu.memory_space<vmem>>
      tpu.enqueue_dma source(%dma_start3A_38 : memref<32x16xf32, #tpu.memory_space<vmem>>) target(%dma_start3A_35 : memref<32x16xf32, #tpu.memory_space<vmem_shared>>) target_semaphore(%run_scoped3A : memref<!tpu.dma_semaphore, #tpu.memory_space<semaphore_mem>>)
      %dma_wait3A_39 = arith.constant 0 : i32
      %dma_wait3A_40 = arith.constant 0 : i32
      %dma_wait3A_41 = tpu.memref_slice %arg10[%dma_wait3A_39, %dma_wait3A_40] : memref<128x16xf32, #tpu.memory_space<vmem>> -> memref<32x16xf32, #tpu.memory_space<vmem>>
      %dma_wait3A_42 = arith.constant 0 : i32
      %dma_wait3A_43 = tpu.memref_slice %arg11[%sub3A_9, %dma_wait3A_42] : memref<25088x16xf32, #tpu.memory_space<vmem_shared>> -> memref<32x16xf32, #tpu.memory_space<vmem_shared>>
      %dma_wait3A_44 = arith.constant 0 : i32
      %dma_wait3A_45 = tpu.memref_slice %arg11[%sub3A_9, %dma_wait3A_44] : memref<25088x16xf32, #tpu.memory_space<vmem_shared>> -> memref<32x16xf32, #tpu.memory_space<vmem_shared>>
      %dma_wait3A_46 = arith.constant 0 : i32
      %dma_wait3A_47 = arith.constant 0 : i32
      %dma_wait3A_48 = tpu.memref_slice %arg10[%dma_wait3A_46, %dma_wait3A_47] : memref<128x16xf32, #tpu.memory_space<vmem>> -> memref<32x16xf32, #tpu.memory_space<vmem>>
      tpu.wait_dma2 semaphore(%run_scoped3A : memref<!tpu.dma_semaphore, #tpu.memory_space<semaphore_mem>>) src(%dma_wait3A_48 : memref<32x16xf32, #tpu.memory_space<vmem>>) dst(%dma_wait3A_45 : memref<32x16xf32, #tpu.memory_space<vmem_shared>>)
      tpu.yield
    }) : () -> ()
    %barrier3A = arith.constant 0 : index
    tpu.barrier barrier_id(%barrier3A)
    %mul3A_10 = arith.constant 51200 : i32
    %mul3A_11 = arith.muli %arg1, %mul3A_10 : i32
    %scan3A_12 = arith.constant 0 : i32
    %scan3A_13 = arith.constant 0 : i32
    %scan3A_14 = arith.constant 400 : i32
    %scan3A_15 = arith.addi %scan3A_13, %scan3A_14 : i32
    %scan3A_16 = arith.constant 1 : i32
    scf.for %scan3A_30 = %scan3A_13 to %scan3A_15 step %scan3A_16  : i32 {
      %jit3A = arith.constant 16 : i32
      %eq3A = arith.constant 0 : i32
      %eq3A_31 = arith.cmpi eq, %jit3A, %eq3A : i32
      %jit3A_32 = arith.constant 1 : i32
      %select_n3A = arith.select %eq3A_31, %jit3A_32, %jit3A : i32
      %rem3A = arith.remsi %scan3A_30, %select_n3A : i32
      %ne3A = arith.constant 0 : i32
      %ne3A_33 = arith.cmpi ne, %rem3A, %ne3A : i32
      %lt3A = arith.constant 0 : i32
      %lt3A_34 = arith.cmpi slt, %rem3A, %lt3A : i32
      %lt3A_35 = arith.constant 0 : i32
      %lt3A_36 = arith.cmpi slt, %select_n3A, %lt3A_35 : i32
      %ne3A_37 = arith.xori %lt3A_34, %lt3A_36 : i1
      %and3A = arith.andi %ne3A_37, %ne3A_33 : i1
      %add3A_38 = arith.addi %rem3A, %select_n3A : i32
      %select_n3A_39 = arith.select %and3A, %add3A_38, %rem3A : i32
      %eq3A_40 = arith.constant 0 : i32
      %eq3A_41 = arith.cmpi eq, %select_n3A_39, %eq3A_40 : i32
      %convert_element_type3A = arith.extui %eq3A_41 : i1 to i32
      %cond3A = arith.constant 0 : i32
      %cond3A_42 = arith.cmpi ne, %convert_element_type3A, %cond3A : i32
      scf.if %cond3A_42 {
        %jit3A_85 = arith.constant 16 : i32
        %div3A = arith.divsi %scan3A_30, %jit3A_85 : i32
        %sign3A = arith.constant 0 : i32
        %sign3A_86 = arith.cmpi sgt, %scan3A_30, %sign3A : i32
        %sign3A_87 = arith.extui %sign3A_86 : i1 to i32
        %sign3A_88 = arith.constant 0 : i32
        %sign3A_89 = arith.cmpi slt, %scan3A_30, %sign3A_88 : i32
        %sign3A_90 = arith.extui %sign3A_89 : i1 to i32
        %sign3A_91 = arith.subi %sign3A_87, %sign3A_90 : i32
        %sign3A_92 = arith.constant 0 : i32
        %sign3A_93 = arith.cmpi sgt, %jit3A_85, %sign3A_92 : i32
        %sign3A_94 = arith.extui %sign3A_93 : i1 to i32
        %sign3A_95 = arith.constant 0 : i32
        %sign3A_96 = arith.cmpi slt, %jit3A_85, %sign3A_95 : i32
        %sign3A_97 = arith.extui %sign3A_96 : i1 to i32
        %sign3A_98 = arith.subi %sign3A_94, %sign3A_97 : i32
        %ne3A_99 = arith.cmpi ne, %sign3A_91, %sign3A_98 : i32
        %rem3A_100 = arith.remsi %scan3A_30, %jit3A_85 : i32
        %ne3A_101 = arith.constant 0 : i32
        %ne3A_102 = arith.cmpi ne, %rem3A_100, %ne3A_101 : i32
        %and3A_103 = arith.andi %ne3A_99, %ne3A_102 : i1
        %sub3A_104 = arith.constant 1 : i32
        %sub3A_105 = arith.subi %div3A, %sub3A_104 : i32
        %select_n3A_106 = arith.select %and3A_103, %sub3A_105, %div3A : i32
        %mul3A_107 = arith.constant 2048 : i32
        %mul3A_108 = arith.muli %select_n3A_106, %mul3A_107 : i32
        %add3A_109 = arith.addi %mul3A_11, %mul3A_108 : i32
        "tpu.region"() ({
          %run_scoped3A = tpu.sem_alloc : memref<!tpu.dma_semaphore, #tpu.memory_space<semaphore_mem>>
          %dma_start3A = tpu.memref_slice %arg2[%add3A_109] : memref<819200xi32, #tpu.memory_space<hbm>> -> memref<2048xi32, #tpu.memory_space<hbm>>
          %dma_start3A_110 = tpu.memref_slice %arg2[%add3A_109] : memref<819200xi32, #tpu.memory_space<hbm>> -> memref<2048xi32, #tpu.memory_space<hbm>>
          tpu.enqueue_dma source(%dma_start3A_110 : memref<2048xi32, #tpu.memory_space<hbm>>) target(%arg6 : memref<2048xi32, #tpu.memory_space<vmem>>) target_semaphore(%run_scoped3A : memref<!tpu.dma_semaphore, #tpu.memory_space<semaphore_mem>>)
          %dma_wait3A_111 = tpu.memref_slice %arg2[%add3A_109] : memref<819200xi32, #tpu.memory_space<hbm>> -> memref<2048xi32, #tpu.memory_space<hbm>>
          %dma_wait3A_112 = tpu.memref_slice %arg2[%add3A_109] : memref<819200xi32, #tpu.memory_space<hbm>> -> memref<2048xi32, #tpu.memory_space<hbm>>
          tpu.wait_dma2 semaphore(%run_scoped3A : memref<!tpu.dma_semaphore, #tpu.memory_space<semaphore_mem>>) src(%dma_wait3A_112 : memref<2048xi32, #tpu.memory_space<hbm>>) dst(%arg6 : memref<2048xi32, #tpu.memory_space<vmem>>)
          tpu.yield
        }) : () -> ()
      } else {
      }
      %jit3A_43 = arith.constant 2 : i32
      %eq3A_44 = arith.constant 0 : i32
      %eq3A_45 = arith.cmpi eq, %jit3A_43, %eq3A_44 : i32
      %jit3A_46 = arith.constant 1 : i32
      %select_n3A_47 = arith.select %eq3A_45, %jit3A_46, %jit3A_43 : i32
      %rem3A_48 = arith.remsi %scan3A_30, %select_n3A_47 : i32
      %ne3A_49 = arith.constant 0 : i32
      %ne3A_50 = arith.cmpi ne, %rem3A_48, %ne3A_49 : i32
      %lt3A_51 = arith.constant 0 : i32
      %lt3A_52 = arith.cmpi slt, %rem3A_48, %lt3A_51 : i32
      %lt3A_53 = arith.constant 0 : i32
      %lt3A_54 = arith.cmpi slt, %select_n3A_47, %lt3A_53 : i32
      %ne3A_55 = arith.xori %lt3A_52, %lt3A_54 : i1
      %and3A_56 = arith.andi %ne3A_55, %ne3A_50 : i1
      %add3A_57 = arith.addi %rem3A_48, %select_n3A_47 : i32
      %select_n3A_58 = arith.select %and3A_56, %add3A_57, %rem3A_48 : i32
      %eq3A_59 = arith.constant 0 : i32
      %eq3A_60 = arith.cmpi eq, %select_n3A_58, %eq3A_59 : i32
      %convert_element_type3A_61 = arith.extui %eq3A_60 : i1 to i32
      %cond3A_62 = arith.constant 0 : i32
      %cond3A_63 = arith.cmpi ne, %convert_element_type3A_61, %cond3A_62 : i32
      scf.if %cond3A_63 {
        %ge3A = arith.constant 2 : i32
        %ge3A_85 = arith.cmpi sge, %scan3A_30, %ge3A : i32
        %convert_element_type3A_86 = arith.extui %ge3A_85 : i1 to i32
        %cond3A_87 = arith.constant 0 : i32
        %cond3A_88 = arith.cmpi ne, %convert_element_type3A_86, %cond3A_87 : i32
        scf.if %cond3A_88 {
          %dma_wait3A_385 = arith.constant 0 : i32
          %dma_wait3A_386 = arith.constant 0 : i32
          %dma_wait3A_387 = tpu.memref_slice %arg11[%dma_wait3A_385, %dma_wait3A_386] : memref<25088x16xf32, #tpu.memory_space<vmem_shared>> -> memref<25088x16xf32, #tpu.memory_space<vmem_shared>>
          tpu.wait_indirect_dma semaphore(%arg12 : memref<!tpu.dma_semaphore, #tpu.memory_space<semaphore_mem>>) src(%arg9 : memref<128x16xf32, #tpu.memory_space<vmem>>) dst(%dma_wait3A_387 : memref<25088x16xf32, #tpu.memory_space<vmem_shared>>)
        } else {
        }
        %jit3A_89 = arith.constant 16 : i32
        %eq3A_90 = arith.constant 0 : i32
        %eq3A_91 = arith.cmpi eq, %jit3A_89, %eq3A_90 : i32
        %jit3A_92 = arith.constant 1 : i32
        %select_n3A_93 = arith.select %eq3A_91, %jit3A_92, %jit3A_89 : i32
        %rem3A_94 = arith.remsi %scan3A_30, %select_n3A_93 : i32
        %ne3A_95 = arith.constant 0 : i32
        %ne3A_96 = arith.cmpi ne, %rem3A_94, %ne3A_95 : i32
        %lt3A_97 = arith.constant 0 : i32
        %lt3A_98 = arith.cmpi slt, %rem3A_94, %lt3A_97 : i32
        %lt3A_99 = arith.constant 0 : i32
        %lt3A_100 = arith.cmpi slt, %select_n3A_93, %lt3A_99 : i32
        %ne3A_101 = arith.xori %lt3A_98, %lt3A_100 : i1
        %and3A_102 = arith.andi %ne3A_101, %ne3A_96 : i1
        %add3A_103 = arith.addi %rem3A_94, %select_n3A_93 : i32
        %select_n3A_104 = arith.select %and3A_102, %add3A_103, %rem3A_94 : i32
        %mul3A_105 = arith.constant 128 : i32
        %mul3A_106 = arith.muli %select_n3A_104, %mul3A_105 : i32
        %add3A_107 = arith.constant 0 : i32
        %add3A_108 = arith.addi %mul3A_106, %add3A_107 : i32
        %get3A = arith.index_cast %add3A_108 : i32 to index
        %get3A_109 = tpu.vector_load %arg6[%get3A] {strides = array<i32>} : memref<2048xi32, #tpu.memory_space<vmem>>, vector<16xi32>,
        %ge3A_110 = vector.broadcast %mul3A_0 : i32 to vector<16xi32>
        %ge3A_111 = arith.cmpi sge, %get3A_109, %ge3A_110 : vector<16xi32>
        %add3A_112 = arith.constant 25000 : i32
        %add3A_113 = arith.addi %mul3A_0, %add3A_112 : i32
        %lt3A_114 = vector.broadcast %add3A_113 : i32 to vector<16xi32>
        %lt3A_115 = arith.cmpi slt, %get3A_109, %lt3A_114 : vector<16xi32>
        %and3A_116 = arith.andi %ge3A_111, %lt3A_115 : vector<16xi1>
        %add3A_117 = arith.constant 25000 : i32
        %add3A_118 = vector.broadcast %add3A_117 : i32 to vector<16xi32>
        %add3A_119 = arith.addi %add3A_118, %iota3A : vector<16xi32>
        %sub3A_120 = vector.broadcast %mul3A_0 : i32 to vector<16xi32>
        %sub3A_121 = arith.subi %get3A_109, %sub3A_120 : vector<16xi32>
        %select_n3A_122 = arith.select %and3A_116, %sub3A_121, %add3A_119 : vector<16xi1>, vector<16xi32>
        %swap3A = arith.constant 0 : index
        %swap3A_123 = tpu.vector_load %arg7[%swap3A] {strides = array<i32>} : memref<128xi32, #tpu.memory_space<vmem>>, vector<16xi32>,
        tpu.vector_store %arg7[%swap3A], %select_n3A_122 {strides = array<i32>} : memref<128xi32, #tpu.memory_space<vmem>>, vector<16xi32>,
        %jit3A_124 = arith.constant 16 : i32
        %eq3A_125 = arith.constant 0 : i32
        %eq3A_126 = arith.cmpi eq, %jit3A_124, %eq3A_125 : i32
        %jit3A_127 = arith.constant 1 : i32
        %select_n3A_128 = arith.select %eq3A_126, %jit3A_127, %jit3A_124 : i32
        %rem3A_129 = arith.remsi %scan3A_30, %select_n3A_128 : i32
        %ne3A_130 = arith.constant 0 : i32
        %ne3A_131 = arith.cmpi ne, %rem3A_129, %ne3A_130 : i32
        %lt3A_132 = arith.constant 0 : i32
        %lt3A_133 = arith.cmpi slt, %rem3A_129, %lt3A_132 : i32
        %lt3A_134 = arith.constant 0 : i32
        %lt3A_135 = arith.cmpi slt, %select_n3A_128, %lt3A_134 : i32
        %ne3A_136 = arith.xori %lt3A_133, %lt3A_135 : i1
        %and3A_137 = arith.andi %ne3A_136, %ne3A_131 : i1
        %add3A_138 = arith.addi %rem3A_129, %select_n3A_128 : i32
        %select_n3A_139 = arith.select %and3A_137, %add3A_138, %rem3A_129 : i32
        %mul3A_140 = arith.constant 128 : i32
        %mul3A_141 = arith.muli %select_n3A_139, %mul3A_140 : i32
        %add3A_142 = arith.constant 16 : i32
        %add3A_143 = arith.addi %mul3A_141, %add3A_142 : i32
        %get3A_144 = arith.index_cast %add3A_143 : i32 to index
        %get3A_145 = tpu.vector_load %arg6[%get3A_144] {strides = array<i32>} : memref<2048xi32, #tpu.memory_space<vmem>>, vector<16xi32>,
        %ge3A_146 = vector.broadcast %mul3A_0 : i32 to vector<16xi32>
        %ge3A_147 = arith.cmpi sge, %get3A_145, %ge3A_146 : vector<16xi32>
        %add3A_148 = arith.constant 25000 : i32
        %add3A_149 = arith.addi %mul3A_0, %add3A_148 : i32
        %lt3A_150 = vector.broadcast %add3A_149 : i32 to vector<16xi32>
        %lt3A_151 = arith.cmpi slt, %get3A_145, %lt3A_150 : vector<16xi32>
        %and3A_152 = arith.andi %ge3A_147, %lt3A_151 : vector<16xi1>
        %add3A_153 = arith.constant 25016 : i32
        %add3A_154 = vector.broadcast %add3A_153 : i32 to vector<16xi32>
        %add3A_155 = arith.addi %add3A_154, %iota3A : vector<16xi32>
        %sub3A_156 = vector.broadcast %mul3A_0 : i32 to vector<16xi32>
        %sub3A_157 = arith.subi %get3A_145, %sub3A_156 : vector<16xi32>
        %select_n3A_158 = arith.select %and3A_152, %sub3A_157, %add3A_155 : vector<16xi1>, vector<16xi32>
        %swap3A_159 = arith.constant 16 : index
        %swap3A_160 = tpu.vector_load %arg7[%swap3A_159] {strides = array<i32>} : memref<128xi32, #tpu.memory_space<vmem>>, vector<16xi32>,
        tpu.vector_store %arg7[%swap3A_159], %select_n3A_158 {strides = array<i32>} : memref<128xi32, #tpu.memory_space<vmem>>, vector<16xi32>,
        %jit3A_161 = arith.constant 16 : i32
        %eq3A_162 = arith.constant 0 : i32
        %eq3A_163 = arith.cmpi eq, %jit3A_161, %eq3A_162 : i32
        %jit3A_164 = arith.constant 1 : i32
        %select_n3A_165 = arith.select %eq3A_163, %jit3A_164, %jit3A_161 : i32
        %rem3A_166 = arith.remsi %scan3A_30, %select_n3A_165 : i32
        %ne3A_167 = arith.constant 0 : i32
        %ne3A_168 = arith.cmpi ne, %rem3A_166, %ne3A_167 : i32
        %lt3A_169 = arith.constant 0 : i32
        %lt3A_170 = arith.cmpi slt, %rem3A_166, %lt3A_169 : i32
        %lt3A_171 = arith.constant 0 : i32
        %lt3A_172 = arith.cmpi slt, %select_n3A_165, %lt3A_171 : i32
        %ne3A_173 = arith.xori %lt3A_170, %lt3A_172 : i1
        %and3A_174 = arith.andi %ne3A_173, %ne3A_168 : i1
        %add3A_175 = arith.addi %rem3A_166, %select_n3A_165 : i32
        %select_n3A_176 = arith.select %and3A_174, %add3A_175, %rem3A_166 : i32
        %mul3A_177 = arith.constant 128 : i32
        %mul3A_178 = arith.muli %select_n3A_176, %mul3A_177 : i32
        %add3A_179 = arith.constant 32 : i32
        %add3A_180 = arith.addi %mul3A_178, %add3A_179 : i32
        %get3A_181 = arith.index_cast %add3A_180 : i32 to index
        %get3A_182 = tpu.vector_load %arg6[%get3A_181] {strides = array<i32>} : memref<2048xi32, #tpu.memory_space<vmem>>, vector<16xi32>,
        %ge3A_183 = vector.broadcast %mul3A_0 : i32 to vector<16xi32>
        %ge3A_184 = arith.cmpi sge, %get3A_182, %ge3A_183 : vector<16xi32>
        %add3A_185 = arith.constant 25000 : i32
        %add3A_186 = arith.addi %mul3A_0, %add3A_185 : i32
        %lt3A_187 = vector.broadcast %add3A_186 : i32 to vector<16xi32>
        %lt3A_188 = arith.cmpi slt, %get3A_182, %lt3A_187 : vector<16xi32>
        %and3A_189 = arith.andi %ge3A_184, %lt3A_188 : vector<16xi1>
        %add3A_190 = arith.constant 25032 : i32
        %add3A_191 = vector.broadcast %add3A_190 : i32 to vector<16xi32>
        %add3A_192 = arith.addi %add3A_191, %iota3A : vector<16xi32>
        %sub3A_193 = vector.broadcast %mul3A_0 : i32 to vector<16xi32>
        %sub3A_194 = arith.subi %get3A_182, %sub3A_193 : vector<16xi32>
        %select_n3A_195 = arith.select %and3A_189, %sub3A_194, %add3A_192 : vector<16xi1>, vector<16xi32>
        %swap3A_196 = arith.constant 32 : index
        %swap3A_197 = tpu.vector_load %arg7[%swap3A_196] {strides = array<i32>} : memref<128xi32, #tpu.memory_space<vmem>>, vector<16xi32>,
        tpu.vector_store %arg7[%swap3A_196], %select_n3A_195 {strides = array<i32>} : memref<128xi32, #tpu.memory_space<vmem>>, vector<16xi32>,
        %jit3A_198 = arith.constant 16 : i32
        %eq3A_199 = arith.constant 0 : i32
        %eq3A_200 = arith.cmpi eq, %jit3A_198, %eq3A_199 : i32
        %jit3A_201 = arith.constant 1 : i32
        %select_n3A_202 = arith.select %eq3A_200, %jit3A_201, %jit3A_198 : i32
        %rem3A_203 = arith.remsi %scan3A_30, %select_n3A_202 : i32
        %ne3A_204 = arith.constant 0 : i32
        %ne3A_205 = arith.cmpi ne, %rem3A_203, %ne3A_204 : i32
        %lt3A_206 = arith.constant 0 : i32
        %lt3A_207 = arith.cmpi slt, %rem3A_203, %lt3A_206 : i32
        %lt3A_208 = arith.constant 0 : i32
        %lt3A_209 = arith.cmpi slt, %select_n3A_202, %lt3A_208 : i32
        %ne3A_210 = arith.xori %lt3A_207, %lt3A_209 : i1
        %and3A_211 = arith.andi %ne3A_210, %ne3A_205 : i1
        %add3A_212 = arith.addi %rem3A_203, %select_n3A_202 : i32
        %select_n3A_213 = arith.select %and3A_211, %add3A_212, %rem3A_203 : i32
        %mul3A_214 = arith.constant 128 : i32
        %mul3A_215 = arith.muli %select_n3A_213, %mul3A_214 : i32
        %add3A_216 = arith.constant 48 : i32
        %add3A_217 = arith.addi %mul3A_215, %add3A_216 : i32
        %get3A_218 = arith.index_cast %add3A_217 : i32 to index
        %get3A_219 = tpu.vector_load %arg6[%get3A_218] {strides = array<i32>} : memref<2048xi32, #tpu.memory_space<vmem>>, vector<16xi32>,
        %ge3A_220 = vector.broadcast %mul3A_0 : i32 to vector<16xi32>
        %ge3A_221 = arith.cmpi sge, %get3A_219, %ge3A_220 : vector<16xi32>
        %add3A_222 = arith.constant 25000 : i32
        %add3A_223 = arith.addi %mul3A_0, %add3A_222 : i32
        %lt3A_224 = vector.broadcast %add3A_223 : i32 to vector<16xi32>
        %lt3A_225 = arith.cmpi slt, %get3A_219, %lt3A_224 : vector<16xi32>
        %and3A_226 = arith.andi %ge3A_221, %lt3A_225 : vector<16xi1>
        %add3A_227 = arith.constant 25048 : i32
        %add3A_228 = vector.broadcast %add3A_227 : i32 to vector<16xi32>
        %add3A_229 = arith.addi %add3A_228, %iota3A : vector<16xi32>
        %sub3A_230 = vector.broadcast %mul3A_0 : i32 to vector<16xi32>
        %sub3A_231 = arith.subi %get3A_219, %sub3A_230 : vector<16xi32>
        %select_n3A_232 = arith.select %and3A_226, %sub3A_231, %add3A_229 : vector<16xi1>, vector<16xi32>
        %swap3A_233 = arith.constant 48 : index
        %swap3A_234 = tpu.vector_load %arg7[%swap3A_233] {strides = array<i32>} : memref<128xi32, #tpu.memory_space<vmem>>, vector<16xi32>,
        tpu.vector_store %arg7[%swap3A_233], %select_n3A_232 {strides = array<i32>} : memref<128xi32, #tpu.memory_space<vmem>>, vector<16xi32>,
        %jit3A_235 = arith.constant 16 : i32
        %eq3A_236 = arith.constant 0 : i32
        %eq3A_237 = arith.cmpi eq, %jit3A_235, %eq3A_236 : i32
        %jit3A_238 = arith.constant 1 : i32
        %select_n3A_239 = arith.select %eq3A_237, %jit3A_238, %jit3A_235 : i32
        %rem3A_240 = arith.remsi %scan3A_30, %select_n3A_239 : i32
        %ne3A_241 = arith.constant 0 : i32
        %ne3A_242 = arith.cmpi ne, %rem3A_240, %ne3A_241 : i32
        %lt3A_243 = arith.constant 0 : i32
        %lt3A_244 = arith.cmpi slt, %rem3A_240, %lt3A_243 : i32
        %lt3A_245 = arith.constant 0 : i32
        %lt3A_246 = arith.cmpi slt, %select_n3A_239, %lt3A_245 : i32
        %ne3A_247 = arith.xori %lt3A_244, %lt3A_246 : i1
        %and3A_248 = arith.andi %ne3A_247, %ne3A_242 : i1
        %add3A_249 = arith.addi %rem3A_240, %select_n3A_239 : i32
        %select_n3A_250 = arith.select %and3A_248, %add3A_249, %rem3A_240 : i32
        %mul3A_251 = arith.constant 128 : i32
        %mul3A_252 = arith.muli %select_n3A_250, %mul3A_251 : i32
        %add3A_253 = arith.constant 64 : i32
        %add3A_254 = arith.addi %mul3A_252, %add3A_253 : i32
        %get3A_255 = arith.index_cast %add3A_254 : i32 to index
        %get3A_256 = tpu.vector_load %arg6[%get3A_255] {strides = array<i32>} : memref<2048xi32, #tpu.memory_space<vmem>>, vector<16xi32>,
        %ge3A_257 = vector.broadcast %mul3A_0 : i32 to vector<16xi32>
        %ge3A_258 = arith.cmpi sge, %get3A_256, %ge3A_257 : vector<16xi32>
        %add3A_259 = arith.constant 25000 : i32
        %add3A_260 = arith.addi %mul3A_0, %add3A_259 : i32
        %lt3A_261 = vector.broadcast %add3A_260 : i32 to vector<16xi32>
        %lt3A_262 = arith.cmpi slt, %get3A_256, %lt3A_261 : vector<16xi32>
        %and3A_263 = arith.andi %ge3A_258, %lt3A_262 : vector<16xi1>
        %add3A_264 = arith.constant 25000 : i32
        %add3A_265 = vector.broadcast %add3A_264 : i32 to vector<16xi32>
        %add3A_266 = arith.addi %add3A_265, %iota3A : vector<16xi32>
        %sub3A_267 = vector.broadcast %mul3A_0 : i32 to vector<16xi32>
        %sub3A_268 = arith.subi %get3A_256, %sub3A_267 : vector<16xi32>
        %select_n3A_269 = arith.select %and3A_263, %sub3A_268, %add3A_266 : vector<16xi1>, vector<16xi32>
        %swap3A_270 = arith.constant 64 : index
        %swap3A_271 = tpu.vector_load %arg7[%swap3A_270] {strides = array<i32>} : memref<128xi32, #tpu.memory_space<vmem>>, vector<16xi32>,
        tpu.vector_store %arg7[%swap3A_270], %select_n3A_269 {strides = array<i32>} : memref<128xi32, #tpu.memory_space<vmem>>, vector<16xi32>,
        %jit3A_272 = arith.constant 16 : i32
        %eq3A_273 = arith.constant 0 : i32
        %eq3A_274 = arith.cmpi eq, %jit3A_272, %eq3A_273 : i32
        %jit3A_275 = arith.constant 1 : i32
        %select_n3A_276 = arith.select %eq3A_274, %jit3A_275, %jit3A_272 : i32
        %rem3A_277 = arith.remsi %scan3A_30, %select_n3A_276 : i32
        %ne3A_278 = arith.constant 0 : i32
        %ne3A_279 = arith.cmpi ne, %rem3A_277, %ne3A_278 : i32
        %lt3A_280 = arith.constant 0 : i32
        %lt3A_281 = arith.cmpi slt, %rem3A_277, %lt3A_280 : i32
        %lt3A_282 = arith.constant 0 : i32
        %lt3A_283 = arith.cmpi slt, %select_n3A_276, %lt3A_282 : i32
        %ne3A_284 = arith.xori %lt3A_281, %lt3A_283 : i1
        %and3A_285 = arith.andi %ne3A_284, %ne3A_279 : i1
        %add3A_286 = arith.addi %rem3A_277, %select_n3A_276 : i32
        %select_n3A_287 = arith.select %and3A_285, %add3A_286, %rem3A_277 : i32
        %mul3A_288 = arith.constant 128 : i32
        %mul3A_289 = arith.muli %select_n3A_287, %mul3A_288 : i32
        %add3A_290 = arith.constant 80 : i32
        %add3A_291 = arith.addi %mul3A_289, %add3A_290 : i32
        %get3A_292 = arith.index_cast %add3A_291 : i32 to index
        %get3A_293 = tpu.vector_load %arg6[%get3A_292] {strides = array<i32>} : memref<2048xi32, #tpu.memory_space<vmem>>, vector<16xi32>,
        %ge3A_294 = vector.broadcast %mul3A_0 : i32 to vector<16xi32>
        %ge3A_295 = arith.cmpi sge, %get3A_293, %ge3A_294 : vector<16xi32>
        %add3A_296 = arith.constant 25000 : i32
        %add3A_297 = arith.addi %mul3A_0, %add3A_296 : i32
        %lt3A_298 = vector.broadcast %add3A_297 : i32 to vector<16xi32>
        %lt3A_299 = arith.cmpi slt, %get3A_293, %lt3A_298 : vector<16xi32>
        %and3A_300 = arith.andi %ge3A_295, %lt3A_299 : vector<16xi1>
        %add3A_301 = arith.constant 25016 : i32
        %add3A_302 = vector.broadcast %add3A_301 : i32 to vector<16xi32>
        %add3A_303 = arith.addi %add3A_302, %iota3A : vector<16xi32>
        %sub3A_304 = vector.broadcast %mul3A_0 : i32 to vector<16xi32>
        %sub3A_305 = arith.subi %get3A_293, %sub3A_304 : vector<16xi32>
        %select_n3A_306 = arith.select %and3A_300, %sub3A_305, %add3A_303 : vector<16xi1>, vector<16xi32>
        %swap3A_307 = arith.constant 80 : index
        %swap3A_308 = tpu.vector_load %arg7[%swap3A_307] {strides = array<i32>} : memref<128xi32, #tpu.memory_space<vmem>>, vector<16xi32>,
        tpu.vector_store %arg7[%swap3A_307], %select_n3A_306 {strides = array<i32>} : memref<128xi32, #tpu.memory_space<vmem>>, vector<16xi32>,
        %jit3A_309 = arith.constant 16 : i32
        %eq3A_310 = arith.constant 0 : i32
        %eq3A_311 = arith.cmpi eq, %jit3A_309, %eq3A_310 : i32
        %jit3A_312 = arith.constant 1 : i32
        %select_n3A_313 = arith.select %eq3A_311, %jit3A_312, %jit3A_309 : i32
        %rem3A_314 = arith.remsi %scan3A_30, %select_n3A_313 : i32
        %ne3A_315 = arith.constant 0 : i32
        %ne3A_316 = arith.cmpi ne, %rem3A_314, %ne3A_315 : i32
        %lt3A_317 = arith.constant 0 : i32
        %lt3A_318 = arith.cmpi slt, %rem3A_314, %lt3A_317 : i32
        %lt3A_319 = arith.constant 0 : i32
        %lt3A_320 = arith.cmpi slt, %select_n3A_313, %lt3A_319 : i32
        %ne3A_321 = arith.xori %lt3A_318, %lt3A_320 : i1
        %and3A_322 = arith.andi %ne3A_321, %ne3A_316 : i1
        %add3A_323 = arith.addi %rem3A_314, %select_n3A_313 : i32
        %select_n3A_324 = arith.select %and3A_322, %add3A_323, %rem3A_314 : i32
        %mul3A_325 = arith.constant 128 : i32
        %mul3A_326 = arith.muli %select_n3A_324, %mul3A_325 : i32
        %add3A_327 = arith.constant 96 : i32
        %add3A_328 = arith.addi %mul3A_326, %add3A_327 : i32
        %get3A_329 = arith.index_cast %add3A_328 : i32 to index
        %get3A_330 = tpu.vector_load %arg6[%get3A_329] {strides = array<i32>} : memref<2048xi32, #tpu.memory_space<vmem>>, vector<16xi32>,
        %ge3A_331 = vector.broadcast %mul3A_0 : i32 to vector<16xi32>
        %ge3A_332 = arith.cmpi sge, %get3A_330, %ge3A_331 : vector<16xi32>
        %add3A_333 = arith.constant 25000 : i32
        %add3A_334 = arith.addi %mul3A_0, %add3A_333 : i32
        %lt3A_335 = vector.broadcast %add3A_334 : i32 to vector<16xi32>
        %lt3A_336 = arith.cmpi slt, %get3A_330, %lt3A_335 : vector<16xi32>
        %and3A_337 = arith.andi %ge3A_332, %lt3A_336 : vector<16xi1>
        %add3A_338 = arith.constant 25032 : i32
        %add3A_339 = vector.broadcast %add3A_338 : i32 to vector<16xi32>
        %add3A_340 = arith.addi %add3A_339, %iota3A : vector<16xi32>
        %sub3A_341 = vector.broadcast %mul3A_0 : i32 to vector<16xi32>
        %sub3A_342 = arith.subi %get3A_330, %sub3A_341 : vector<16xi32>
        %select_n3A_343 = arith.select %and3A_337, %sub3A_342, %add3A_340 : vector<16xi1>, vector<16xi32>
        %swap3A_344 = arith.constant 96 : index
        %swap3A_345 = tpu.vector_load %arg7[%swap3A_344] {strides = array<i32>} : memref<128xi32, #tpu.memory_space<vmem>>, vector<16xi32>,
        tpu.vector_store %arg7[%swap3A_344], %select_n3A_343 {strides = array<i32>} : memref<128xi32, #tpu.memory_space<vmem>>, vector<16xi32>,
        %jit3A_346 = arith.constant 16 : i32
        %eq3A_347 = arith.constant 0 : i32
        %eq3A_348 = arith.cmpi eq, %jit3A_346, %eq3A_347 : i32
        %jit3A_349 = arith.constant 1 : i32
        %select_n3A_350 = arith.select %eq3A_348, %jit3A_349, %jit3A_346 : i32
        %rem3A_351 = arith.remsi %scan3A_30, %select_n3A_350 : i32
        %ne3A_352 = arith.constant 0 : i32
        %ne3A_353 = arith.cmpi ne, %rem3A_351, %ne3A_352 : i32
        %lt3A_354 = arith.constant 0 : i32
        %lt3A_355 = arith.cmpi slt, %rem3A_351, %lt3A_354 : i32
        %lt3A_356 = arith.constant 0 : i32
        %lt3A_357 = arith.cmpi slt, %select_n3A_350, %lt3A_356 : i32
        %ne3A_358 = arith.xori %lt3A_355, %lt3A_357 : i1
        %and3A_359 = arith.andi %ne3A_358, %ne3A_353 : i1
        %add3A_360 = arith.addi %rem3A_351, %select_n3A_350 : i32
        %select_n3A_361 = arith.select %and3A_359, %add3A_360, %rem3A_351 : i32
        %mul3A_362 = arith.constant 128 : i32
        %mul3A_363 = arith.muli %select_n3A_361, %mul3A_362 : i32
        %add3A_364 = arith.constant 112 : i32
        %add3A_365 = arith.addi %mul3A_363, %add3A_364 : i32
        %get3A_366 = arith.index_cast %add3A_365 : i32 to index
        %get3A_367 = tpu.vector_load %arg6[%get3A_366] {strides = array<i32>} : memref<2048xi32, #tpu.memory_space<vmem>>, vector<16xi32>,
        %ge3A_368 = vector.broadcast %mul3A_0 : i32 to vector<16xi32>
        %ge3A_369 = arith.cmpi sge, %get3A_367, %ge3A_368 : vector<16xi32>
        %add3A_370 = arith.constant 25000 : i32
        %add3A_371 = arith.addi %mul3A_0, %add3A_370 : i32
        %lt3A_372 = vector.broadcast %add3A_371 : i32 to vector<16xi32>
        %lt3A_373 = arith.cmpi slt, %get3A_367, %lt3A_372 : vector<16xi32>
        %and3A_374 = arith.andi %ge3A_369, %lt3A_373 : vector<16xi1>
        %add3A_375 = arith.constant 25048 : i32
        %add3A_376 = vector.broadcast %add3A_375 : i32 to vector<16xi32>
        %add3A_377 = arith.addi %add3A_376, %iota3A : vector<16xi32>
        %sub3A_378 = vector.broadcast %mul3A_0 : i32 to vector<16xi32>
        %sub3A_379 = arith.subi %get3A_367, %sub3A_378 : vector<16xi32>
        %select_n3A_380 = arith.select %and3A_374, %sub3A_379, %add3A_377 : vector<16xi1>, vector<16xi32>
        %swap3A_381 = arith.constant 112 : index
        %swap3A_382 = tpu.vector_load %arg7[%swap3A_381] {strides = array<i32>} : memref<128xi32, #tpu.memory_space<vmem>>, vector<16xi32>,
        tpu.vector_store %arg7[%swap3A_381], %select_n3A_380 {strides = array<i32>} : memref<128xi32, #tpu.memory_space<vmem>>, vector<16xi32>,
        %dma_start3A = arith.constant 0 : i32
        %dma_start3A_383 = arith.constant 0 : i32
        %dma_start3A_384 = tpu.memref_slice %arg11[%dma_start3A, %dma_start3A_383] : memref<25088x16xf32, #tpu.memory_space<vmem_shared>> -> memref<25088x16xf32, #tpu.memory_space<vmem_shared>>
        tpu.enqueue_indirect_dma source(%arg9 : memref<128x16xf32, #tpu.memory_space<vmem>>) target(%dma_start3A_384 : memref<25088x16xf32, #tpu.memory_space<vmem_shared>>) offsets(%arg7 : memref<128xi32, #tpu.memory_space<vmem>>) semaphore(%arg12 : memref<!tpu.dma_semaphore, #tpu.memory_space<semaphore_mem>>) {add = true}
      } else {
      }
      %jit3A_64 = arith.constant 2 : i32
      %eq3A_65 = arith.constant 0 : i32
      %eq3A_66 = arith.cmpi eq, %jit3A_64, %eq3A_65 : i32
      %jit3A_67 = arith.constant 1 : i32
      %select_n3A_68 = arith.select %eq3A_66, %jit3A_67, %jit3A_64 : i32
      %rem3A_69 = arith.remsi %scan3A_30, %select_n3A_68 : i32
      %ne3A_70 = arith.constant 0 : i32
      %ne3A_71 = arith.cmpi ne, %rem3A_69, %ne3A_70 : i32
      %lt3A_72 = arith.constant 0 : i32
      %lt3A_73 = arith.cmpi slt, %rem3A_69, %lt3A_72 : i32
      %lt3A_74 = arith.constant 0 : i32
      %lt3A_75 = arith.cmpi slt, %select_n3A_68, %lt3A_74 : i32
      %ne3A_76 = arith.xori %lt3A_73, %lt3A_75 : i1
      %and3A_77 = arith.andi %ne3A_76, %ne3A_71 : i1
      %add3A_78 = arith.addi %rem3A_69, %select_n3A_68 : i32
      %select_n3A_79 = arith.select %and3A_77, %add3A_78, %rem3A_69 : i32
      %eq3A_80 = arith.constant 1 : i32
      %eq3A_81 = arith.cmpi eq, %select_n3A_79, %eq3A_80 : i32
      %convert_element_type3A_82 = arith.extui %eq3A_81 : i1 to i32
      %cond3A_83 = arith.constant 0 : i32
      %cond3A_84 = arith.cmpi ne, %convert_element_type3A_82, %cond3A_83 : i32
      scf.if %cond3A_84 {
        %ge3A = arith.constant 2 : i32
        %ge3A_85 = arith.cmpi sge, %scan3A_30, %ge3A : i32
        %convert_element_type3A_86 = arith.extui %ge3A_85 : i1 to i32
        %cond3A_87 = arith.constant 0 : i32
        %cond3A_88 = arith.cmpi ne, %convert_element_type3A_86, %cond3A_87 : i32
        scf.if %cond3A_88 {
          %dma_wait3A_385 = arith.constant 0 : i32
          %dma_wait3A_386 = arith.constant 0 : i32
          %dma_wait3A_387 = tpu.memref_slice %arg11[%dma_wait3A_385, %dma_wait3A_386] : memref<25088x16xf32, #tpu.memory_space<vmem_shared>> -> memref<25088x16xf32, #tpu.memory_space<vmem_shared>>
          tpu.wait_indirect_dma semaphore(%arg13 : memref<!tpu.dma_semaphore, #tpu.memory_space<semaphore_mem>>) src(%arg9 : memref<128x16xf32, #tpu.memory_space<vmem>>) dst(%dma_wait3A_387 : memref<25088x16xf32, #tpu.memory_space<vmem_shared>>)
        } else {
        }
        %jit3A_89 = arith.constant 16 : i32
        %eq3A_90 = arith.constant 0 : i32
        %eq3A_91 = arith.cmpi eq, %jit3A_89, %eq3A_90 : i32
        %jit3A_92 = arith.constant 1 : i32
        %select_n3A_93 = arith.select %eq3A_91, %jit3A_92, %jit3A_89 : i32
        %rem3A_94 = arith.remsi %scan3A_30, %select_n3A_93 : i32
        %ne3A_95 = arith.constant 0 : i32
        %ne3A_96 = arith.cmpi ne, %rem3A_94, %ne3A_95 : i32
        %lt3A_97 = arith.constant 0 : i32
        %lt3A_98 = arith.cmpi slt, %rem3A_94, %lt3A_97 : i32
        %lt3A_99 = arith.constant 0 : i32
        %lt3A_100 = arith.cmpi slt, %select_n3A_93, %lt3A_99 : i32
        %ne3A_101 = arith.xori %lt3A_98, %lt3A_100 : i1
        %and3A_102 = arith.andi %ne3A_101, %ne3A_96 : i1
        %add3A_103 = arith.addi %rem3A_94, %select_n3A_93 : i32
        %select_n3A_104 = arith.select %and3A_102, %add3A_103, %rem3A_94 : i32
        %mul3A_105 = arith.constant 128 : i32
        %mul3A_106 = arith.muli %select_n3A_104, %mul3A_105 : i32
        %add3A_107 = arith.constant 0 : i32
        %add3A_108 = arith.addi %mul3A_106, %add3A_107 : i32
        %get3A = arith.index_cast %add3A_108 : i32 to index
        %get3A_109 = tpu.vector_load %arg6[%get3A] {strides = array<i32>} : memref<2048xi32, #tpu.memory_space<vmem>>, vector<16xi32>,
        %ge3A_110 = vector.broadcast %mul3A_0 : i32 to vector<16xi32>
        %ge3A_111 = arith.cmpi sge, %get3A_109, %ge3A_110 : vector<16xi32>
        %add3A_112 = arith.constant 25000 : i32
        %add3A_113 = arith.addi %mul3A_0, %add3A_112 : i32
        %lt3A_114 = vector.broadcast %add3A_113 : i32 to vector<16xi32>
        %lt3A_115 = arith.cmpi slt, %get3A_109, %lt3A_114 : vector<16xi32>
        %and3A_116 = arith.andi %ge3A_111, %lt3A_115 : vector<16xi1>
        %add3A_117 = arith.constant 25000 : i32
        %add3A_118 = vector.broadcast %add3A_117 : i32 to vector<16xi32>
        %add3A_119 = arith.addi %add3A_118, %iota3A : vector<16xi32>
        %sub3A_120 = vector.broadcast %mul3A_0 : i32 to vector<16xi32>
        %sub3A_121 = arith.subi %get3A_109, %sub3A_120 : vector<16xi32>
        %select_n3A_122 = arith.select %and3A_116, %sub3A_121, %add3A_119 : vector<16xi1>, vector<16xi32>
        %swap3A = arith.constant 0 : index
        %swap3A_123 = tpu.vector_load %arg8[%swap3A] {strides = array<i32>} : memref<128xi32, #tpu.memory_space<vmem>>, vector<16xi32>,
        tpu.vector_store %arg8[%swap3A], %select_n3A_122 {strides = array<i32>} : memref<128xi32, #tpu.memory_space<vmem>>, vector<16xi32>,
        %jit3A_124 = arith.constant 16 : i32
        %eq3A_125 = arith.constant 0 : i32
        %eq3A_126 = arith.cmpi eq, %jit3A_124, %eq3A_125 : i32
        %jit3A_127 = arith.constant 1 : i32
        %select_n3A_128 = arith.select %eq3A_126, %jit3A_127, %jit3A_124 : i32
        %rem3A_129 = arith.remsi %scan3A_30, %select_n3A_128 : i32
        %ne3A_130 = arith.constant 0 : i32
        %ne3A_131 = arith.cmpi ne, %rem3A_129, %ne3A_130 : i32
        %lt3A_132 = arith.constant 0 : i32
        %lt3A_133 = arith.cmpi slt, %rem3A_129, %lt3A_132 : i32
        %lt3A_134 = arith.constant 0 : i32
        %lt3A_135 = arith.cmpi slt, %select_n3A_128, %lt3A_134 : i32
        %ne3A_136 = arith.xori %lt3A_133, %lt3A_135 : i1
        %and3A_137 = arith.andi %ne3A_136, %ne3A_131 : i1
        %add3A_138 = arith.addi %rem3A_129, %select_n3A_128 : i32
        %select_n3A_139 = arith.select %and3A_137, %add3A_138, %rem3A_129 : i32
        %mul3A_140 = arith.constant 128 : i32
        %mul3A_141 = arith.muli %select_n3A_139, %mul3A_140 : i32
        %add3A_142 = arith.constant 16 : i32
        %add3A_143 = arith.addi %mul3A_141, %add3A_142 : i32
        %get3A_144 = arith.index_cast %add3A_143 : i32 to index
        %get3A_145 = tpu.vector_load %arg6[%get3A_144] {strides = array<i32>} : memref<2048xi32, #tpu.memory_space<vmem>>, vector<16xi32>,
        %ge3A_146 = vector.broadcast %mul3A_0 : i32 to vector<16xi32>
        %ge3A_147 = arith.cmpi sge, %get3A_145, %ge3A_146 : vector<16xi32>
        %add3A_148 = arith.constant 25000 : i32
        %add3A_149 = arith.addi %mul3A_0, %add3A_148 : i32
        %lt3A_150 = vector.broadcast %add3A_149 : i32 to vector<16xi32>
        %lt3A_151 = arith.cmpi slt, %get3A_145, %lt3A_150 : vector<16xi32>
        %and3A_152 = arith.andi %ge3A_147, %lt3A_151 : vector<16xi1>
        %add3A_153 = arith.constant 25016 : i32
        %add3A_154 = vector.broadcast %add3A_153 : i32 to vector<16xi32>
        %add3A_155 = arith.addi %add3A_154, %iota3A : vector<16xi32>
        %sub3A_156 = vector.broadcast %mul3A_0 : i32 to vector<16xi32>
        %sub3A_157 = arith.subi %get3A_145, %sub3A_156 : vector<16xi32>
        %select_n3A_158 = arith.select %and3A_152, %sub3A_157, %add3A_155 : vector<16xi1>, vector<16xi32>
        %swap3A_159 = arith.constant 16 : index
        %swap3A_160 = tpu.vector_load %arg8[%swap3A_159] {strides = array<i32>} : memref<128xi32, #tpu.memory_space<vmem>>, vector<16xi32>,
        tpu.vector_store %arg8[%swap3A_159], %select_n3A_158 {strides = array<i32>} : memref<128xi32, #tpu.memory_space<vmem>>, vector<16xi32>,
        %jit3A_161 = arith.constant 16 : i32
        %eq3A_162 = arith.constant 0 : i32
        %eq3A_163 = arith.cmpi eq, %jit3A_161, %eq3A_162 : i32
        %jit3A_164 = arith.constant 1 : i32
        %select_n3A_165 = arith.select %eq3A_163, %jit3A_164, %jit3A_161 : i32
        %rem3A_166 = arith.remsi %scan3A_30, %select_n3A_165 : i32
        %ne3A_167 = arith.constant 0 : i32
        %ne3A_168 = arith.cmpi ne, %rem3A_166, %ne3A_167 : i32
        %lt3A_169 = arith.constant 0 : i32
        %lt3A_170 = arith.cmpi slt, %rem3A_166, %lt3A_169 : i32
        %lt3A_171 = arith.constant 0 : i32
        %lt3A_172 = arith.cmpi slt, %select_n3A_165, %lt3A_171 : i32
        %ne3A_173 = arith.xori %lt3A_170, %lt3A_172 : i1
        %and3A_174 = arith.andi %ne3A_173, %ne3A_168 : i1
        %add3A_175 = arith.addi %rem3A_166, %select_n3A_165 : i32
        %select_n3A_176 = arith.select %and3A_174, %add3A_175, %rem3A_166 : i32
        %mul3A_177 = arith.constant 128 : i32
        %mul3A_178 = arith.muli %select_n3A_176, %mul3A_177 : i32
        %add3A_179 = arith.constant 32 : i32
        %add3A_180 = arith.addi %mul3A_178, %add3A_179 : i32
        %get3A_181 = arith.index_cast %add3A_180 : i32 to index
        %get3A_182 = tpu.vector_load %arg6[%get3A_181] {strides = array<i32>} : memref<2048xi32, #tpu.memory_space<vmem>>, vector<16xi32>,
        %ge3A_183 = vector.broadcast %mul3A_0 : i32 to vector<16xi32>
        %ge3A_184 = arith.cmpi sge, %get3A_182, %ge3A_183 : vector<16xi32>
        %add3A_185 = arith.constant 25000 : i32
        %add3A_186 = arith.addi %mul3A_0, %add3A_185 : i32
        %lt3A_187 = vector.broadcast %add3A_186 : i32 to vector<16xi32>
        %lt3A_188 = arith.cmpi slt, %get3A_182, %lt3A_187 : vector<16xi32>
        %and3A_189 = arith.andi %ge3A_184, %lt3A_188 : vector<16xi1>
        %add3A_190 = arith.constant 25032 : i32
        %add3A_191 = vector.broadcast %add3A_190 : i32 to vector<16xi32>
        %add3A_192 = arith.addi %add3A_191, %iota3A : vector<16xi32>
        %sub3A_193 = vector.broadcast %mul3A_0 : i32 to vector<16xi32>
        %sub3A_194 = arith.subi %get3A_182, %sub3A_193 : vector<16xi32>
        %select_n3A_195 = arith.select %and3A_189, %sub3A_194, %add3A_192 : vector<16xi1>, vector<16xi32>
        %swap3A_196 = arith.constant 32 : index
        %swap3A_197 = tpu.vector_load %arg8[%swap3A_196] {strides = array<i32>} : memref<128xi32, #tpu.memory_space<vmem>>, vector<16xi32>,
        tpu.vector_store %arg8[%swap3A_196], %select_n3A_195 {strides = array<i32>} : memref<128xi32, #tpu.memory_space<vmem>>, vector<16xi32>,
        %jit3A_198 = arith.constant 16 : i32
        %eq3A_199 = arith.constant 0 : i32
        %eq3A_200 = arith.cmpi eq, %jit3A_198, %eq3A_199 : i32
        %jit3A_201 = arith.constant 1 : i32
        %select_n3A_202 = arith.select %eq3A_200, %jit3A_201, %jit3A_198 : i32
        %rem3A_203 = arith.remsi %scan3A_30, %select_n3A_202 : i32
        %ne3A_204 = arith.constant 0 : i32
        %ne3A_205 = arith.cmpi ne, %rem3A_203, %ne3A_204 : i32
        %lt3A_206 = arith.constant 0 : i32
        %lt3A_207 = arith.cmpi slt, %rem3A_203, %lt3A_206 : i32
        %lt3A_208 = arith.constant 0 : i32
        %lt3A_209 = arith.cmpi slt, %select_n3A_202, %lt3A_208 : i32
        %ne3A_210 = arith.xori %lt3A_207, %lt3A_209 : i1
        %and3A_211 = arith.andi %ne3A_210, %ne3A_205 : i1
        %add3A_212 = arith.addi %rem3A_203, %select_n3A_202 : i32
        %select_n3A_213 = arith.select %and3A_211, %add3A_212, %rem3A_203 : i32
        %mul3A_214 = arith.constant 128 : i32
        %mul3A_215 = arith.muli %select_n3A_213, %mul3A_214 : i32
        %add3A_216 = arith.constant 48 : i32
        %add3A_217 = arith.addi %mul3A_215, %add3A_216 : i32
        %get3A_218 = arith.index_cast %add3A_217 : i32 to index
        %get3A_219 = tpu.vector_load %arg6[%get3A_218] {strides = array<i32>} : memref<2048xi32, #tpu.memory_space<vmem>>, vector<16xi32>,
        %ge3A_220 = vector.broadcast %mul3A_0 : i32 to vector<16xi32>
        %ge3A_221 = arith.cmpi sge, %get3A_219, %ge3A_220 : vector<16xi32>
        %add3A_222 = arith.constant 25000 : i32
        %add3A_223 = arith.addi %mul3A_0, %add3A_222 : i32
        %lt3A_224 = vector.broadcast %add3A_223 : i32 to vector<16xi32>
        %lt3A_225 = arith.cmpi slt, %get3A_219, %lt3A_224 : vector<16xi32>
        %and3A_226 = arith.andi %ge3A_221, %lt3A_225 : vector<16xi1>
        %add3A_227 = arith.constant 25048 : i32
        %add3A_228 = vector.broadcast %add3A_227 : i32 to vector<16xi32>
        %add3A_229 = arith.addi %add3A_228, %iota3A : vector<16xi32>
        %sub3A_230 = vector.broadcast %mul3A_0 : i32 to vector<16xi32>
        %sub3A_231 = arith.subi %get3A_219, %sub3A_230 : vector<16xi32>
        %select_n3A_232 = arith.select %and3A_226, %sub3A_231, %add3A_229 : vector<16xi1>, vector<16xi32>
        %swap3A_233 = arith.constant 48 : index
        %swap3A_234 = tpu.vector_load %arg8[%swap3A_233] {strides = array<i32>} : memref<128xi32, #tpu.memory_space<vmem>>, vector<16xi32>,
        tpu.vector_store %arg8[%swap3A_233], %select_n3A_232 {strides = array<i32>} : memref<128xi32, #tpu.memory_space<vmem>>, vector<16xi32>,
        %jit3A_235 = arith.constant 16 : i32
        %eq3A_236 = arith.constant 0 : i32
        %eq3A_237 = arith.cmpi eq, %jit3A_235, %eq3A_236 : i32
        %jit3A_238 = arith.constant 1 : i32
        %select_n3A_239 = arith.select %eq3A_237, %jit3A_238, %jit3A_235 : i32
        %rem3A_240 = arith.remsi %scan3A_30, %select_n3A_239 : i32
        %ne3A_241 = arith.constant 0 : i32
        %ne3A_242 = arith.cmpi ne, %rem3A_240, %ne3A_241 : i32
        %lt3A_243 = arith.constant 0 : i32
        %lt3A_244 = arith.cmpi slt, %rem3A_240, %lt3A_243 : i32
        %lt3A_245 = arith.constant 0 : i32
        %lt3A_246 = arith.cmpi slt, %select_n3A_239, %lt3A_245 : i32
        %ne3A_247 = arith.xori %lt3A_244, %lt3A_246 : i1
        %and3A_248 = arith.andi %ne3A_247, %ne3A_242 : i1
        %add3A_249 = arith.addi %rem3A_240, %select_n3A_239 : i32
        %select_n3A_250 = arith.select %and3A_248, %add3A_249, %rem3A_240 : i32
        %mul3A_251 = arith.constant 128 : i32
        %mul3A_252 = arith.muli %select_n3A_250, %mul3A_251 : i32
        %add3A_253 = arith.constant 64 : i32
        %add3A_254 = arith.addi %mul3A_252, %add3A_253 : i32
        %get3A_255 = arith.index_cast %add3A_254 : i32 to index
        %get3A_256 = tpu.vector_load %arg6[%get3A_255] {strides = array<i32>} : memref<2048xi32, #tpu.memory_space<vmem>>, vector<16xi32>,
        %ge3A_257 = vector.broadcast %mul3A_0 : i32 to vector<16xi32>
        %ge3A_258 = arith.cmpi sge, %get3A_256, %ge3A_257 : vector<16xi32>
        %add3A_259 = arith.constant 25000 : i32
        %add3A_260 = arith.addi %mul3A_0, %add3A_259 : i32
        %lt3A_261 = vector.broadcast %add3A_260 : i32 to vector<16xi32>
        %lt3A_262 = arith.cmpi slt, %get3A_256, %lt3A_261 : vector<16xi32>
        %and3A_263 = arith.andi %ge3A_258, %lt3A_262 : vector<16xi1>
        %add3A_264 = arith.constant 25000 : i32
        %add3A_265 = vector.broadcast %add3A_264 : i32 to vector<16xi32>
        %add3A_266 = arith.addi %add3A_265, %iota3A : vector<16xi32>
        %sub3A_267 = vector.broadcast %mul3A_0 : i32 to vector<16xi32>
        %sub3A_268 = arith.subi %get3A_256, %sub3A_267 : vector<16xi32>
        %select_n3A_269 = arith.select %and3A_263, %sub3A_268, %add3A_266 : vector<16xi1>, vector<16xi32>
        %swap3A_270 = arith.constant 64 : index
        %swap3A_271 = tpu.vector_load %arg8[%swap3A_270] {strides = array<i32>} : memref<128xi32, #tpu.memory_space<vmem>>, vector<16xi32>,
        tpu.vector_store %arg8[%swap3A_270], %select_n3A_269 {strides = array<i32>} : memref<128xi32, #tpu.memory_space<vmem>>, vector<16xi32>,
        %jit3A_272 = arith.constant 16 : i32
        %eq3A_273 = arith.constant 0 : i32
        %eq3A_274 = arith.cmpi eq, %jit3A_272, %eq3A_273 : i32
        %jit3A_275 = arith.constant 1 : i32
        %select_n3A_276 = arith.select %eq3A_274, %jit3A_275, %jit3A_272 : i32
        %rem3A_277 = arith.remsi %scan3A_30, %select_n3A_276 : i32
        %ne3A_278 = arith.constant 0 : i32
        %ne3A_279 = arith.cmpi ne, %rem3A_277, %ne3A_278 : i32
        %lt3A_280 = arith.constant 0 : i32
        %lt3A_281 = arith.cmpi slt, %rem3A_277, %lt3A_280 : i32
        %lt3A_282 = arith.constant 0 : i32
        %lt3A_283 = arith.cmpi slt, %select_n3A_276, %lt3A_282 : i32
        %ne3A_284 = arith.xori %lt3A_281, %lt3A_283 : i1
        %and3A_285 = arith.andi %ne3A_284, %ne3A_279 : i1
        %add3A_286 = arith.addi %rem3A_277, %select_n3A_276 : i32
        %select_n3A_287 = arith.select %and3A_285, %add3A_286, %rem3A_277 : i32
        %mul3A_288 = arith.constant 128 : i32
        %mul3A_289 = arith.muli %select_n3A_287, %mul3A_288 : i32
        %add3A_290 = arith.constant 80 : i32
        %add3A_291 = arith.addi %mul3A_289, %add3A_290 : i32
        %get3A_292 = arith.index_cast %add3A_291 : i32 to index
        %get3A_293 = tpu.vector_load %arg6[%get3A_292] {strides = array<i32>} : memref<2048xi32, #tpu.memory_space<vmem>>, vector<16xi32>,
        %ge3A_294 = vector.broadcast %mul3A_0 : i32 to vector<16xi32>
        %ge3A_295 = arith.cmpi sge, %get3A_293, %ge3A_294 : vector<16xi32>
        %add3A_296 = arith.constant 25000 : i32
        %add3A_297 = arith.addi %mul3A_0, %add3A_296 : i32
        %lt3A_298 = vector.broadcast %add3A_297 : i32 to vector<16xi32>
        %lt3A_299 = arith.cmpi slt, %get3A_293, %lt3A_298 : vector<16xi32>
        %and3A_300 = arith.andi %ge3A_295, %lt3A_299 : vector<16xi1>
        %add3A_301 = arith.constant 25016 : i32
        %add3A_302 = vector.broadcast %add3A_301 : i32 to vector<16xi32>
        %add3A_303 = arith.addi %add3A_302, %iota3A : vector<16xi32>
        %sub3A_304 = vector.broadcast %mul3A_0 : i32 to vector<16xi32>
        %sub3A_305 = arith.subi %get3A_293, %sub3A_304 : vector<16xi32>
        %select_n3A_306 = arith.select %and3A_300, %sub3A_305, %add3A_303 : vector<16xi1>, vector<16xi32>
        %swap3A_307 = arith.constant 80 : index
        %swap3A_308 = tpu.vector_load %arg8[%swap3A_307] {strides = array<i32>} : memref<128xi32, #tpu.memory_space<vmem>>, vector<16xi32>,
        tpu.vector_store %arg8[%swap3A_307], %select_n3A_306 {strides = array<i32>} : memref<128xi32, #tpu.memory_space<vmem>>, vector<16xi32>,
        %jit3A_309 = arith.constant 16 : i32
        %eq3A_310 = arith.constant 0 : i32
        %eq3A_311 = arith.cmpi eq, %jit3A_309, %eq3A_310 : i32
        %jit3A_312 = arith.constant 1 : i32
        %select_n3A_313 = arith.select %eq3A_311, %jit3A_312, %jit3A_309 : i32
        %rem3A_314 = arith.remsi %scan3A_30, %select_n3A_313 : i32
        %ne3A_315 = arith.constant 0 : i32
        %ne3A_316 = arith.cmpi ne, %rem3A_314, %ne3A_315 : i32
        %lt3A_317 = arith.constant 0 : i32
        %lt3A_318 = arith.cmpi slt, %rem3A_314, %lt3A_317 : i32
        %lt3A_319 = arith.constant 0 : i32
        %lt3A_320 = arith.cmpi slt, %select_n3A_313, %lt3A_319 : i32
        %ne3A_321 = arith.xori %lt3A_318, %lt3A_320 : i1
        %and3A_322 = arith.andi %ne3A_321, %ne3A_316 : i1
        %add3A_323 = arith.addi %rem3A_314, %select_n3A_313 : i32
        %select_n3A_324 = arith.select %and3A_322, %add3A_323, %rem3A_314 : i32
        %mul3A_325 = arith.constant 128 : i32
        %mul3A_326 = arith.muli %select_n3A_324, %mul3A_325 : i32
        %add3A_327 = arith.constant 96 : i32
        %add3A_328 = arith.addi %mul3A_326, %add3A_327 : i32
        %get3A_329 = arith.index_cast %add3A_328 : i32 to index
        %get3A_330 = tpu.vector_load %arg6[%get3A_329] {strides = array<i32>} : memref<2048xi32, #tpu.memory_space<vmem>>, vector<16xi32>,
        %ge3A_331 = vector.broadcast %mul3A_0 : i32 to vector<16xi32>
        %ge3A_332 = arith.cmpi sge, %get3A_330, %ge3A_331 : vector<16xi32>
        %add3A_333 = arith.constant 25000 : i32
        %add3A_334 = arith.addi %mul3A_0, %add3A_333 : i32
        %lt3A_335 = vector.broadcast %add3A_334 : i32 to vector<16xi32>
        %lt3A_336 = arith.cmpi slt, %get3A_330, %lt3A_335 : vector<16xi32>
        %and3A_337 = arith.andi %ge3A_332, %lt3A_336 : vector<16xi1>
        %add3A_338 = arith.constant 25032 : i32
        %add3A_339 = vector.broadcast %add3A_338 : i32 to vector<16xi32>
        %add3A_340 = arith.addi %add3A_339, %iota3A : vector<16xi32>
        %sub3A_341 = vector.broadcast %mul3A_0 : i32 to vector<16xi32>
        %sub3A_342 = arith.subi %get3A_330, %sub3A_341 : vector<16xi32>
        %select_n3A_343 = arith.select %and3A_337, %sub3A_342, %add3A_340 : vector<16xi1>, vector<16xi32>
        %swap3A_344 = arith.constant 96 : index
        %swap3A_345 = tpu.vector_load %arg8[%swap3A_344] {strides = array<i32>} : memref<128xi32, #tpu.memory_space<vmem>>, vector<16xi32>,
        tpu.vector_store %arg8[%swap3A_344], %select_n3A_343 {strides = array<i32>} : memref<128xi32, #tpu.memory_space<vmem>>, vector<16xi32>,
        %jit3A_346 = arith.constant 16 : i32
        %eq3A_347 = arith.constant 0 : i32
        %eq3A_348 = arith.cmpi eq, %jit3A_346, %eq3A_347 : i32
        %jit3A_349 = arith.constant 1 : i32
        %select_n3A_350 = arith.select %eq3A_348, %jit3A_349, %jit3A_346 : i32
        %rem3A_351 = arith.remsi %scan3A_30, %select_n3A_350 : i32
        %ne3A_352 = arith.constant 0 : i32
        %ne3A_353 = arith.cmpi ne, %rem3A_351, %ne3A_352 : i32
        %lt3A_354 = arith.constant 0 : i32
        %lt3A_355 = arith.cmpi slt, %rem3A_351, %lt3A_354 : i32
        %lt3A_356 = arith.constant 0 : i32
        %lt3A_357 = arith.cmpi slt, %select_n3A_350, %lt3A_356 : i32
        %ne3A_358 = arith.xori %lt3A_355, %lt3A_357 : i1
        %and3A_359 = arith.andi %ne3A_358, %ne3A_353 : i1
        %add3A_360 = arith.addi %rem3A_351, %select_n3A_350 : i32
        %select_n3A_361 = arith.select %and3A_359, %add3A_360, %rem3A_351 : i32
        %mul3A_362 = arith.constant 128 : i32
        %mul3A_363 = arith.muli %select_n3A_361, %mul3A_362 : i32
        %add3A_364 = arith.constant 112 : i32
        %add3A_365 = arith.addi %mul3A_363, %add3A_364 : i32
        %get3A_366 = arith.index_cast %add3A_365 : i32 to index
        %get3A_367 = tpu.vector_load %arg6[%get3A_366] {strides = array<i32>} : memref<2048xi32, #tpu.memory_space<vmem>>, vector<16xi32>,
        %ge3A_368 = vector.broadcast %mul3A_0 : i32 to vector<16xi32>
        %ge3A_369 = arith.cmpi sge, %get3A_367, %ge3A_368 : vector<16xi32>
        %add3A_370 = arith.constant 25000 : i32
        %add3A_371 = arith.addi %mul3A_0, %add3A_370 : i32
        %lt3A_372 = vector.broadcast %add3A_371 : i32 to vector<16xi32>
        %lt3A_373 = arith.cmpi slt, %get3A_367, %lt3A_372 : vector<16xi32>
        %and3A_374 = arith.andi %ge3A_369, %lt3A_373 : vector<16xi1>
        %add3A_375 = arith.constant 25048 : i32
        %add3A_376 = vector.broadcast %add3A_375 : i32 to vector<16xi32>
        %add3A_377 = arith.addi %add3A_376, %iota3A : vector<16xi32>
        %sub3A_378 = vector.broadcast %mul3A_0 : i32 to vector<16xi32>
        %sub3A_379 = arith.subi %get3A_367, %sub3A_378 : vector<16xi32>
        %select_n3A_380 = arith.select %and3A_374, %sub3A_379, %add3A_377 : vector<16xi1>, vector<16xi32>
        %swap3A_381 = arith.constant 112 : index
        %swap3A_382 = tpu.vector_load %arg8[%swap3A_381] {strides = array<i32>} : memref<128xi32, #tpu.memory_space<vmem>>, vector<16xi32>,
        tpu.vector_store %arg8[%swap3A_381], %select_n3A_380 {strides = array<i32>} : memref<128xi32, #tpu.memory_space<vmem>>, vector<16xi32>,
        %dma_start3A = arith.constant 0 : i32
        %dma_start3A_383 = arith.constant 0 : i32
        %dma_start3A_384 = tpu.memref_slice %arg11[%dma_start3A, %dma_start3A_383] : memref<25088x16xf32, #tpu.memory_space<vmem_shared>> -> memref<25088x16xf32, #tpu.memory_space<vmem_shared>>
        tpu.enqueue_indirect_dma source(%arg9 : memref<128x16xf32, #tpu.memory_space<vmem>>) target(%dma_start3A_384 : memref<25088x16xf32, #tpu.memory_space<vmem_shared>>) offsets(%arg8 : memref<128xi32, #tpu.memory_space<vmem>>) semaphore(%arg13 : memref<!tpu.dma_semaphore, #tpu.memory_space<semaphore_mem>>) {add = true}
      } else {
      }
    }
    %scan3A_17 = arith.constant 400 : i32
    %dma_wait3A = arith.constant 0 : i32
    %dma_wait3A_18 = arith.constant 0 : i32
    %dma_wait3A_19 = tpu.memref_slice %arg11[%dma_wait3A, %dma_wait3A_18] : memref<25088x16xf32, #tpu.memory_space<vmem_shared>> -> memref<25088x16xf32, #tpu.memory_space<vmem_shared>>
    tpu.wait_indirect_dma semaphore(%arg12 : memref<!tpu.dma_semaphore, #tpu.memory_space<semaphore_mem>>) src(%arg9 : memref<128x16xf32, #tpu.memory_space<vmem>>) dst(%dma_wait3A_19 : memref<25088x16xf32, #tpu.memory_space<vmem_shared>>)
    %dma_wait3A_20 = arith.constant 0 : i32
    %dma_wait3A_21 = arith.constant 0 : i32
    %dma_wait3A_22 = tpu.memref_slice %arg11[%dma_wait3A_20, %dma_wait3A_21] : memref<25088x16xf32, #tpu.memory_space<vmem_shared>> -> memref<25088x16xf32, #tpu.memory_space<vmem_shared>>
    tpu.wait_indirect_dma semaphore(%arg13 : memref<!tpu.dma_semaphore, #tpu.memory_space<semaphore_mem>>) src(%arg9 : memref<128x16xf32, #tpu.memory_space<vmem>>) dst(%dma_wait3A_22 : memref<25088x16xf32, #tpu.memory_space<vmem_shared>>)
    %barrier3A_23 = arith.constant 0 : index
    tpu.barrier barrier_id(%barrier3A_23)
    %scan3A_24 = arith.constant 0 : i32
    %scan3A_25 = arith.constant 0 : i32
    %scan3A_26 = arith.constant 13 : i32
    %scan3A_27 = arith.addi %scan3A_25, %scan3A_26 : i32
    %scan3A_28 = arith.constant 1 : i32
    scf.for %scan3A_30 = %scan3A_25 to %scan3A_27 step %scan3A_28  : i32 {
      %mul3A_31 = arith.constant 1568 : i32
      %mul3A_32 = arith.muli %arg1, %mul3A_31 : i32
      %mul3A_33 = arith.constant 128 : i32
      %mul3A_34 = arith.muli %scan3A_30, %mul3A_33 : i32
      %min3A = arith.constant 1440 : i32
      %min3A_35 = arith.minsi %mul3A_34, %min3A : i32
      %add3A_36 = arith.addi %mul3A_32, %min3A_35 : i32
      %min3A_37 = arith.constant 24872 : i32
      %min3A_38 = arith.minsi %add3A_36, %min3A_37 : i32
      "tpu.region"() ({
        %run_scoped3A = tpu.sem_alloc : memref<!tpu.dma_semaphore, #tpu.memory_space<semaphore_mem>>
        %dma_start3A = arith.constant 0 : i32
        %dma_start3A_40 = tpu.memref_slice %arg11[%min3A_38, %dma_start3A] : memref<25088x16xf32, #tpu.memory_space<vmem_shared>> -> memref<128x16xf32, #tpu.memory_space<vmem_shared>>
        %dma_start3A_41 = arith.constant 0 : i32
        %dma_start3A_42 = tpu.memref_slice %arg11[%min3A_38, %dma_start3A_41] : memref<25088x16xf32, #tpu.memory_space<vmem_shared>> -> memref<128x16xf32, #tpu.memory_space<vmem_shared>>
        tpu.enqueue_dma source(%dma_start3A_42 : memref<128x16xf32, #tpu.memory_space<vmem_shared>>) target(%arg10 : memref<128x16xf32, #tpu.memory_space<vmem>>) target_semaphore(%run_scoped3A : memref<!tpu.dma_semaphore, #tpu.memory_space<semaphore_mem>>)
        %dma_wait3A_43 = arith.constant 0 : i32
        %dma_wait3A_44 = tpu.memref_slice %arg11[%min3A_38, %dma_wait3A_43] : memref<25088x16xf32, #tpu.memory_space<vmem_shared>> -> memref<128x16xf32, #tpu.memory_space<vmem_shared>>
        %dma_wait3A_45 = arith.constant 0 : i32
        %dma_wait3A_46 = tpu.memref_slice %arg11[%min3A_38, %dma_wait3A_45] : memref<25088x16xf32, #tpu.memory_space<vmem_shared>> -> memref<128x16xf32, #tpu.memory_space<vmem_shared>>
        tpu.wait_dma2 semaphore(%run_scoped3A : memref<!tpu.dma_semaphore, #tpu.memory_space<semaphore_mem>>) src(%dma_wait3A_46 : memref<128x16xf32, #tpu.memory_space<vmem_shared>>) dst(%arg10 : memref<128x16xf32, #tpu.memory_space<vmem>>)
        tpu.yield
      }) : () -> ()
      %add3A_39 = arith.addi %mul3A_0, %min3A_38 : i32
      "tpu.region"() ({
        %run_scoped3A = tpu.sem_alloc : memref<!tpu.dma_semaphore, #tpu.memory_space<semaphore_mem>>
        %dma_start3A = arith.constant 0 : i32
        %dma_start3A_40 = tpu.memref_slice %arg5[%add3A_39, %dma_start3A] : memref<50000x16xf32, #tpu.memory_space<hbm>> -> memref<128x16xf32, #tpu.memory_space<hbm>>
        %dma_start3A_41 = arith.constant 0 : i32
        %dma_start3A_42 = tpu.memref_slice %arg5[%add3A_39, %dma_start3A_41] : memref<50000x16xf32, #tpu.memory_space<hbm>> -> memref<128x16xf32, #tpu.memory_space<hbm>>
        tpu.enqueue_dma source(%arg10 : memref<128x16xf32, #tpu.memory_space<vmem>>) target(%dma_start3A_42 : memref<128x16xf32, #tpu.memory_space<hbm>>) target_semaphore(%run_scoped3A : memref<!tpu.dma_semaphore, #tpu.memory_space<semaphore_mem>>)
        %dma_wait3A_43 = arith.constant 0 : i32
        %dma_wait3A_44 = tpu.memref_slice %arg5[%add3A_39, %dma_wait3A_43] : memref<50000x16xf32, #tpu.memory_space<hbm>> -> memref<128x16xf32, #tpu.memory_space<hbm>>
        %dma_wait3A_45 = arith.constant 0 : i32
        %dma_wait3A_46 = tpu.memref_slice %arg5[%add3A_39, %dma_wait3A_45] : memref<50000x16xf32, #tpu.memory_space<hbm>> -> memref<128x16xf32, #tpu.memory_space<hbm>>
        tpu.wait_dma2 semaphore(%run_scoped3A : memref<!tpu.dma_semaphore, #tpu.memory_space<semaphore_mem>>) src(%arg10 : memref<128x16xf32, #tpu.memory_space<vmem>>) dst(%dma_wait3A_46 : memref<128x16xf32, #tpu.memory_space<hbm>>)
        tpu.yield
      }) : () -> ()
    }
    %scan3A_29 = arith.constant 13 : i32
    return
  }
}

#map = affine_map<(d0, d1) -> (0, 0)>
#map1 = affine_map<(d0, d1) -> (0)>
module attributes {stable_mosaic.version = 14 : i64} {
  func.func @body(%arg0: i32, %arg1: i32, %arg2: memref<50000x64xf32, #tpu.memory_space<hbm>>, %arg3: memref<819200xi32, #tpu.memory_space<hbm>>, %arg4: memref<819200xi32, #tpu.memory_space<hbm>>, %arg5: memref<50000x64xf32, #tpu.memory_space<hbm>>, %arg6: memref<50000x64xf32, #tpu.memory_space<hbm>>, %arg7: memref<128x64xf32, #tpu.memory_space<hbm>>, %arg8: memref<50000x64xf32, #tpu.memory_space<hbm>>, %arg9: memref<50000x64xf32, #tpu.memory_space<hbm>>, %arg10: memref<2048xi32, #tpu.memory_space<vmem>>, %arg11: memref<2048xi32, #tpu.memory_space<vmem>>, %arg12: memref<17x128xi32, #tpu.memory_space<vmem>>, %arg13: memref<17x128xi32, #tpu.memory_space<vmem>>, %arg14: memref<128x64xf32, #tpu.memory_space<vmem>>, %arg15: memref<128x64xf32, #tpu.memory_space<vmem>>, %arg16: memref<25088x64xf32, #tpu.memory_space<vmem_shared>>, %arg17: memref<!tpu.dma_semaphore, #tpu.memory_space<semaphore_mem>>, %arg18: memref<!tpu.dma_semaphore, #tpu.memory_space<semaphore_mem>>, %arg19: memref<!tpu.dma_semaphore, #tpu.memory_space<semaphore_mem>>) attributes {dimension_semantics = [#tpu.dimension_semantics<core_parallel>, #tpu.dimension_semantics<subcore_parallel>], iteration_bounds = array<i64: 2, 16>, scalar_prefetch = 0 : i64, scratch_operands = 10 : i64, tpu.core_type = #tpu.core_type<sc_vector_subcore>, window_params = [{transform_indices = #map}, {transform_indices = #map1}, {transform_indices = #map1}, {transform_indices = #map}, {transform_indices = #map}, {transform_indices = #map}, {transform_indices = #map}, {transform_indices = #map}]} {
    %mul3A = arith.constant 25000 : i32
    %mul3A_0 = arith.muli %arg0, %mul3A : i32
    %iota3A = tpu.iota {dimensions = array<i32: 0>} : vector<16xi32>
    "tpu.region"() ({
      %run_scoped3A = tpu.sem_alloc : memref<!tpu.dma_semaphore, #tpu.memory_space<semaphore_mem>>
      tpu.enqueue_dma source(%arg7 : memref<128x64xf32, #tpu.memory_space<hbm>>) target(%arg14 : memref<128x64xf32, #tpu.memory_space<vmem>>) target_semaphore(%run_scoped3A : memref<!tpu.dma_semaphore, #tpu.memory_space<semaphore_mem>>)
      tpu.wait_dma2 semaphore(%run_scoped3A : memref<!tpu.dma_semaphore, #tpu.memory_space<semaphore_mem>>) src(%arg7 : memref<128x64xf32, #tpu.memory_space<hbm>>) dst(%arg14 : memref<128x64xf32, #tpu.memory_space<vmem>>)
      tpu.yield
    }) : () -> ()
    %mul3A_1 = arith.constant 1568 : i32
    %mul3A_2 = arith.muli %arg1, %mul3A_1 : i32
    %scan3A = arith.constant 0 : i32
    %scan3A_3 = arith.constant 0 : i32
    %scan3A_4 = arith.constant 12 : i32
    %scan3A_5 = arith.addi %scan3A_3, %scan3A_4 : i32
    %scan3A_6 = arith.constant 1 : i32
    scf.for %scan3A_25 = %scan3A_3 to %scan3A_5 step %scan3A_6  : i32 {
      %mul3A_26 = arith.constant 128 : i32
      %mul3A_27 = arith.muli %scan3A_25, %mul3A_26 : i32
      %add3A_28 = arith.addi %mul3A_2, %mul3A_27 : i32
      "tpu.region"() ({
        %run_scoped3A = tpu.sem_alloc : memref<!tpu.dma_semaphore, #tpu.memory_space<semaphore_mem>>
        %dma_start3A = arith.constant 0 : i32
        %dma_start3A_29 = tpu.memref_slice %arg16[%add3A_28, %dma_start3A] : memref<25088x64xf32, #tpu.memory_space<vmem_shared>> -> memref<128x64xf32, #tpu.memory_space<vmem_shared>>
        %dma_start3A_30 = arith.constant 0 : i32
        %dma_start3A_31 = tpu.memref_slice %arg16[%add3A_28, %dma_start3A_30] : memref<25088x64xf32, #tpu.memory_space<vmem_shared>> -> memref<128x64xf32, #tpu.memory_space<vmem_shared>>
        tpu.enqueue_dma source(%arg14 : memref<128x64xf32, #tpu.memory_space<vmem>>) target(%dma_start3A_31 : memref<128x64xf32, #tpu.memory_space<vmem_shared>>) target_semaphore(%run_scoped3A : memref<!tpu.dma_semaphore, #tpu.memory_space<semaphore_mem>>)
        %dma_wait3A = arith.constant 0 : i32
        %dma_wait3A_32 = tpu.memref_slice %arg16[%add3A_28, %dma_wait3A] : memref<25088x64xf32, #tpu.memory_space<vmem_shared>> -> memref<128x64xf32, #tpu.memory_space<vmem_shared>>
        %dma_wait3A_33 = arith.constant 0 : i32
        %dma_wait3A_34 = tpu.memref_slice %arg16[%add3A_28, %dma_wait3A_33] : memref<25088x64xf32, #tpu.memory_space<vmem_shared>> -> memref<128x64xf32, #tpu.memory_space<vmem_shared>>
        tpu.wait_dma2 semaphore(%run_scoped3A : memref<!tpu.dma_semaphore, #tpu.memory_space<semaphore_mem>>) src(%arg14 : memref<128x64xf32, #tpu.memory_space<vmem>>) dst(%dma_wait3A_34 : memref<128x64xf32, #tpu.memory_space<vmem_shared>>)
        tpu.yield
      }) : () -> ()
    }
    %scan3A_7 = arith.constant 12 : i32
    %add3A = arith.constant 1568 : i32
    %add3A_8 = arith.addi %mul3A_2, %add3A : i32
    %sub3A = arith.constant 32 : i32
    %sub3A_9 = arith.subi %add3A_8, %sub3A : i32
    "tpu.region"() ({
      %run_scoped3A = tpu.sem_alloc : memref<!tpu.dma_semaphore, #tpu.memory_space<semaphore_mem>>
      %dma_start3A = arith.constant 0 : i32
      %dma_start3A_25 = arith.constant 0 : i32
      %dma_start3A_26 = tpu.memref_slice %arg14[%dma_start3A, %dma_start3A_25] : memref<128x64xf32, #tpu.memory_space<vmem>> -> memref<32x64xf32, #tpu.memory_space<vmem>>
      %dma_start3A_27 = arith.constant 0 : i32
      %dma_start3A_28 = tpu.memref_slice %arg16[%sub3A_9, %dma_start3A_27] : memref<25088x64xf32, #tpu.memory_space<vmem_shared>> -> memref<32x64xf32, #tpu.memory_space<vmem_shared>>
      %dma_start3A_29 = arith.constant 0 : i32
      %dma_start3A_30 = tpu.memref_slice %arg16[%sub3A_9, %dma_start3A_29] : memref<25088x64xf32, #tpu.memory_space<vmem_shared>> -> memref<32x64xf32, #tpu.memory_space<vmem_shared>>
      %dma_start3A_31 = arith.constant 0 : i32
      %dma_start3A_32 = arith.constant 0 : i32
      %dma_start3A_33 = tpu.memref_slice %arg14[%dma_start3A_31, %dma_start3A_32] : memref<128x64xf32, #tpu.memory_space<vmem>> -> memref<32x64xf32, #tpu.memory_space<vmem>>
      tpu.enqueue_dma source(%dma_start3A_33 : memref<32x64xf32, #tpu.memory_space<vmem>>) target(%dma_start3A_30 : memref<32x64xf32, #tpu.memory_space<vmem_shared>>) target_semaphore(%run_scoped3A : memref<!tpu.dma_semaphore, #tpu.memory_space<semaphore_mem>>)
      %dma_wait3A = arith.constant 0 : i32
      %dma_wait3A_34 = arith.constant 0 : i32
      %dma_wait3A_35 = tpu.memref_slice %arg14[%dma_wait3A, %dma_wait3A_34] : memref<128x64xf32, #tpu.memory_space<vmem>> -> memref<32x64xf32, #tpu.memory_space<vmem>>
      %dma_wait3A_36 = arith.constant 0 : i32
      %dma_wait3A_37 = tpu.memref_slice %arg16[%sub3A_9, %dma_wait3A_36] : memref<25088x64xf32, #tpu.memory_space<vmem_shared>> -> memref<32x64xf32, #tpu.memory_space<vmem_shared>>
      %dma_wait3A_38 = arith.constant 0 : i32
      %dma_wait3A_39 = tpu.memref_slice %arg16[%sub3A_9, %dma_wait3A_38] : memref<25088x64xf32, #tpu.memory_space<vmem_shared>> -> memref<32x64xf32, #tpu.memory_space<vmem_shared>>
      %dma_wait3A_40 = arith.constant 0 : i32
      %dma_wait3A_41 = arith.constant 0 : i32
      %dma_wait3A_42 = tpu.memref_slice %arg14[%dma_wait3A_40, %dma_wait3A_41] : memref<128x64xf32, #tpu.memory_space<vmem>> -> memref<32x64xf32, #tpu.memory_space<vmem>>
      tpu.wait_dma2 semaphore(%run_scoped3A : memref<!tpu.dma_semaphore, #tpu.memory_space<semaphore_mem>>) src(%dma_wait3A_42 : memref<32x64xf32, #tpu.memory_space<vmem>>) dst(%dma_wait3A_39 : memref<32x64xf32, #tpu.memory_space<vmem_shared>>)
      tpu.yield
    }) : () -> ()
    %barrier3A = arith.constant 0 : index
    tpu.barrier barrier_id(%barrier3A)
    %mul3A_10 = arith.constant 51200 : i32
    %mul3A_11 = arith.muli %arg1, %mul3A_10 : i32
    %scan3A_12 = arith.constant 0 : i32
    %scan3A_13 = arith.constant 0 : i32
    %scan3A_14 = arith.constant 25 : i32
    %scan3A_15 = arith.addi %scan3A_13, %scan3A_14 : i32
    %scan3A_16 = arith.constant 1 : i32
    scf.for %scan3A_25 = %scan3A_13 to %scan3A_15 step %scan3A_16  : i32 {
      %mul3A_26 = arith.constant 2048 : i32
      %mul3A_27 = arith.muli %scan3A_25, %mul3A_26 : i32
      %add3A_28 = arith.addi %mul3A_11, %mul3A_27 : i32
      "tpu.region"() ({
        %run_scoped3A = tpu.sem_alloc : memref<!tpu.dma_semaphore, #tpu.memory_space<semaphore_mem>>
        %dma_start3A = tpu.memref_slice %arg3[%add3A_28] : memref<819200xi32, #tpu.memory_space<hbm>> -> memref<2048xi32, #tpu.memory_space<hbm>>
        %dma_start3A_156 = tpu.memref_slice %arg3[%add3A_28] : memref<819200xi32, #tpu.memory_space<hbm>> -> memref<2048xi32, #tpu.memory_space<hbm>>
        tpu.enqueue_dma source(%dma_start3A_156 : memref<2048xi32, #tpu.memory_space<hbm>>) target(%arg10 : memref<2048xi32, #tpu.memory_space<vmem>>) target_semaphore(%run_scoped3A : memref<!tpu.dma_semaphore, #tpu.memory_space<semaphore_mem>>)
        %dma_wait3A = tpu.memref_slice %arg3[%add3A_28] : memref<819200xi32, #tpu.memory_space<hbm>> -> memref<2048xi32, #tpu.memory_space<hbm>>
        %dma_wait3A_157 = tpu.memref_slice %arg3[%add3A_28] : memref<819200xi32, #tpu.memory_space<hbm>> -> memref<2048xi32, #tpu.memory_space<hbm>>
        tpu.wait_dma2 semaphore(%run_scoped3A : memref<!tpu.dma_semaphore, #tpu.memory_space<semaphore_mem>>) src(%dma_wait3A_157 : memref<2048xi32, #tpu.memory_space<hbm>>) dst(%arg10 : memref<2048xi32, #tpu.memory_space<vmem>>)
        tpu.yield
      }) : () -> ()
      %mul3A_29 = arith.constant 2048 : i32
      %mul3A_30 = arith.muli %scan3A_25, %mul3A_29 : i32
      %add3A_31 = arith.addi %mul3A_11, %mul3A_30 : i32
      "tpu.region"() ({
        %run_scoped3A = tpu.sem_alloc : memref<!tpu.dma_semaphore, #tpu.memory_space<semaphore_mem>>
        %dma_start3A = tpu.memref_slice %arg4[%add3A_31] : memref<819200xi32, #tpu.memory_space<hbm>> -> memref<2048xi32, #tpu.memory_space<hbm>>
        %dma_start3A_156 = tpu.memref_slice %arg4[%add3A_31] : memref<819200xi32, #tpu.memory_space<hbm>> -> memref<2048xi32, #tpu.memory_space<hbm>>
        tpu.enqueue_dma source(%dma_start3A_156 : memref<2048xi32, #tpu.memory_space<hbm>>) target(%arg11 : memref<2048xi32, #tpu.memory_space<vmem>>) target_semaphore(%run_scoped3A : memref<!tpu.dma_semaphore, #tpu.memory_space<semaphore_mem>>)
        %dma_wait3A = tpu.memref_slice %arg4[%add3A_31] : memref<819200xi32, #tpu.memory_space<hbm>> -> memref<2048xi32, #tpu.memory_space<hbm>>
        %dma_wait3A_157 = tpu.memref_slice %arg4[%add3A_31] : memref<819200xi32, #tpu.memory_space<hbm>> -> memref<2048xi32, #tpu.memory_space<hbm>>
        tpu.wait_dma2 semaphore(%run_scoped3A : memref<!tpu.dma_semaphore, #tpu.memory_space<semaphore_mem>>) src(%dma_wait3A_157 : memref<2048xi32, #tpu.memory_space<hbm>>) dst(%arg11 : memref<2048xi32, #tpu.memory_space<vmem>>)
        tpu.yield
      }) : () -> ()
      %broadcast_in_dim3A = arith.constant 0 : i32
      %broadcast_in_dim3A_32 = vector.broadcast %broadcast_in_dim3A : i32 to vector<16xi32>
      %scan3A_33 = arith.constant 0 : i32
      %scan3A_34 = arith.constant 128 : i32
      %scan3A_35 = arith.addi %scan3A_33, %scan3A_34 : i32
      %scan3A_36 = arith.constant 1 : i32
      %scan3A_37 = scf.for %scan3A_156 = %scan3A_33 to %scan3A_35 step %scan3A_36 iter_args(%scan3A_157 = %broadcast_in_dim3A_32) -> (vector<16xi32>)  : i32 {
        %mul3A_158 = arith.constant 16 : i32
        %mul3A_159 = arith.muli %scan3A_156, %mul3A_158 : i32
        %get3A = arith.index_cast %mul3A_159 : i32 to index
        %get3A_160 = tpu.vector_load %arg10[%get3A] {strides = array<i32>} : memref<2048xi32, #tpu.memory_space<vmem>>, vector<16xi32>,
        %mul3A_161 = arith.constant 16 : i32
        %mul3A_162 = arith.muli %scan3A_156, %mul3A_161 : i32
        %get3A_163 = arith.index_cast %mul3A_162 : i32 to index
        %get3A_164 = tpu.vector_load %arg11[%get3A_163] {strides = array<i32>} : memref<2048xi32, #tpu.memory_space<vmem>>, vector<16xi32>,
        %ge3A_165 = vector.broadcast %mul3A_0 : i32 to vector<16xi32>
        %ge3A_166 = arith.cmpi sge, %get3A_164, %ge3A_165 : vector<16xi32>
        %add3A_167 = arith.constant 25000 : i32
        %add3A_168 = arith.addi %mul3A_0, %add3A_167 : i32
        %lt3A_169 = vector.broadcast %add3A_168 : i32 to vector<16xi32>
        %lt3A_170 = arith.cmpi slt, %get3A_164, %lt3A_169 : vector<16xi32>
        %and3A_171 = arith.andi %ge3A_166, %lt3A_170 : vector<16xi1>
        %convert_element_type3A_172 = arith.extui %and3A_171 : vector<16xi1> to vector<16xi32>
        %broadcast_in_dim3A_173 = arith.constant true
        %broadcast_in_dim3A_174 = vector.broadcast %broadcast_in_dim3A_173 : i1 to vector<16xi1>
        %masked_cumsum3A = tpu.scan <sum>, %convert_element_type3A_172 masked %broadcast_in_dim3A_174 : vector<16xi32>, vector<16xi1> -> vector<16xi32>
        %add3A_175 = arith.addi %scan3A_157, %masked_cumsum3A : vector<16xi32>
        %sub3A_176 = arith.constant 1 : i32
        %sub3A_177 = vector.broadcast %sub3A_176 : i32 to vector<16xi32>
        %sub3A_178 = arith.subi %add3A_175, %sub3A_177 : vector<16xi32>
        %shift_right_logical3A_179 = arith.constant 7 : i32
        %shift_right_logical3A_180 = vector.broadcast %shift_right_logical3A_179 : i32 to vector<16xi32>
        %shift_right_logical3A_181 = arith.shrui %sub3A_178, %shift_right_logical3A_180 : vector<16xi32>
        %and3A_182 = arith.constant 127 : i32
        %and3A_183 = vector.broadcast %and3A_182 : i32 to vector<16xi32>
        %and3A_184 = arith.andi %sub3A_178, %and3A_183 : vector<16xi32>
        tpu.vector_store_idx %arg12[%shift_right_logical3A_181, %and3A_184], %get3A_160 masked %and3A_171 : memref<17x128xi32, #tpu.memory_space<vmem>>[vector<16xi32>, vector<16xi32>], vector<16xi32>, vector<16xi1>
        %sub3A_185 = vector.broadcast %mul3A_0 : i32 to vector<16xi32>
        %sub3A_186 = arith.subi %get3A_164, %sub3A_185 : vector<16xi32>
        tpu.vector_store_idx %arg13[%shift_right_logical3A_181, %and3A_184], %sub3A_186 masked %and3A_171 : memref<17x128xi32, #tpu.memory_space<vmem>>[vector<16xi32>, vector<16xi32>], vector<16xi32>, vector<16xi1>
        %all_reduce_population_count3A = tpu.all_reduce %and3A_171 {dim = 0 : i64, kind = #tpu.reduction_kind<sum>} : vector<16xi1> -> vector<16xi32>
        %add3A_187 = arith.addi %scan3A_157, %all_reduce_population_count3A : vector<16xi32>
        scf.yield %add3A_187 : vector<16xi32>
      }
      %scan3A_38 = arith.constant 128 : i32
      %slice3A = vector.extract_strided_slice %scan3A_37 {offsets = [0], sizes = [1], strides = [1]} : vector<16xi32> to vector<1xi32>
      %squeeze3A = vector.extract %slice3A[0] : i32 from vector<1xi32>
      %add3A_39 = arith.constant 128 : i32
      %add3A_40 = arith.addi %squeeze3A, %add3A_39 : i32
      %sub3A_41 = arith.constant 1 : i32
      %sub3A_42 = arith.subi %add3A_40, %sub3A_41 : i32
      %jit3A = arith.constant 128 : i32
      %div3A = arith.divsi %sub3A_42, %jit3A : i32
      %sign3A = arith.constant 0 : i32
      %sign3A_43 = arith.cmpi sgt, %sub3A_42, %sign3A : i32
      %sign3A_44 = arith.extui %sign3A_43 : i1 to i32
      %sign3A_45 = arith.constant 0 : i32
      %sign3A_46 = arith.cmpi slt, %sub3A_42, %sign3A_45 : i32
      %sign3A_47 = arith.extui %sign3A_46 : i1 to i32
      %sign3A_48 = arith.subi %sign3A_44, %sign3A_47 : i32
      %sign3A_49 = arith.constant 0 : i32
      %sign3A_50 = arith.cmpi sgt, %jit3A, %sign3A_49 : i32
      %sign3A_51 = arith.extui %sign3A_50 : i1 to i32
      %sign3A_52 = arith.constant 0 : i32
      %sign3A_53 = arith.cmpi slt, %jit3A, %sign3A_52 : i32
      %sign3A_54 = arith.extui %sign3A_53 : i1 to i32
      %sign3A_55 = arith.subi %sign3A_51, %sign3A_54 : i32
      %ne3A = arith.cmpi ne, %sign3A_48, %sign3A_55 : i32
      %rem3A = arith.remsi %sub3A_42, %jit3A : i32
      %ne3A_56 = arith.constant 0 : i32
      %ne3A_57 = arith.cmpi ne, %rem3A, %ne3A_56 : i32
      %and3A = arith.andi %ne3A, %ne3A_57 : i1
      %sub3A_58 = arith.constant 1 : i32
      %sub3A_59 = arith.subi %div3A, %sub3A_58 : i32
      %select_n3A = arith.select %and3A, %sub3A_59, %div3A : i32
      %add3A_60 = vector.broadcast %squeeze3A : i32 to vector<16xi32>
      %add3A_61 = arith.addi %add3A_60, %iota3A : vector<16xi32>
      %shift_right_logical3A = arith.constant 7 : i32
      %shift_right_logical3A_62 = vector.broadcast %shift_right_logical3A : i32 to vector<16xi32>
      %shift_right_logical3A_63 = arith.shrui %add3A_61, %shift_right_logical3A_62 : vector<16xi32>
      %and3A_64 = arith.constant 127 : i32
      %and3A_65 = vector.broadcast %and3A_64 : i32 to vector<16xi32>
      %and3A_66 = arith.andi %add3A_61, %and3A_65 : vector<16xi32>
      %mul3A_67 = arith.constant 37 : i32
      %mul3A_68 = arith.muli %arg1, %mul3A_67 : i32
      %add3A_69 = vector.broadcast %mul3A_68 : i32 to vector<16xi32>
      %add3A_70 = arith.addi %add3A_61, %add3A_69 : vector<16xi32>
      %add3A_71 = vector.broadcast %scan3A_25 : i32 to vector<16xi32>
      %add3A_72 = arith.addi %add3A_70, %add3A_71 : vector<16xi32>
      %mul3A_73 = arith.constant 797 : i32
      %mul3A_74 = vector.broadcast %mul3A_73 : i32 to vector<16xi32>
      %mul3A_75 = arith.muli %add3A_72, %mul3A_74 : vector<16xi32>
      %jit3A_76 = arith.constant 50000 : i32
      %eq3A = arith.constant 0 : i32
      %eq3A_77 = arith.cmpi eq, %jit3A_76, %eq3A : i32
      %jit3A_78 = arith.constant 1 : i32
      %select_n3A_79 = arith.select %eq3A_77, %jit3A_78, %jit3A_76 : i32
      %rem3A_80 = vector.broadcast %select_n3A_79 : i32 to vector<16xi32>
      %rem3A_81 = arith.remsi %mul3A_75, %rem3A_80 : vector<16xi32>
      %ne3A_82 = arith.constant 0 : i32
      %ne3A_83 = vector.broadcast %ne3A_82 : i32 to vector<16xi32>
      %ne3A_84 = arith.cmpi ne, %rem3A_81, %ne3A_83 : vector<16xi32>
      %lt3A = arith.constant 0 : i32
      %lt3A_85 = vector.broadcast %lt3A : i32 to vector<16xi32>
      %lt3A_86 = arith.cmpi slt, %rem3A_81, %lt3A_85 : vector<16xi32>
      %lt3A_87 = arith.constant 0 : i32
      %lt3A_88 = arith.cmpi slt, %select_n3A_79, %lt3A_87 : i32
      %ne3A_89 = vector.broadcast %lt3A_88 : i1 to vector<16xi1>
      %ne3A_90 = vector.broadcast %ne3A_89 : vector<16xi1> to vector<16xi1>
      %ne3A_91 = arith.xori %lt3A_86, %ne3A_90 : vector<16xi1>
      %and3A_92 = arith.andi %ne3A_91, %ne3A_84 : vector<16xi1>
      %add3A_93 = vector.broadcast %select_n3A_79 : i32 to vector<16xi32>
      %add3A_94 = arith.addi %rem3A_81, %add3A_93 : vector<16xi32>
      %select_n3A_95 = arith.select %and3A_92, %add3A_94, %rem3A_81 : vector<16xi1>, vector<16xi32>
      tpu.vector_store_idx %arg12[%shift_right_logical3A_63, %and3A_66], %select_n3A_95 : memref<17x128xi32, #tpu.memory_space<vmem>>[vector<16xi32>, vector<16xi32>], vector<16xi32>,
      %add3A_96 = arith.constant 25000 : i32
      %add3A_97 = vector.broadcast %add3A_96 : i32 to vector<16xi32>
      %add3A_98 = arith.addi %add3A_97, %iota3A : vector<16xi32>
      tpu.vector_store_idx %arg13[%shift_right_logical3A_63, %and3A_66], %add3A_98 : memref<17x128xi32, #tpu.memory_space<vmem>>[vector<16xi32>, vector<16xi32>], vector<16xi32>,
      %jit3A_99 = arith.constant 16 : i32
      %div3A_100 = arith.divsi %squeeze3A, %jit3A_99 : i32
      %sign3A_101 = arith.constant 0 : i32
      %sign3A_102 = arith.cmpi sgt, %squeeze3A, %sign3A_101 : i32
      %sign3A_103 = arith.extui %sign3A_102 : i1 to i32
      %sign3A_104 = arith.constant 0 : i32
      %sign3A_105 = arith.cmpi slt, %squeeze3A, %sign3A_104 : i32
      %sign3A_106 = arith.extui %sign3A_105 : i1 to i32
      %sign3A_107 = arith.subi %sign3A_103, %sign3A_106 : i32
      %sign3A_108 = arith.constant 0 : i32
      %sign3A_109 = arith.cmpi sgt, %jit3A_99, %sign3A_108 : i32
      %sign3A_110 = arith.extui %sign3A_109 : i1 to i32
      %sign3A_111 = arith.constant 0 : i32
      %sign3A_112 = arith.cmpi slt, %jit3A_99, %sign3A_111 : i32
      %sign3A_113 = arith.extui %sign3A_112 : i1 to i32
      %sign3A_114 = arith.subi %sign3A_110, %sign3A_113 : i32
      %ne3A_115 = arith.cmpi ne, %sign3A_107, %sign3A_114 : i32
      %rem3A_116 = arith.remsi %squeeze3A, %jit3A_99 : i32
      %ne3A_117 = arith.constant 0 : i32
      %ne3A_118 = arith.cmpi ne, %rem3A_116, %ne3A_117 : i32
      %and3A_119 = arith.andi %ne3A_115, %ne3A_118 : i1
      %sub3A_120 = arith.constant 1 : i32
      %sub3A_121 = arith.subi %div3A_100, %sub3A_120 : i32
      %select_n3A_122 = arith.select %and3A_119, %sub3A_121, %div3A_100 : i32
      %add3A_123 = arith.constant 1 : i32
      %add3A_124 = arith.addi %select_n3A_122, %add3A_123 : i32
      %mul3A_125 = arith.constant 8 : i32
      %mul3A_126 = arith.muli %select_n3A, %mul3A_125 : i32
      %while3A = arith.constant 0 : i32
      %while3A_127 = arith.subi %mul3A_126, %add3A_124 : i32
      %while3A_128 = arith.addi %add3A_124, %while3A_127 : i32
      %while3A_129 = arith.constant 1 : i32
      %while3A_130 = arith.divsi %while3A_127, %while3A_129 : i32
      %while3A_131 = arith.muli %while3A_130, %while3A_129 : i32
      %while3A_132 = arith.addi %add3A_124, %while3A_131 : i32
      %while3A_133 = arith.constant 1 : i32
      scf.for %while3A_156 = %add3A_124 to %while3A_132 step %while3A_133  : i32 {
        %mul3A_157 = arith.constant 16 : i32
        %mul3A_158 = arith.muli %while3A_156, %mul3A_157 : i32
        %add3A_159 = vector.broadcast %mul3A_158 : i32 to vector<16xi32>
        %add3A_160 = arith.addi %add3A_159, %iota3A : vector<16xi32>
        %shift_right_logical3A_161 = arith.constant 7 : i32
        %shift_right_logical3A_162 = vector.broadcast %shift_right_logical3A_161 : i32 to vector<16xi32>
        %shift_right_logical3A_163 = arith.shrui %add3A_160, %shift_right_logical3A_162 : vector<16xi32>
        %and3A_164 = arith.constant 127 : i32
        %and3A_165 = vector.broadcast %and3A_164 : i32 to vector<16xi32>
        %and3A_166 = arith.andi %add3A_160, %and3A_165 : vector<16xi32>
        %mul3A_167 = arith.constant 37 : i32
        %mul3A_168 = arith.muli %arg1, %mul3A_167 : i32
        %add3A_169 = vector.broadcast %mul3A_168 : i32 to vector<16xi32>
        %add3A_170 = arith.addi %add3A_160, %add3A_169 : vector<16xi32>
        %add3A_171 = vector.broadcast %scan3A_25 : i32 to vector<16xi32>
        %add3A_172 = arith.addi %add3A_170, %add3A_171 : vector<16xi32>
        %mul3A_173 = arith.constant 797 : i32
        %mul3A_174 = vector.broadcast %mul3A_173 : i32 to vector<16xi32>
        %mul3A_175 = arith.muli %add3A_172, %mul3A_174 : vector<16xi32>
        %jit3A_176 = arith.constant 50000 : i32
        %eq3A_177 = arith.constant 0 : i32
        %eq3A_178 = arith.cmpi eq, %jit3A_176, %eq3A_177 : i32
        %jit3A_179 = arith.constant 1 : i32
        %select_n3A_180 = arith.select %eq3A_178, %jit3A_179, %jit3A_176 : i32
        %rem3A_181 = vector.broadcast %select_n3A_180 : i32 to vector<16xi32>
        %rem3A_182 = arith.remsi %mul3A_175, %rem3A_181 : vector<16xi32>
        %ne3A_183 = arith.constant 0 : i32
        %ne3A_184 = vector.broadcast %ne3A_183 : i32 to vector<16xi32>
        %ne3A_185 = arith.cmpi ne, %rem3A_182, %ne3A_184 : vector<16xi32>
        %lt3A_186 = arith.constant 0 : i32
        %lt3A_187 = vector.broadcast %lt3A_186 : i32 to vector<16xi32>
        %lt3A_188 = arith.cmpi slt, %rem3A_182, %lt3A_187 : vector<16xi32>
        %lt3A_189 = arith.constant 0 : i32
        %lt3A_190 = arith.cmpi slt, %select_n3A_180, %lt3A_189 : i32
        %ne3A_191 = vector.broadcast %lt3A_190 : i1 to vector<16xi1>
        %ne3A_192 = vector.broadcast %ne3A_191 : vector<16xi1> to vector<16xi1>
        %ne3A_193 = arith.xori %lt3A_188, %ne3A_192 : vector<16xi1>
        %and3A_194 = arith.andi %ne3A_193, %ne3A_185 : vector<16xi1>
        %add3A_195 = vector.broadcast %select_n3A_180 : i32 to vector<16xi32>
        %add3A_196 = arith.addi %rem3A_182, %add3A_195 : vector<16xi32>
        %select_n3A_197 = arith.select %and3A_194, %add3A_196, %rem3A_182 : vector<16xi1>, vector<16xi32>
        tpu.vector_store_idx %arg12[%shift_right_logical3A_163, %and3A_166], %select_n3A_197 : memref<17x128xi32, #tpu.memory_space<vmem>>[vector<16xi32>, vector<16xi32>], vector<16xi32>,
        %add3A_198 = arith.constant 25000 : i32
        %add3A_199 = vector.broadcast %add3A_198 : i32 to vector<16xi32>
        %add3A_200 = arith.addi %add3A_199, %iota3A : vector<16xi32>
        tpu.vector_store_idx %arg13[%shift_right_logical3A_163, %and3A_166], %add3A_200 : memref<17x128xi32, #tpu.memory_space<vmem>>[vector<16xi32>, vector<16xi32>], vector<16xi32>,
      }
      %while3A_134 = arith.constant 1 : i32
      scf.for %while3A_156 = %while3A_132 to %while3A_128 step %while3A_134  : i32 {
        %mul3A_157 = arith.constant 16 : i32
        %mul3A_158 = arith.muli %while3A_156, %mul3A_157 : i32
        %add3A_159 = vector.broadcast %mul3A_158 : i32 to vector<16xi32>
        %add3A_160 = arith.addi %add3A_159, %iota3A : vector<16xi32>
        %shift_right_logical3A_161 = arith.constant 7 : i32
        %shift_right_logical3A_162 = vector.broadcast %shift_right_logical3A_161 : i32 to vector<16xi32>
        %shift_right_logical3A_163 = arith.shrui %add3A_160, %shift_right_logical3A_162 : vector<16xi32>
        %and3A_164 = arith.constant 127 : i32
        %and3A_165 = vector.broadcast %and3A_164 : i32 to vector<16xi32>
        %and3A_166 = arith.andi %add3A_160, %and3A_165 : vector<16xi32>
        %mul3A_167 = arith.constant 37 : i32
        %mul3A_168 = arith.muli %arg1, %mul3A_167 : i32
        %add3A_169 = vector.broadcast %mul3A_168 : i32 to vector<16xi32>
        %add3A_170 = arith.addi %add3A_160, %add3A_169 : vector<16xi32>
        %add3A_171 = vector.broadcast %scan3A_25 : i32 to vector<16xi32>
        %add3A_172 = arith.addi %add3A_170, %add3A_171 : vector<16xi32>
        %mul3A_173 = arith.constant 797 : i32
        %mul3A_174 = vector.broadcast %mul3A_173 : i32 to vector<16xi32>
        %mul3A_175 = arith.muli %add3A_172, %mul3A_174 : vector<16xi32>
        %jit3A_176 = arith.constant 50000 : i32
        %eq3A_177 = arith.constant 0 : i32
        %eq3A_178 = arith.cmpi eq, %jit3A_176, %eq3A_177 : i32
        %jit3A_179 = arith.constant 1 : i32
        %select_n3A_180 = arith.select %eq3A_178, %jit3A_179, %jit3A_176 : i32
        %rem3A_181 = vector.broadcast %select_n3A_180 : i32 to vector<16xi32>
        %rem3A_182 = arith.remsi %mul3A_175, %rem3A_181 : vector<16xi32>
        %ne3A_183 = arith.constant 0 : i32
        %ne3A_184 = vector.broadcast %ne3A_183 : i32 to vector<16xi32>
        %ne3A_185 = arith.cmpi ne, %rem3A_182, %ne3A_184 : vector<16xi32>
        %lt3A_186 = arith.constant 0 : i32
        %lt3A_187 = vector.broadcast %lt3A_186 : i32 to vector<16xi32>
        %lt3A_188 = arith.cmpi slt, %rem3A_182, %lt3A_187 : vector<16xi32>
        %lt3A_189 = arith.constant 0 : i32
        %lt3A_190 = arith.cmpi slt, %select_n3A_180, %lt3A_189 : i32
        %ne3A_191 = vector.broadcast %lt3A_190 : i1 to vector<16xi1>
        %ne3A_192 = vector.broadcast %ne3A_191 : vector<16xi1> to vector<16xi1>
        %ne3A_193 = arith.xori %lt3A_188, %ne3A_192 : vector<16xi1>
        %and3A_194 = arith.andi %ne3A_193, %ne3A_185 : vector<16xi1>
        %add3A_195 = vector.broadcast %select_n3A_180 : i32 to vector<16xi32>
        %add3A_196 = arith.addi %rem3A_182, %add3A_195 : vector<16xi32>
        %select_n3A_197 = arith.select %and3A_194, %add3A_196, %rem3A_182 : vector<16xi1>, vector<16xi32>
        tpu.vector_store_idx %arg12[%shift_right_logical3A_163, %and3A_166], %select_n3A_197 : memref<17x128xi32, #tpu.memory_space<vmem>>[vector<16xi32>, vector<16xi32>], vector<16xi32>,
        %add3A_198 = arith.constant 25000 : i32
        %add3A_199 = vector.broadcast %add3A_198 : i32 to vector<16xi32>
        %add3A_200 = arith.addi %add3A_199, %iota3A : vector<16xi32>
        tpu.vector_store_idx %arg13[%shift_right_logical3A_163, %and3A_166], %add3A_200 : memref<17x128xi32, #tpu.memory_space<vmem>>[vector<16xi32>, vector<16xi32>], vector<16xi32>,
      }
      %gt3A = arith.constant 0 : i32
      %gt3A_135 = arith.cmpi sgt, %select_n3A, %gt3A : i32
      %convert_element_type3A = arith.extui %gt3A_135 : i1 to i32
      %cond3A = arith.constant 0 : i32
      %cond3A_136 = arith.cmpi ne, %convert_element_type3A, %cond3A : i32
      scf.if %cond3A_136 {
        %dma_start3A = arith.constant 0 : i32
        %dma_start3A_156 = arith.constant 0 : i32
        %dma_start3A_157 = tpu.memref_slice %arg12[%dma_start3A, %dma_start3A_156] : memref<17x128xi32, #tpu.memory_space<vmem>> -> memref<1x128xi32, #tpu.memory_space<vmem>>
        %dma_start3A_158 = tpu.memref_squeeze %dma_start3A_157 : memref<1x128xi32, #tpu.memory_space<vmem>> -> memref<128xi32, #tpu.memory_space<vmem>>
        %dma_start3A_159 = arith.constant 0 : i32
        %dma_start3A_160 = arith.constant 0 : i32
        %dma_start3A_161 = tpu.memref_slice %arg2[%dma_start3A_159, %dma_start3A_160] : memref<50000x64xf32, #tpu.memory_space<hbm>> -> memref<50000x64xf32, #tpu.memory_space<hbm>>
        tpu.enqueue_indirect_dma source(%dma_start3A_161 : memref<50000x64xf32, #tpu.memory_space<hbm>>) target(%arg14 : memref<128x64xf32, #tpu.memory_space<vmem>>) offsets(%dma_start3A_158 : memref<128xi32, #tpu.memory_space<vmem>>) semaphore(%arg17 : memref<!tpu.dma_semaphore, #tpu.memory_space<semaphore_mem>>)
      } else {
      }
      %while3A_137 = arith.constant 0 : i32
      %while3A_138 = arith.constant 0 : i32
      %while3A_139 = arith.subi %select_n3A, %while3A_138 : i32
      %while3A_140 = arith.addi %while3A_138, %while3A_139 : i32
      %while3A_141 = arith.constant 1 : i32
      %while3A_142 = arith.divsi %while3A_139, %while3A_141 : i32
      %while3A_143 = arith.muli %while3A_142, %while3A_141 : i32
      %while3A_144 = arith.addi %while3A_138, %while3A_143 : i32
      %while3A_145 = arith.constant 1 : i32
      scf.for %while3A_156 = %while3A_138 to %while3A_144 step %while3A_145  : i32 {
        %add3A_157 = arith.constant 1 : i32
        %add3A_158 = arith.addi %while3A_156, %add3A_157 : i32
        %jit3A_159 = arith.constant 2 : i32
        %eq3A_160 = arith.constant 0 : i32
        %eq3A_161 = arith.cmpi eq, %jit3A_159, %eq3A_160 : i32
        %jit3A_162 = arith.constant 1 : i32
        %select_n3A_163 = arith.select %eq3A_161, %jit3A_162, %jit3A_159 : i32
        %rem3A_164 = arith.remsi %while3A_156, %select_n3A_163 : i32
        %ne3A_165 = arith.constant 0 : i32
        %ne3A_166 = arith.cmpi ne, %rem3A_164, %ne3A_165 : i32
        %lt3A_167 = arith.constant 0 : i32
        %lt3A_168 = arith.cmpi slt, %rem3A_164, %lt3A_167 : i32
        %lt3A_169 = arith.constant 0 : i32
        %lt3A_170 = arith.cmpi slt, %select_n3A_163, %lt3A_169 : i32
        %ne3A_171 = arith.xori %lt3A_168, %lt3A_170 : i1
        %and3A_172 = arith.andi %ne3A_171, %ne3A_166 : i1
        %add3A_173 = arith.addi %rem3A_164, %select_n3A_163 : i32
        %select_n3A_174 = arith.select %and3A_172, %add3A_173, %rem3A_164 : i32
        %eq3A_175 = arith.constant 0 : i32
        %eq3A_176 = arith.cmpi eq, %select_n3A_174, %eq3A_175 : i32
        %convert_element_type3A_177 = arith.extui %eq3A_176 : i1 to i32
        %cond3A_178 = arith.constant 0 : i32
        %cond3A_179 = arith.cmpi ne, %convert_element_type3A_177, %cond3A_178 : i32
        scf.if %cond3A_179 {
          %dma_wait3A = arith.constant 0 : i32
          %dma_wait3A_201 = tpu.memref_slice %arg12[%while3A_156, %dma_wait3A] : memref<17x128xi32, #tpu.memory_space<vmem>> -> memref<1x128xi32, #tpu.memory_space<vmem>>
          %dma_wait3A_202 = tpu.memref_squeeze %dma_wait3A_201 : memref<1x128xi32, #tpu.memory_space<vmem>> -> memref<128xi32, #tpu.memory_space<vmem>>
          %dma_wait3A_203 = arith.constant 0 : i32
          %dma_wait3A_204 = arith.constant 0 : i32
          %dma_wait3A_205 = tpu.memref_slice %arg2[%dma_wait3A_203, %dma_wait3A_204] : memref<50000x64xf32, #tpu.memory_space<hbm>> -> memref<50000x64xf32, #tpu.memory_space<hbm>>
          tpu.wait_indirect_dma semaphore(%arg17 : memref<!tpu.dma_semaphore, #tpu.memory_space<semaphore_mem>>) src(%dma_wait3A_205 : memref<50000x64xf32, #tpu.memory_space<hbm>>) dst(%arg14 : memref<128x64xf32, #tpu.memory_space<vmem>>)
          %dma_start3A = arith.constant 0 : i32
          %dma_start3A_206 = tpu.memref_slice %arg13[%while3A_156, %dma_start3A] : memref<17x128xi32, #tpu.memory_space<vmem>> -> memref<1x128xi32, #tpu.memory_space<vmem>>
          %dma_start3A_207 = tpu.memref_squeeze %dma_start3A_206 : memref<1x128xi32, #tpu.memory_space<vmem>> -> memref<128xi32, #tpu.memory_space<vmem>>
          %dma_start3A_208 = arith.constant 0 : i32
          %dma_start3A_209 = arith.constant 0 : i32
          %dma_start3A_210 = tpu.memref_slice %arg16[%dma_start3A_208, %dma_start3A_209] : memref<25088x64xf32, #tpu.memory_space<vmem_shared>> -> memref<25088x64xf32, #tpu.memory_space<vmem_shared>>
          tpu.enqueue_indirect_dma source(%arg14 : memref<128x64xf32, #tpu.memory_space<vmem>>) target(%dma_start3A_210 : memref<25088x64xf32, #tpu.memory_space<vmem_shared>>) offsets(%dma_start3A_207 : memref<128xi32, #tpu.memory_space<vmem>>) semaphore(%arg18 : memref<!tpu.dma_semaphore, #tpu.memory_space<semaphore_mem>>) {add = true}
          %lt3A_211 = arith.cmpi slt, %add3A_158, %select_n3A : i32
          %convert_element_type3A_212 = arith.extui %lt3A_211 : i1 to i32
          %cond3A_213 = arith.constant 0 : i32
          %cond3A_214 = arith.cmpi ne, %convert_element_type3A_212, %cond3A_213 : i32
          scf.if %cond3A_214 {
            %ge3A_215 = arith.constant 1 : i32
            %ge3A_216 = arith.cmpi sge, %while3A_156, %ge3A_215 : i32
            %convert_element_type3A_217 = arith.extui %ge3A_216 : i1 to i32
            %cond3A_218 = arith.constant 0 : i32
            %cond3A_219 = arith.cmpi ne, %convert_element_type3A_217, %cond3A_218 : i32
            scf.if %cond3A_219 {
              %sub3A_226 = arith.constant 1 : i32
              %sub3A_227 = arith.subi %while3A_156, %sub3A_226 : i32
              %dma_wait3A_228 = arith.constant 0 : i32
              %dma_wait3A_229 = tpu.memref_slice %arg13[%sub3A_227, %dma_wait3A_228] : memref<17x128xi32, #tpu.memory_space<vmem>> -> memref<1x128xi32, #tpu.memory_space<vmem>>
              %dma_wait3A_230 = tpu.memref_squeeze %dma_wait3A_229 : memref<1x128xi32, #tpu.memory_space<vmem>> -> memref<128xi32, #tpu.memory_space<vmem>>
              %dma_wait3A_231 = arith.constant 0 : i32
              %dma_wait3A_232 = arith.constant 0 : i32
              %dma_wait3A_233 = tpu.memref_slice %arg16[%dma_wait3A_231, %dma_wait3A_232] : memref<25088x64xf32, #tpu.memory_space<vmem_shared>> -> memref<25088x64xf32, #tpu.memory_space<vmem_shared>>
              tpu.wait_indirect_dma semaphore(%arg19 : memref<!tpu.dma_semaphore, #tpu.memory_space<semaphore_mem>>) src(%arg15 : memref<128x64xf32, #tpu.memory_space<vmem>>) dst(%dma_wait3A_233 : memref<25088x64xf32, #tpu.memory_space<vmem_shared>>)
            } else {
            }
            %dma_start3A_220 = arith.constant 0 : i32
            %dma_start3A_221 = tpu.memref_slice %arg12[%add3A_158, %dma_start3A_220] : memref<17x128xi32, #tpu.memory_space<vmem>> -> memref<1x128xi32, #tpu.memory_space<vmem>>
            %dma_start3A_222 = tpu.memref_squeeze %dma_start3A_221 : memref<1x128xi32, #tpu.memory_space<vmem>> -> memref<128xi32, #tpu.memory_space<vmem>>
            %dma_start3A_223 = arith.constant 0 : i32
            %dma_start3A_224 = arith.constant 0 : i32
            %dma_start3A_225 = tpu.memref_slice %arg2[%dma_start3A_223, %dma_start3A_224] : memref<50000x64xf32, #tpu.memory_space<hbm>> -> memref<50000x64xf32, #tpu.memory_space<hbm>>
            tpu.enqueue_indirect_dma source(%dma_start3A_225 : memref<50000x64xf32, #tpu.memory_space<hbm>>) target(%arg15 : memref<128x64xf32, #tpu.memory_space<vmem>>) offsets(%dma_start3A_222 : memref<128xi32, #tpu.memory_space<vmem>>) semaphore(%arg17 : memref<!tpu.dma_semaphore, #tpu.memory_space<semaphore_mem>>)
          } else {
          }
        } else {
        }
        %jit3A_180 = arith.constant 2 : i32
        %eq3A_181 = arith.constant 0 : i32
        %eq3A_182 = arith.cmpi eq, %jit3A_180, %eq3A_181 : i32
        %jit3A_183 = arith.constant 1 : i32
        %select_n3A_184 = arith.select %eq3A_182, %jit3A_183, %jit3A_180 : i32
        %rem3A_185 = arith.remsi %while3A_156, %select_n3A_184 : i32
        %ne3A_186 = arith.constant 0 : i32
        %ne3A_187 = arith.cmpi ne, %rem3A_185, %ne3A_186 : i32
        %lt3A_188 = arith.constant 0 : i32
        %lt3A_189 = arith.cmpi slt, %rem3A_185, %lt3A_188 : i32
        %lt3A_190 = arith.constant 0 : i32
        %lt3A_191 = arith.cmpi slt, %select_n3A_184, %lt3A_190 : i32
        %ne3A_192 = arith.xori %lt3A_189, %lt3A_191 : i1
        %and3A_193 = arith.andi %ne3A_192, %ne3A_187 : i1
        %add3A_194 = arith.addi %rem3A_185, %select_n3A_184 : i32
        %select_n3A_195 = arith.select %and3A_193, %add3A_194, %rem3A_185 : i32
        %eq3A_196 = arith.constant 1 : i32
        %eq3A_197 = arith.cmpi eq, %select_n3A_195, %eq3A_196 : i32
        %convert_element_type3A_198 = arith.extui %eq3A_197 : i1 to i32
        %cond3A_199 = arith.constant 0 : i32
        %cond3A_200 = arith.cmpi ne, %convert_element_type3A_198, %cond3A_199 : i32
        scf.if %cond3A_200 {
          %dma_wait3A = arith.constant 0 : i32
          %dma_wait3A_201 = tpu.memref_slice %arg12[%while3A_156, %dma_wait3A] : memref<17x128xi32, #tpu.memory_space<vmem>> -> memref<1x128xi32, #tpu.memory_space<vmem>>
          %dma_wait3A_202 = tpu.memref_squeeze %dma_wait3A_201 : memref<1x128xi32, #tpu.memory_space<vmem>> -> memref<128xi32, #tpu.memory_space<vmem>>
          %dma_wait3A_203 = arith.constant 0 : i32
          %dma_wait3A_204 = arith.constant 0 : i32
          %dma_wait3A_205 = tpu.memref_slice %arg2[%dma_wait3A_203, %dma_wait3A_204] : memref<50000x64xf32, #tpu.memory_space<hbm>> -> memref<50000x64xf32, #tpu.memory_space<hbm>>
          tpu.wait_indirect_dma semaphore(%arg17 : memref<!tpu.dma_semaphore, #tpu.memory_space<semaphore_mem>>) src(%dma_wait3A_205 : memref<50000x64xf32, #tpu.memory_space<hbm>>) dst(%arg15 : memref<128x64xf32, #tpu.memory_space<vmem>>)
          %dma_start3A = arith.constant 0 : i32
          %dma_start3A_206 = tpu.memref_slice %arg13[%while3A_156, %dma_start3A] : memref<17x128xi32, #tpu.memory_space<vmem>> -> memref<1x128xi32, #tpu.memory_space<vmem>>
          %dma_start3A_207 = tpu.memref_squeeze %dma_start3A_206 : memref<1x128xi32, #tpu.memory_space<vmem>> -> memref<128xi32, #tpu.memory_space<vmem>>
          %dma_start3A_208 = arith.constant 0 : i32
          %dma_start3A_209 = arith.constant 0 : i32
          %dma_start3A_210 = tpu.memref_slice %arg16[%dma_start3A_208, %dma_start3A_209] : memref<25088x64xf32, #tpu.memory_space<vmem_shared>> -> memref<25088x64xf32, #tpu.memory_space<vmem_shared>>
          tpu.enqueue_indirect_dma source(%arg15 : memref<128x64xf32, #tpu.memory_space<vmem>>) target(%dma_start3A_210 : memref<25088x64xf32, #tpu.memory_space<vmem_shared>>) offsets(%dma_start3A_207 : memref<128xi32, #tpu.memory_space<vmem>>) semaphore(%arg19 : memref<!tpu.dma_semaphore, #tpu.memory_space<semaphore_mem>>) {add = true}
          %lt3A_211 = arith.cmpi slt, %add3A_158, %select_n3A : i32
          %convert_element_type3A_212 = arith.extui %lt3A_211 : i1 to i32
          %cond3A_213 = arith.constant 0 : i32
          %cond3A_214 = arith.cmpi ne, %convert_element_type3A_212, %cond3A_213 : i32
          scf.if %cond3A_214 {
            %sub3A_215 = arith.constant 1 : i32
            %sub3A_216 = arith.subi %while3A_156, %sub3A_215 : i32
            %dma_wait3A_217 = arith.constant 0 : i32
            %dma_wait3A_218 = tpu.memref_slice %arg13[%sub3A_216, %dma_wait3A_217] : memref<17x128xi32, #tpu.memory_space<vmem>> -> memref<1x128xi32, #tpu.memory_space<vmem>>
            %dma_wait3A_219 = tpu.memref_squeeze %dma_wait3A_218 : memref<1x128xi32, #tpu.memory_space<vmem>> -> memref<128xi32, #tpu.memory_space<vmem>>
            %dma_wait3A_220 = arith.constant 0 : i32
            %dma_wait3A_221 = arith.constant 0 : i32
            %dma_wait3A_222 = tpu.memref_slice %arg16[%dma_wait3A_220, %dma_wait3A_221] : memref<25088x64xf32, #tpu.memory_space<vmem_shared>> -> memref<25088x64xf32, #tpu.memory_space<vmem_shared>>
            tpu.wait_indirect_dma semaphore(%arg18 : memref<!tpu.dma_semaphore, #tpu.memory_space<semaphore_mem>>) src(%arg14 : memref<128x64xf32, #tpu.memory_space<vmem>>) dst(%dma_wait3A_222 : memref<25088x64xf32, #tpu.memory_space<vmem_shared>>)
            %dma_start3A_223 = arith.constant 0 : i32
            %dma_start3A_224 = tpu.memref_slice %arg12[%add3A_158, %dma_start3A_223] : memref<17x128xi32, #tpu.memory_space<vmem>> -> memref<1x128xi32, #tpu.memory_space<vmem>>
            %dma_start3A_225 = tpu.memref_squeeze %dma_start3A_224 : memref<1x128xi32, #tpu.memory_space<vmem>> -> memref<128xi32, #tpu.memory_space<vmem>>
            %dma_start3A_226 = arith.constant 0 : i32
            %dma_start3A_227 = arith.constant 0 : i32
            %dma_start3A_228 = tpu.memref_slice %arg2[%dma_start3A_226, %dma_start3A_227] : memref<50000x64xf32, #tpu.memory_space<hbm>> -> memref<50000x64xf32, #tpu.memory_space<hbm>>
            tpu.enqueue_indirect_dma source(%dma_start3A_228 : memref<50000x64xf32, #tpu.memory_space<hbm>>) target(%arg14 : memref<128x64xf32, #tpu.memory_space<vmem>>) offsets(%dma_start3A_225 : memref<128xi32, #tpu.memory_space<vmem>>) semaphore(%arg17 : memref<!tpu.dma_semaphore, #tpu.memory_space<semaphore_mem>>)
          } else {
          }
        } else {
        }
      }
      %while3A_146 = arith.constant 1 : i32
      scf.for %while3A_156 = %while3A_144 to %while3A_140 step %while3A_146  : i32 {
        %add3A_157 = arith.constant 1 : i32
        %add3A_158 = arith.addi %while3A_156, %add3A_157 : i32
        %jit3A_159 = arith.constant 2 : i32
        %eq3A_160 = arith.constant 0 : i32
        %eq3A_161 = arith.cmpi eq, %jit3A_159, %eq3A_160 : i32
        %jit3A_162 = arith.constant 1 : i32
        %select_n3A_163 = arith.select %eq3A_161, %jit3A_162, %jit3A_159 : i32
        %rem3A_164 = arith.remsi %while3A_156, %select_n3A_163 : i32
        %ne3A_165 = arith.constant 0 : i32
        %ne3A_166 = arith.cmpi ne, %rem3A_164, %ne3A_165 : i32
        %lt3A_167 = arith.constant 0 : i32
        %lt3A_168 = arith.cmpi slt, %rem3A_164, %lt3A_167 : i32
        %lt3A_169 = arith.constant 0 : i32
        %lt3A_170 = arith.cmpi slt, %select_n3A_163, %lt3A_169 : i32
        %ne3A_171 = arith.xori %lt3A_168, %lt3A_170 : i1
        %and3A_172 = arith.andi %ne3A_171, %ne3A_166 : i1
        %add3A_173 = arith.addi %rem3A_164, %select_n3A_163 : i32
        %select_n3A_174 = arith.select %and3A_172, %add3A_173, %rem3A_164 : i32
        %eq3A_175 = arith.constant 0 : i32
        %eq3A_176 = arith.cmpi eq, %select_n3A_174, %eq3A_175 : i32
        %convert_element_type3A_177 = arith.extui %eq3A_176 : i1 to i32
        %cond3A_178 = arith.constant 0 : i32
        %cond3A_179 = arith.cmpi ne, %convert_element_type3A_177, %cond3A_178 : i32
        scf.if %cond3A_179 {
          %dma_wait3A = arith.constant 0 : i32
          %dma_wait3A_201 = tpu.memref_slice %arg12[%while3A_156, %dma_wait3A] : memref<17x128xi32, #tpu.memory_space<vmem>> -> memref<1x128xi32, #tpu.memory_space<vmem>>
          %dma_wait3A_202 = tpu.memref_squeeze %dma_wait3A_201 : memref<1x128xi32, #tpu.memory_space<vmem>> -> memref<128xi32, #tpu.memory_space<vmem>>
          %dma_wait3A_203 = arith.constant 0 : i32
          %dma_wait3A_204 = arith.constant 0 : i32
          %dma_wait3A_205 = tpu.memref_slice %arg2[%dma_wait3A_203, %dma_wait3A_204] : memref<50000x64xf32, #tpu.memory_space<hbm>> -> memref<50000x64xf32, #tpu.memory_space<hbm>>
          tpu.wait_indirect_dma semaphore(%arg17 : memref<!tpu.dma_semaphore, #tpu.memory_space<semaphore_mem>>) src(%dma_wait3A_205 : memref<50000x64xf32, #tpu.memory_space<hbm>>) dst(%arg14 : memref<128x64xf32, #tpu.memory_space<vmem>>)
          %dma_start3A = arith.constant 0 : i32
          %dma_start3A_206 = tpu.memref_slice %arg13[%while3A_156, %dma_start3A] : memref<17x128xi32, #tpu.memory_space<vmem>> -> memref<1x128xi32, #tpu.memory_space<vmem>>
          %dma_start3A_207 = tpu.memref_squeeze %dma_start3A_206 : memref<1x128xi32, #tpu.memory_space<vmem>> -> memref<128xi32, #tpu.memory_space<vmem>>
          %dma_start3A_208 = arith.constant 0 : i32
          %dma_start3A_209 = arith.constant 0 : i32
          %dma_start3A_210 = tpu.memref_slice %arg16[%dma_start3A_208, %dma_start3A_209] : memref<25088x64xf32, #tpu.memory_space<vmem_shared>> -> memref<25088x64xf32, #tpu.memory_space<vmem_shared>>
          tpu.enqueue_indirect_dma source(%arg14 : memref<128x64xf32, #tpu.memory_space<vmem>>) target(%dma_start3A_210 : memref<25088x64xf32, #tpu.memory_space<vmem_shared>>) offsets(%dma_start3A_207 : memref<128xi32, #tpu.memory_space<vmem>>) semaphore(%arg18 : memref<!tpu.dma_semaphore, #tpu.memory_space<semaphore_mem>>) {add = true}
          %lt3A_211 = arith.cmpi slt, %add3A_158, %select_n3A : i32
          %convert_element_type3A_212 = arith.extui %lt3A_211 : i1 to i32
          %cond3A_213 = arith.constant 0 : i32
          %cond3A_214 = arith.cmpi ne, %convert_element_type3A_212, %cond3A_213 : i32
          scf.if %cond3A_214 {
            %ge3A_215 = arith.constant 1 : i32
            %ge3A_216 = arith.cmpi sge, %while3A_156, %ge3A_215 : i32
            %convert_element_type3A_217 = arith.extui %ge3A_216 : i1 to i32
            %cond3A_218 = arith.constant 0 : i32
            %cond3A_219 = arith.cmpi ne, %convert_element_type3A_217, %cond3A_218 : i32
            scf.if %cond3A_219 {
              %sub3A_226 = arith.constant 1 : i32
              %sub3A_227 = arith.subi %while3A_156, %sub3A_226 : i32
              %dma_wait3A_228 = arith.constant 0 : i32
              %dma_wait3A_229 = tpu.memref_slice %arg13[%sub3A_227, %dma_wait3A_228] : memref<17x128xi32, #tpu.memory_space<vmem>> -> memref<1x128xi32, #tpu.memory_space<vmem>>
              %dma_wait3A_230 = tpu.memref_squeeze %dma_wait3A_229 : memref<1x128xi32, #tpu.memory_space<vmem>> -> memref<128xi32, #tpu.memory_space<vmem>>
              %dma_wait3A_231 = arith.constant 0 : i32
              %dma_wait3A_232 = arith.constant 0 : i32
              %dma_wait3A_233 = tpu.memref_slice %arg16[%dma_wait3A_231, %dma_wait3A_232] : memref<25088x64xf32, #tpu.memory_space<vmem_shared>> -> memref<25088x64xf32, #tpu.memory_space<vmem_shared>>
              tpu.wait_indirect_dma semaphore(%arg19 : memref<!tpu.dma_semaphore, #tpu.memory_space<semaphore_mem>>) src(%arg15 : memref<128x64xf32, #tpu.memory_space<vmem>>) dst(%dma_wait3A_233 : memref<25088x64xf32, #tpu.memory_space<vmem_shared>>)
            } else {
            }
            %dma_start3A_220 = arith.constant 0 : i32
            %dma_start3A_221 = tpu.memref_slice %arg12[%add3A_158, %dma_start3A_220] : memref<17x128xi32, #tpu.memory_space<vmem>> -> memref<1x128xi32, #tpu.memory_space<vmem>>
            %dma_start3A_222 = tpu.memref_squeeze %dma_start3A_221 : memref<1x128xi32, #tpu.memory_space<vmem>> -> memref<128xi32, #tpu.memory_space<vmem>>
            %dma_start3A_223 = arith.constant 0 : i32
            %dma_start3A_224 = arith.constant 0 : i32
            %dma_start3A_225 = tpu.memref_slice %arg2[%dma_start3A_223, %dma_start3A_224] : memref<50000x64xf32, #tpu.memory_space<hbm>> -> memref<50000x64xf32, #tpu.memory_space<hbm>>
            tpu.enqueue_indirect_dma source(%dma_start3A_225 : memref<50000x64xf32, #tpu.memory_space<hbm>>) target(%arg15 : memref<128x64xf32, #tpu.memory_space<vmem>>) offsets(%dma_start3A_222 : memref<128xi32, #tpu.memory_space<vmem>>) semaphore(%arg17 : memref<!tpu.dma_semaphore, #tpu.memory_space<semaphore_mem>>)
          } else {
          }
        } else {
        }
        %jit3A_180 = arith.constant 2 : i32
        %eq3A_181 = arith.constant 0 : i32
        %eq3A_182 = arith.cmpi eq, %jit3A_180, %eq3A_181 : i32
        %jit3A_183 = arith.constant 1 : i32
        %select_n3A_184 = arith.select %eq3A_182, %jit3A_183, %jit3A_180 : i32
        %rem3A_185 = arith.remsi %while3A_156, %select_n3A_184 : i32
        %ne3A_186 = arith.constant 0 : i32
        %ne3A_187 = arith.cmpi ne, %rem3A_185, %ne3A_186 : i32
        %lt3A_188 = arith.constant 0 : i32
        %lt3A_189 = arith.cmpi slt, %rem3A_185, %lt3A_188 : i32
        %lt3A_190 = arith.constant 0 : i32
        %lt3A_191 = arith.cmpi slt, %select_n3A_184, %lt3A_190 : i32
        %ne3A_192 = arith.xori %lt3A_189, %lt3A_191 : i1
        %and3A_193 = arith.andi %ne3A_192, %ne3A_187 : i1
        %add3A_194 = arith.addi %rem3A_185, %select_n3A_184 : i32
        %select_n3A_195 = arith.select %and3A_193, %add3A_194, %rem3A_185 : i32
        %eq3A_196 = arith.constant 1 : i32
        %eq3A_197 = arith.cmpi eq, %select_n3A_195, %eq3A_196 : i32
        %convert_element_type3A_198 = arith.extui %eq3A_197 : i1 to i32
        %cond3A_199 = arith.constant 0 : i32
        %cond3A_200 = arith.cmpi ne, %convert_element_type3A_198, %cond3A_199 : i32
        scf.if %cond3A_200 {
          %dma_wait3A = arith.constant 0 : i32
          %dma_wait3A_201 = tpu.memref_slice %arg12[%while3A_156, %dma_wait3A] : memref<17x128xi32, #tpu.memory_space<vmem>> -> memref<1x128xi32, #tpu.memory_space<vmem>>
          %dma_wait3A_202 = tpu.memref_squeeze %dma_wait3A_201 : memref<1x128xi32, #tpu.memory_space<vmem>> -> memref<128xi32, #tpu.memory_space<vmem>>
          %dma_wait3A_203 = arith.constant 0 : i32
          %dma_wait3A_204 = arith.constant 0 : i32
          %dma_wait3A_205 = tpu.memref_slice %arg2[%dma_wait3A_203, %dma_wait3A_204] : memref<50000x64xf32, #tpu.memory_space<hbm>> -> memref<50000x64xf32, #tpu.memory_space<hbm>>
          tpu.wait_indirect_dma semaphore(%arg17 : memref<!tpu.dma_semaphore, #tpu.memory_space<semaphore_mem>>) src(%dma_wait3A_205 : memref<50000x64xf32, #tpu.memory_space<hbm>>) dst(%arg15 : memref<128x64xf32, #tpu.memory_space<vmem>>)
          %dma_start3A = arith.constant 0 : i32
          %dma_start3A_206 = tpu.memref_slice %arg13[%while3A_156, %dma_start3A] : memref<17x128xi32, #tpu.memory_space<vmem>> -> memref<1x128xi32, #tpu.memory_space<vmem>>
          %dma_start3A_207 = tpu.memref_squeeze %dma_start3A_206 : memref<1x128xi32, #tpu.memory_space<vmem>> -> memref<128xi32, #tpu.memory_space<vmem>>
          %dma_start3A_208 = arith.constant 0 : i32
          %dma_start3A_209 = arith.constant 0 : i32
          %dma_start3A_210 = tpu.memref_slice %arg16[%dma_start3A_208, %dma_start3A_209] : memref<25088x64xf32, #tpu.memory_space<vmem_shared>> -> memref<25088x64xf32, #tpu.memory_space<vmem_shared>>
          tpu.enqueue_indirect_dma source(%arg15 : memref<128x64xf32, #tpu.memory_space<vmem>>) target(%dma_start3A_210 : memref<25088x64xf32, #tpu.memory_space<vmem_shared>>) offsets(%dma_start3A_207 : memref<128xi32, #tpu.memory_space<vmem>>) semaphore(%arg19 : memref<!tpu.dma_semaphore, #tpu.memory_space<semaphore_mem>>) {add = true}
          %lt3A_211 = arith.cmpi slt, %add3A_158, %select_n3A : i32
          %convert_element_type3A_212 = arith.extui %lt3A_211 : i1 to i32
          %cond3A_213 = arith.constant 0 : i32
          %cond3A_214 = arith.cmpi ne, %convert_element_type3A_212, %cond3A_213 : i32
          scf.if %cond3A_214 {
            %sub3A_215 = arith.constant 1 : i32
            %sub3A_216 = arith.subi %while3A_156, %sub3A_215 : i32
            %dma_wait3A_217 = arith.constant 0 : i32
            %dma_wait3A_218 = tpu.memref_slice %arg13[%sub3A_216, %dma_wait3A_217] : memref<17x128xi32, #tpu.memory_space<vmem>> -> memref<1x128xi32, #tpu.memory_space<vmem>>
            %dma_wait3A_219 = tpu.memref_squeeze %dma_wait3A_218 : memref<1x128xi32, #tpu.memory_space<vmem>> -> memref<128xi32, #tpu.memory_space<vmem>>
            %dma_wait3A_220 = arith.constant 0 : i32
            %dma_wait3A_221 = arith.constant 0 : i32
            %dma_wait3A_222 = tpu.memref_slice %arg16[%dma_wait3A_220, %dma_wait3A_221] : memref<25088x64xf32, #tpu.memory_space<vmem_shared>> -> memref<25088x64xf32, #tpu.memory_space<vmem_shared>>
            tpu.wait_indirect_dma semaphore(%arg18 : memref<!tpu.dma_semaphore, #tpu.memory_space<semaphore_mem>>) src(%arg14 : memref<128x64xf32, #tpu.memory_space<vmem>>) dst(%dma_wait3A_222 : memref<25088x64xf32, #tpu.memory_space<vmem_shared>>)
            %dma_start3A_223 = arith.constant 0 : i32
            %dma_start3A_224 = tpu.memref_slice %arg12[%add3A_158, %dma_start3A_223] : memref<17x128xi32, #tpu.memory_space<vmem>> -> memref<1x128xi32, #tpu.memory_space<vmem>>
            %dma_start3A_225 = tpu.memref_squeeze %dma_start3A_224 : memref<1x128xi32, #tpu.memory_space<vmem>> -> memref<128xi32, #tpu.memory_space<vmem>>
            %dma_start3A_226 = arith.constant 0 : i32
            %dma_start3A_227 = arith.constant 0 : i32
            %dma_start3A_228 = tpu.memref_slice %arg2[%dma_start3A_226, %dma_start3A_227] : memref<50000x64xf32, #tpu.memory_space<hbm>> -> memref<50000x64xf32, #tpu.memory_space<hbm>>
            tpu.enqueue_indirect_dma source(%dma_start3A_228 : memref<50000x64xf32, #tpu.memory_space<hbm>>) target(%arg14 : memref<128x64xf32, #tpu.memory_space<vmem>>) offsets(%dma_start3A_225 : memref<128xi32, #tpu.memory_space<vmem>>) semaphore(%arg17 : memref<!tpu.dma_semaphore, #tpu.memory_space<semaphore_mem>>)
          } else {
          }
        } else {
        }
      }
      %ge3A = arith.constant 1 : i32
      %ge3A_147 = arith.cmpi sge, %select_n3A, %ge3A : i32
      %convert_element_type3A_148 = arith.extui %ge3A_147 : i1 to i32
      %cond3A_149 = arith.constant 0 : i32
      %cond3A_150 = arith.cmpi ne, %convert_element_type3A_148, %cond3A_149 : i32
      scf.if %cond3A_150 {
        %sub3A_156 = arith.constant 1 : i32
        %sub3A_157 = arith.subi %select_n3A, %sub3A_156 : i32
        %jit3A_158 = arith.constant 2 : i32
        %eq3A_159 = arith.constant 0 : i32
        %eq3A_160 = arith.cmpi eq, %jit3A_158, %eq3A_159 : i32
        %jit3A_161 = arith.constant 1 : i32
        %select_n3A_162 = arith.select %eq3A_160, %jit3A_161, %jit3A_158 : i32
        %rem3A_163 = arith.remsi %sub3A_157, %select_n3A_162 : i32
        %ne3A_164 = arith.constant 0 : i32
        %ne3A_165 = arith.cmpi ne, %rem3A_163, %ne3A_164 : i32
        %lt3A_166 = arith.constant 0 : i32
        %lt3A_167 = arith.cmpi slt, %rem3A_163, %lt3A_166 : i32
        %lt3A_168 = arith.constant 0 : i32
        %lt3A_169 = arith.cmpi slt, %select_n3A_162, %lt3A_168 : i32
        %ne3A_170 = arith.xori %lt3A_167, %lt3A_169 : i1
        %and3A_171 = arith.andi %ne3A_170, %ne3A_165 : i1
        %add3A_172 = arith.addi %rem3A_163, %select_n3A_162 : i32
        %select_n3A_173 = arith.select %and3A_171, %add3A_172, %rem3A_163 : i32
        %eq3A_174 = arith.constant 0 : i32
        %eq3A_175 = arith.cmpi eq, %select_n3A_173, %eq3A_174 : i32
        %convert_element_type3A_176 = arith.extui %eq3A_175 : i1 to i32
        %cond3A_177 = arith.constant 0 : i32
        %cond3A_178 = arith.cmpi ne, %convert_element_type3A_176, %cond3A_177 : i32
        scf.if %cond3A_178 {
          %dma_wait3A = arith.constant 0 : i32
          %dma_wait3A_200 = tpu.memref_slice %arg13[%sub3A_157, %dma_wait3A] : memref<17x128xi32, #tpu.memory_space<vmem>> -> memref<1x128xi32, #tpu.memory_space<vmem>>
          %dma_wait3A_201 = tpu.memref_squeeze %dma_wait3A_200 : memref<1x128xi32, #tpu.memory_space<vmem>> -> memref<128xi32, #tpu.memory_space<vmem>>
          %dma_wait3A_202 = arith.constant 0 : i32
          %dma_wait3A_203 = arith.constant 0 : i32
          %dma_wait3A_204 = tpu.memref_slice %arg16[%dma_wait3A_202, %dma_wait3A_203] : memref<25088x64xf32, #tpu.memory_space<vmem_shared>> -> memref<25088x64xf32, #tpu.memory_space<vmem_shared>>
          tpu.wait_indirect_dma semaphore(%arg18 : memref<!tpu.dma_semaphore, #tpu.memory_space<semaphore_mem>>) src(%arg14 : memref<128x64xf32, #tpu.memory_space<vmem>>) dst(%dma_wait3A_204 : memref<25088x64xf32, #tpu.memory_space<vmem_shared>>)
        } else {
        }
        %jit3A_179 = arith.constant 2 : i32
        %eq3A_180 = arith.constant 0 : i32
        %eq3A_181 = arith.cmpi eq, %jit3A_179, %eq3A_180 : i32
        %jit3A_182 = arith.constant 1 : i32
        %select_n3A_183 = arith.select %eq3A_181, %jit3A_182, %jit3A_179 : i32
        %rem3A_184 = arith.remsi %sub3A_157, %select_n3A_183 : i32
        %ne3A_185 = arith.constant 0 : i32
        %ne3A_186 = arith.cmpi ne, %rem3A_184, %ne3A_185 : i32
        %lt3A_187 = arith.constant 0 : i32
        %lt3A_188 = arith.cmpi slt, %rem3A_184, %lt3A_187 : i32
        %lt3A_189 = arith.constant 0 : i32
        %lt3A_190 = arith.cmpi slt, %select_n3A_183, %lt3A_189 : i32
        %ne3A_191 = arith.xori %lt3A_188, %lt3A_190 : i1
        %and3A_192 = arith.andi %ne3A_191, %ne3A_186 : i1
        %add3A_193 = arith.addi %rem3A_184, %select_n3A_183 : i32
        %select_n3A_194 = arith.select %and3A_192, %add3A_193, %rem3A_184 : i32
        %eq3A_195 = arith.constant 1 : i32
        %eq3A_196 = arith.cmpi eq, %select_n3A_194, %eq3A_195 : i32
        %convert_element_type3A_197 = arith.extui %eq3A_196 : i1 to i32
        %cond3A_198 = arith.constant 0 : i32
        %cond3A_199 = arith.cmpi ne, %convert_element_type3A_197, %cond3A_198 : i32
        scf.if %cond3A_199 {
          %dma_wait3A = arith.constant 0 : i32
          %dma_wait3A_200 = tpu.memref_slice %arg13[%sub3A_157, %dma_wait3A] : memref<17x128xi32, #tpu.memory_space<vmem>> -> memref<1x128xi32, #tpu.memory_space<vmem>>
          %dma_wait3A_201 = tpu.memref_squeeze %dma_wait3A_200 : memref<1x128xi32, #tpu.memory_space<vmem>> -> memref<128xi32, #tpu.memory_space<vmem>>
          %dma_wait3A_202 = arith.constant 0 : i32
          %dma_wait3A_203 = arith.constant 0 : i32
          %dma_wait3A_204 = tpu.memref_slice %arg16[%dma_wait3A_202, %dma_wait3A_203] : memref<25088x64xf32, #tpu.memory_space<vmem_shared>> -> memref<25088x64xf32, #tpu.memory_space<vmem_shared>>
          tpu.wait_indirect_dma semaphore(%arg19 : memref<!tpu.dma_semaphore, #tpu.memory_space<semaphore_mem>>) src(%arg15 : memref<128x64xf32, #tpu.memory_space<vmem>>) dst(%dma_wait3A_204 : memref<25088x64xf32, #tpu.memory_space<vmem_shared>>)
        } else {
        }
      } else {
      }
      %ge3A_151 = arith.constant 2 : i32
      %ge3A_152 = arith.cmpi sge, %select_n3A, %ge3A_151 : i32
      %convert_element_type3A_153 = arith.extui %ge3A_152 : i1 to i32
      %cond3A_154 = arith.constant 0 : i32
      %cond3A_155 = arith.cmpi ne, %convert_element_type3A_153, %cond3A_154 : i32
      scf.if %cond3A_155 {
        %sub3A_156 = arith.constant 2 : i32
        %sub3A_157 = arith.subi %select_n3A, %sub3A_156 : i32
        %jit3A_158 = arith.constant 2 : i32
        %eq3A_159 = arith.constant 0 : i32
        %eq3A_160 = arith.cmpi eq, %jit3A_158, %eq3A_159 : i32
        %jit3A_161 = arith.constant 1 : i32
        %select_n3A_162 = arith.select %eq3A_160, %jit3A_161, %jit3A_158 : i32
        %rem3A_163 = arith.remsi %sub3A_157, %select_n3A_162 : i32
        %ne3A_164 = arith.constant 0 : i32
        %ne3A_165 = arith.cmpi ne, %rem3A_163, %ne3A_164 : i32
        %lt3A_166 = arith.constant 0 : i32
        %lt3A_167 = arith.cmpi slt, %rem3A_163, %lt3A_166 : i32
        %lt3A_168 = arith.constant 0 : i32
        %lt3A_169 = arith.cmpi slt, %select_n3A_162, %lt3A_168 : i32
        %ne3A_170 = arith.xori %lt3A_167, %lt3A_169 : i1
        %and3A_171 = arith.andi %ne3A_170, %ne3A_165 : i1
        %add3A_172 = arith.addi %rem3A_163, %select_n3A_162 : i32
        %select_n3A_173 = arith.select %and3A_171, %add3A_172, %rem3A_163 : i32
        %eq3A_174 = arith.constant 0 : i32
        %eq3A_175 = arith.cmpi eq, %select_n3A_173, %eq3A_174 : i32
        %convert_element_type3A_176 = arith.extui %eq3A_175 : i1 to i32
        %cond3A_177 = arith.constant 0 : i32
        %cond3A_178 = arith.cmpi ne, %convert_element_type3A_176, %cond3A_177 : i32
        scf.if %cond3A_178 {
          %dma_wait3A = arith.constant 0 : i32
          %dma_wait3A_200 = tpu.memref_slice %arg13[%sub3A_157, %dma_wait3A] : memref<17x128xi32, #tpu.memory_space<vmem>> -> memref<1x128xi32, #tpu.memory_space<vmem>>
          %dma_wait3A_201 = tpu.memref_squeeze %dma_wait3A_200 : memref<1x128xi32, #tpu.memory_space<vmem>> -> memref<128xi32, #tpu.memory_space<vmem>>
          %dma_wait3A_202 = arith.constant 0 : i32
          %dma_wait3A_203 = arith.constant 0 : i32
          %dma_wait3A_204 = tpu.memref_slice %arg16[%dma_wait3A_202, %dma_wait3A_203] : memref<25088x64xf32, #tpu.memory_space<vmem_shared>> -> memref<25088x64xf32, #tpu.memory_space<vmem_shared>>
          tpu.wait_indirect_dma semaphore(%arg18 : memref<!tpu.dma_semaphore, #tpu.memory_space<semaphore_mem>>) src(%arg14 : memref<128x64xf32, #tpu.memory_space<vmem>>) dst(%dma_wait3A_204 : memref<25088x64xf32, #tpu.memory_space<vmem_shared>>)
        } else {
        }
        %jit3A_179 = arith.constant 2 : i32
        %eq3A_180 = arith.constant 0 : i32
        %eq3A_181 = arith.cmpi eq, %jit3A_179, %eq3A_180 : i32
        %jit3A_182 = arith.constant 1 : i32
        %select_n3A_183 = arith.select %eq3A_181, %jit3A_182, %jit3A_179 : i32
        %rem3A_184 = arith.remsi %sub3A_157, %select_n3A_183 : i32
        %ne3A_185 = arith.constant 0 : i32
        %ne3A_186 = arith.cmpi ne, %rem3A_184, %ne3A_185 : i32
        %lt3A_187 = arith.constant 0 : i32
        %lt3A_188 = arith.cmpi slt, %rem3A_184, %lt3A_187 : i32
        %lt3A_189 = arith.constant 0 : i32
        %lt3A_190 = arith.cmpi slt, %select_n3A_183, %lt3A_189 : i32
        %ne3A_191 = arith.xori %lt3A_188, %lt3A_190 : i1
        %and3A_192 = arith.andi %ne3A_191, %ne3A_186 : i1
        %add3A_193 = arith.addi %rem3A_184, %select_n3A_183 : i32
        %select_n3A_194 = arith.select %and3A_192, %add3A_193, %rem3A_184 : i32
        %eq3A_195 = arith.constant 1 : i32
        %eq3A_196 = arith.cmpi eq, %select_n3A_194, %eq3A_195 : i32
        %convert_element_type3A_197 = arith.extui %eq3A_196 : i1 to i32
        %cond3A_198 = arith.constant 0 : i32
        %cond3A_199 = arith.cmpi ne, %convert_element_type3A_197, %cond3A_198 : i32
        scf.if %cond3A_199 {
          %dma_wait3A = arith.constant 0 : i32
          %dma_wait3A_200 = tpu.memref_slice %arg13[%sub3A_157, %dma_wait3A] : memref<17x128xi32, #tpu.memory_space<vmem>> -> memref<1x128xi32, #tpu.memory_space<vmem>>
          %dma_wait3A_201 = tpu.memref_squeeze %dma_wait3A_200 : memref<1x128xi32, #tpu.memory_space<vmem>> -> memref<128xi32, #tpu.memory_space<vmem>>
          %dma_wait3A_202 = arith.constant 0 : i32
          %dma_wait3A_203 = arith.constant 0 : i32
          %dma_wait3A_204 = tpu.memref_slice %arg16[%dma_wait3A_202, %dma_wait3A_203] : memref<25088x64xf32, #tpu.memory_space<vmem_shared>> -> memref<25088x64xf32, #tpu.memory_space<vmem_shared>>
          tpu.wait_indirect_dma semaphore(%arg19 : memref<!tpu.dma_semaphore, #tpu.memory_space<semaphore_mem>>) src(%arg15 : memref<128x64xf32, #tpu.memory_space<vmem>>) dst(%dma_wait3A_204 : memref<25088x64xf32, #tpu.memory_space<vmem_shared>>)
        } else {
        }
      } else {
      }
    }
    %scan3A_17 = arith.constant 25 : i32
    %barrier3A_18 = arith.constant 0 : index
    tpu.barrier barrier_id(%barrier3A_18)
    %scan3A_19 = arith.constant 0 : i32
    %scan3A_20 = arith.constant 0 : i32
    %scan3A_21 = arith.constant 25 : i32
    %scan3A_22 = arith.addi %scan3A_20, %scan3A_21 : i32
    %scan3A_23 = arith.constant 1 : i32
    scf.for %scan3A_25 = %scan3A_20 to %scan3A_22 step %scan3A_23  : i32 {
      %mul3A_26 = arith.constant 1568 : i32
      %mul3A_27 = arith.muli %arg1, %mul3A_26 : i32
      %mul3A_28 = arith.constant 64 : i32
      %mul3A_29 = arith.muli %scan3A_25, %mul3A_28 : i32
      %min3A = arith.constant 1504 : i32
      %min3A_30 = arith.minsi %mul3A_29, %min3A : i32
      %add3A_31 = arith.addi %mul3A_27, %min3A_30 : i32
      %min3A_32 = arith.constant 24936 : i32
      %min3A_33 = arith.minsi %add3A_31, %min3A_32 : i32
      "tpu.region"() ({
        %run_scoped3A = tpu.sem_alloc : memref<!tpu.dma_semaphore, #tpu.memory_space<semaphore_mem>>
        %dma_start3A = arith.constant 0 : i32
        %dma_start3A_44 = arith.constant 0 : i32
        %dma_start3A_45 = tpu.memref_slice %arg14[%dma_start3A, %dma_start3A_44] : memref<128x64xf32, #tpu.memory_space<vmem>> -> memref<64x64xf32, #tpu.memory_space<vmem>>
        %dma_start3A_46 = arith.constant 0 : i32
        %dma_start3A_47 = tpu.memref_slice %arg16[%min3A_33, %dma_start3A_46] : memref<25088x64xf32, #tpu.memory_space<vmem_shared>> -> memref<64x64xf32, #tpu.memory_space<vmem_shared>>
        %dma_start3A_48 = arith.constant 0 : i32
        %dma_start3A_49 = arith.constant 0 : i32
        %dma_start3A_50 = tpu.memref_slice %arg14[%dma_start3A_48, %dma_start3A_49] : memref<128x64xf32, #tpu.memory_space<vmem>> -> memref<64x64xf32, #tpu.memory_space<vmem>>
        %dma_start3A_51 = arith.constant 0 : i32
        %dma_start3A_52 = tpu.memref_slice %arg16[%min3A_33, %dma_start3A_51] : memref<25088x64xf32, #tpu.memory_space<vmem_shared>> -> memref<64x64xf32, #tpu.memory_space<vmem_shared>>
        tpu.enqueue_dma source(%dma_start3A_52 : memref<64x64xf32, #tpu.memory_space<vmem_shared>>) target(%dma_start3A_50 : memref<64x64xf32, #tpu.memory_space<vmem>>) target_semaphore(%run_scoped3A : memref<!tpu.dma_semaphore, #tpu.memory_space<semaphore_mem>>)
        %dma_wait3A = arith.constant 0 : i32
        %dma_wait3A_53 = arith.constant 0 : i32
        %dma_wait3A_54 = tpu.memref_slice %arg14[%dma_wait3A, %dma_wait3A_53] : memref<128x64xf32, #tpu.memory_space<vmem>> -> memref<64x64xf32, #tpu.memory_space<vmem>>
        %dma_wait3A_55 = arith.constant 0 : i32
        %dma_wait3A_56 = tpu.memref_slice %arg16[%min3A_33, %dma_wait3A_55] : memref<25088x64xf32, #tpu.memory_space<vmem_shared>> -> memref<64x64xf32, #tpu.memory_space<vmem_shared>>
        %dma_wait3A_57 = arith.constant 0 : i32
        %dma_wait3A_58 = arith.constant 0 : i32
        %dma_wait3A_59 = tpu.memref_slice %arg14[%dma_wait3A_57, %dma_wait3A_58] : memref<128x64xf32, #tpu.memory_space<vmem>> -> memref<64x64xf32, #tpu.memory_space<vmem>>
        %dma_wait3A_60 = arith.constant 0 : i32
        %dma_wait3A_61 = tpu.memref_slice %arg16[%min3A_33, %dma_wait3A_60] : memref<25088x64xf32, #tpu.memory_space<vmem_shared>> -> memref<64x64xf32, #tpu.memory_space<vmem_shared>>
        tpu.wait_dma2 semaphore(%run_scoped3A : memref<!tpu.dma_semaphore, #tpu.memory_space<semaphore_mem>>) src(%dma_wait3A_61 : memref<64x64xf32, #tpu.memory_space<vmem_shared>>) dst(%dma_wait3A_59 : memref<64x64xf32, #tpu.memory_space<vmem>>)
        tpu.yield
      }) : () -> ()
      %add3A_34 = arith.addi %mul3A_0, %min3A_33 : i32
      "tpu.region"() ({
        %run_scoped3A = tpu.sem_alloc : memref<!tpu.dma_semaphore, #tpu.memory_space<semaphore_mem>>
        %dma_start3A = arith.constant 64 : i32
        %dma_start3A_44 = arith.constant 0 : i32
        %dma_start3A_45 = tpu.memref_slice %arg14[%dma_start3A, %dma_start3A_44] : memref<128x64xf32, #tpu.memory_space<vmem>> -> memref<64x64xf32, #tpu.memory_space<vmem>>
        %dma_start3A_46 = arith.constant 0 : i32
        %dma_start3A_47 = tpu.memref_slice %arg6[%add3A_34, %dma_start3A_46] : memref<50000x64xf32, #tpu.memory_space<hbm>> -> memref<64x64xf32, #tpu.memory_space<hbm>>
        %dma_start3A_48 = arith.constant 64 : i32
        %dma_start3A_49 = arith.constant 0 : i32
        %dma_start3A_50 = tpu.memref_slice %arg14[%dma_start3A_48, %dma_start3A_49] : memref<128x64xf32, #tpu.memory_space<vmem>> -> memref<64x64xf32, #tpu.memory_space<vmem>>
        %dma_start3A_51 = arith.constant 0 : i32
        %dma_start3A_52 = tpu.memref_slice %arg6[%add3A_34, %dma_start3A_51] : memref<50000x64xf32, #tpu.memory_space<hbm>> -> memref<64x64xf32, #tpu.memory_space<hbm>>
        tpu.enqueue_dma source(%dma_start3A_52 : memref<64x64xf32, #tpu.memory_space<hbm>>) target(%dma_start3A_50 : memref<64x64xf32, #tpu.memory_space<vmem>>) target_semaphore(%run_scoped3A : memref<!tpu.dma_semaphore, #tpu.memory_space<semaphore_mem>>)
        %dma_wait3A = arith.constant 64 : i32
        %dma_wait3A_53 = arith.constant 0 : i32
        %dma_wait3A_54 = tpu.memref_slice %arg14[%dma_wait3A, %dma_wait3A_53] : memref<128x64xf32, #tpu.memory_space<vmem>> -> memref<64x64xf32, #tpu.memory_space<vmem>>
        %dma_wait3A_55 = arith.constant 0 : i32
        %dma_wait3A_56 = tpu.memref_slice %arg6[%add3A_34, %dma_wait3A_55] : memref<50000x64xf32, #tpu.memory_space<hbm>> -> memref<64x64xf32, #tpu.memory_space<hbm>>
        %dma_wait3A_57 = arith.constant 64 : i32
        %dma_wait3A_58 = arith.constant 0 : i32
        %dma_wait3A_59 = tpu.memref_slice %arg14[%dma_wait3A_57, %dma_wait3A_58] : memref<128x64xf32, #tpu.memory_space<vmem>> -> memref<64x64xf32, #tpu.memory_space<vmem>>
        %dma_wait3A_60 = arith.constant 0 : i32
        %dma_wait3A_61 = tpu.memref_slice %arg6[%add3A_34, %dma_wait3A_60] : memref<50000x64xf32, #tpu.memory_space<hbm>> -> memref<64x64xf32, #tpu.memory_space<hbm>>
        tpu.wait_dma2 semaphore(%run_scoped3A : memref<!tpu.dma_semaphore, #tpu.memory_space<semaphore_mem>>) src(%dma_wait3A_61 : memref<64x64xf32, #tpu.memory_space<hbm>>) dst(%dma_wait3A_59 : memref<64x64xf32, #tpu.memory_space<vmem>>)
        tpu.yield
      }) : () -> ()
      %add3A_35 = arith.addi %mul3A_0, %min3A_33 : i32
      "tpu.region"() ({
        %run_scoped3A = tpu.sem_alloc : memref<!tpu.dma_semaphore, #tpu.memory_space<semaphore_mem>>
        %dma_start3A = arith.constant 0 : i32
        %dma_start3A_44 = arith.constant 0 : i32
        %dma_start3A_45 = tpu.memref_slice %arg15[%dma_start3A, %dma_start3A_44] : memref<128x64xf32, #tpu.memory_space<vmem>> -> memref<64x64xf32, #tpu.memory_space<vmem>>
        %dma_start3A_46 = arith.constant 0 : i32
        %dma_start3A_47 = tpu.memref_slice %arg5[%add3A_35, %dma_start3A_46] : memref<50000x64xf32, #tpu.memory_space<hbm>> -> memref<64x64xf32, #tpu.memory_space<hbm>>
        %dma_start3A_48 = arith.constant 0 : i32
        %dma_start3A_49 = arith.constant 0 : i32
        %dma_start3A_50 = tpu.memref_slice %arg15[%dma_start3A_48, %dma_start3A_49] : memref<128x64xf32, #tpu.memory_space<vmem>> -> memref<64x64xf32, #tpu.memory_space<vmem>>
        %dma_start3A_51 = arith.constant 0 : i32
        %dma_start3A_52 = tpu.memref_slice %arg5[%add3A_35, %dma_start3A_51] : memref<50000x64xf32, #tpu.memory_space<hbm>> -> memref<64x64xf32, #tpu.memory_space<hbm>>
        tpu.enqueue_dma source(%dma_start3A_52 : memref<64x64xf32, #tpu.memory_space<hbm>>) target(%dma_start3A_50 : memref<64x64xf32, #tpu.memory_space<vmem>>) target_semaphore(%run_scoped3A : memref<!tpu.dma_semaphore, #tpu.memory_space<semaphore_mem>>)
        %dma_wait3A = arith.constant 0 : i32
        %dma_wait3A_53 = arith.constant 0 : i32
        %dma_wait3A_54 = tpu.memref_slice %arg15[%dma_wait3A, %dma_wait3A_53] : memref<128x64xf32, #tpu.memory_space<vmem>> -> memref<64x64xf32, #tpu.memory_space<vmem>>
        %dma_wait3A_55 = arith.constant 0 : i32
        %dma_wait3A_56 = tpu.memref_slice %arg5[%add3A_35, %dma_wait3A_55] : memref<50000x64xf32, #tpu.memory_space<hbm>> -> memref<64x64xf32, #tpu.memory_space<hbm>>
        %dma_wait3A_57 = arith.constant 0 : i32
        %dma_wait3A_58 = arith.constant 0 : i32
        %dma_wait3A_59 = tpu.memref_slice %arg15[%dma_wait3A_57, %dma_wait3A_58] : memref<128x64xf32, #tpu.memory_space<vmem>> -> memref<64x64xf32, #tpu.memory_space<vmem>>
        %dma_wait3A_60 = arith.constant 0 : i32
        %dma_wait3A_61 = tpu.memref_slice %arg5[%add3A_35, %dma_wait3A_60] : memref<50000x64xf32, #tpu.memory_space<hbm>> -> memref<64x64xf32, #tpu.memory_space<hbm>>
        tpu.wait_dma2 semaphore(%run_scoped3A : memref<!tpu.dma_semaphore, #tpu.memory_space<semaphore_mem>>) src(%dma_wait3A_61 : memref<64x64xf32, #tpu.memory_space<hbm>>) dst(%dma_wait3A_59 : memref<64x64xf32, #tpu.memory_space<vmem>>)
        tpu.yield
      }) : () -> ()
      %scan3A_36 = arith.constant 0 : i32
      %scan3A_37 = arith.constant 0 : i32
      %scan3A_38 = arith.constant 64 : i32
      %scan3A_39 = arith.addi %scan3A_37, %scan3A_38 : i32
      %scan3A_40 = arith.constant 1 : i32
      scf.for %scan3A_44 = %scan3A_37 to %scan3A_39 step %scan3A_40  : i32 {
        %get3A = arith.index_cast %scan3A_44 : i32 to index
        %get3A_45 = arith.constant 0 : index
        %get3A_46 = tpu.vector_load %arg14[%get3A, %get3A_45] {strides = array<i32>} : memref<128x64xf32, #tpu.memory_space<vmem>>, vector<16xf32>,
        %get3A_47 = arith.index_cast %scan3A_44 : i32 to index
        %get3A_48 = arith.constant 0 : index
        %get3A_49 = tpu.vector_load %arg15[%get3A_47, %get3A_48] {strides = array<i32>} : memref<128x64xf32, #tpu.memory_space<vmem>>, vector<16xf32>,
        %add3A_50 = arith.constant 64 : i32
        %add3A_51 = arith.addi %add3A_50, %scan3A_44 : i32
        %get3A_52 = arith.index_cast %add3A_51 : i32 to index
        %get3A_53 = arith.constant 0 : index
        %get3A_54 = tpu.vector_load %arg14[%get3A_52, %get3A_53] {strides = array<i32>} : memref<128x64xf32, #tpu.memory_space<vmem>>, vector<16xf32>,
        %mul3A_55 = arith.mulf %get3A_46, %get3A_49 : vector<16xf32>
        %add3A_56 = arith.addf %get3A_54, %mul3A_55 : vector<16xf32>
        %add3A_57 = arith.constant 64 : i32
        %add3A_58 = arith.addi %add3A_57, %scan3A_44 : i32
        %swap3A = arith.index_cast %add3A_58 : i32 to index
        %swap3A_59 = arith.constant 0 : index
        %swap3A_60 = tpu.vector_load %arg15[%swap3A, %swap3A_59] {strides = array<i32>} : memref<128x64xf32, #tpu.memory_space<vmem>>, vector<16xf32>,
        tpu.vector_store %arg15[%swap3A, %swap3A_59], %add3A_56 {strides = array<i32>} : memref<128x64xf32, #tpu.memory_space<vmem>>, vector<16xf32>,
        %mul3A_61 = arith.mulf %mul3A_55, %get3A_49 : vector<16xf32>
        %swap3A_62 = arith.index_cast %scan3A_44 : i32 to index
        %swap3A_63 = arith.constant 0 : index
        %swap3A_64 = tpu.vector_load %arg14[%swap3A_62, %swap3A_63] {strides = array<i32>} : memref<128x64xf32, #tpu.memory_space<vmem>>, vector<16xf32>,
        tpu.vector_store %arg14[%swap3A_62, %swap3A_63], %mul3A_61 {strides = array<i32>} : memref<128x64xf32, #tpu.memory_space<vmem>>, vector<16xf32>,
        %get3A_65 = arith.index_cast %scan3A_44 : i32 to index
        %get3A_66 = arith.constant 16 : index
        %get3A_67 = tpu.vector_load %arg14[%get3A_65, %get3A_66] {strides = array<i32>} : memref<128x64xf32, #tpu.memory_space<vmem>>, vector<16xf32>,
        %get3A_68 = arith.index_cast %scan3A_44 : i32 to index
        %get3A_69 = arith.constant 16 : index
        %get3A_70 = tpu.vector_load %arg15[%get3A_68, %get3A_69] {strides = array<i32>} : memref<128x64xf32, #tpu.memory_space<vmem>>, vector<16xf32>,
        %add3A_71 = arith.constant 64 : i32
        %add3A_72 = arith.addi %add3A_71, %scan3A_44 : i32
        %get3A_73 = arith.index_cast %add3A_72 : i32 to index
        %get3A_74 = arith.constant 16 : index
        %get3A_75 = tpu.vector_load %arg14[%get3A_73, %get3A_74] {strides = array<i32>} : memref<128x64xf32, #tpu.memory_space<vmem>>, vector<16xf32>,
        %mul3A_76 = arith.mulf %get3A_67, %get3A_70 : vector<16xf32>
        %add3A_77 = arith.addf %get3A_75, %mul3A_76 : vector<16xf32>
        %add3A_78 = arith.constant 64 : i32
        %add3A_79 = arith.addi %add3A_78, %scan3A_44 : i32
        %swap3A_80 = arith.index_cast %add3A_79 : i32 to index
        %swap3A_81 = arith.constant 16 : index
        %swap3A_82 = tpu.vector_load %arg15[%swap3A_80, %swap3A_81] {strides = array<i32>} : memref<128x64xf32, #tpu.memory_space<vmem>>, vector<16xf32>,
        tpu.vector_store %arg15[%swap3A_80, %swap3A_81], %add3A_77 {strides = array<i32>} : memref<128x64xf32, #tpu.memory_space<vmem>>, vector<16xf32>,
        %mul3A_83 = arith.mulf %mul3A_76, %get3A_70 : vector<16xf32>
        %swap3A_84 = arith.index_cast %scan3A_44 : i32 to index
        %swap3A_85 = arith.constant 16 : index
        %swap3A_86 = tpu.vector_load %arg14[%swap3A_84, %swap3A_85] {strides = array<i32>} : memref<128x64xf32, #tpu.memory_space<vmem>>, vector<16xf32>,
        tpu.vector_store %arg14[%swap3A_84, %swap3A_85], %mul3A_83 {strides = array<i32>} : memref<128x64xf32, #tpu.memory_space<vmem>>, vector<16xf32>,
        %get3A_87 = arith.index_cast %scan3A_44 : i32 to index
        %get3A_88 = arith.constant 32 : index
        %get3A_89 = tpu.vector_load %arg14[%get3A_87, %get3A_88] {strides = array<i32>} : memref<128x64xf32, #tpu.memory_space<vmem>>, vector<16xf32>,
        %get3A_90 = arith.index_cast %scan3A_44 : i32 to index
        %get3A_91 = arith.constant 32 : index
        %get3A_92 = tpu.vector_load %arg15[%get3A_90, %get3A_91] {strides = array<i32>} : memref<128x64xf32, #tpu.memory_space<vmem>>, vector<16xf32>,
        %add3A_93 = arith.constant 64 : i32
        %add3A_94 = arith.addi %add3A_93, %scan3A_44 : i32
        %get3A_95 = arith.index_cast %add3A_94 : i32 to index
        %get3A_96 = arith.constant 32 : index
        %get3A_97 = tpu.vector_load %arg14[%get3A_95, %get3A_96] {strides = array<i32>} : memref<128x64xf32, #tpu.memory_space<vmem>>, vector<16xf32>,
        %mul3A_98 = arith.mulf %get3A_89, %get3A_92 : vector<16xf32>
        %add3A_99 = arith.addf %get3A_97, %mul3A_98 : vector<16xf32>
        %add3A_100 = arith.constant 64 : i32
        %add3A_101 = arith.addi %add3A_100, %scan3A_44 : i32
        %swap3A_102 = arith.index_cast %add3A_101 : i32 to index
        %swap3A_103 = arith.constant 32 : index
        %swap3A_104 = tpu.vector_load %arg15[%swap3A_102, %swap3A_103] {strides = array<i32>} : memref<128x64xf32, #tpu.memory_space<vmem>>, vector<16xf32>,
        tpu.vector_store %arg15[%swap3A_102, %swap3A_103], %add3A_99 {strides = array<i32>} : memref<128x64xf32, #tpu.memory_space<vmem>>, vector<16xf32>,
        %mul3A_105 = arith.mulf %mul3A_98, %get3A_92 : vector<16xf32>
        %swap3A_106 = arith.index_cast %scan3A_44 : i32 to index
        %swap3A_107 = arith.constant 32 : index
        %swap3A_108 = tpu.vector_load %arg14[%swap3A_106, %swap3A_107] {strides = array<i32>} : memref<128x64xf32, #tpu.memory_space<vmem>>, vector<16xf32>,
        tpu.vector_store %arg14[%swap3A_106, %swap3A_107], %mul3A_105 {strides = array<i32>} : memref<128x64xf32, #tpu.memory_space<vmem>>, vector<16xf32>,
        %get3A_109 = arith.index_cast %scan3A_44 : i32 to index
        %get3A_110 = arith.constant 48 : index
        %get3A_111 = tpu.vector_load %arg14[%get3A_109, %get3A_110] {strides = array<i32>} : memref<128x64xf32, #tpu.memory_space<vmem>>, vector<16xf32>,
        %get3A_112 = arith.index_cast %scan3A_44 : i32 to index
        %get3A_113 = arith.constant 48 : index
        %get3A_114 = tpu.vector_load %arg15[%get3A_112, %get3A_113] {strides = array<i32>} : memref<128x64xf32, #tpu.memory_space<vmem>>, vector<16xf32>,
        %add3A_115 = arith.constant 64 : i32
        %add3A_116 = arith.addi %add3A_115, %scan3A_44 : i32
        %get3A_117 = arith.index_cast %add3A_116 : i32 to index
        %get3A_118 = arith.constant 48 : index
        %get3A_119 = tpu.vector_load %arg14[%get3A_117, %get3A_118] {strides = array<i32>} : memref<128x64xf32, #tpu.memory_space<vmem>>, vector<16xf32>,
        %mul3A_120 = arith.mulf %get3A_111, %get3A_114 : vector<16xf32>
        %add3A_121 = arith.addf %get3A_119, %mul3A_120 : vector<16xf32>
        %add3A_122 = arith.constant 64 : i32
        %add3A_123 = arith.addi %add3A_122, %scan3A_44 : i32
        %swap3A_124 = arith.index_cast %add3A_123 : i32 to index
        %swap3A_125 = arith.constant 48 : index
        %swap3A_126 = tpu.vector_load %arg15[%swap3A_124, %swap3A_125] {strides = array<i32>} : memref<128x64xf32, #tpu.memory_space<vmem>>, vector<16xf32>,
        tpu.vector_store %arg15[%swap3A_124, %swap3A_125], %add3A_121 {strides = array<i32>} : memref<128x64xf32, #tpu.memory_space<vmem>>, vector<16xf32>,
        %mul3A_127 = arith.mulf %mul3A_120, %get3A_114 : vector<16xf32>
        %swap3A_128 = arith.index_cast %scan3A_44 : i32 to index
        %swap3A_129 = arith.constant 48 : index
        %swap3A_130 = tpu.vector_load %arg14[%swap3A_128, %swap3A_129] {strides = array<i32>} : memref<128x64xf32, #tpu.memory_space<vmem>>, vector<16xf32>,
        tpu.vector_store %arg14[%swap3A_128, %swap3A_129], %mul3A_127 {strides = array<i32>} : memref<128x64xf32, #tpu.memory_space<vmem>>, vector<16xf32>,
      }
      %scan3A_41 = arith.constant 64 : i32
      %add3A_42 = arith.addi %mul3A_0, %min3A_33 : i32
      "tpu.region"() ({
        %run_scoped3A = tpu.sem_alloc : memref<!tpu.dma_semaphore, #tpu.memory_space<semaphore_mem>>
        %dma_start3A = arith.constant 0 : i32
        %dma_start3A_44 = arith.constant 0 : i32
        %dma_start3A_45 = tpu.memref_slice %arg14[%dma_start3A, %dma_start3A_44] : memref<128x64xf32, #tpu.memory_space<vmem>> -> memref<64x64xf32, #tpu.memory_space<vmem>>
        %dma_start3A_46 = arith.constant 0 : i32
        %dma_start3A_47 = tpu.memref_slice %arg8[%add3A_42, %dma_start3A_46] : memref<50000x64xf32, #tpu.memory_space<hbm>> -> memref<64x64xf32, #tpu.memory_space<hbm>>
        %dma_start3A_48 = arith.constant 0 : i32
        %dma_start3A_49 = tpu.memref_slice %arg8[%add3A_42, %dma_start3A_48] : memref<50000x64xf32, #tpu.memory_space<hbm>> -> memref<64x64xf32, #tpu.memory_space<hbm>>
        %dma_start3A_50 = arith.constant 0 : i32
        %dma_start3A_51 = arith.constant 0 : i32
        %dma_start3A_52 = tpu.memref_slice %arg14[%dma_start3A_50, %dma_start3A_51] : memref<128x64xf32, #tpu.memory_space<vmem>> -> memref<64x64xf32, #tpu.memory_space<vmem>>
        tpu.enqueue_dma source(%dma_start3A_52 : memref<64x64xf32, #tpu.memory_space<vmem>>) target(%dma_start3A_49 : memref<64x64xf32, #tpu.memory_space<hbm>>) target_semaphore(%run_scoped3A : memref<!tpu.dma_semaphore, #tpu.memory_space<semaphore_mem>>)
        %dma_wait3A = arith.constant 0 : i32
        %dma_wait3A_53 = arith.constant 0 : i32
        %dma_wait3A_54 = tpu.memref_slice %arg14[%dma_wait3A, %dma_wait3A_53] : memref<128x64xf32, #tpu.memory_space<vmem>> -> memref<64x64xf32, #tpu.memory_space<vmem>>
        %dma_wait3A_55 = arith.constant 0 : i32
        %dma_wait3A_56 = tpu.memref_slice %arg8[%add3A_42, %dma_wait3A_55] : memref<50000x64xf32, #tpu.memory_space<hbm>> -> memref<64x64xf32, #tpu.memory_space<hbm>>
        %dma_wait3A_57 = arith.constant 0 : i32
        %dma_wait3A_58 = tpu.memref_slice %arg8[%add3A_42, %dma_wait3A_57] : memref<50000x64xf32, #tpu.memory_space<hbm>> -> memref<64x64xf32, #tpu.memory_space<hbm>>
        %dma_wait3A_59 = arith.constant 0 : i32
        %dma_wait3A_60 = arith.constant 0 : i32
        %dma_wait3A_61 = tpu.memref_slice %arg14[%dma_wait3A_59, %dma_wait3A_60] : memref<128x64xf32, #tpu.memory_space<vmem>> -> memref<64x64xf32, #tpu.memory_space<vmem>>
        tpu.wait_dma2 semaphore(%run_scoped3A : memref<!tpu.dma_semaphore, #tpu.memory_space<semaphore_mem>>) src(%dma_wait3A_61 : memref<64x64xf32, #tpu.memory_space<vmem>>) dst(%dma_wait3A_58 : memref<64x64xf32, #tpu.memory_space<hbm>>)
        tpu.yield
      }) : () -> ()
      %add3A_43 = arith.addi %mul3A_0, %min3A_33 : i32
      "tpu.region"() ({
        %run_scoped3A = tpu.sem_alloc : memref<!tpu.dma_semaphore, #tpu.memory_space<semaphore_mem>>
        %dma_start3A = arith.constant 64 : i32
        %dma_start3A_44 = arith.constant 0 : i32
        %dma_start3A_45 = tpu.memref_slice %arg15[%dma_start3A, %dma_start3A_44] : memref<128x64xf32, #tpu.memory_space<vmem>> -> memref<64x64xf32, #tpu.memory_space<vmem>>
        %dma_start3A_46 = arith.constant 0 : i32
        %dma_start3A_47 = tpu.memref_slice %arg9[%add3A_43, %dma_start3A_46] : memref<50000x64xf32, #tpu.memory_space<hbm>> -> memref<64x64xf32, #tpu.memory_space<hbm>>
        %dma_start3A_48 = arith.constant 0 : i32
        %dma_start3A_49 = tpu.memref_slice %arg9[%add3A_43, %dma_start3A_48] : memref<50000x64xf32, #tpu.memory_space<hbm>> -> memref<64x64xf32, #tpu.memory_space<hbm>>
        %dma_start3A_50 = arith.constant 64 : i32
        %dma_start3A_51 = arith.constant 0 : i32
        %dma_start3A_52 = tpu.memref_slice %arg15[%dma_start3A_50, %dma_start3A_51] : memref<128x64xf32, #tpu.memory_space<vmem>> -> memref<64x64xf32, #tpu.memory_space<vmem>>
        tpu.enqueue_dma source(%dma_start3A_52 : memref<64x64xf32, #tpu.memory_space<vmem>>) target(%dma_start3A_49 : memref<64x64xf32, #tpu.memory_space<hbm>>) target_semaphore(%run_scoped3A : memref<!tpu.dma_semaphore, #tpu.memory_space<semaphore_mem>>)
        %dma_wait3A = arith.constant 64 : i32
        %dma_wait3A_53 = arith.constant 0 : i32
        %dma_wait3A_54 = tpu.memref_slice %arg15[%dma_wait3A, %dma_wait3A_53] : memref<128x64xf32, #tpu.memory_space<vmem>> -> memref<64x64xf32, #tpu.memory_space<vmem>>
        %dma_wait3A_55 = arith.constant 0 : i32
        %dma_wait3A_56 = tpu.memref_slice %arg9[%add3A_43, %dma_wait3A_55] : memref<50000x64xf32, #tpu.memory_space<hbm>> -> memref<64x64xf32, #tpu.memory_space<hbm>>
        %dma_wait3A_57 = arith.constant 0 : i32
        %dma_wait3A_58 = tpu.memref_slice %arg9[%add3A_43, %dma_wait3A_57] : memref<50000x64xf32, #tpu.memory_space<hbm>> -> memref<64x64xf32, #tpu.memory_space<hbm>>
        %dma_wait3A_59 = arith.constant 64 : i32
        %dma_wait3A_60 = arith.constant 0 : i32
        %dma_wait3A_61 = tpu.memref_slice %arg15[%dma_wait3A_59, %dma_wait3A_60] : memref<128x64xf32, #tpu.memory_space<vmem>> -> memref<64x64xf32, #tpu.memory_space<vmem>>
        tpu.wait_dma2 semaphore(%run_scoped3A : memref<!tpu.dma_semaphore, #tpu.memory_space<semaphore_mem>>) src(%dma_wait3A_61 : memref<64x64xf32, #tpu.memory_space<vmem>>) dst(%dma_wait3A_58 : memref<64x64xf32, #tpu.memory_space<hbm>>)
        tpu.yield
      }) : () -> ()
    }
    %scan3A_24 = arith.constant 25 : i32
    return
  }
}

#map = affine_map<(d0, d1) -> (0, 0)>
#map1 = affine_map<(d0, d1) -> (0)>
module attributes {stable_mosaic.version = 14 : i64} {
  func.func @body(%arg0: i32, %arg1: i32, %arg2: memref<50000x64xf32, #tpu.memory_space<hbm>>, %arg3: memref<819200xi32, #tpu.memory_space<hbm>>, %arg4: memref<819200xi32, #tpu.memory_space<hbm>>, %arg5: memref<50000x64xf32, #tpu.memory_space<hbm>>, %arg6: memref<50000x64xf32, #tpu.memory_space<hbm>>, %arg7: memref<128x64xf32, #tpu.memory_space<hbm>>, %arg8: memref<50000x64xf32, #tpu.memory_space<hbm>>, %arg9: memref<2048xi32, #tpu.memory_space<vmem>>, %arg10: memref<2048xi32, #tpu.memory_space<vmem>>, %arg11: memref<17x128xi32, #tpu.memory_space<vmem>>, %arg12: memref<17x128xi32, #tpu.memory_space<vmem>>, %arg13: memref<128x64xf32, #tpu.memory_space<vmem>>, %arg14: memref<128x64xf32, #tpu.memory_space<vmem>>, %arg15: memref<25088x64xf32, #tpu.memory_space<vmem_shared>>, %arg16: memref<!tpu.dma_semaphore, #tpu.memory_space<semaphore_mem>>, %arg17: memref<!tpu.dma_semaphore, #tpu.memory_space<semaphore_mem>>, %arg18: memref<!tpu.dma_semaphore, #tpu.memory_space<semaphore_mem>>) attributes {dimension_semantics = [#tpu.dimension_semantics<core_parallel>, #tpu.dimension_semantics<subcore_parallel>], iteration_bounds = array<i64: 2, 16>, scalar_prefetch = 0 : i64, scratch_operands = 10 : i64, tpu.core_type = #tpu.core_type<sc_vector_subcore>, window_params = [{transform_indices = #map}, {transform_indices = #map1}, {transform_indices = #map1}, {transform_indices = #map}, {transform_indices = #map}, {transform_indices = #map}, {transform_indices = #map}]} {
    %mul3A = arith.constant 25000 : i32
    %mul3A_0 = arith.muli %arg0, %mul3A : i32
    %iota3A = tpu.iota {dimensions = array<i32: 0>} : vector<16xi32>
    "tpu.region"() ({
      %run_scoped3A = tpu.sem_alloc : memref<!tpu.dma_semaphore, #tpu.memory_space<semaphore_mem>>
      tpu.enqueue_dma source(%arg7 : memref<128x64xf32, #tpu.memory_space<hbm>>) target(%arg13 : memref<128x64xf32, #tpu.memory_space<vmem>>) target_semaphore(%run_scoped3A : memref<!tpu.dma_semaphore, #tpu.memory_space<semaphore_mem>>)
      tpu.wait_dma2 semaphore(%run_scoped3A : memref<!tpu.dma_semaphore, #tpu.memory_space<semaphore_mem>>) src(%arg7 : memref<128x64xf32, #tpu.memory_space<hbm>>) dst(%arg13 : memref<128x64xf32, #tpu.memory_space<vmem>>)
      tpu.yield
    }) : () -> ()
    %mul3A_1 = arith.constant 1568 : i32
    %mul3A_2 = arith.muli %arg1, %mul3A_1 : i32
    %scan3A = arith.constant 0 : i32
    %scan3A_3 = arith.constant 0 : i32
    %scan3A_4 = arith.constant 12 : i32
    %scan3A_5 = arith.addi %scan3A_3, %scan3A_4 : i32
    %scan3A_6 = arith.constant 1 : i32
    scf.for %scan3A_25 = %scan3A_3 to %scan3A_5 step %scan3A_6  : i32 {
      %mul3A_26 = arith.constant 128 : i32
      %mul3A_27 = arith.muli %scan3A_25, %mul3A_26 : i32
      %add3A_28 = arith.addi %mul3A_2, %mul3A_27 : i32
      "tpu.region"() ({
        %run_scoped3A = tpu.sem_alloc : memref<!tpu.dma_semaphore, #tpu.memory_space<semaphore_mem>>
        %dma_start3A = arith.constant 0 : i32
        %dma_start3A_29 = tpu.memref_slice %arg15[%add3A_28, %dma_start3A] : memref<25088x64xf32, #tpu.memory_space<vmem_shared>> -> memref<128x64xf32, #tpu.memory_space<vmem_shared>>
        %dma_start3A_30 = arith.constant 0 : i32
        %dma_start3A_31 = tpu.memref_slice %arg15[%add3A_28, %dma_start3A_30] : memref<25088x64xf32, #tpu.memory_space<vmem_shared>> -> memref<128x64xf32, #tpu.memory_space<vmem_shared>>
        tpu.enqueue_dma source(%arg13 : memref<128x64xf32, #tpu.memory_space<vmem>>) target(%dma_start3A_31 : memref<128x64xf32, #tpu.memory_space<vmem_shared>>) target_semaphore(%run_scoped3A : memref<!tpu.dma_semaphore, #tpu.memory_space<semaphore_mem>>)
        %dma_wait3A = arith.constant 0 : i32
        %dma_wait3A_32 = tpu.memref_slice %arg15[%add3A_28, %dma_wait3A] : memref<25088x64xf32, #tpu.memory_space<vmem_shared>> -> memref<128x64xf32, #tpu.memory_space<vmem_shared>>
        %dma_wait3A_33 = arith.constant 0 : i32
        %dma_wait3A_34 = tpu.memref_slice %arg15[%add3A_28, %dma_wait3A_33] : memref<25088x64xf32, #tpu.memory_space<vmem_shared>> -> memref<128x64xf32, #tpu.memory_space<vmem_shared>>
        tpu.wait_dma2 semaphore(%run_scoped3A : memref<!tpu.dma_semaphore, #tpu.memory_space<semaphore_mem>>) src(%arg13 : memref<128x64xf32, #tpu.memory_space<vmem>>) dst(%dma_wait3A_34 : memref<128x64xf32, #tpu.memory_space<vmem_shared>>)
        tpu.yield
      }) : () -> ()
    }
    %scan3A_7 = arith.constant 12 : i32
    %add3A = arith.constant 1568 : i32
    %add3A_8 = arith.addi %mul3A_2, %add3A : i32
    %sub3A = arith.constant 32 : i32
    %sub3A_9 = arith.subi %add3A_8, %sub3A : i32
    "tpu.region"() ({
      %run_scoped3A = tpu.sem_alloc : memref<!tpu.dma_semaphore, #tpu.memory_space<semaphore_mem>>
      %dma_start3A = arith.constant 0 : i32
      %dma_start3A_25 = arith.constant 0 : i32
      %dma_start3A_26 = tpu.memref_slice %arg13[%dma_start3A, %dma_start3A_25] : memref<128x64xf32, #tpu.memory_space<vmem>> -> memref<32x64xf32, #tpu.memory_space<vmem>>
      %dma_start3A_27 = arith.constant 0 : i32
      %dma_start3A_28 = tpu.memref_slice %arg15[%sub3A_9, %dma_start3A_27] : memref<25088x64xf32, #tpu.memory_space<vmem_shared>> -> memref<32x64xf32, #tpu.memory_space<vmem_shared>>
      %dma_start3A_29 = arith.constant 0 : i32
      %dma_start3A_30 = tpu.memref_slice %arg15[%sub3A_9, %dma_start3A_29] : memref<25088x64xf32, #tpu.memory_space<vmem_shared>> -> memref<32x64xf32, #tpu.memory_space<vmem_shared>>
      %dma_start3A_31 = arith.constant 0 : i32
      %dma_start3A_32 = arith.constant 0 : i32
      %dma_start3A_33 = tpu.memref_slice %arg13[%dma_start3A_31, %dma_start3A_32] : memref<128x64xf32, #tpu.memory_space<vmem>> -> memref<32x64xf32, #tpu.memory_space<vmem>>
      tpu.enqueue_dma source(%dma_start3A_33 : memref<32x64xf32, #tpu.memory_space<vmem>>) target(%dma_start3A_30 : memref<32x64xf32, #tpu.memory_space<vmem_shared>>) target_semaphore(%run_scoped3A : memref<!tpu.dma_semaphore, #tpu.memory_space<semaphore_mem>>)
      %dma_wait3A = arith.constant 0 : i32
      %dma_wait3A_34 = arith.constant 0 : i32
      %dma_wait3A_35 = tpu.memref_slice %arg13[%dma_wait3A, %dma_wait3A_34] : memref<128x64xf32, #tpu.memory_space<vmem>> -> memref<32x64xf32, #tpu.memory_space<vmem>>
      %dma_wait3A_36 = arith.constant 0 : i32
      %dma_wait3A_37 = tpu.memref_slice %arg15[%sub3A_9, %dma_wait3A_36] : memref<25088x64xf32, #tpu.memory_space<vmem_shared>> -> memref<32x64xf32, #tpu.memory_space<vmem_shared>>
      %dma_wait3A_38 = arith.constant 0 : i32
      %dma_wait3A_39 = tpu.memref_slice %arg15[%sub3A_9, %dma_wait3A_38] : memref<25088x64xf32, #tpu.memory_space<vmem_shared>> -> memref<32x64xf32, #tpu.memory_space<vmem_shared>>
      %dma_wait3A_40 = arith.constant 0 : i32
      %dma_wait3A_41 = arith.constant 0 : i32
      %dma_wait3A_42 = tpu.memref_slice %arg13[%dma_wait3A_40, %dma_wait3A_41] : memref<128x64xf32, #tpu.memory_space<vmem>> -> memref<32x64xf32, #tpu.memory_space<vmem>>
      tpu.wait_dma2 semaphore(%run_scoped3A : memref<!tpu.dma_semaphore, #tpu.memory_space<semaphore_mem>>) src(%dma_wait3A_42 : memref<32x64xf32, #tpu.memory_space<vmem>>) dst(%dma_wait3A_39 : memref<32x64xf32, #tpu.memory_space<vmem_shared>>)
      tpu.yield
    }) : () -> ()
    %barrier3A = arith.constant 0 : index
    tpu.barrier barrier_id(%barrier3A)
    %mul3A_10 = arith.constant 51200 : i32
    %mul3A_11 = arith.muli %arg1, %mul3A_10 : i32
    %scan3A_12 = arith.constant 0 : i32
    %scan3A_13 = arith.constant 0 : i32
    %scan3A_14 = arith.constant 25 : i32
    %scan3A_15 = arith.addi %scan3A_13, %scan3A_14 : i32
    %scan3A_16 = arith.constant 1 : i32
    scf.for %scan3A_25 = %scan3A_13 to %scan3A_15 step %scan3A_16  : i32 {
      %mul3A_26 = arith.constant 2048 : i32
      %mul3A_27 = arith.muli %scan3A_25, %mul3A_26 : i32
      %add3A_28 = arith.addi %mul3A_11, %mul3A_27 : i32
      "tpu.region"() ({
        %run_scoped3A = tpu.sem_alloc : memref<!tpu.dma_semaphore, #tpu.memory_space<semaphore_mem>>
        %dma_start3A = tpu.memref_slice %arg3[%add3A_28] : memref<819200xi32, #tpu.memory_space<hbm>> -> memref<2048xi32, #tpu.memory_space<hbm>>
        %dma_start3A_156 = tpu.memref_slice %arg3[%add3A_28] : memref<819200xi32, #tpu.memory_space<hbm>> -> memref<2048xi32, #tpu.memory_space<hbm>>
        tpu.enqueue_dma source(%dma_start3A_156 : memref<2048xi32, #tpu.memory_space<hbm>>) target(%arg9 : memref<2048xi32, #tpu.memory_space<vmem>>) target_semaphore(%run_scoped3A : memref<!tpu.dma_semaphore, #tpu.memory_space<semaphore_mem>>)
        %dma_wait3A = tpu.memref_slice %arg3[%add3A_28] : memref<819200xi32, #tpu.memory_space<hbm>> -> memref<2048xi32, #tpu.memory_space<hbm>>
        %dma_wait3A_157 = tpu.memref_slice %arg3[%add3A_28] : memref<819200xi32, #tpu.memory_space<hbm>> -> memref<2048xi32, #tpu.memory_space<hbm>>
        tpu.wait_dma2 semaphore(%run_scoped3A : memref<!tpu.dma_semaphore, #tpu.memory_space<semaphore_mem>>) src(%dma_wait3A_157 : memref<2048xi32, #tpu.memory_space<hbm>>) dst(%arg9 : memref<2048xi32, #tpu.memory_space<vmem>>)
        tpu.yield
      }) : () -> ()
      %mul3A_29 = arith.constant 2048 : i32
      %mul3A_30 = arith.muli %scan3A_25, %mul3A_29 : i32
      %add3A_31 = arith.addi %mul3A_11, %mul3A_30 : i32
      "tpu.region"() ({
        %run_scoped3A = tpu.sem_alloc : memref<!tpu.dma_semaphore, #tpu.memory_space<semaphore_mem>>
        %dma_start3A = tpu.memref_slice %arg4[%add3A_31] : memref<819200xi32, #tpu.memory_space<hbm>> -> memref<2048xi32, #tpu.memory_space<hbm>>
        %dma_start3A_156 = tpu.memref_slice %arg4[%add3A_31] : memref<819200xi32, #tpu.memory_space<hbm>> -> memref<2048xi32, #tpu.memory_space<hbm>>
        tpu.enqueue_dma source(%dma_start3A_156 : memref<2048xi32, #tpu.memory_space<hbm>>) target(%arg10 : memref<2048xi32, #tpu.memory_space<vmem>>) target_semaphore(%run_scoped3A : memref<!tpu.dma_semaphore, #tpu.memory_space<semaphore_mem>>)
        %dma_wait3A = tpu.memref_slice %arg4[%add3A_31] : memref<819200xi32, #tpu.memory_space<hbm>> -> memref<2048xi32, #tpu.memory_space<hbm>>
        %dma_wait3A_157 = tpu.memref_slice %arg4[%add3A_31] : memref<819200xi32, #tpu.memory_space<hbm>> -> memref<2048xi32, #tpu.memory_space<hbm>>
        tpu.wait_dma2 semaphore(%run_scoped3A : memref<!tpu.dma_semaphore, #tpu.memory_space<semaphore_mem>>) src(%dma_wait3A_157 : memref<2048xi32, #tpu.memory_space<hbm>>) dst(%arg10 : memref<2048xi32, #tpu.memory_space<vmem>>)
        tpu.yield
      }) : () -> ()
      %broadcast_in_dim3A = arith.constant 0 : i32
      %broadcast_in_dim3A_32 = vector.broadcast %broadcast_in_dim3A : i32 to vector<16xi32>
      %scan3A_33 = arith.constant 0 : i32
      %scan3A_34 = arith.constant 128 : i32
      %scan3A_35 = arith.addi %scan3A_33, %scan3A_34 : i32
      %scan3A_36 = arith.constant 1 : i32
      %scan3A_37 = scf.for %scan3A_156 = %scan3A_33 to %scan3A_35 step %scan3A_36 iter_args(%scan3A_157 = %broadcast_in_dim3A_32) -> (vector<16xi32>)  : i32 {
        %mul3A_158 = arith.constant 16 : i32
        %mul3A_159 = arith.muli %scan3A_156, %mul3A_158 : i32
        %get3A = arith.index_cast %mul3A_159 : i32 to index
        %get3A_160 = tpu.vector_load %arg9[%get3A] {strides = array<i32>} : memref<2048xi32, #tpu.memory_space<vmem>>, vector<16xi32>,
        %mul3A_161 = arith.constant 16 : i32
        %mul3A_162 = arith.muli %scan3A_156, %mul3A_161 : i32
        %get3A_163 = arith.index_cast %mul3A_162 : i32 to index
        %get3A_164 = tpu.vector_load %arg10[%get3A_163] {strides = array<i32>} : memref<2048xi32, #tpu.memory_space<vmem>>, vector<16xi32>,
        %ge3A_165 = vector.broadcast %mul3A_0 : i32 to vector<16xi32>
        %ge3A_166 = arith.cmpi sge, %get3A_164, %ge3A_165 : vector<16xi32>
        %add3A_167 = arith.constant 25000 : i32
        %add3A_168 = arith.addi %mul3A_0, %add3A_167 : i32
        %lt3A_169 = vector.broadcast %add3A_168 : i32 to vector<16xi32>
        %lt3A_170 = arith.cmpi slt, %get3A_164, %lt3A_169 : vector<16xi32>
        %and3A_171 = arith.andi %ge3A_166, %lt3A_170 : vector<16xi1>
        %convert_element_type3A_172 = arith.extui %and3A_171 : vector<16xi1> to vector<16xi32>
        %broadcast_in_dim3A_173 = arith.constant true
        %broadcast_in_dim3A_174 = vector.broadcast %broadcast_in_dim3A_173 : i1 to vector<16xi1>
        %masked_cumsum3A = tpu.scan <sum>, %convert_element_type3A_172 masked %broadcast_in_dim3A_174 : vector<16xi32>, vector<16xi1> -> vector<16xi32>
        %add3A_175 = arith.addi %scan3A_157, %masked_cumsum3A : vector<16xi32>
        %sub3A_176 = arith.constant 1 : i32
        %sub3A_177 = vector.broadcast %sub3A_176 : i32 to vector<16xi32>
        %sub3A_178 = arith.subi %add3A_175, %sub3A_177 : vector<16xi32>
        %shift_right_logical3A_179 = arith.constant 7 : i32
        %shift_right_logical3A_180 = vector.broadcast %shift_right_logical3A_179 : i32 to vector<16xi32>
        %shift_right_logical3A_181 = arith.shrui %sub3A_178, %shift_right_logical3A_180 : vector<16xi32>
        %and3A_182 = arith.constant 127 : i32
        %and3A_183 = vector.broadcast %and3A_182 : i32 to vector<16xi32>
        %and3A_184 = arith.andi %sub3A_178, %and3A_183 : vector<16xi32>
        tpu.vector_store_idx %arg11[%shift_right_logical3A_181, %and3A_184], %get3A_160 masked %and3A_171 : memref<17x128xi32, #tpu.memory_space<vmem>>[vector<16xi32>, vector<16xi32>], vector<16xi32>, vector<16xi1>
        %sub3A_185 = vector.broadcast %mul3A_0 : i32 to vector<16xi32>
        %sub3A_186 = arith.subi %get3A_164, %sub3A_185 : vector<16xi32>
        tpu.vector_store_idx %arg12[%shift_right_logical3A_181, %and3A_184], %sub3A_186 masked %and3A_171 : memref<17x128xi32, #tpu.memory_space<vmem>>[vector<16xi32>, vector<16xi32>], vector<16xi32>, vector<16xi1>
        %all_reduce_population_count3A = tpu.all_reduce %and3A_171 {dim = 0 : i64, kind = #tpu.reduction_kind<sum>} : vector<16xi1> -> vector<16xi32>
        %add3A_187 = arith.addi %scan3A_157, %all_reduce_population_count3A : vector<16xi32>
        scf.yield %add3A_187 : vector<16xi32>
      }
      %scan3A_38 = arith.constant 128 : i32
      %slice3A = vector.extract_strided_slice %scan3A_37 {offsets = [0], sizes = [1], strides = [1]} : vector<16xi32> to vector<1xi32>
      %squeeze3A = vector.extract %slice3A[0] : i32 from vector<1xi32>
      %add3A_39 = arith.constant 128 : i32
      %add3A_40 = arith.addi %squeeze3A, %add3A_39 : i32
      %sub3A_41 = arith.constant 1 : i32
      %sub3A_42 = arith.subi %add3A_40, %sub3A_41 : i32
      %jit3A = arith.constant 128 : i32
      %div3A = arith.divsi %sub3A_42, %jit3A : i32
      %sign3A = arith.constant 0 : i32
      %sign3A_43 = arith.cmpi sgt, %sub3A_42, %sign3A : i32
      %sign3A_44 = arith.extui %sign3A_43 : i1 to i32
      %sign3A_45 = arith.constant 0 : i32
      %sign3A_46 = arith.cmpi slt, %sub3A_42, %sign3A_45 : i32
      %sign3A_47 = arith.extui %sign3A_46 : i1 to i32
      %sign3A_48 = arith.subi %sign3A_44, %sign3A_47 : i32
      %sign3A_49 = arith.constant 0 : i32
      %sign3A_50 = arith.cmpi sgt, %jit3A, %sign3A_49 : i32
      %sign3A_51 = arith.extui %sign3A_50 : i1 to i32
      %sign3A_52 = arith.constant 0 : i32
      %sign3A_53 = arith.cmpi slt, %jit3A, %sign3A_52 : i32
      %sign3A_54 = arith.extui %sign3A_53 : i1 to i32
      %sign3A_55 = arith.subi %sign3A_51, %sign3A_54 : i32
      %ne3A = arith.cmpi ne, %sign3A_48, %sign3A_55 : i32
      %rem3A = arith.remsi %sub3A_42, %jit3A : i32
      %ne3A_56 = arith.constant 0 : i32
      %ne3A_57 = arith.cmpi ne, %rem3A, %ne3A_56 : i32
      %and3A = arith.andi %ne3A, %ne3A_57 : i1
      %sub3A_58 = arith.constant 1 : i32
      %sub3A_59 = arith.subi %div3A, %sub3A_58 : i32
      %select_n3A = arith.select %and3A, %sub3A_59, %div3A : i32
      %add3A_60 = vector.broadcast %squeeze3A : i32 to vector<16xi32>
      %add3A_61 = arith.addi %add3A_60, %iota3A : vector<16xi32>
      %shift_right_logical3A = arith.constant 7 : i32
      %shift_right_logical3A_62 = vector.broadcast %shift_right_logical3A : i32 to vector<16xi32>
      %shift_right_logical3A_63 = arith.shrui %add3A_61, %shift_right_logical3A_62 : vector<16xi32>
      %and3A_64 = arith.constant 127 : i32
      %and3A_65 = vector.broadcast %and3A_64 : i32 to vector<16xi32>
      %and3A_66 = arith.andi %add3A_61, %and3A_65 : vector<16xi32>
      %mul3A_67 = arith.constant 37 : i32
      %mul3A_68 = arith.muli %arg1, %mul3A_67 : i32
      %add3A_69 = vector.broadcast %mul3A_68 : i32 to vector<16xi32>
      %add3A_70 = arith.addi %add3A_61, %add3A_69 : vector<16xi32>
      %add3A_71 = vector.broadcast %scan3A_25 : i32 to vector<16xi32>
      %add3A_72 = arith.addi %add3A_70, %add3A_71 : vector<16xi32>
      %mul3A_73 = arith.constant 797 : i32
      %mul3A_74 = vector.broadcast %mul3A_73 : i32 to vector<16xi32>
      %mul3A_75 = arith.muli %add3A_72, %mul3A_74 : vector<16xi32>
      %jit3A_76 = arith.constant 50000 : i32
      %eq3A = arith.constant 0 : i32
      %eq3A_77 = arith.cmpi eq, %jit3A_76, %eq3A : i32
      %jit3A_78 = arith.constant 1 : i32
      %select_n3A_79 = arith.select %eq3A_77, %jit3A_78, %jit3A_76 : i32
      %rem3A_80 = vector.broadcast %select_n3A_79 : i32 to vector<16xi32>
      %rem3A_81 = arith.remsi %mul3A_75, %rem3A_80 : vector<16xi32>
      %ne3A_82 = arith.constant 0 : i32
      %ne3A_83 = vector.broadcast %ne3A_82 : i32 to vector<16xi32>
      %ne3A_84 = arith.cmpi ne, %rem3A_81, %ne3A_83 : vector<16xi32>
      %lt3A = arith.constant 0 : i32
      %lt3A_85 = vector.broadcast %lt3A : i32 to vector<16xi32>
      %lt3A_86 = arith.cmpi slt, %rem3A_81, %lt3A_85 : vector<16xi32>
      %lt3A_87 = arith.constant 0 : i32
      %lt3A_88 = arith.cmpi slt, %select_n3A_79, %lt3A_87 : i32
      %ne3A_89 = vector.broadcast %lt3A_88 : i1 to vector<16xi1>
      %ne3A_90 = vector.broadcast %ne3A_89 : vector<16xi1> to vector<16xi1>
      %ne3A_91 = arith.xori %lt3A_86, %ne3A_90 : vector<16xi1>
      %and3A_92 = arith.andi %ne3A_91, %ne3A_84 : vector<16xi1>
      %add3A_93 = vector.broadcast %select_n3A_79 : i32 to vector<16xi32>
      %add3A_94 = arith.addi %rem3A_81, %add3A_93 : vector<16xi32>
      %select_n3A_95 = arith.select %and3A_92, %add3A_94, %rem3A_81 : vector<16xi1>, vector<16xi32>
      tpu.vector_store_idx %arg11[%shift_right_logical3A_63, %and3A_66], %select_n3A_95 : memref<17x128xi32, #tpu.memory_space<vmem>>[vector<16xi32>, vector<16xi32>], vector<16xi32>,
      %add3A_96 = arith.constant 25000 : i32
      %add3A_97 = vector.broadcast %add3A_96 : i32 to vector<16xi32>
      %add3A_98 = arith.addi %add3A_97, %iota3A : vector<16xi32>
      tpu.vector_store_idx %arg12[%shift_right_logical3A_63, %and3A_66], %add3A_98 : memref<17x128xi32, #tpu.memory_space<vmem>>[vector<16xi32>, vector<16xi32>], vector<16xi32>,
      %jit3A_99 = arith.constant 16 : i32
      %div3A_100 = arith.divsi %squeeze3A, %jit3A_99 : i32
      %sign3A_101 = arith.constant 0 : i32
      %sign3A_102 = arith.cmpi sgt, %squeeze3A, %sign3A_101 : i32
      %sign3A_103 = arith.extui %sign3A_102 : i1 to i32
      %sign3A_104 = arith.constant 0 : i32
      %sign3A_105 = arith.cmpi slt, %squeeze3A, %sign3A_104 : i32
      %sign3A_106 = arith.extui %sign3A_105 : i1 to i32
      %sign3A_107 = arith.subi %sign3A_103, %sign3A_106 : i32
      %sign3A_108 = arith.constant 0 : i32
      %sign3A_109 = arith.cmpi sgt, %jit3A_99, %sign3A_108 : i32
      %sign3A_110 = arith.extui %sign3A_109 : i1 to i32
      %sign3A_111 = arith.constant 0 : i32
      %sign3A_112 = arith.cmpi slt, %jit3A_99, %sign3A_111 : i32
      %sign3A_113 = arith.extui %sign3A_112 : i1 to i32
      %sign3A_114 = arith.subi %sign3A_110, %sign3A_113 : i32
      %ne3A_115 = arith.cmpi ne, %sign3A_107, %sign3A_114 : i32
      %rem3A_116 = arith.remsi %squeeze3A, %jit3A_99 : i32
      %ne3A_117 = arith.constant 0 : i32
      %ne3A_118 = arith.cmpi ne, %rem3A_116, %ne3A_117 : i32
      %and3A_119 = arith.andi %ne3A_115, %ne3A_118 : i1
      %sub3A_120 = arith.constant 1 : i32
      %sub3A_121 = arith.subi %div3A_100, %sub3A_120 : i32
      %select_n3A_122 = arith.select %and3A_119, %sub3A_121, %div3A_100 : i32
      %add3A_123 = arith.constant 1 : i32
      %add3A_124 = arith.addi %select_n3A_122, %add3A_123 : i32
      %mul3A_125 = arith.constant 8 : i32
      %mul3A_126 = arith.muli %select_n3A, %mul3A_125 : i32
      %while3A = arith.constant 0 : i32
      %while3A_127 = arith.subi %mul3A_126, %add3A_124 : i32
      %while3A_128 = arith.addi %add3A_124, %while3A_127 : i32
      %while3A_129 = arith.constant 1 : i32
      %while3A_130 = arith.divsi %while3A_127, %while3A_129 : i32
      %while3A_131 = arith.muli %while3A_130, %while3A_129 : i32
      %while3A_132 = arith.addi %add3A_124, %while3A_131 : i32
      %while3A_133 = arith.constant 1 : i32
      scf.for %while3A_156 = %add3A_124 to %while3A_132 step %while3A_133  : i32 {
        %mul3A_157 = arith.constant 16 : i32
        %mul3A_158 = arith.muli %while3A_156, %mul3A_157 : i32
        %add3A_159 = vector.broadcast %mul3A_158 : i32 to vector<16xi32>
        %add3A_160 = arith.addi %add3A_159, %iota3A : vector<16xi32>
        %shift_right_logical3A_161 = arith.constant 7 : i32
        %shift_right_logical3A_162 = vector.broadcast %shift_right_logical3A_161 : i32 to vector<16xi32>
        %shift_right_logical3A_163 = arith.shrui %add3A_160, %shift_right_logical3A_162 : vector<16xi32>
        %and3A_164 = arith.constant 127 : i32
        %and3A_165 = vector.broadcast %and3A_164 : i32 to vector<16xi32>
        %and3A_166 = arith.andi %add3A_160, %and3A_165 : vector<16xi32>
        %mul3A_167 = arith.constant 37 : i32
        %mul3A_168 = arith.muli %arg1, %mul3A_167 : i32
        %add3A_169 = vector.broadcast %mul3A_168 : i32 to vector<16xi32>
        %add3A_170 = arith.addi %add3A_160, %add3A_169 : vector<16xi32>
        %add3A_171 = vector.broadcast %scan3A_25 : i32 to vector<16xi32>
        %add3A_172 = arith.addi %add3A_170, %add3A_171 : vector<16xi32>
        %mul3A_173 = arith.constant 797 : i32
        %mul3A_174 = vector.broadcast %mul3A_173 : i32 to vector<16xi32>
        %mul3A_175 = arith.muli %add3A_172, %mul3A_174 : vector<16xi32>
        %jit3A_176 = arith.constant 50000 : i32
        %eq3A_177 = arith.constant 0 : i32
        %eq3A_178 = arith.cmpi eq, %jit3A_176, %eq3A_177 : i32
        %jit3A_179 = arith.constant 1 : i32
        %select_n3A_180 = arith.select %eq3A_178, %jit3A_179, %jit3A_176 : i32
        %rem3A_181 = vector.broadcast %select_n3A_180 : i32 to vector<16xi32>
        %rem3A_182 = arith.remsi %mul3A_175, %rem3A_181 : vector<16xi32>
        %ne3A_183 = arith.constant 0 : i32
        %ne3A_184 = vector.broadcast %ne3A_183 : i32 to vector<16xi32>
        %ne3A_185 = arith.cmpi ne, %rem3A_182, %ne3A_184 : vector<16xi32>
        %lt3A_186 = arith.constant 0 : i32
        %lt3A_187 = vector.broadcast %lt3A_186 : i32 to vector<16xi32>
        %lt3A_188 = arith.cmpi slt, %rem3A_182, %lt3A_187 : vector<16xi32>
        %lt3A_189 = arith.constant 0 : i32
        %lt3A_190 = arith.cmpi slt, %select_n3A_180, %lt3A_189 : i32
        %ne3A_191 = vector.broadcast %lt3A_190 : i1 to vector<16xi1>
        %ne3A_192 = vector.broadcast %ne3A_191 : vector<16xi1> to vector<16xi1>
        %ne3A_193 = arith.xori %lt3A_188, %ne3A_192 : vector<16xi1>
        %and3A_194 = arith.andi %ne3A_193, %ne3A_185 : vector<16xi1>
        %add3A_195 = vector.broadcast %select_n3A_180 : i32 to vector<16xi32>
        %add3A_196 = arith.addi %rem3A_182, %add3A_195 : vector<16xi32>
        %select_n3A_197 = arith.select %and3A_194, %add3A_196, %rem3A_182 : vector<16xi1>, vector<16xi32>
        tpu.vector_store_idx %arg11[%shift_right_logical3A_163, %and3A_166], %select_n3A_197 : memref<17x128xi32, #tpu.memory_space<vmem>>[vector<16xi32>, vector<16xi32>], vector<16xi32>,
        %add3A_198 = arith.constant 25000 : i32
        %add3A_199 = vector.broadcast %add3A_198 : i32 to vector<16xi32>
        %add3A_200 = arith.addi %add3A_199, %iota3A : vector<16xi32>
        tpu.vector_store_idx %arg12[%shift_right_logical3A_163, %and3A_166], %add3A_200 : memref<17x128xi32, #tpu.memory_space<vmem>>[vector<16xi32>, vector<16xi32>], vector<16xi32>,
      }
      %while3A_134 = arith.constant 1 : i32
      scf.for %while3A_156 = %while3A_132 to %while3A_128 step %while3A_134  : i32 {
        %mul3A_157 = arith.constant 16 : i32
        %mul3A_158 = arith.muli %while3A_156, %mul3A_157 : i32
        %add3A_159 = vector.broadcast %mul3A_158 : i32 to vector<16xi32>
        %add3A_160 = arith.addi %add3A_159, %iota3A : vector<16xi32>
        %shift_right_logical3A_161 = arith.constant 7 : i32
        %shift_right_logical3A_162 = vector.broadcast %shift_right_logical3A_161 : i32 to vector<16xi32>
        %shift_right_logical3A_163 = arith.shrui %add3A_160, %shift_right_logical3A_162 : vector<16xi32>
        %and3A_164 = arith.constant 127 : i32
        %and3A_165 = vector.broadcast %and3A_164 : i32 to vector<16xi32>
        %and3A_166 = arith.andi %add3A_160, %and3A_165 : vector<16xi32>
        %mul3A_167 = arith.constant 37 : i32
        %mul3A_168 = arith.muli %arg1, %mul3A_167 : i32
        %add3A_169 = vector.broadcast %mul3A_168 : i32 to vector<16xi32>
        %add3A_170 = arith.addi %add3A_160, %add3A_169 : vector<16xi32>
        %add3A_171 = vector.broadcast %scan3A_25 : i32 to vector<16xi32>
        %add3A_172 = arith.addi %add3A_170, %add3A_171 : vector<16xi32>
        %mul3A_173 = arith.constant 797 : i32
        %mul3A_174 = vector.broadcast %mul3A_173 : i32 to vector<16xi32>
        %mul3A_175 = arith.muli %add3A_172, %mul3A_174 : vector<16xi32>
        %jit3A_176 = arith.constant 50000 : i32
        %eq3A_177 = arith.constant 0 : i32
        %eq3A_178 = arith.cmpi eq, %jit3A_176, %eq3A_177 : i32
        %jit3A_179 = arith.constant 1 : i32
        %select_n3A_180 = arith.select %eq3A_178, %jit3A_179, %jit3A_176 : i32
        %rem3A_181 = vector.broadcast %select_n3A_180 : i32 to vector<16xi32>
        %rem3A_182 = arith.remsi %mul3A_175, %rem3A_181 : vector<16xi32>
        %ne3A_183 = arith.constant 0 : i32
        %ne3A_184 = vector.broadcast %ne3A_183 : i32 to vector<16xi32>
        %ne3A_185 = arith.cmpi ne, %rem3A_182, %ne3A_184 : vector<16xi32>
        %lt3A_186 = arith.constant 0 : i32
        %lt3A_187 = vector.broadcast %lt3A_186 : i32 to vector<16xi32>
        %lt3A_188 = arith.cmpi slt, %rem3A_182, %lt3A_187 : vector<16xi32>
        %lt3A_189 = arith.constant 0 : i32
        %lt3A_190 = arith.cmpi slt, %select_n3A_180, %lt3A_189 : i32
        %ne3A_191 = vector.broadcast %lt3A_190 : i1 to vector<16xi1>
        %ne3A_192 = vector.broadcast %ne3A_191 : vector<16xi1> to vector<16xi1>
        %ne3A_193 = arith.xori %lt3A_188, %ne3A_192 : vector<16xi1>
        %and3A_194 = arith.andi %ne3A_193, %ne3A_185 : vector<16xi1>
        %add3A_195 = vector.broadcast %select_n3A_180 : i32 to vector<16xi32>
        %add3A_196 = arith.addi %rem3A_182, %add3A_195 : vector<16xi32>
        %select_n3A_197 = arith.select %and3A_194, %add3A_196, %rem3A_182 : vector<16xi1>, vector<16xi32>
        tpu.vector_store_idx %arg11[%shift_right_logical3A_163, %and3A_166], %select_n3A_197 : memref<17x128xi32, #tpu.memory_space<vmem>>[vector<16xi32>, vector<16xi32>], vector<16xi32>,
        %add3A_198 = arith.constant 25000 : i32
        %add3A_199 = vector.broadcast %add3A_198 : i32 to vector<16xi32>
        %add3A_200 = arith.addi %add3A_199, %iota3A : vector<16xi32>
        tpu.vector_store_idx %arg12[%shift_right_logical3A_163, %and3A_166], %add3A_200 : memref<17x128xi32, #tpu.memory_space<vmem>>[vector<16xi32>, vector<16xi32>], vector<16xi32>,
      }
      %gt3A = arith.constant 0 : i32
      %gt3A_135 = arith.cmpi sgt, %select_n3A, %gt3A : i32
      %convert_element_type3A = arith.extui %gt3A_135 : i1 to i32
      %cond3A = arith.constant 0 : i32
      %cond3A_136 = arith.cmpi ne, %convert_element_type3A, %cond3A : i32
      scf.if %cond3A_136 {
        %dma_start3A = arith.constant 0 : i32
        %dma_start3A_156 = arith.constant 0 : i32
        %dma_start3A_157 = tpu.memref_slice %arg11[%dma_start3A, %dma_start3A_156] : memref<17x128xi32, #tpu.memory_space<vmem>> -> memref<1x128xi32, #tpu.memory_space<vmem>>
        %dma_start3A_158 = tpu.memref_squeeze %dma_start3A_157 : memref<1x128xi32, #tpu.memory_space<vmem>> -> memref<128xi32, #tpu.memory_space<vmem>>
        %dma_start3A_159 = arith.constant 0 : i32
        %dma_start3A_160 = arith.constant 0 : i32
        %dma_start3A_161 = tpu.memref_slice %arg2[%dma_start3A_159, %dma_start3A_160] : memref<50000x64xf32, #tpu.memory_space<hbm>> -> memref<50000x64xf32, #tpu.memory_space<hbm>>
        tpu.enqueue_indirect_dma source(%dma_start3A_161 : memref<50000x64xf32, #tpu.memory_space<hbm>>) target(%arg13 : memref<128x64xf32, #tpu.memory_space<vmem>>) offsets(%dma_start3A_158 : memref<128xi32, #tpu.memory_space<vmem>>) semaphore(%arg16 : memref<!tpu.dma_semaphore, #tpu.memory_space<semaphore_mem>>)
      } else {
      }
      %while3A_137 = arith.constant 0 : i32
      %while3A_138 = arith.constant 0 : i32
      %while3A_139 = arith.subi %select_n3A, %while3A_138 : i32
      %while3A_140 = arith.addi %while3A_138, %while3A_139 : i32
      %while3A_141 = arith.constant 1 : i32
      %while3A_142 = arith.divsi %while3A_139, %while3A_141 : i32
      %while3A_143 = arith.muli %while3A_142, %while3A_141 : i32
      %while3A_144 = arith.addi %while3A_138, %while3A_143 : i32
      %while3A_145 = arith.constant 1 : i32
      scf.for %while3A_156 = %while3A_138 to %while3A_144 step %while3A_145  : i32 {
        %add3A_157 = arith.constant 1 : i32
        %add3A_158 = arith.addi %while3A_156, %add3A_157 : i32
        %jit3A_159 = arith.constant 2 : i32
        %eq3A_160 = arith.constant 0 : i32
        %eq3A_161 = arith.cmpi eq, %jit3A_159, %eq3A_160 : i32
        %jit3A_162 = arith.constant 1 : i32
        %select_n3A_163 = arith.select %eq3A_161, %jit3A_162, %jit3A_159 : i32
        %rem3A_164 = arith.remsi %while3A_156, %select_n3A_163 : i32
        %ne3A_165 = arith.constant 0 : i32
        %ne3A_166 = arith.cmpi ne, %rem3A_164, %ne3A_165 : i32
        %lt3A_167 = arith.constant 0 : i32
        %lt3A_168 = arith.cmpi slt, %rem3A_164, %lt3A_167 : i32
        %lt3A_169 = arith.constant 0 : i32
        %lt3A_170 = arith.cmpi slt, %select_n3A_163, %lt3A_169 : i32
        %ne3A_171 = arith.xori %lt3A_168, %lt3A_170 : i1
        %and3A_172 = arith.andi %ne3A_171, %ne3A_166 : i1
        %add3A_173 = arith.addi %rem3A_164, %select_n3A_163 : i32
        %select_n3A_174 = arith.select %and3A_172, %add3A_173, %rem3A_164 : i32
        %eq3A_175 = arith.constant 0 : i32
        %eq3A_176 = arith.cmpi eq, %select_n3A_174, %eq3A_175 : i32
        %convert_element_type3A_177 = arith.extui %eq3A_176 : i1 to i32
        %cond3A_178 = arith.constant 0 : i32
        %cond3A_179 = arith.cmpi ne, %convert_element_type3A_177, %cond3A_178 : i32
        scf.if %cond3A_179 {
          %dma_wait3A = arith.constant 0 : i32
          %dma_wait3A_201 = tpu.memref_slice %arg11[%while3A_156, %dma_wait3A] : memref<17x128xi32, #tpu.memory_space<vmem>> -> memref<1x128xi32, #tpu.memory_space<vmem>>
          %dma_wait3A_202 = tpu.memref_squeeze %dma_wait3A_201 : memref<1x128xi32, #tpu.memory_space<vmem>> -> memref<128xi32, #tpu.memory_space<vmem>>
          %dma_wait3A_203 = arith.constant 0 : i32
          %dma_wait3A_204 = arith.constant 0 : i32
          %dma_wait3A_205 = tpu.memref_slice %arg2[%dma_wait3A_203, %dma_wait3A_204] : memref<50000x64xf32, #tpu.memory_space<hbm>> -> memref<50000x64xf32, #tpu.memory_space<hbm>>
          tpu.wait_indirect_dma semaphore(%arg16 : memref<!tpu.dma_semaphore, #tpu.memory_space<semaphore_mem>>) src(%dma_wait3A_205 : memref<50000x64xf32, #tpu.memory_space<hbm>>) dst(%arg13 : memref<128x64xf32, #tpu.memory_space<vmem>>)
          %dma_start3A = arith.constant 0 : i32
          %dma_start3A_206 = tpu.memref_slice %arg12[%while3A_156, %dma_start3A] : memref<17x128xi32, #tpu.memory_space<vmem>> -> memref<1x128xi32, #tpu.memory_space<vmem>>
          %dma_start3A_207 = tpu.memref_squeeze %dma_start3A_206 : memref<1x128xi32, #tpu.memory_space<vmem>> -> memref<128xi32, #tpu.memory_space<vmem>>
          %dma_start3A_208 = arith.constant 0 : i32
          %dma_start3A_209 = arith.constant 0 : i32
          %dma_start3A_210 = tpu.memref_slice %arg15[%dma_start3A_208, %dma_start3A_209] : memref<25088x64xf32, #tpu.memory_space<vmem_shared>> -> memref<25088x64xf32, #tpu.memory_space<vmem_shared>>
          tpu.enqueue_indirect_dma source(%arg13 : memref<128x64xf32, #tpu.memory_space<vmem>>) target(%dma_start3A_210 : memref<25088x64xf32, #tpu.memory_space<vmem_shared>>) offsets(%dma_start3A_207 : memref<128xi32, #tpu.memory_space<vmem>>) semaphore(%arg17 : memref<!tpu.dma_semaphore, #tpu.memory_space<semaphore_mem>>) {add = true}
          %lt3A_211 = arith.cmpi slt, %add3A_158, %select_n3A : i32
          %convert_element_type3A_212 = arith.extui %lt3A_211 : i1 to i32
          %cond3A_213 = arith.constant 0 : i32
          %cond3A_214 = arith.cmpi ne, %convert_element_type3A_212, %cond3A_213 : i32
          scf.if %cond3A_214 {
            %ge3A_215 = arith.constant 1 : i32
            %ge3A_216 = arith.cmpi sge, %while3A_156, %ge3A_215 : i32
            %convert_element_type3A_217 = arith.extui %ge3A_216 : i1 to i32
            %cond3A_218 = arith.constant 0 : i32
            %cond3A_219 = arith.cmpi ne, %convert_element_type3A_217, %cond3A_218 : i32
            scf.if %cond3A_219 {
              %sub3A_226 = arith.constant 1 : i32
              %sub3A_227 = arith.subi %while3A_156, %sub3A_226 : i32
              %dma_wait3A_228 = arith.constant 0 : i32
              %dma_wait3A_229 = tpu.memref_slice %arg12[%sub3A_227, %dma_wait3A_228] : memref<17x128xi32, #tpu.memory_space<vmem>> -> memref<1x128xi32, #tpu.memory_space<vmem>>
              %dma_wait3A_230 = tpu.memref_squeeze %dma_wait3A_229 : memref<1x128xi32, #tpu.memory_space<vmem>> -> memref<128xi32, #tpu.memory_space<vmem>>
              %dma_wait3A_231 = arith.constant 0 : i32
              %dma_wait3A_232 = arith.constant 0 : i32
              %dma_wait3A_233 = tpu.memref_slice %arg15[%dma_wait3A_231, %dma_wait3A_232] : memref<25088x64xf32, #tpu.memory_space<vmem_shared>> -> memref<25088x64xf32, #tpu.memory_space<vmem_shared>>
              tpu.wait_indirect_dma semaphore(%arg18 : memref<!tpu.dma_semaphore, #tpu.memory_space<semaphore_mem>>) src(%arg14 : memref<128x64xf32, #tpu.memory_space<vmem>>) dst(%dma_wait3A_233 : memref<25088x64xf32, #tpu.memory_space<vmem_shared>>)
            } else {
            }
            %dma_start3A_220 = arith.constant 0 : i32
            %dma_start3A_221 = tpu.memref_slice %arg11[%add3A_158, %dma_start3A_220] : memref<17x128xi32, #tpu.memory_space<vmem>> -> memref<1x128xi32, #tpu.memory_space<vmem>>
            %dma_start3A_222 = tpu.memref_squeeze %dma_start3A_221 : memref<1x128xi32, #tpu.memory_space<vmem>> -> memref<128xi32, #tpu.memory_space<vmem>>
            %dma_start3A_223 = arith.constant 0 : i32
            %dma_start3A_224 = arith.constant 0 : i32
            %dma_start3A_225 = tpu.memref_slice %arg2[%dma_start3A_223, %dma_start3A_224] : memref<50000x64xf32, #tpu.memory_space<hbm>> -> memref<50000x64xf32, #tpu.memory_space<hbm>>
            tpu.enqueue_indirect_dma source(%dma_start3A_225 : memref<50000x64xf32, #tpu.memory_space<hbm>>) target(%arg14 : memref<128x64xf32, #tpu.memory_space<vmem>>) offsets(%dma_start3A_222 : memref<128xi32, #tpu.memory_space<vmem>>) semaphore(%arg16 : memref<!tpu.dma_semaphore, #tpu.memory_space<semaphore_mem>>)
          } else {
          }
        } else {
        }
        %jit3A_180 = arith.constant 2 : i32
        %eq3A_181 = arith.constant 0 : i32
        %eq3A_182 = arith.cmpi eq, %jit3A_180, %eq3A_181 : i32
        %jit3A_183 = arith.constant 1 : i32
        %select_n3A_184 = arith.select %eq3A_182, %jit3A_183, %jit3A_180 : i32
        %rem3A_185 = arith.remsi %while3A_156, %select_n3A_184 : i32
        %ne3A_186 = arith.constant 0 : i32
        %ne3A_187 = arith.cmpi ne, %rem3A_185, %ne3A_186 : i32
        %lt3A_188 = arith.constant 0 : i32
        %lt3A_189 = arith.cmpi slt, %rem3A_185, %lt3A_188 : i32
        %lt3A_190 = arith.constant 0 : i32
        %lt3A_191 = arith.cmpi slt, %select_n3A_184, %lt3A_190 : i32
        %ne3A_192 = arith.xori %lt3A_189, %lt3A_191 : i1
        %and3A_193 = arith.andi %ne3A_192, %ne3A_187 : i1
        %add3A_194 = arith.addi %rem3A_185, %select_n3A_184 : i32
        %select_n3A_195 = arith.select %and3A_193, %add3A_194, %rem3A_185 : i32
        %eq3A_196 = arith.constant 1 : i32
        %eq3A_197 = arith.cmpi eq, %select_n3A_195, %eq3A_196 : i32
        %convert_element_type3A_198 = arith.extui %eq3A_197 : i1 to i32
        %cond3A_199 = arith.constant 0 : i32
        %cond3A_200 = arith.cmpi ne, %convert_element_type3A_198, %cond3A_199 : i32
        scf.if %cond3A_200 {
          %dma_wait3A = arith.constant 0 : i32
          %dma_wait3A_201 = tpu.memref_slice %arg11[%while3A_156, %dma_wait3A] : memref<17x128xi32, #tpu.memory_space<vmem>> -> memref<1x128xi32, #tpu.memory_space<vmem>>
          %dma_wait3A_202 = tpu.memref_squeeze %dma_wait3A_201 : memref<1x128xi32, #tpu.memory_space<vmem>> -> memref<128xi32, #tpu.memory_space<vmem>>
          %dma_wait3A_203 = arith.constant 0 : i32
          %dma_wait3A_204 = arith.constant 0 : i32
          %dma_wait3A_205 = tpu.memref_slice %arg2[%dma_wait3A_203, %dma_wait3A_204] : memref<50000x64xf32, #tpu.memory_space<hbm>> -> memref<50000x64xf32, #tpu.memory_space<hbm>>
          tpu.wait_indirect_dma semaphore(%arg16 : memref<!tpu.dma_semaphore, #tpu.memory_space<semaphore_mem>>) src(%dma_wait3A_205 : memref<50000x64xf32, #tpu.memory_space<hbm>>) dst(%arg14 : memref<128x64xf32, #tpu.memory_space<vmem>>)
          %dma_start3A = arith.constant 0 : i32
          %dma_start3A_206 = tpu.memref_slice %arg12[%while3A_156, %dma_start3A] : memref<17x128xi32, #tpu.memory_space<vmem>> -> memref<1x128xi32, #tpu.memory_space<vmem>>
          %dma_start3A_207 = tpu.memref_squeeze %dma_start3A_206 : memref<1x128xi32, #tpu.memory_space<vmem>> -> memref<128xi32, #tpu.memory_space<vmem>>
          %dma_start3A_208 = arith.constant 0 : i32
          %dma_start3A_209 = arith.constant 0 : i32
          %dma_start3A_210 = tpu.memref_slice %arg15[%dma_start3A_208, %dma_start3A_209] : memref<25088x64xf32, #tpu.memory_space<vmem_shared>> -> memref<25088x64xf32, #tpu.memory_space<vmem_shared>>
          tpu.enqueue_indirect_dma source(%arg14 : memref<128x64xf32, #tpu.memory_space<vmem>>) target(%dma_start3A_210 : memref<25088x64xf32, #tpu.memory_space<vmem_shared>>) offsets(%dma_start3A_207 : memref<128xi32, #tpu.memory_space<vmem>>) semaphore(%arg18 : memref<!tpu.dma_semaphore, #tpu.memory_space<semaphore_mem>>) {add = true}
          %lt3A_211 = arith.cmpi slt, %add3A_158, %select_n3A : i32
          %convert_element_type3A_212 = arith.extui %lt3A_211 : i1 to i32
          %cond3A_213 = arith.constant 0 : i32
          %cond3A_214 = arith.cmpi ne, %convert_element_type3A_212, %cond3A_213 : i32
          scf.if %cond3A_214 {
            %sub3A_215 = arith.constant 1 : i32
            %sub3A_216 = arith.subi %while3A_156, %sub3A_215 : i32
            %dma_wait3A_217 = arith.constant 0 : i32
            %dma_wait3A_218 = tpu.memref_slice %arg12[%sub3A_216, %dma_wait3A_217] : memref<17x128xi32, #tpu.memory_space<vmem>> -> memref<1x128xi32, #tpu.memory_space<vmem>>
            %dma_wait3A_219 = tpu.memref_squeeze %dma_wait3A_218 : memref<1x128xi32, #tpu.memory_space<vmem>> -> memref<128xi32, #tpu.memory_space<vmem>>
            %dma_wait3A_220 = arith.constant 0 : i32
            %dma_wait3A_221 = arith.constant 0 : i32
            %dma_wait3A_222 = tpu.memref_slice %arg15[%dma_wait3A_220, %dma_wait3A_221] : memref<25088x64xf32, #tpu.memory_space<vmem_shared>> -> memref<25088x64xf32, #tpu.memory_space<vmem_shared>>
            tpu.wait_indirect_dma semaphore(%arg17 : memref<!tpu.dma_semaphore, #tpu.memory_space<semaphore_mem>>) src(%arg13 : memref<128x64xf32, #tpu.memory_space<vmem>>) dst(%dma_wait3A_222 : memref<25088x64xf32, #tpu.memory_space<vmem_shared>>)
            %dma_start3A_223 = arith.constant 0 : i32
            %dma_start3A_224 = tpu.memref_slice %arg11[%add3A_158, %dma_start3A_223] : memref<17x128xi32, #tpu.memory_space<vmem>> -> memref<1x128xi32, #tpu.memory_space<vmem>>
            %dma_start3A_225 = tpu.memref_squeeze %dma_start3A_224 : memref<1x128xi32, #tpu.memory_space<vmem>> -> memref<128xi32, #tpu.memory_space<vmem>>
            %dma_start3A_226 = arith.constant 0 : i32
            %dma_start3A_227 = arith.constant 0 : i32
            %dma_start3A_228 = tpu.memref_slice %arg2[%dma_start3A_226, %dma_start3A_227] : memref<50000x64xf32, #tpu.memory_space<hbm>> -> memref<50000x64xf32, #tpu.memory_space<hbm>>
            tpu.enqueue_indirect_dma source(%dma_start3A_228 : memref<50000x64xf32, #tpu.memory_space<hbm>>) target(%arg13 : memref<128x64xf32, #tpu.memory_space<vmem>>) offsets(%dma_start3A_225 : memref<128xi32, #tpu.memory_space<vmem>>) semaphore(%arg16 : memref<!tpu.dma_semaphore, #tpu.memory_space<semaphore_mem>>)
          } else {
          }
        } else {
        }
      }
      %while3A_146 = arith.constant 1 : i32
      scf.for %while3A_156 = %while3A_144 to %while3A_140 step %while3A_146  : i32 {
        %add3A_157 = arith.constant 1 : i32
        %add3A_158 = arith.addi %while3A_156, %add3A_157 : i32
        %jit3A_159 = arith.constant 2 : i32
        %eq3A_160 = arith.constant 0 : i32
        %eq3A_161 = arith.cmpi eq, %jit3A_159, %eq3A_160 : i32
        %jit3A_162 = arith.constant 1 : i32
        %select_n3A_163 = arith.select %eq3A_161, %jit3A_162, %jit3A_159 : i32
        %rem3A_164 = arith.remsi %while3A_156, %select_n3A_163 : i32
        %ne3A_165 = arith.constant 0 : i32
        %ne3A_166 = arith.cmpi ne, %rem3A_164, %ne3A_165 : i32
        %lt3A_167 = arith.constant 0 : i32
        %lt3A_168 = arith.cmpi slt, %rem3A_164, %lt3A_167 : i32
        %lt3A_169 = arith.constant 0 : i32
        %lt3A_170 = arith.cmpi slt, %select_n3A_163, %lt3A_169 : i32
        %ne3A_171 = arith.xori %lt3A_168, %lt3A_170 : i1
        %and3A_172 = arith.andi %ne3A_171, %ne3A_166 : i1
        %add3A_173 = arith.addi %rem3A_164, %select_n3A_163 : i32
        %select_n3A_174 = arith.select %and3A_172, %add3A_173, %rem3A_164 : i32
        %eq3A_175 = arith.constant 0 : i32
        %eq3A_176 = arith.cmpi eq, %select_n3A_174, %eq3A_175 : i32
        %convert_element_type3A_177 = arith.extui %eq3A_176 : i1 to i32
        %cond3A_178 = arith.constant 0 : i32
        %cond3A_179 = arith.cmpi ne, %convert_element_type3A_177, %cond3A_178 : i32
        scf.if %cond3A_179 {
          %dma_wait3A = arith.constant 0 : i32
          %dma_wait3A_201 = tpu.memref_slice %arg11[%while3A_156, %dma_wait3A] : memref<17x128xi32, #tpu.memory_space<vmem>> -> memref<1x128xi32, #tpu.memory_space<vmem>>
          %dma_wait3A_202 = tpu.memref_squeeze %dma_wait3A_201 : memref<1x128xi32, #tpu.memory_space<vmem>> -> memref<128xi32, #tpu.memory_space<vmem>>
          %dma_wait3A_203 = arith.constant 0 : i32
          %dma_wait3A_204 = arith.constant 0 : i32
          %dma_wait3A_205 = tpu.memref_slice %arg2[%dma_wait3A_203, %dma_wait3A_204] : memref<50000x64xf32, #tpu.memory_space<hbm>> -> memref<50000x64xf32, #tpu.memory_space<hbm>>
          tpu.wait_indirect_dma semaphore(%arg16 : memref<!tpu.dma_semaphore, #tpu.memory_space<semaphore_mem>>) src(%dma_wait3A_205 : memref<50000x64xf32, #tpu.memory_space<hbm>>) dst(%arg13 : memref<128x64xf32, #tpu.memory_space<vmem>>)
          %dma_start3A = arith.constant 0 : i32
          %dma_start3A_206 = tpu.memref_slice %arg12[%while3A_156, %dma_start3A] : memref<17x128xi32, #tpu.memory_space<vmem>> -> memref<1x128xi32, #tpu.memory_space<vmem>>
          %dma_start3A_207 = tpu.memref_squeeze %dma_start3A_206 : memref<1x128xi32, #tpu.memory_space<vmem>> -> memref<128xi32, #tpu.memory_space<vmem>>
          %dma_start3A_208 = arith.constant 0 : i32
          %dma_start3A_209 = arith.constant 0 : i32
          %dma_start3A_210 = tpu.memref_slice %arg15[%dma_start3A_208, %dma_start3A_209] : memref<25088x64xf32, #tpu.memory_space<vmem_shared>> -> memref<25088x64xf32, #tpu.memory_space<vmem_shared>>
          tpu.enqueue_indirect_dma source(%arg13 : memref<128x64xf32, #tpu.memory_space<vmem>>) target(%dma_start3A_210 : memref<25088x64xf32, #tpu.memory_space<vmem_shared>>) offsets(%dma_start3A_207 : memref<128xi32, #tpu.memory_space<vmem>>) semaphore(%arg17 : memref<!tpu.dma_semaphore, #tpu.memory_space<semaphore_mem>>) {add = true}
          %lt3A_211 = arith.cmpi slt, %add3A_158, %select_n3A : i32
          %convert_element_type3A_212 = arith.extui %lt3A_211 : i1 to i32
          %cond3A_213 = arith.constant 0 : i32
          %cond3A_214 = arith.cmpi ne, %convert_element_type3A_212, %cond3A_213 : i32
          scf.if %cond3A_214 {
            %ge3A_215 = arith.constant 1 : i32
            %ge3A_216 = arith.cmpi sge, %while3A_156, %ge3A_215 : i32
            %convert_element_type3A_217 = arith.extui %ge3A_216 : i1 to i32
            %cond3A_218 = arith.constant 0 : i32
            %cond3A_219 = arith.cmpi ne, %convert_element_type3A_217, %cond3A_218 : i32
            scf.if %cond3A_219 {
              %sub3A_226 = arith.constant 1 : i32
              %sub3A_227 = arith.subi %while3A_156, %sub3A_226 : i32
              %dma_wait3A_228 = arith.constant 0 : i32
              %dma_wait3A_229 = tpu.memref_slice %arg12[%sub3A_227, %dma_wait3A_228] : memref<17x128xi32, #tpu.memory_space<vmem>> -> memref<1x128xi32, #tpu.memory_space<vmem>>
              %dma_wait3A_230 = tpu.memref_squeeze %dma_wait3A_229 : memref<1x128xi32, #tpu.memory_space<vmem>> -> memref<128xi32, #tpu.memory_space<vmem>>
              %dma_wait3A_231 = arith.constant 0 : i32
              %dma_wait3A_232 = arith.constant 0 : i32
              %dma_wait3A_233 = tpu.memref_slice %arg15[%dma_wait3A_231, %dma_wait3A_232] : memref<25088x64xf32, #tpu.memory_space<vmem_shared>> -> memref<25088x64xf32, #tpu.memory_space<vmem_shared>>
              tpu.wait_indirect_dma semaphore(%arg18 : memref<!tpu.dma_semaphore, #tpu.memory_space<semaphore_mem>>) src(%arg14 : memref<128x64xf32, #tpu.memory_space<vmem>>) dst(%dma_wait3A_233 : memref<25088x64xf32, #tpu.memory_space<vmem_shared>>)
            } else {
            }
            %dma_start3A_220 = arith.constant 0 : i32
            %dma_start3A_221 = tpu.memref_slice %arg11[%add3A_158, %dma_start3A_220] : memref<17x128xi32, #tpu.memory_space<vmem>> -> memref<1x128xi32, #tpu.memory_space<vmem>>
            %dma_start3A_222 = tpu.memref_squeeze %dma_start3A_221 : memref<1x128xi32, #tpu.memory_space<vmem>> -> memref<128xi32, #tpu.memory_space<vmem>>
            %dma_start3A_223 = arith.constant 0 : i32
            %dma_start3A_224 = arith.constant 0 : i32
            %dma_start3A_225 = tpu.memref_slice %arg2[%dma_start3A_223, %dma_start3A_224] : memref<50000x64xf32, #tpu.memory_space<hbm>> -> memref<50000x64xf32, #tpu.memory_space<hbm>>
            tpu.enqueue_indirect_dma source(%dma_start3A_225 : memref<50000x64xf32, #tpu.memory_space<hbm>>) target(%arg14 : memref<128x64xf32, #tpu.memory_space<vmem>>) offsets(%dma_start3A_222 : memref<128xi32, #tpu.memory_space<vmem>>) semaphore(%arg16 : memref<!tpu.dma_semaphore, #tpu.memory_space<semaphore_mem>>)
          } else {
          }
        } else {
        }
        %jit3A_180 = arith.constant 2 : i32
        %eq3A_181 = arith.constant 0 : i32
        %eq3A_182 = arith.cmpi eq, %jit3A_180, %eq3A_181 : i32
        %jit3A_183 = arith.constant 1 : i32
        %select_n3A_184 = arith.select %eq3A_182, %jit3A_183, %jit3A_180 : i32
        %rem3A_185 = arith.remsi %while3A_156, %select_n3A_184 : i32
        %ne3A_186 = arith.constant 0 : i32
        %ne3A_187 = arith.cmpi ne, %rem3A_185, %ne3A_186 : i32
        %lt3A_188 = arith.constant 0 : i32
        %lt3A_189 = arith.cmpi slt, %rem3A_185, %lt3A_188 : i32
        %lt3A_190 = arith.constant 0 : i32
        %lt3A_191 = arith.cmpi slt, %select_n3A_184, %lt3A_190 : i32
        %ne3A_192 = arith.xori %lt3A_189, %lt3A_191 : i1
        %and3A_193 = arith.andi %ne3A_192, %ne3A_187 : i1
        %add3A_194 = arith.addi %rem3A_185, %select_n3A_184 : i32
        %select_n3A_195 = arith.select %and3A_193, %add3A_194, %rem3A_185 : i32
        %eq3A_196 = arith.constant 1 : i32
        %eq3A_197 = arith.cmpi eq, %select_n3A_195, %eq3A_196 : i32
        %convert_element_type3A_198 = arith.extui %eq3A_197 : i1 to i32
        %cond3A_199 = arith.constant 0 : i32
        %cond3A_200 = arith.cmpi ne, %convert_element_type3A_198, %cond3A_199 : i32
        scf.if %cond3A_200 {
          %dma_wait3A = arith.constant 0 : i32
          %dma_wait3A_201 = tpu.memref_slice %arg11[%while3A_156, %dma_wait3A] : memref<17x128xi32, #tpu.memory_space<vmem>> -> memref<1x128xi32, #tpu.memory_space<vmem>>
          %dma_wait3A_202 = tpu.memref_squeeze %dma_wait3A_201 : memref<1x128xi32, #tpu.memory_space<vmem>> -> memref<128xi32, #tpu.memory_space<vmem>>
          %dma_wait3A_203 = arith.constant 0 : i32
          %dma_wait3A_204 = arith.constant 0 : i32
          %dma_wait3A_205 = tpu.memref_slice %arg2[%dma_wait3A_203, %dma_wait3A_204] : memref<50000x64xf32, #tpu.memory_space<hbm>> -> memref<50000x64xf32, #tpu.memory_space<hbm>>
          tpu.wait_indirect_dma semaphore(%arg16 : memref<!tpu.dma_semaphore, #tpu.memory_space<semaphore_mem>>) src(%dma_wait3A_205 : memref<50000x64xf32, #tpu.memory_space<hbm>>) dst(%arg14 : memref<128x64xf32, #tpu.memory_space<vmem>>)
          %dma_start3A = arith.constant 0 : i32
          %dma_start3A_206 = tpu.memref_slice %arg12[%while3A_156, %dma_start3A] : memref<17x128xi32, #tpu.memory_space<vmem>> -> memref<1x128xi32, #tpu.memory_space<vmem>>
          %dma_start3A_207 = tpu.memref_squeeze %dma_start3A_206 : memref<1x128xi32, #tpu.memory_space<vmem>> -> memref<128xi32, #tpu.memory_space<vmem>>
          %dma_start3A_208 = arith.constant 0 : i32
          %dma_start3A_209 = arith.constant 0 : i32
          %dma_start3A_210 = tpu.memref_slice %arg15[%dma_start3A_208, %dma_start3A_209] : memref<25088x64xf32, #tpu.memory_space<vmem_shared>> -> memref<25088x64xf32, #tpu.memory_space<vmem_shared>>
          tpu.enqueue_indirect_dma source(%arg14 : memref<128x64xf32, #tpu.memory_space<vmem>>) target(%dma_start3A_210 : memref<25088x64xf32, #tpu.memory_space<vmem_shared>>) offsets(%dma_start3A_207 : memref<128xi32, #tpu.memory_space<vmem>>) semaphore(%arg18 : memref<!tpu.dma_semaphore, #tpu.memory_space<semaphore_mem>>) {add = true}
          %lt3A_211 = arith.cmpi slt, %add3A_158, %select_n3A : i32
          %convert_element_type3A_212 = arith.extui %lt3A_211 : i1 to i32
          %cond3A_213 = arith.constant 0 : i32
          %cond3A_214 = arith.cmpi ne, %convert_element_type3A_212, %cond3A_213 : i32
          scf.if %cond3A_214 {
            %sub3A_215 = arith.constant 1 : i32
            %sub3A_216 = arith.subi %while3A_156, %sub3A_215 : i32
            %dma_wait3A_217 = arith.constant 0 : i32
            %dma_wait3A_218 = tpu.memref_slice %arg12[%sub3A_216, %dma_wait3A_217] : memref<17x128xi32, #tpu.memory_space<vmem>> -> memref<1x128xi32, #tpu.memory_space<vmem>>
            %dma_wait3A_219 = tpu.memref_squeeze %dma_wait3A_218 : memref<1x128xi32, #tpu.memory_space<vmem>> -> memref<128xi32, #tpu.memory_space<vmem>>
            %dma_wait3A_220 = arith.constant 0 : i32
            %dma_wait3A_221 = arith.constant 0 : i32
            %dma_wait3A_222 = tpu.memref_slice %arg15[%dma_wait3A_220, %dma_wait3A_221] : memref<25088x64xf32, #tpu.memory_space<vmem_shared>> -> memref<25088x64xf32, #tpu.memory_space<vmem_shared>>
            tpu.wait_indirect_dma semaphore(%arg17 : memref<!tpu.dma_semaphore, #tpu.memory_space<semaphore_mem>>) src(%arg13 : memref<128x64xf32, #tpu.memory_space<vmem>>) dst(%dma_wait3A_222 : memref<25088x64xf32, #tpu.memory_space<vmem_shared>>)
            %dma_start3A_223 = arith.constant 0 : i32
            %dma_start3A_224 = tpu.memref_slice %arg11[%add3A_158, %dma_start3A_223] : memref<17x128xi32, #tpu.memory_space<vmem>> -> memref<1x128xi32, #tpu.memory_space<vmem>>
            %dma_start3A_225 = tpu.memref_squeeze %dma_start3A_224 : memref<1x128xi32, #tpu.memory_space<vmem>> -> memref<128xi32, #tpu.memory_space<vmem>>
            %dma_start3A_226 = arith.constant 0 : i32
            %dma_start3A_227 = arith.constant 0 : i32
            %dma_start3A_228 = tpu.memref_slice %arg2[%dma_start3A_226, %dma_start3A_227] : memref<50000x64xf32, #tpu.memory_space<hbm>> -> memref<50000x64xf32, #tpu.memory_space<hbm>>
            tpu.enqueue_indirect_dma source(%dma_start3A_228 : memref<50000x64xf32, #tpu.memory_space<hbm>>) target(%arg13 : memref<128x64xf32, #tpu.memory_space<vmem>>) offsets(%dma_start3A_225 : memref<128xi32, #tpu.memory_space<vmem>>) semaphore(%arg16 : memref<!tpu.dma_semaphore, #tpu.memory_space<semaphore_mem>>)
          } else {
          }
        } else {
        }
      }
      %ge3A = arith.constant 1 : i32
      %ge3A_147 = arith.cmpi sge, %select_n3A, %ge3A : i32
      %convert_element_type3A_148 = arith.extui %ge3A_147 : i1 to i32
      %cond3A_149 = arith.constant 0 : i32
      %cond3A_150 = arith.cmpi ne, %convert_element_type3A_148, %cond3A_149 : i32
      scf.if %cond3A_150 {
        %sub3A_156 = arith.constant 1 : i32
        %sub3A_157 = arith.subi %select_n3A, %sub3A_156 : i32
        %jit3A_158 = arith.constant 2 : i32
        %eq3A_159 = arith.constant 0 : i32
        %eq3A_160 = arith.cmpi eq, %jit3A_158, %eq3A_159 : i32
        %jit3A_161 = arith.constant 1 : i32
        %select_n3A_162 = arith.select %eq3A_160, %jit3A_161, %jit3A_158 : i32
        %rem3A_163 = arith.remsi %sub3A_157, %select_n3A_162 : i32
        %ne3A_164 = arith.constant 0 : i32
        %ne3A_165 = arith.cmpi ne, %rem3A_163, %ne3A_164 : i32
        %lt3A_166 = arith.constant 0 : i32
        %lt3A_167 = arith.cmpi slt, %rem3A_163, %lt3A_166 : i32
        %lt3A_168 = arith.constant 0 : i32
        %lt3A_169 = arith.cmpi slt, %select_n3A_162, %lt3A_168 : i32
        %ne3A_170 = arith.xori %lt3A_167, %lt3A_169 : i1
        %and3A_171 = arith.andi %ne3A_170, %ne3A_165 : i1
        %add3A_172 = arith.addi %rem3A_163, %select_n3A_162 : i32
        %select_n3A_173 = arith.select %and3A_171, %add3A_172, %rem3A_163 : i32
        %eq3A_174 = arith.constant 0 : i32
        %eq3A_175 = arith.cmpi eq, %select_n3A_173, %eq3A_174 : i32
        %convert_element_type3A_176 = arith.extui %eq3A_175 : i1 to i32
        %cond3A_177 = arith.constant 0 : i32
        %cond3A_178 = arith.cmpi ne, %convert_element_type3A_176, %cond3A_177 : i32
        scf.if %cond3A_178 {
          %dma_wait3A = arith.constant 0 : i32
          %dma_wait3A_200 = tpu.memref_slice %arg12[%sub3A_157, %dma_wait3A] : memref<17x128xi32, #tpu.memory_space<vmem>> -> memref<1x128xi32, #tpu.memory_space<vmem>>
          %dma_wait3A_201 = tpu.memref_squeeze %dma_wait3A_200 : memref<1x128xi32, #tpu.memory_space<vmem>> -> memref<128xi32, #tpu.memory_space<vmem>>
          %dma_wait3A_202 = arith.constant 0 : i32
          %dma_wait3A_203 = arith.constant 0 : i32
          %dma_wait3A_204 = tpu.memref_slice %arg15[%dma_wait3A_202, %dma_wait3A_203] : memref<25088x64xf32, #tpu.memory_space<vmem_shared>> -> memref<25088x64xf32, #tpu.memory_space<vmem_shared>>
          tpu.wait_indirect_dma semaphore(%arg17 : memref<!tpu.dma_semaphore, #tpu.memory_space<semaphore_mem>>) src(%arg13 : memref<128x64xf32, #tpu.memory_space<vmem>>) dst(%dma_wait3A_204 : memref<25088x64xf32, #tpu.memory_space<vmem_shared>>)
        } else {
        }
        %jit3A_179 = arith.constant 2 : i32
        %eq3A_180 = arith.constant 0 : i32
        %eq3A_181 = arith.cmpi eq, %jit3A_179, %eq3A_180 : i32
        %jit3A_182 = arith.constant 1 : i32
        %select_n3A_183 = arith.select %eq3A_181, %jit3A_182, %jit3A_179 : i32
        %rem3A_184 = arith.remsi %sub3A_157, %select_n3A_183 : i32
        %ne3A_185 = arith.constant 0 : i32
        %ne3A_186 = arith.cmpi ne, %rem3A_184, %ne3A_185 : i32
        %lt3A_187 = arith.constant 0 : i32
        %lt3A_188 = arith.cmpi slt, %rem3A_184, %lt3A_187 : i32
        %lt3A_189 = arith.constant 0 : i32
        %lt3A_190 = arith.cmpi slt, %select_n3A_183, %lt3A_189 : i32
        %ne3A_191 = arith.xori %lt3A_188, %lt3A_190 : i1
        %and3A_192 = arith.andi %ne3A_191, %ne3A_186 : i1
        %add3A_193 = arith.addi %rem3A_184, %select_n3A_183 : i32
        %select_n3A_194 = arith.select %and3A_192, %add3A_193, %rem3A_184 : i32
        %eq3A_195 = arith.constant 1 : i32
        %eq3A_196 = arith.cmpi eq, %select_n3A_194, %eq3A_195 : i32
        %convert_element_type3A_197 = arith.extui %eq3A_196 : i1 to i32
        %cond3A_198 = arith.constant 0 : i32
        %cond3A_199 = arith.cmpi ne, %convert_element_type3A_197, %cond3A_198 : i32
        scf.if %cond3A_199 {
          %dma_wait3A = arith.constant 0 : i32
          %dma_wait3A_200 = tpu.memref_slice %arg12[%sub3A_157, %dma_wait3A] : memref<17x128xi32, #tpu.memory_space<vmem>> -> memref<1x128xi32, #tpu.memory_space<vmem>>
          %dma_wait3A_201 = tpu.memref_squeeze %dma_wait3A_200 : memref<1x128xi32, #tpu.memory_space<vmem>> -> memref<128xi32, #tpu.memory_space<vmem>>
          %dma_wait3A_202 = arith.constant 0 : i32
          %dma_wait3A_203 = arith.constant 0 : i32
          %dma_wait3A_204 = tpu.memref_slice %arg15[%dma_wait3A_202, %dma_wait3A_203] : memref<25088x64xf32, #tpu.memory_space<vmem_shared>> -> memref<25088x64xf32, #tpu.memory_space<vmem_shared>>
          tpu.wait_indirect_dma semaphore(%arg18 : memref<!tpu.dma_semaphore, #tpu.memory_space<semaphore_mem>>) src(%arg14 : memref<128x64xf32, #tpu.memory_space<vmem>>) dst(%dma_wait3A_204 : memref<25088x64xf32, #tpu.memory_space<vmem_shared>>)
        } else {
        }
      } else {
      }
      %ge3A_151 = arith.constant 2 : i32
      %ge3A_152 = arith.cmpi sge, %select_n3A, %ge3A_151 : i32
      %convert_element_type3A_153 = arith.extui %ge3A_152 : i1 to i32
      %cond3A_154 = arith.constant 0 : i32
      %cond3A_155 = arith.cmpi ne, %convert_element_type3A_153, %cond3A_154 : i32
      scf.if %cond3A_155 {
        %sub3A_156 = arith.constant 2 : i32
        %sub3A_157 = arith.subi %select_n3A, %sub3A_156 : i32
        %jit3A_158 = arith.constant 2 : i32
        %eq3A_159 = arith.constant 0 : i32
        %eq3A_160 = arith.cmpi eq, %jit3A_158, %eq3A_159 : i32
        %jit3A_161 = arith.constant 1 : i32
        %select_n3A_162 = arith.select %eq3A_160, %jit3A_161, %jit3A_158 : i32
        %rem3A_163 = arith.remsi %sub3A_157, %select_n3A_162 : i32
        %ne3A_164 = arith.constant 0 : i32
        %ne3A_165 = arith.cmpi ne, %rem3A_163, %ne3A_164 : i32
        %lt3A_166 = arith.constant 0 : i32
        %lt3A_167 = arith.cmpi slt, %rem3A_163, %lt3A_166 : i32
        %lt3A_168 = arith.constant 0 : i32
        %lt3A_169 = arith.cmpi slt, %select_n3A_162, %lt3A_168 : i32
        %ne3A_170 = arith.xori %lt3A_167, %lt3A_169 : i1
        %and3A_171 = arith.andi %ne3A_170, %ne3A_165 : i1
        %add3A_172 = arith.addi %rem3A_163, %select_n3A_162 : i32
        %select_n3A_173 = arith.select %and3A_171, %add3A_172, %rem3A_163 : i32
        %eq3A_174 = arith.constant 0 : i32
        %eq3A_175 = arith.cmpi eq, %select_n3A_173, %eq3A_174 : i32
        %convert_element_type3A_176 = arith.extui %eq3A_175 : i1 to i32
        %cond3A_177 = arith.constant 0 : i32
        %cond3A_178 = arith.cmpi ne, %convert_element_type3A_176, %cond3A_177 : i32
        scf.if %cond3A_178 {
          %dma_wait3A = arith.constant 0 : i32
          %dma_wait3A_200 = tpu.memref_slice %arg12[%sub3A_157, %dma_wait3A] : memref<17x128xi32, #tpu.memory_space<vmem>> -> memref<1x128xi32, #tpu.memory_space<vmem>>
          %dma_wait3A_201 = tpu.memref_squeeze %dma_wait3A_200 : memref<1x128xi32, #tpu.memory_space<vmem>> -> memref<128xi32, #tpu.memory_space<vmem>>
          %dma_wait3A_202 = arith.constant 0 : i32
          %dma_wait3A_203 = arith.constant 0 : i32
          %dma_wait3A_204 = tpu.memref_slice %arg15[%dma_wait3A_202, %dma_wait3A_203] : memref<25088x64xf32, #tpu.memory_space<vmem_shared>> -> memref<25088x64xf32, #tpu.memory_space<vmem_shared>>
          tpu.wait_indirect_dma semaphore(%arg17 : memref<!tpu.dma_semaphore, #tpu.memory_space<semaphore_mem>>) src(%arg13 : memref<128x64xf32, #tpu.memory_space<vmem>>) dst(%dma_wait3A_204 : memref<25088x64xf32, #tpu.memory_space<vmem_shared>>)
        } else {
        }
        %jit3A_179 = arith.constant 2 : i32
        %eq3A_180 = arith.constant 0 : i32
        %eq3A_181 = arith.cmpi eq, %jit3A_179, %eq3A_180 : i32
        %jit3A_182 = arith.constant 1 : i32
        %select_n3A_183 = arith.select %eq3A_181, %jit3A_182, %jit3A_179 : i32
        %rem3A_184 = arith.remsi %sub3A_157, %select_n3A_183 : i32
        %ne3A_185 = arith.constant 0 : i32
        %ne3A_186 = arith.cmpi ne, %rem3A_184, %ne3A_185 : i32
        %lt3A_187 = arith.constant 0 : i32
        %lt3A_188 = arith.cmpi slt, %rem3A_184, %lt3A_187 : i32
        %lt3A_189 = arith.constant 0 : i32
        %lt3A_190 = arith.cmpi slt, %select_n3A_183, %lt3A_189 : i32
        %ne3A_191 = arith.xori %lt3A_188, %lt3A_190 : i1
        %and3A_192 = arith.andi %ne3A_191, %ne3A_186 : i1
        %add3A_193 = arith.addi %rem3A_184, %select_n3A_183 : i32
        %select_n3A_194 = arith.select %and3A_192, %add3A_193, %rem3A_184 : i32
        %eq3A_195 = arith.constant 1 : i32
        %eq3A_196 = arith.cmpi eq, %select_n3A_194, %eq3A_195 : i32
        %convert_element_type3A_197 = arith.extui %eq3A_196 : i1 to i32
        %cond3A_198 = arith.constant 0 : i32
        %cond3A_199 = arith.cmpi ne, %convert_element_type3A_197, %cond3A_198 : i32
        scf.if %cond3A_199 {
          %dma_wait3A = arith.constant 0 : i32
          %dma_wait3A_200 = tpu.memref_slice %arg12[%sub3A_157, %dma_wait3A] : memref<17x128xi32, #tpu.memory_space<vmem>> -> memref<1x128xi32, #tpu.memory_space<vmem>>
          %dma_wait3A_201 = tpu.memref_squeeze %dma_wait3A_200 : memref<1x128xi32, #tpu.memory_space<vmem>> -> memref<128xi32, #tpu.memory_space<vmem>>
          %dma_wait3A_202 = arith.constant 0 : i32
          %dma_wait3A_203 = arith.constant 0 : i32
          %dma_wait3A_204 = tpu.memref_slice %arg15[%dma_wait3A_202, %dma_wait3A_203] : memref<25088x64xf32, #tpu.memory_space<vmem_shared>> -> memref<25088x64xf32, #tpu.memory_space<vmem_shared>>
          tpu.wait_indirect_dma semaphore(%arg18 : memref<!tpu.dma_semaphore, #tpu.memory_space<semaphore_mem>>) src(%arg14 : memref<128x64xf32, #tpu.memory_space<vmem>>) dst(%dma_wait3A_204 : memref<25088x64xf32, #tpu.memory_space<vmem_shared>>)
        } else {
        }
      } else {
      }
    }
    %scan3A_17 = arith.constant 25 : i32
    %barrier3A_18 = arith.constant 0 : index
    tpu.barrier barrier_id(%barrier3A_18)
    %scan3A_19 = arith.constant 0 : i32
    %scan3A_20 = arith.constant 0 : i32
    %scan3A_21 = arith.constant 25 : i32
    %scan3A_22 = arith.addi %scan3A_20, %scan3A_21 : i32
    %scan3A_23 = arith.constant 1 : i32
    scf.for %scan3A_25 = %scan3A_20 to %scan3A_22 step %scan3A_23  : i32 {
      %mul3A_26 = arith.constant 1568 : i32
      %mul3A_27 = arith.muli %arg1, %mul3A_26 : i32
      %mul3A_28 = arith.constant 64 : i32
      %mul3A_29 = arith.muli %scan3A_25, %mul3A_28 : i32
      %min3A = arith.constant 1504 : i32
      %min3A_30 = arith.minsi %mul3A_29, %min3A : i32
      %add3A_31 = arith.addi %mul3A_27, %min3A_30 : i32
      %min3A_32 = arith.constant 24936 : i32
      %min3A_33 = arith.minsi %add3A_31, %min3A_32 : i32
      "tpu.region"() ({
        %run_scoped3A = tpu.sem_alloc : memref<!tpu.dma_semaphore, #tpu.memory_space<semaphore_mem>>
        %dma_start3A = arith.constant 0 : i32
        %dma_start3A_43 = arith.constant 0 : i32
        %dma_start3A_44 = tpu.memref_slice %arg13[%dma_start3A, %dma_start3A_43] : memref<128x64xf32, #tpu.memory_space<vmem>> -> memref<64x64xf32, #tpu.memory_space<vmem>>
        %dma_start3A_45 = arith.constant 0 : i32
        %dma_start3A_46 = tpu.memref_slice %arg15[%min3A_33, %dma_start3A_45] : memref<25088x64xf32, #tpu.memory_space<vmem_shared>> -> memref<64x64xf32, #tpu.memory_space<vmem_shared>>
        %dma_start3A_47 = arith.constant 0 : i32
        %dma_start3A_48 = arith.constant 0 : i32
        %dma_start3A_49 = tpu.memref_slice %arg13[%dma_start3A_47, %dma_start3A_48] : memref<128x64xf32, #tpu.memory_space<vmem>> -> memref<64x64xf32, #tpu.memory_space<vmem>>
        %dma_start3A_50 = arith.constant 0 : i32
        %dma_start3A_51 = tpu.memref_slice %arg15[%min3A_33, %dma_start3A_50] : memref<25088x64xf32, #tpu.memory_space<vmem_shared>> -> memref<64x64xf32, #tpu.memory_space<vmem_shared>>
        tpu.enqueue_dma source(%dma_start3A_51 : memref<64x64xf32, #tpu.memory_space<vmem_shared>>) target(%dma_start3A_49 : memref<64x64xf32, #tpu.memory_space<vmem>>) target_semaphore(%run_scoped3A : memref<!tpu.dma_semaphore, #tpu.memory_space<semaphore_mem>>)
        %dma_wait3A = arith.constant 0 : i32
        %dma_wait3A_52 = arith.constant 0 : i32
        %dma_wait3A_53 = tpu.memref_slice %arg13[%dma_wait3A, %dma_wait3A_52] : memref<128x64xf32, #tpu.memory_space<vmem>> -> memref<64x64xf32, #tpu.memory_space<vmem>>
        %dma_wait3A_54 = arith.constant 0 : i32
        %dma_wait3A_55 = tpu.memref_slice %arg15[%min3A_33, %dma_wait3A_54] : memref<25088x64xf32, #tpu.memory_space<vmem_shared>> -> memref<64x64xf32, #tpu.memory_space<vmem_shared>>
        %dma_wait3A_56 = arith.constant 0 : i32
        %dma_wait3A_57 = arith.constant 0 : i32
        %dma_wait3A_58 = tpu.memref_slice %arg13[%dma_wait3A_56, %dma_wait3A_57] : memref<128x64xf32, #tpu.memory_space<vmem>> -> memref<64x64xf32, #tpu.memory_space<vmem>>
        %dma_wait3A_59 = arith.constant 0 : i32
        %dma_wait3A_60 = tpu.memref_slice %arg15[%min3A_33, %dma_wait3A_59] : memref<25088x64xf32, #tpu.memory_space<vmem_shared>> -> memref<64x64xf32, #tpu.memory_space<vmem_shared>>
        tpu.wait_dma2 semaphore(%run_scoped3A : memref<!tpu.dma_semaphore, #tpu.memory_space<semaphore_mem>>) src(%dma_wait3A_60 : memref<64x64xf32, #tpu.memory_space<vmem_shared>>) dst(%dma_wait3A_58 : memref<64x64xf32, #tpu.memory_space<vmem>>)
        tpu.yield
      }) : () -> ()
      %add3A_34 = arith.addi %mul3A_0, %min3A_33 : i32
      "tpu.region"() ({
        %run_scoped3A = tpu.sem_alloc : memref<!tpu.dma_semaphore, #tpu.memory_space<semaphore_mem>>
        %dma_start3A = arith.constant 64 : i32
        %dma_start3A_43 = arith.constant 0 : i32
        %dma_start3A_44 = tpu.memref_slice %arg13[%dma_start3A, %dma_start3A_43] : memref<128x64xf32, #tpu.memory_space<vmem>> -> memref<64x64xf32, #tpu.memory_space<vmem>>
        %dma_start3A_45 = arith.constant 0 : i32
        %dma_start3A_46 = tpu.memref_slice %arg6[%add3A_34, %dma_start3A_45] : memref<50000x64xf32, #tpu.memory_space<hbm>> -> memref<64x64xf32, #tpu.memory_space<hbm>>
        %dma_start3A_47 = arith.constant 64 : i32
        %dma_start3A_48 = arith.constant 0 : i32
        %dma_start3A_49 = tpu.memref_slice %arg13[%dma_start3A_47, %dma_start3A_48] : memref<128x64xf32, #tpu.memory_space<vmem>> -> memref<64x64xf32, #tpu.memory_space<vmem>>
        %dma_start3A_50 = arith.constant 0 : i32
        %dma_start3A_51 = tpu.memref_slice %arg6[%add3A_34, %dma_start3A_50] : memref<50000x64xf32, #tpu.memory_space<hbm>> -> memref<64x64xf32, #tpu.memory_space<hbm>>
        tpu.enqueue_dma source(%dma_start3A_51 : memref<64x64xf32, #tpu.memory_space<hbm>>) target(%dma_start3A_49 : memref<64x64xf32, #tpu.memory_space<vmem>>) target_semaphore(%run_scoped3A : memref<!tpu.dma_semaphore, #tpu.memory_space<semaphore_mem>>)
        %dma_wait3A = arith.constant 64 : i32
        %dma_wait3A_52 = arith.constant 0 : i32
        %dma_wait3A_53 = tpu.memref_slice %arg13[%dma_wait3A, %dma_wait3A_52] : memref<128x64xf32, #tpu.memory_space<vmem>> -> memref<64x64xf32, #tpu.memory_space<vmem>>
        %dma_wait3A_54 = arith.constant 0 : i32
        %dma_wait3A_55 = tpu.memref_slice %arg6[%add3A_34, %dma_wait3A_54] : memref<50000x64xf32, #tpu.memory_space<hbm>> -> memref<64x64xf32, #tpu.memory_space<hbm>>
        %dma_wait3A_56 = arith.constant 64 : i32
        %dma_wait3A_57 = arith.constant 0 : i32
        %dma_wait3A_58 = tpu.memref_slice %arg13[%dma_wait3A_56, %dma_wait3A_57] : memref<128x64xf32, #tpu.memory_space<vmem>> -> memref<64x64xf32, #tpu.memory_space<vmem>>
        %dma_wait3A_59 = arith.constant 0 : i32
        %dma_wait3A_60 = tpu.memref_slice %arg6[%add3A_34, %dma_wait3A_59] : memref<50000x64xf32, #tpu.memory_space<hbm>> -> memref<64x64xf32, #tpu.memory_space<hbm>>
        tpu.wait_dma2 semaphore(%run_scoped3A : memref<!tpu.dma_semaphore, #tpu.memory_space<semaphore_mem>>) src(%dma_wait3A_60 : memref<64x64xf32, #tpu.memory_space<hbm>>) dst(%dma_wait3A_58 : memref<64x64xf32, #tpu.memory_space<vmem>>)
        tpu.yield
      }) : () -> ()
      %add3A_35 = arith.addi %mul3A_0, %min3A_33 : i32
      "tpu.region"() ({
        %run_scoped3A = tpu.sem_alloc : memref<!tpu.dma_semaphore, #tpu.memory_space<semaphore_mem>>
        %dma_start3A = arith.constant 0 : i32
        %dma_start3A_43 = arith.constant 0 : i32
        %dma_start3A_44 = tpu.memref_slice %arg14[%dma_start3A, %dma_start3A_43] : memref<128x64xf32, #tpu.memory_space<vmem>> -> memref<64x64xf32, #tpu.memory_space<vmem>>
        %dma_start3A_45 = arith.constant 0 : i32
        %dma_start3A_46 = tpu.memref_slice %arg5[%add3A_35, %dma_start3A_45] : memref<50000x64xf32, #tpu.memory_space<hbm>> -> memref<64x64xf32, #tpu.memory_space<hbm>>
        %dma_start3A_47 = arith.constant 0 : i32
        %dma_start3A_48 = arith.constant 0 : i32
        %dma_start3A_49 = tpu.memref_slice %arg14[%dma_start3A_47, %dma_start3A_48] : memref<128x64xf32, #tpu.memory_space<vmem>> -> memref<64x64xf32, #tpu.memory_space<vmem>>
        %dma_start3A_50 = arith.constant 0 : i32
        %dma_start3A_51 = tpu.memref_slice %arg5[%add3A_35, %dma_start3A_50] : memref<50000x64xf32, #tpu.memory_space<hbm>> -> memref<64x64xf32, #tpu.memory_space<hbm>>
        tpu.enqueue_dma source(%dma_start3A_51 : memref<64x64xf32, #tpu.memory_space<hbm>>) target(%dma_start3A_49 : memref<64x64xf32, #tpu.memory_space<vmem>>) target_semaphore(%run_scoped3A : memref<!tpu.dma_semaphore, #tpu.memory_space<semaphore_mem>>)
        %dma_wait3A = arith.constant 0 : i32
        %dma_wait3A_52 = arith.constant 0 : i32
        %dma_wait3A_53 = tpu.memref_slice %arg14[%dma_wait3A, %dma_wait3A_52] : memref<128x64xf32, #tpu.memory_space<vmem>> -> memref<64x64xf32, #tpu.memory_space<vmem>>
        %dma_wait3A_54 = arith.constant 0 : i32
        %dma_wait3A_55 = tpu.memref_slice %arg5[%add3A_35, %dma_wait3A_54] : memref<50000x64xf32, #tpu.memory_space<hbm>> -> memref<64x64xf32, #tpu.memory_space<hbm>>
        %dma_wait3A_56 = arith.constant 0 : i32
        %dma_wait3A_57 = arith.constant 0 : i32
        %dma_wait3A_58 = tpu.memref_slice %arg14[%dma_wait3A_56, %dma_wait3A_57] : memref<128x64xf32, #tpu.memory_space<vmem>> -> memref<64x64xf32, #tpu.memory_space<vmem>>
        %dma_wait3A_59 = arith.constant 0 : i32
        %dma_wait3A_60 = tpu.memref_slice %arg5[%add3A_35, %dma_wait3A_59] : memref<50000x64xf32, #tpu.memory_space<hbm>> -> memref<64x64xf32, #tpu.memory_space<hbm>>
        tpu.wait_dma2 semaphore(%run_scoped3A : memref<!tpu.dma_semaphore, #tpu.memory_space<semaphore_mem>>) src(%dma_wait3A_60 : memref<64x64xf32, #tpu.memory_space<hbm>>) dst(%dma_wait3A_58 : memref<64x64xf32, #tpu.memory_space<vmem>>)
        tpu.yield
      }) : () -> ()
      %scan3A_36 = arith.constant 0 : i32
      %scan3A_37 = arith.constant 0 : i32
      %scan3A_38 = arith.constant 64 : i32
      %scan3A_39 = arith.addi %scan3A_37, %scan3A_38 : i32
      %scan3A_40 = arith.constant 1 : i32
      scf.for %scan3A_43 = %scan3A_37 to %scan3A_39 step %scan3A_40  : i32 {
        %get3A = arith.index_cast %scan3A_43 : i32 to index
        %get3A_44 = arith.constant 0 : index
        %get3A_45 = tpu.vector_load %arg13[%get3A, %get3A_44] {strides = array<i32>} : memref<128x64xf32, #tpu.memory_space<vmem>>, vector<16xf32>,
        %get3A_46 = arith.index_cast %scan3A_43 : i32 to index
        %get3A_47 = arith.constant 0 : index
        %get3A_48 = tpu.vector_load %arg14[%get3A_46, %get3A_47] {strides = array<i32>} : memref<128x64xf32, #tpu.memory_space<vmem>>, vector<16xf32>,
        %add3A_49 = arith.constant 64 : i32
        %add3A_50 = arith.addi %add3A_49, %scan3A_43 : i32
        %get3A_51 = arith.index_cast %add3A_50 : i32 to index
        %get3A_52 = arith.constant 0 : index
        %get3A_53 = tpu.vector_load %arg13[%get3A_51, %get3A_52] {strides = array<i32>} : memref<128x64xf32, #tpu.memory_space<vmem>>, vector<16xf32>,
        %mul3A_54 = arith.mulf %get3A_45, %get3A_48 : vector<16xf32>
        %add3A_55 = arith.addf %get3A_53, %mul3A_54 : vector<16xf32>
        %add3A_56 = arith.constant 64 : i32
        %add3A_57 = arith.addi %add3A_56, %scan3A_43 : i32
        %swap3A = arith.index_cast %add3A_57 : i32 to index
        %swap3A_58 = arith.constant 0 : index
        %swap3A_59 = tpu.vector_load %arg14[%swap3A, %swap3A_58] {strides = array<i32>} : memref<128x64xf32, #tpu.memory_space<vmem>>, vector<16xf32>,
        tpu.vector_store %arg14[%swap3A, %swap3A_58], %add3A_55 {strides = array<i32>} : memref<128x64xf32, #tpu.memory_space<vmem>>, vector<16xf32>,
        %get3A_60 = arith.index_cast %scan3A_43 : i32 to index
        %get3A_61 = arith.constant 16 : index
        %get3A_62 = tpu.vector_load %arg13[%get3A_60, %get3A_61] {strides = array<i32>} : memref<128x64xf32, #tpu.memory_space<vmem>>, vector<16xf32>,
        %get3A_63 = arith.index_cast %scan3A_43 : i32 to index
        %get3A_64 = arith.constant 16 : index
        %get3A_65 = tpu.vector_load %arg14[%get3A_63, %get3A_64] {strides = array<i32>} : memref<128x64xf32, #tpu.memory_space<vmem>>, vector<16xf32>,
        %add3A_66 = arith.constant 64 : i32
        %add3A_67 = arith.addi %add3A_66, %scan3A_43 : i32
        %get3A_68 = arith.index_cast %add3A_67 : i32 to index
        %get3A_69 = arith.constant 16 : index
        %get3A_70 = tpu.vector_load %arg13[%get3A_68, %get3A_69] {strides = array<i32>} : memref<128x64xf32, #tpu.memory_space<vmem>>, vector<16xf32>,
        %mul3A_71 = arith.mulf %get3A_62, %get3A_65 : vector<16xf32>
        %add3A_72 = arith.addf %get3A_70, %mul3A_71 : vector<16xf32>
        %add3A_73 = arith.constant 64 : i32
        %add3A_74 = arith.addi %add3A_73, %scan3A_43 : i32
        %swap3A_75 = arith.index_cast %add3A_74 : i32 to index
        %swap3A_76 = arith.constant 16 : index
        %swap3A_77 = tpu.vector_load %arg14[%swap3A_75, %swap3A_76] {strides = array<i32>} : memref<128x64xf32, #tpu.memory_space<vmem>>, vector<16xf32>,
        tpu.vector_store %arg14[%swap3A_75, %swap3A_76], %add3A_72 {strides = array<i32>} : memref<128x64xf32, #tpu.memory_space<vmem>>, vector<16xf32>,
        %get3A_78 = arith.index_cast %scan3A_43 : i32 to index
        %get3A_79 = arith.constant 32 : index
        %get3A_80 = tpu.vector_load %arg13[%get3A_78, %get3A_79] {strides = array<i32>} : memref<128x64xf32, #tpu.memory_space<vmem>>, vector<16xf32>,
        %get3A_81 = arith.index_cast %scan3A_43 : i32 to index
        %get3A_82 = arith.constant 32 : index
        %get3A_83 = tpu.vector_load %arg14[%get3A_81, %get3A_82] {strides = array<i32>} : memref<128x64xf32, #tpu.memory_space<vmem>>, vector<16xf32>,
        %add3A_84 = arith.constant 64 : i32
        %add3A_85 = arith.addi %add3A_84, %scan3A_43 : i32
        %get3A_86 = arith.index_cast %add3A_85 : i32 to index
        %get3A_87 = arith.constant 32 : index
        %get3A_88 = tpu.vector_load %arg13[%get3A_86, %get3A_87] {strides = array<i32>} : memref<128x64xf32, #tpu.memory_space<vmem>>, vector<16xf32>,
        %mul3A_89 = arith.mulf %get3A_80, %get3A_83 : vector<16xf32>
        %add3A_90 = arith.addf %get3A_88, %mul3A_89 : vector<16xf32>
        %add3A_91 = arith.constant 64 : i32
        %add3A_92 = arith.addi %add3A_91, %scan3A_43 : i32
        %swap3A_93 = arith.index_cast %add3A_92 : i32 to index
        %swap3A_94 = arith.constant 32 : index
        %swap3A_95 = tpu.vector_load %arg14[%swap3A_93, %swap3A_94] {strides = array<i32>} : memref<128x64xf32, #tpu.memory_space<vmem>>, vector<16xf32>,
        tpu.vector_store %arg14[%swap3A_93, %swap3A_94], %add3A_90 {strides = array<i32>} : memref<128x64xf32, #tpu.memory_space<vmem>>, vector<16xf32>,
        %get3A_96 = arith.index_cast %scan3A_43 : i32 to index
        %get3A_97 = arith.constant 48 : index
        %get3A_98 = tpu.vector_load %arg13[%get3A_96, %get3A_97] {strides = array<i32>} : memref<128x64xf32, #tpu.memory_space<vmem>>, vector<16xf32>,
        %get3A_99 = arith.index_cast %scan3A_43 : i32 to index
        %get3A_100 = arith.constant 48 : index
        %get3A_101 = tpu.vector_load %arg14[%get3A_99, %get3A_100] {strides = array<i32>} : memref<128x64xf32, #tpu.memory_space<vmem>>, vector<16xf32>,
        %add3A_102 = arith.constant 64 : i32
        %add3A_103 = arith.addi %add3A_102, %scan3A_43 : i32
        %get3A_104 = arith.index_cast %add3A_103 : i32 to index
        %get3A_105 = arith.constant 48 : index
        %get3A_106 = tpu.vector_load %arg13[%get3A_104, %get3A_105] {strides = array<i32>} : memref<128x64xf32, #tpu.memory_space<vmem>>, vector<16xf32>,
        %mul3A_107 = arith.mulf %get3A_98, %get3A_101 : vector<16xf32>
        %add3A_108 = arith.addf %get3A_106, %mul3A_107 : vector<16xf32>
        %add3A_109 = arith.constant 64 : i32
        %add3A_110 = arith.addi %add3A_109, %scan3A_43 : i32
        %swap3A_111 = arith.index_cast %add3A_110 : i32 to index
        %swap3A_112 = arith.constant 48 : index
        %swap3A_113 = tpu.vector_load %arg14[%swap3A_111, %swap3A_112] {strides = array<i32>} : memref<128x64xf32, #tpu.memory_space<vmem>>, vector<16xf32>,
        tpu.vector_store %arg14[%swap3A_111, %swap3A_112], %add3A_108 {strides = array<i32>} : memref<128x64xf32, #tpu.memory_space<vmem>>, vector<16xf32>,
      }
      %scan3A_41 = arith.constant 64 : i32
      %add3A_42 = arith.addi %mul3A_0, %min3A_33 : i32
      "tpu.region"() ({
        %run_scoped3A = tpu.sem_alloc : memref<!tpu.dma_semaphore, #tpu.memory_space<semaphore_mem>>
        %dma_start3A = arith.constant 64 : i32
        %dma_start3A_43 = arith.constant 0 : i32
        %dma_start3A_44 = tpu.memref_slice %arg14[%dma_start3A, %dma_start3A_43] : memref<128x64xf32, #tpu.memory_space<vmem>> -> memref<64x64xf32, #tpu.memory_space<vmem>>
        %dma_start3A_45 = arith.constant 0 : i32
        %dma_start3A_46 = tpu.memref_slice %arg8[%add3A_42, %dma_start3A_45] : memref<50000x64xf32, #tpu.memory_space<hbm>> -> memref<64x64xf32, #tpu.memory_space<hbm>>
        %dma_start3A_47 = arith.constant 0 : i32
        %dma_start3A_48 = tpu.memref_slice %arg8[%add3A_42, %dma_start3A_47] : memref<50000x64xf32, #tpu.memory_space<hbm>> -> memref<64x64xf32, #tpu.memory_space<hbm>>
        %dma_start3A_49 = arith.constant 64 : i32
        %dma_start3A_50 = arith.constant 0 : i32
        %dma_start3A_51 = tpu.memref_slice %arg14[%dma_start3A_49, %dma_start3A_50] : memref<128x64xf32, #tpu.memory_space<vmem>> -> memref<64x64xf32, #tpu.memory_space<vmem>>
        tpu.enqueue_dma source(%dma_start3A_51 : memref<64x64xf32, #tpu.memory_space<vmem>>) target(%dma_start3A_48 : memref<64x64xf32, #tpu.memory_space<hbm>>) target_semaphore(%run_scoped3A : memref<!tpu.dma_semaphore, #tpu.memory_space<semaphore_mem>>)
        %dma_wait3A = arith.constant 64 : i32
        %dma_wait3A_52 = arith.constant 0 : i32
        %dma_wait3A_53 = tpu.memref_slice %arg14[%dma_wait3A, %dma_wait3A_52] : memref<128x64xf32, #tpu.memory_space<vmem>> -> memref<64x64xf32, #tpu.memory_space<vmem>>
        %dma_wait3A_54 = arith.constant 0 : i32
        %dma_wait3A_55 = tpu.memref_slice %arg8[%add3A_42, %dma_wait3A_54] : memref<50000x64xf32, #tpu.memory_space<hbm>> -> memref<64x64xf32, #tpu.memory_space<hbm>>
        %dma_wait3A_56 = arith.constant 0 : i32
        %dma_wait3A_57 = tpu.memref_slice %arg8[%add3A_42, %dma_wait3A_56] : memref<50000x64xf32, #tpu.memory_space<hbm>> -> memref<64x64xf32, #tpu.memory_space<hbm>>
        %dma_wait3A_58 = arith.constant 64 : i32
        %dma_wait3A_59 = arith.constant 0 : i32
        %dma_wait3A_60 = tpu.memref_slice %arg14[%dma_wait3A_58, %dma_wait3A_59] : memref<128x64xf32, #tpu.memory_space<vmem>> -> memref<64x64xf32, #tpu.memory_space<vmem>>
        tpu.wait_dma2 semaphore(%run_scoped3A : memref<!tpu.dma_semaphore, #tpu.memory_space<semaphore_mem>>) src(%dma_wait3A_60 : memref<64x64xf32, #tpu.memory_space<vmem>>) dst(%dma_wait3A_57 : memref<64x64xf32, #tpu.memory_space<hbm>>)
        tpu.yield
      }) : () -> ()
    }
    %scan3A_24 = arith.constant 25 : i32
    return
  }
}

module attributes {stable_mosaic.version = 14 : i64} {
  func.func @_feat_body(%arg0: i32, %arg1: memref<200x64xf32, #tpu.memory_space<vmem>>, %arg2: memref<200x128xf32, #tpu.memory_space<vmem>>, %arg3: memref<200x16xf32, #tpu.memory_space<vmem>>, %arg4: memref<128x256xf32, #tpu.memory_space<vmem>>, %arg5: memref<256xf32, #tpu.memory_space<vmem>>, %arg6: memref<256x64xf32, #tpu.memory_space<vmem>>, %arg7: memref<64xf32, #tpu.memory_space<vmem>>, %arg8: memref<200x64xf32, #tpu.memory_space<vmem>>, %arg9: memref<200x64xf32, #tpu.memory_space<vmem>>, %arg10: memref<200x64xf32, #tpu.memory_space<vmem>>) attributes {dimension_semantics = [#tpu.dimension_semantics<arbitrary>], iteration_bounds = array<i64: 250>, scalar_prefetch = 0 : i64, scratch_operands = 0 : i64, tpu.core_type = #tpu.core_type<tc>, window_params = [{transform_indices = @transform_0, window_bounds = array<i64: 200, 64>}, {transform_indices = @transform_1, window_bounds = array<i64: 200, 128>}, {transform_indices = @transform_2, window_bounds = array<i64: 200, 16>}, {pipeline_mode = #tpu.pipeline_mode<synchronous>, transform_indices = @transform_3, window_bounds = array<i64: 128, 256>}, {pipeline_mode = #tpu.pipeline_mode<synchronous>, transform_indices = @transform_4, window_bounds = array<i64: 256>}, {pipeline_mode = #tpu.pipeline_mode<synchronous>, transform_indices = @transform_5, window_bounds = array<i64: 256, 64>}, {pipeline_mode = #tpu.pipeline_mode<synchronous>, transform_indices = @transform_6, window_bounds = array<i64: 64>}, {transform_indices = @transform_7, window_bounds = array<i64: 200, 64>}, {transform_indices = @transform_8, window_bounds = array<i64: 200, 64>}, {transform_indices = @transform_9, window_bounds = array<i64: 200, 64>}]} {
    %get3A = arith.constant 0 : index
    %get3A_0 = arith.constant 0 : index
    %get3A_1 = vector.load %arg3[%get3A, %get3A_0] : memref<200x16xf32, #tpu.memory_space<vmem>>, vector<200x1xf32>
    %gt3A = arith.constant 0.000000e+00 : f32
    %gt3A_2 = vector.broadcast %gt3A : f32 to vector<200x1xf32>
    %gt3A_3 = arith.cmpf ogt, %get3A_1, %gt3A_2 : vector<200x1xf32>
    %rsqrt3A = math.rsqrt %get3A_1 : vector<200x1xf32>
    %jit3A = arith.constant 0.000000e+00 : f32
    %broadcast_in_dim3A = vector.broadcast %jit3A : f32 to vector<200x1xf32>
    %select_n3A = arith.select %gt3A_3, %rsqrt3A, %broadcast_in_dim3A : vector<200x1xi1>, vector<200x1xf32>
    %broadcast_in_dim3A_4 = vector.shape_cast %select_n3A : vector<200x1xf32> to vector<200x1xf32>
    %broadcast_in_dim3A_5 = vector.broadcast %broadcast_in_dim3A_4 : vector<200x1xf32> to vector<200x64xf32>
    %swap3A = arith.constant 0 : index
    %swap3A_6 = arith.constant 0 : index
    %swap3A_7 = vector.load %arg10[%swap3A, %swap3A_6] : memref<200x64xf32, #tpu.memory_space<vmem>>, vector<200x64xf32>
    tpu.vector_store %arg10[%swap3A, %swap3A_6], %broadcast_in_dim3A_5 {strides = array<i32>} : memref<200x64xf32, #tpu.memory_space<vmem>>, vector<200x64xf32>,
    %lt3A = arith.constant 125 : i32
    %lt3A_8 = arith.cmpi slt, %arg0, %lt3A : i32
    %convert_element_type3A = arith.extui %lt3A_8 : i1 to i32
    %cond3A = arith.constant 0 : i32
    %cond3A_9 = arith.cmpi ne, %convert_element_type3A, %cond3A : i32
    scf.if %cond3A_9 {
      %get3A_14 = arith.constant 0 : index
      %get3A_15 = arith.constant 0 : index
      %get3A_16 = vector.load %arg1[%get3A_14, %get3A_15] : memref<200x64xf32, #tpu.memory_space<vmem>>, vector<200x64xf32>
      %mul3A = arith.mulf %get3A_16, %get3A_16 : vector<200x64xf32>
      %reduce_sum3A = arith.constant dense<0.000000e+00> : vector<200xf32>
      %reduce_sum3A_17 = vector.multi_reduction <add>, %mul3A, %reduce_sum3A [1] : vector<200x64xf32> to vector<200xf32>
      %broadcast_in_dim3A_18 = vector.shape_cast %reduce_sum3A_17 : vector<200xf32> to vector<200x1xf32>
      %sqrt3A = math.sqrt %broadcast_in_dim3A_18 : vector<200x1xf32>
      %max3A = arith.constant 9.99999996E-13 : f32
      %max3A_19 = vector.broadcast %max3A : f32 to vector<200x1xf32>
      %max3A_20 = arith.maximumf %sqrt3A, %max3A_19 : vector<200x1xf32>
      %div3A = vector.broadcast %max3A_20 : vector<200x1xf32> to vector<200x64xf32>
      %div3A_21 = arith.divf %get3A_16, %div3A : vector<200x64xf32>
      %swap3A_22 = arith.constant 0 : index
      %swap3A_23 = arith.constant 0 : index
      %swap3A_24 = vector.load %arg8[%swap3A_22, %swap3A_23] : memref<200x64xf32, #tpu.memory_space<vmem>>, vector<200x64xf32>
      tpu.vector_store %arg8[%swap3A_22, %swap3A_23], %div3A_21 {strides = array<i32>} : memref<200x64xf32, #tpu.memory_space<vmem>>, vector<200x64xf32>,
      %mul3A_25 = vector.broadcast %select_n3A : vector<200x1xf32> to vector<200x64xf32>
      %mul3A_26 = arith.mulf %div3A_21, %mul3A_25 : vector<200x64xf32>
      %swap3A_27 = arith.constant 0 : index
      %swap3A_28 = arith.constant 0 : index
      %swap3A_29 = vector.load %arg9[%swap3A_27, %swap3A_28] : memref<200x64xf32, #tpu.memory_space<vmem>>, vector<200x64xf32>
      tpu.vector_store %arg9[%swap3A_27, %swap3A_28], %mul3A_26 {strides = array<i32>} : memref<200x64xf32, #tpu.memory_space<vmem>>, vector<200x64xf32>,
    } else {
    }
    %ge3A = arith.constant 125 : i32
    %ge3A_10 = arith.cmpi sge, %arg0, %ge3A : i32
    %convert_element_type3A_11 = arith.extui %ge3A_10 : i1 to i32
    %cond3A_12 = arith.constant 0 : i32
    %cond3A_13 = arith.cmpi ne, %convert_element_type3A_11, %cond3A_12 : i32
    scf.if %cond3A_13 {
      %get3A_14 = arith.constant 0 : index
      %get3A_15 = arith.constant 0 : index
      %get3A_16 = vector.load %arg2[%get3A_14, %get3A_15] : memref<200x128xf32, #tpu.memory_space<vmem>>, vector<200x128xf32>
      %get3A_17 = arith.constant 0 : index
      %get3A_18 = arith.constant 0 : index
      %get3A_19 = vector.load %arg4[%get3A_17, %get3A_18] : memref<128x256xf32, #tpu.memory_space<vmem>>, vector<128x256xf32>
      %dot_general3A = arith.constant dense<0.000000e+00> : vector<200x256xf32>
      %dot_general3A_20 = tpu.matmul %get3A_16, %get3A_19, %dot_general3A {dimension_numbers = #tpu.dot_dimension_numbers<[1], [0], [0], [1], [0, 0, 1, 1], [], []>, transpose_lhs_hint = false} : vector<200x128xf32>, vector<128x256xf32>, vector<200x256xf32> -> vector<200x256xf32>
      %get3A_21 = arith.constant 0 : index
      %get3A_22 = vector.load %arg5[%get3A_21] : memref<256xf32, #tpu.memory_space<vmem>>, vector<256xf32>
      %broadcast_in_dim3A_23 = vector.shape_cast %get3A_22 : vector<256xf32> to vector<1x256xf32>
      %add3A = vector.broadcast %broadcast_in_dim3A_23 : vector<1x256xf32> to vector<200x256xf32>
      %add3A_24 = arith.addf %dot_general3A_20, %add3A : vector<200x256xf32>
      %ge3A_25 = arith.constant 0.000000e+00 : f32
      %ge3A_26 = vector.broadcast %ge3A_25 : f32 to vector<200x256xf32>
      %ge3A_27 = arith.cmpf oge, %add3A_24, %ge3A_26 : vector<200x256xf32>
      %mul3A = arith.constant 0.00999999977 : f32
      %mul3A_28 = vector.broadcast %mul3A : f32 to vector<200x256xf32>
      %mul3A_29 = arith.mulf %mul3A_28, %add3A_24 : vector<200x256xf32>
      %select_n3A_30 = arith.select %ge3A_27, %add3A_24, %mul3A_29 : vector<200x256xi1>, vector<200x256xf32>
      %get3A_31 = arith.constant 0 : index
      %get3A_32 = arith.constant 0 : index
      %get3A_33 = vector.load %arg6[%get3A_31, %get3A_32] : memref<256x64xf32, #tpu.memory_space<vmem>>, vector<256x64xf32>
      %dot_general3A_34 = arith.constant dense<0.000000e+00> : vector<200x64xf32>
      %dot_general3A_35 = tpu.matmul %select_n3A_30, %get3A_33, %dot_general3A_34 {dimension_numbers = #tpu.dot_dimension_numbers<[1], [0], [0], [1], [0, 0, 1, 1], [], []>, transpose_lhs_hint = false} : vector<200x256xf32>, vector<256x64xf32>, vector<200x64xf32> -> vector<200x64xf32>
      %get3A_36 = arith.constant 0 : index
      %get3A_37 = vector.load %arg7[%get3A_36] : memref<64xf32, #tpu.memory_space<vmem>>, vector<64xf32>
      %broadcast_in_dim3A_38 = vector.shape_cast %get3A_37 : vector<64xf32> to vector<1x64xf32>
      %add3A_39 = vector.broadcast %broadcast_in_dim3A_38 : vector<1x64xf32> to vector<200x64xf32>
      %add3A_40 = arith.addf %dot_general3A_35, %add3A_39 : vector<200x64xf32>
      %mul3A_41 = arith.mulf %add3A_40, %add3A_40 : vector<200x64xf32>
      %reduce_sum3A = arith.constant dense<0.000000e+00> : vector<200xf32>
      %reduce_sum3A_42 = vector.multi_reduction <add>, %mul3A_41, %reduce_sum3A [1] : vector<200x64xf32> to vector<200xf32>
      %broadcast_in_dim3A_43 = vector.shape_cast %reduce_sum3A_42 : vector<200xf32> to vector<200x1xf32>
      %sqrt3A = math.sqrt %broadcast_in_dim3A_43 : vector<200x1xf32>
      %max3A = arith.constant 9.99999996E-13 : f32
      %max3A_44 = vector.broadcast %max3A : f32 to vector<200x1xf32>
      %max3A_45 = arith.maximumf %sqrt3A, %max3A_44 : vector<200x1xf32>
      %div3A = vector.broadcast %max3A_45 : vector<200x1xf32> to vector<200x64xf32>
      %div3A_46 = arith.divf %add3A_40, %div3A : vector<200x64xf32>
      %swap3A_47 = arith.constant 0 : index
      %swap3A_48 = arith.constant 0 : index
      %swap3A_49 = vector.load %arg8[%swap3A_47, %swap3A_48] : memref<200x64xf32, #tpu.memory_space<vmem>>, vector<200x64xf32>
      tpu.vector_store %arg8[%swap3A_47, %swap3A_48], %div3A_46 {strides = array<i32>} : memref<200x64xf32, #tpu.memory_space<vmem>>, vector<200x64xf32>,
      %mul3A_50 = vector.broadcast %select_n3A : vector<200x1xf32> to vector<200x64xf32>
      %mul3A_51 = arith.mulf %div3A_46, %mul3A_50 : vector<200x64xf32>
      %swap3A_52 = arith.constant 0 : index
      %swap3A_53 = arith.constant 0 : index
      %swap3A_54 = vector.load %arg9[%swap3A_52, %swap3A_53] : memref<200x64xf32, #tpu.memory_space<vmem>>, vector<200x64xf32>
      tpu.vector_store %arg9[%swap3A_52, %swap3A_53], %mul3A_51 {strides = array<i32>} : memref<200x64xf32, #tpu.memory_space<vmem>>, vector<200x64xf32>,
    } else {
    }
    return
  }
  func.func @transform_0(%arg0: i32) -> (i32, i32) {
    %min3A = arith.constant 124 : i32
    %min3A_0 = arith.minsi %arg0, %min3A : i32
    %c0_i32 = arith.constant 0 : i32
    %c0_i32_1 = arith.constant 0 : i32
    return %min3A_0, %c0_i32 : i32, i32
  }
  func.func @transform_1(%arg0: i32) -> (i32, i32) {
    %sub3A = arith.constant 125 : i32
    %sub3A_0 = arith.subi %arg0, %sub3A : i32
    %max3A = arith.constant 0 : i32
    %max3A_1 = arith.maxsi %sub3A_0, %max3A : i32
    %c0_i32 = arith.constant 0 : i32
    %c0_i32_2 = arith.constant 0 : i32
    return %max3A_1, %c0_i32 : i32, i32
  }
  func.func @transform_2(%arg0: i32) -> (i32, i32) {
    %c0_i32 = arith.constant 0 : i32
    %c0_i32_0 = arith.constant 0 : i32
    return %arg0, %c0_i32 : i32, i32
  }
  func.func @transform_3(%arg0: i32) -> (i32, i32) {
    %c0_i32 = arith.constant 0 : i32
    %c0_i32_0 = arith.constant 0 : i32
    %c0_i32_1 = arith.constant 0 : i32
    return %c0_i32, %c0_i32_0 : i32, i32
  }
  func.func @transform_4(%arg0: i32) -> i32 {
    %c0_i32 = arith.constant 0 : i32
    %c0_i32_0 = arith.constant 0 : i32
    return %c0_i32 : i32
  }
  func.func @transform_5(%arg0: i32) -> (i32, i32) {
    %c0_i32 = arith.constant 0 : i32
    %c0_i32_0 = arith.constant 0 : i32
    %c0_i32_1 = arith.constant 0 : i32
    return %c0_i32, %c0_i32_0 : i32, i32
  }
  func.func @transform_6(%arg0: i32) -> i32 {
    %c0_i32 = arith.constant 0 : i32
    %c0_i32_0 = arith.constant 0 : i32
    return %c0_i32 : i32
  }
  func.func @transform_7(%arg0: i32) -> (i32, i32) {
    %c0_i32 = arith.constant 0 : i32
    %c0_i32_0 = arith.constant 0 : i32
    return %arg0, %c0_i32 : i32, i32
  }
  func.func @transform_8(%arg0: i32) -> (i32, i32) {
    %c0_i32 = arith.constant 0 : i32
    %c0_i32_0 = arith.constant 0 : i32
    return %arg0, %c0_i32 : i32, i32
  }
  func.func @transform_9(%arg0: i32) -> (i32, i32) {
    %c0_i32 = arith.constant 0 : i32
    %c0_i32_0 = arith.constant 0 : i32
    return %arg0, %c0_i32 : i32, i32
  }
}

</mosaic_0001>

<sc_bundles>
// kernel: kernel.12.cloned.1.call-start
scs
__scs_entry_jumppad:
0x0: {  	(pc) =	sbr.rel $0x88, $3  }
0x1: {  	(tag) =	ssettag $0x0;
	lr =	simm.s32 $0x1  }
0x2: {  	[smem:$0x3F9A] =	sst lr;
	_ =	strace $0xD0000000  }
0x3: {  	_ = 	snop  }
0x4: {  	_ = 	snop  }
0x5: {  	_ = 	snop  }
0x6: {  	_ = 	snop  }
0x7: {  	_ = 	snop  }
__scs_overlays_trampoline_lowered:
0x8: {  	[smem:$0x3FA9] =	sst s0  }
0x9: {  	[smem:$0x3FAA] =	sst s1  }
0xa: {  	[smem:$0x3FAB] =	sst s2  }
0xb: {  	[smem:$0x3FAC] =	sst s3  }
0xc: {  	[smem:$0x3FAD] =	sst s4  }
0xd: {  	[smem:$0x3FAE] =	sst s5  }
0xe: {  	[smem:$0x3FAF] =	sst s6  }
0xf: {  	[smem:$0x3FB0] =	sst s7  }
0x10: {  	[smem:$0x3FB1] =	sst s8  }
0x11: {  	[smem:$0x3FB2] =	sst s9;
	s0 =	simm.s32 @!p0 $0x0  }
0x12: {  	s1 =	sld [smem:$0x3F98];
	s0 =	simm.s32 @p0 $0x1  }
0x13: {  	[smem:$0x3FB3] =	sst s0;
	s0 =	simm.s32 @!p1 $0x0  }
0x14: {  	s2 =	sld [smem:$0x3F97];
	s0 =	simm.s32 @p1 $0x1  }
0x15: {  	[smem:$0x3FB4] =	sst s0;
	s0 =	simm.s32 @!p2 $0x0  }
0x16: {  	s3 =	sld [smem:$0x3FDB];
	s0 =	simm.s32 @p2 $0x1  }
0x17: {  	s4 =	simm.s32 $0x1BF5;
	[smem:$0x3FB6] =	sst s0  }
0x18: {  	s0 =	sld [smem:$0x3F99];
	_ =	swait.ge [sflag:s4], $0x0  }
0x19: {  	s7 =	sld [smem:$0x3F9A]  }
0x1a: {  	s8 =	sadd.s32 $0xFFFFE003, lr  }
0x1b: {  	s9 =	sadd.s32 $0xFFFFFEF7, lr;
	s5 =	simm.s32 $0xFFFFFFFF;
	p2 =	slt.u32 s8, $0xFFFFF086  }
0x1c: {  	p1 =	slt.u32 s9, $0xF7A;
	s5 =	simm.s32 @!p2 $0x0  }
0x1d: {  	s5 =	simm.s32 @p1 $0x1;
	p0 =	seq.s32 s7, s2  }
0x1e: {  	s7 =	smul.u32 @!p0 $0xF7A, s2;
	p2 =	seq.s32 @!p0 s5, $0x0  }
0x1f: {  	s9 =	smul.u32 $0xF7A, s1;
	s8 =	simm.s32 @!p0 $0x1BF5;
	p2 =	por !p2, p0  }
0x20: {  	[sflag:s8] =	ssyncset.s32 @!p0 $0xFFFFF086;
	s6 =	sadd.s32 @!p0 s3, s7;
	s7 =	simm.s32 @!p0 $0x108  }
0x21: {  	s3 =	sadd.s32 s3, s9;
	s6 =	sadd.s32 @!p0 $0x88, s6;
	s7 =	simm.s32 @p2 $0x1082  }
0x22: {  	[simem:s7], [sflag:s8] =	dma.local @!p0 [hbm:s6], $0xF7A  }
0x23: {  	s9 =	sor.u32 $0xD0000000, s2;
	s6 =	simm.s32 $0x108;
	_ =	swait.ge @!p0 [sflag:s8], $0x0  }
0x24: {  	s3 =	sadd.s32 $0x88, s3;
	s6 =	simm.s32 @!p1 $0x1082;
	[sflag:s4] =	ssyncset.s32 $0xFFFFF086  }
0x25: {  	[simem:s6], [sflag:s4] =	dma.local [hbm:s3], $0xF7A  }
0x26: {  	[smem:$0x3F9A] =	sst s1;
	(tag) =	ssettag s2;
	_ =	strace s9  }
0x27: {  	s1 =	sld [smem:$0x3FAA]  }
0x28: {  	s2 =	sld [smem:$0x3FAB]  }
0x29: {  	s4 =	sld [smem:$0x3FAD]  }
0x2a: {  	p0 =	seq.s32 s5, $0x0;
	s5 =	sld [smem:$0x3FAE]  }
0x2b: {  	s6 =	sld [smem:$0x3FAF]  }
0x2c: {  	s7 =	sld [smem:$0x3FB0]  }
0x2d: {  	s3 =	simm.s32 $0x108;
	s8 =	sld [smem:$0x3FB1]  }
0x2e: {  	s3 =	simm.s32 @!p0 $0x1082;
	s9 =	sld [smem:$0x3FB2]  }
0x2f: {  	lr =	sadd.s32 s0, s3;
	s0 =	sld [smem:$0x3FA9]  }
0x30: {  	s3 =	sld [smem:$0x3FAC]  }
0x31: {  	[smem:$0x3FB5] =	sst s10  }
0x32: {  	s10 =	sld [smem:$0x3FB3];
	_ =	sdelay $0x3  }
0x33: {  	p0 =	seq.s32 s10, $0x1;
	s10 =	sld [smem:$0x3FB5];
	_ =	sdelay $0x3  }
0x34: {  	[smem:$0x3FB5] =	sst s10  }
0x35: {  	s10 =	sld [smem:$0x3FB4];
	_ =	sdelay $0x3  }
0x36: {  	p1 =	seq.s32 s10, $0x1;
	s10 =	sld [smem:$0x3FB5];
	_ =	sdelay $0x3  }
0x37: {  	[smem:$0x3FB5] =	sst s10  }
0x38: {  	s10 =	sld [smem:$0x3FB6]  }
0x39: {  	_ = 	snop;
	(pc) =	sbr.ind lr, $3  }
0x3a: {  	_ = 	snop  }
0x3b: {  	_ = 	snop  }
0x3c: {  	p2 =	seq.s32 s10, $0x1;
	s10 =	sld [smem:$0x3FB5]  }
0x3d: {  	_ =	shalt  }
0x3e: {  	_ =	shalt  }
0x3f: {  	_ =	shalt  }
0x40: {  	_ =	shalt  }
0x41: {  	_ =	shalt  }
0x42: {  	_ =	shalt  }
0x43: {  	_ =	shalt  }
0x44: {  	_ =	shalt  }
0x45: {  	_ =	shalt  }
0x46: {  	_ =	shalt  }
0x47: {  	_ =	shalt  }
0x48: {  	_ =	shalt  }
0x49: {  	_ =	shalt  }
0x4a: {  	_ =	shalt  }
0x4b: {  	_ =	shalt  }
0x4c: {  	_ =	shalt  }
0x4d: {  	_ =	shalt  }
0x4e: {  	_ =	shalt  }
0x4f: {  	_ =	shalt  }
0x50: {  	_ =	shalt  }
0x51: {  	_ =	shalt  }
0x52: {  	_ =	shalt  }
0x53: {  	_ =	shalt  }
0x54: {  	_ =	shalt  }
0x55: {  	_ =	shalt  }
0x56: {  	_ =	shalt  }
0x57: {  	_ =	shalt  }
0x58: {  	_ =	shalt  }
0x59: {  	_ =	shalt  }
0x5a: {  	_ =	shalt  }
0x5b: {  	_ =	shalt  }
0x5c: {  	_ =	shalt  }
0x5d: {  	_ =	shalt  }
0x5e: {  	_ =	shalt  }
0x5f: {  	_ =	shalt  }
0x60: {  	_ =	shalt  }
0x61: {  	_ =	shalt  }
0x62: {  	_ =	shalt  }
0x63: {  	_ =	shalt  }
0x64: {  	_ =	shalt  }
0x65: {  	_ =	shalt  }
0x66: {  	_ =	shalt  }
0x67: {  	_ =	shalt  }
0x68: {  	_ =	shalt  }
0x69: {  	_ =	shalt  }
0x6a: {  	_ =	shalt  }
0x6b: {  	_ =	shalt  }
0x6c: {  	_ =	shalt  }
0x6d: {  	_ =	shalt  }
0x6e: {  	_ =	shalt  }
0x6f: {  	_ =	shalt  }
0x70: {  	_ =	shalt  }
0x71: {  	_ =	shalt  }
0x72: {  	_ =	shalt  }
0x73: {  	_ =	shalt  }
0x74: {  	_ =	shalt  }
0x75: {  	_ =	shalt  }
0x76: {  	_ =	shalt  }
0x77: {  	_ =	shalt  }
0x78: {  	_ =	shalt  }
0x79: {  	_ =	shalt  }
0x7a: {  	_ =	shalt  }
0x7b: {  	_ =	shalt  }
0x7c: {  	_ =	shalt  }
0x7d: {  	_ =	shalt  }
0x7e: {  	_ =	shalt  }
0x7f: {  	_ =	shalt  }
0x80: {  	_ =	shalt  }
0x81: {  	_ =	shalt  }
0x82: {  	_ =	shalt  }
0x83: {  	_ =	shalt  }
0x84: {  	_ =	shalt  }
0x85: {  	_ =	shalt  }
0x86: {  	_ =	shalt  }
0x87: {  	_ =	shalt  }
.Lfunc_end0:
.L_simem_size_0:
called_computation.2_lowered:
.L_overlay_start_0:
0x88: {  	s2 =	sld [smem:$0x3FD9]  }
0x89: {  	s3 =	sld [smem:$0x3FFE];
	_ =	sdelay $0x1  }
0x8a: {  	s1 =	srdreg.scid  }
0x8b: {  	s0 =	sand.u32 $0x1, s1  }
0x8c: {  	s17 =	sshll.u32 s0, $0xA;
	s2 =	sadd.s32 s3, s2  }
0x8d: {  	s2 =	sadd.s32 s2, s17  }
0x8e: {  	[smem:$0x3FC1] =	sst s2  }
0x8f: {  	_ = 	snop  }
0x90: {  	s2 =	sld [smem:$0x3FD0];
	(tm) =	ssettm $0x1  }
0x91: {  	s18 =	sld [smem:$0x3FFB];
	_ =	sdelay $0x3  }
0x92: {  	_ =	strace s18  }
0x93: {  	s3 =	sld [smem:$0x3FFC];
	_ =	sdelay $0x3  }
0x94: {  	_ =	strace s3  }
0x95: {  	s3 =	sld [smem:$0x3FFD];
	_ =	sdelay $0x3  }
0x96: {  	_ =	strace s3  }
0x97: {  	_ =	strace $0x8FFFFFFF  }
0x98: {  	s19 =	sld [smem:$0x3FDB];
	_ =	sdelay $0x1  }
0x99: {  	s4 =	simm.s32 $_scs_section_size  }
0x9a: {  	s5 =	simm.s32 $_size__tile_overlayer_lowered;
	s6 =	simm.s32 $_tile_overlayer_lowered  }
0x9b: {  	s22 =	simm.s32 $0x1BFF;
	s21 =	sshll.u32 s6, $0x1;
	s3 =	sadd.s32 s4, s19  }
0x9c: {  	s7 =	simm.s32 $0x0;
	s20 =	sshll.u32 s5, $0x1;
	s5 =	sadd.s32 s21, s3  }
0x9d: {  	[timem:s7], [sflag:s22] =	dma.local [hbm:s5], s20  }
0x9e: {  	_ =	swait.ge [sflag:s22], s20  }
0x9f: {  	s4 =	ssub.s32 $0x0, s20;
	[sflag:s22] =	ssyncset.done $0x0  }
0xa0: {  	[sflag:s22] =	ssyncadd.s32 s4;
	_ =	sdelay $0x1  }
0xa1: {  	s23 =	simm.s32 $0x1B8B  }
0xa2: {  	_ =	swait.ge [sflag:s23], $0x1  }
0xa3: {  	[sflag:s23] =	ssyncset.done $0x0  }
0xa4: {  	s25 =	simm.s32 $0x1B8E;
	s24 =	sld [smem:$0x3FFE];
	[sflag:s23] =	ssyncadd.s32 $0xFFFFFFFF  }
0xa5: {  	s26 =	simm.s32 $execute0_lowered;
	[smem:$0x3FD2] =	sst s25  }
0xa6: {  	s5 =	sshll.u32 s26, $0x1;
	_ =	strace $0x8000004C;
	[dreg:$0x1] =	wrdreg $0xFFFFFFFF  }
0xa7: {  	s28 =	simm.s32 $_size_execute0_lowered;
	s3 =	sadd.s32 s3, s5;
	[dreg:$0x0] =	wrdreg $0x0  }
0xa8: {  	s5 =	sshll.u32 s28, $0x1;
	[dreg:$0x2] =	wrdreg s3  }
0xa9: {  	[dreg:$0x3] =	wrdreg s5  }
0xaa: {  	[dreg:$0x4] =	wrdreg $0xC0  }
0xab: {  	_ =	task [dreg:s7], $0x5FFFF  }
0xac: {  	[dreg:$0x1] =	wrdreg $0xFFFFFFFF  }
0xad: {  	[dreg:$0x0] =	wrdreg $0x60  }
0xae: {  	[dreg:$0x2] =	wrdreg s24  }
0xaf: {  	[dreg:$0x3] =	wrdreg s2  }
0xb0: {  	[dreg:$0x4] =	wrdreg $0x61000  }
0xb1: {  	[dreg:$0x5] =	wrdreg $0x9  }
0xb2: {  	_ =	task.clear_ibuf [dreg:s7], $0x6FFFF;
	_ =	strace $0x9000004C  }
0xb3: {  	s29 =	simm.s32 $0x9;
	_ =	strace $0x8000004E  }
0xb4: {  	_ =	swait.ge [sflag:s29], $0x1  }
0xb5: {  	[sflag:s29] =	ssyncadd.s32 $0xFFFFFFFF  }
0xb6: {  	_ =	strace $0x9000004E  }
0xb7: {  	_ =	sfence  }
0xb8: {  	s30 =	sld [smem:$0x0];
	_ =	sdelay $0x2  }
0xb9: {  	s31 =	sshll.u32 s1, $0xD;
	s1 =	sshrl.u32 s1, $0x2  }
0xba: {  	s3 =	sand.u32 $0x4000, s31;
	s1 =	sadd.s32 s1, s30  }
0xbb: {  	s0 =	sor.u32 s3, s0;
	s1 =	sshll.u32 s1, $0x11  }
0xbc: {  	s0 =	sor.u32 s1, s0  }
0xbd: {  	s0 =	sadd.s32 $0x8F2B, s0  }
0xbe: {  	[sflag:s0] =	ssyncadd.remote.s32 $0x1  }
0xbf: {  	_ =	sfence.sel $0xFFFF  }
0xc0: {  	[dreg:$0x0] =	wrdreg $0xFFFFFFFF;
	(pc) =	sbr.abs _section_cstart, $3  }
0xc1: {  	[dreg:$0x1] =	wrdreg $0xFFFFFFFF  }
0xc2: {  	_ =	task.clear_ibuf [dreg:s7], $0x2FFFF;
	_ =	strace $0x9FFFFFFF  }
0xc3: {  	(tm) =	ssettm $0x7FFFFFFF  }
tec
execute0_lowered:
.L_overlay_start_1:
0x0: {  	(tag) =	ssettag $0x1  }
0x1: {  	s0 =	rddreg [dreg:$0x0]  }
0x2: {  	s2 =	rddreg [dreg:$0x2];
	s1 =	simm.s32 $0x0  }
0x3: {  	s12 =	srdreg.scid;
	[smem:$0x7FF] =	sst s1;
	s8 =	sadd.s32 $0x3600, s0  }
0x4: {  	s9 =	sadd.s32 $0x1CA00, s0;
	_ =	strace $0x8000004D;
	[dreg:$0x6] =	wrdreg s8  }
0x5: {  	s4 =	stileid.u32;
	s10 =	sadd.s32 $0x35A00, s0;
	[dreg:$0x7] =	wrdreg s9  }
0x6: {  	s11 =	sadd.s32 $0xF9600, s0;
	s3 =	sadd.s32 $0x15B200, s0;
	[dreg:$0x8] =	wrdreg s10  }
0x7: {  	s13 =	smul.u32 $0x62000, s4;
	s0 =	sadd.s32 $0xF9200, s0;
	[dreg:$0x9] =	wrdreg s3  }
0x8: {  	s6 =	smul.u32 $0x620, s4;
	[dreg:$0xa] =	wrdreg s0  }
0x9: {  	s16 =	smul.u32 $0xC800, s4;
	[dreg:$0x5] =	wrdreg s11  }
0xa: {  	s1 =	sand.u32 $0x1, s12;
	s19 =	smul.u32 $0x25, s4;
	[dreg:$0xc] =	wrdreg s6  }
0xb: {  	s5 =	smul.u32 $0x61A8, s1;
	[dreg:$0xe] =	wrdreg s16  }
0xc: {  	s14 =	ssub.s32 $0x2, s1;
	s3 =	sshrl.u32 s13, $0x2;
	[dreg:$0x10] =	wrdreg s19  }
0xd: {  	s15 =	sshrl.u32 s14, $0x1;
	s2 =	sadd.s32 s3, s2;
	[dreg:$0xb] =	wrdreg s5  }
0xe: {  	s0 =	ssub.s32 s14, s15;
	s18 =	sadd.s32 $0x18000, s2;
	[dreg:$0xd] =	wrdreg s2  }
0xf: {  	s0 =	smax.u32 s0, $0x1;
	[dreg:$0xf] =	wrdreg s18  }
0x10: {  	s20 =	sadd.s32 $0x2000, s2;
	[dreg:$0x11] =	wrdreg s0  }
0x11: {  	s21 =	sadd.s32 $0x4000, s2;
	[dreg:$0x12] =	wrdreg s20  }
0x12: {  	s22 =	sadd.s32 $0x6000, s2;
	[dreg:$0x13] =	wrdreg s21  }
0x13: {  	v2 =	vimm.s32 $0xECA86420;
	s23 =	sadd.s32 $0x8000, s2;
	[dreg:$0x14] =	wrdreg s22  }
0x14: {  	v3 =	vlaneseq.u32;
	vm0 =	vcmask $0xB08;
	vm1 =	vcmask $0x1310;
	s24 =	sadd.s32 $0xA000, s2;
	[dreg:$0x15] =	wrdreg s23  }
0x15: {  	vm2 =	vcmask $0x1B18;
	vm3 =	vcmask $0x300;
	vm4 =	vcmask $0x2320;
	s25 =	sadd.s32 $0xC000, s2;
	[dreg:$0x16] =	wrdreg s24  }
0x16: {  	vm5 =	vcmask $0x2B28;
	vm6 =	vcmask $0x3330;
	vm7 =	vcmask $0x3B38;
	s26 =	sadd.s32 $0xE000, s2;
	[dreg:$0x17] =	wrdreg s25  }
0x17: {  	vm8 =	vmmov $0xff;
	vm12 =	vcmask $0x1F1C;
	vm13 =	vcmask $0x2724;
	s12 =	simm.s32 $0x4;
	s28 =	sadd.s32 $0x10000, s2;
	[dreg:$0x18] =	wrdreg s26  }
0x18: {  	vm14 =	vcmask $0x2F2C;
	vm15 =	vcmask $0x3734;
	v4 =	vunpack.c.l.s4.s8 v2;
	s1 =	simm.s32 $0x0;
	s29 =	sadd.s32 $0x12000, s2;
	[dreg:$0x19] =	wrdreg s28  }
0x19: {  	v2 =	vimm.s32 $0x0;
	v5 =	vmul.u32 $0x2, v3;
	v7 =	vshrl.u32 v3, $0x3;
	s17 =	sadd.s32 $0x61A8, s5;
	s30 =	sadd.s32 $0x14000, s2;
	[dreg:$0x1a] =	wrdreg s29  }
0x1a: {  	v6 =	vadd.s32 $0x61A8, v3;
	v8 =	vand.u32 $0x7, v3;
	v0 =	vmov s5;
	s5 =	simm.s32 $0x2100;
	s31 =	sadd.s32 $0x16000, s2;
	[dreg:$0x1b] =	wrdreg s30  }
0x1b: {  	v7 =	vmul.u32 $0x8, v7;
	v4 =	vunpack.c.0.s8.s32 v4;
	v1 =	vmov s17;
	[dreg:$0x1c] =	wrdreg s31;
	s24 =	simm.s32 $0x1000;
	s25 =	simm.s32 $0x1880  }
.LBB2_1:
0x1c: {  	[dreg:$0x1d] =	wrdreg s1  }
0x1d: {  	s0 =	simm.s32 $0x0;
	s15 =	rddreg [dreg:$0xa]  }
0x1e: {  	[tilespmem:s5], [sflag:$0x4] =	stream.linear.gather [hbm4b:s15+s0], $0x2000, $0x38;
	[tilespmem:$0x1E900] =	vst v63  }
0x1f: {  	_ =	swait.ge [sflag:s12], $0x2000  }
0x20: {  	[sflag:s12] =	ssyncset.done $0x0  }
0x21: {  	s16 =	rddreg [dreg:$0xd];
	[sflag:s12] =	ssyncadd.s32 $0xFFFFE000  }
0x22: {  	[spmem:s16] =	stream.linear.scatter [tilespmem:s5], [sflag:$0x4], $0x2000, $0x38;
	[tilespmem:$0x1E900] =	vst v63  }
0x23: {  	_ =	swait.ge [sflag:s12], $0x2000  }
0x24: {  	[sflag:s12] =	ssyncset.done $0x0  }
0x25: {  	s17 =	rddreg [dreg:$0x12];
	[sflag:s12] =	ssyncadd.s32 $0xFFFFE000  }
0x26: {  	[spmem:s17] =	stream.linear.scatter [tilespmem:s5], [sflag:$0x4], $0x2000, $0x38;
	[tilespmem:$0x1E900] =	vst v63  }
0x27: {  	_ =	swait.ge [sflag:s12], $0x2000  }
0x28: {  	[sflag:s12] =	ssyncset.done $0x0  }
0x29: {  	s18 =	rddreg [dreg:$0x13];
	[sflag:s12] =	ssyncadd.s32 $0xFFFFE000  }
0x2a: {  	[spmem:s18] =	stream.linear.scatter [tilespmem:s5], [sflag:$0x4], $0x2000, $0x38;
	[tilespmem:$0x1E900] =	vst v63  }
0x2b: {  	_ =	swait.ge [sflag:s12], $0x2000  }
0x2c: {  	[sflag:s12] =	ssyncset.done $0x0  }
0x2d: {  	s19 =	rddreg [dreg:$0x14];
	[sflag:s12] =	ssyncadd.s32 $0xFFFFE000  }
0x2e: {  	[spmem:s19] =	stream.linear.scatter [tilespmem:s5], [sflag:$0x4], $0x2000, $0x38;
	[tilespmem:$0x1E900] =	vst v63  }
0x2f: {  	_ =	swait.ge [sflag:s12], $0x2000  }
0x30: {  	[sflag:s12] =	ssyncset.done $0x0  }
0x31: {  	s20 =	rddreg [dreg:$0x15];
	[sflag:s12] =	ssyncadd.s32 $0xFFFFE000  }
0x32: {  	[spmem:s20] =	stream.linear.scatter [tilespmem:s5], [sflag:$0x4], $0x2000, $0x38;
	[tilespmem:$0x1E900] =	vst v63  }
0x33: {  	_ =	swait.ge [sflag:s12], $0x2000  }
0x34: {  	[sflag:s12] =	ssyncset.done $0x0  }
0x35: {  	s21 =	rddreg [dreg:$0x16];
	[sflag:s12] =	ssyncadd.s32 $0xFFFFE000  }
0x36: {  	[spmem:s21] =	stream.linear.scatter [tilespmem:s5], [sflag:$0x4], $0x2000, $0x38;
	[tilespmem:$0x1E900] =	vst v63  }
0x37: {  	_ =	swait.ge [sflag:s12], $0x2000  }
0x38: {  	[sflag:s12] =	ssyncset.done $0x0  }
0x39: {  	s22 =	rddreg [dreg:$0x17];
	[sflag:s12] =	ssyncadd.s32 $0xFFFFE000  }
0x3a: {  	[spmem:s22] =	stream.linear.scatter [tilespmem:s5], [sflag:$0x4], $0x2000, $0x38;
	[tilespmem:$0x1E900] =	vst v63  }
0x3b: {  	_ =	swait.ge [sflag:s12], $0x2000  }
0x3c: {  	[sflag:s12] =	ssyncset.done $0x0  }
0x3d: {  	s23 =	rddreg [dreg:$0x18];
	[sflag:s12] =	ssyncadd.s32 $0xFFFFE000  }
0x3e: {  	[spmem:s23] =	stream.linear.scatter [tilespmem:s5], [sflag:$0x4], $0x2000, $0x38;
	[tilespmem:$0x1E900] =	vst v63  }
0x3f: {  	_ =	swait.ge [sflag:s12], $0x2000  }
0x40: {  	[sflag:s12] =	ssyncset.done $0x0  }
0x41: {  	s26 =	rddreg [dreg:$0x19];
	[sflag:s12] =	ssyncadd.s32 $0xFFFFE000  }
0x42: {  	[spmem:s26] =	stream.linear.scatter [tilespmem:s5], [sflag:$0x4], $0x2000, $0x38;
	[tilespmem:$0x1E900] =	vst v63  }
0x43: {  	_ =	swait.ge [sflag:s12], $0x2000  }
0x44: {  	[sflag:s12] =	ssyncset.done $0x0  }
0x45: {  	s28 =	rddreg [dreg:$0x1a];
	[sflag:s12] =	ssyncadd.s32 $0xFFFFE000  }
0x46: {  	[spmem:s28] =	stream.linear.scatter [tilespmem:s5], [sflag:$0x4], $0x2000, $0x38;
	[tilespmem:$0x1E900] =	vst v63  }
0x47: {  	_ =	swait.ge [sflag:s12], $0x2000  }
0x48: {  	[sflag:s12] =	ssyncset.done $0x0  }
0x49: {  	s29 =	rddreg [dreg:$0x1b];
	[sflag:s12] =	ssyncadd.s32 $0xFFFFE000  }
0x4a: {  	[spmem:s29] =	stream.linear.scatter [tilespmem:s5], [sflag:$0x4], $0x2000, $0x38;
	[tilespmem:$0x1E900] =	vst v63  }
0x4b: {  	_ =	swait.ge [sflag:s12], $0x2000  }
0x4c: {  	[sflag:s12] =	ssyncset.done $0x0  }
0x4d: {  	s30 =	rddreg [dreg:$0x1c];
	[sflag:s12] =	ssyncadd.s32 $0xFFFFE000  }
0x4e: {  	[spmem:s30] =	stream.linear.scatter [tilespmem:s5], [sflag:$0x4], $0x2000, $0x38;
	[tilespmem:$0x1E900] =	vst v63  }
0x4f: {  	_ =	swait.ge [sflag:s12], $0x2000  }
0x50: {  	[sflag:s12] =	ssyncset.done $0x0  }
0x51: {  	s31 =	rddreg [dreg:$0xf];
	[sflag:s12] =	ssyncadd.s32 $0xFFFFE000  }
0x52: {  	[spmem:s31] =	stream.linear.scatter [tilespmem:s5], [sflag:$0x4], $0x800, $0x38;
	[tilespmem:$0x1E900] =	vst v63  }
.Ltmp0:
0x53: {  	_ =	swait.ge [sflag:s12], $0x800;
	(pc) =	sbr.rel .LBB2_2-.Ltmp0, $4  }
0x54: {  	[sflag:s12] =	ssyncset.done $0x0  }
0x55: {  	[sflag:s12] =	ssyncadd.s32 $0xFFFFF800  }
0x56: {  	[bflag:$0x0] =	sbarrier.arrive $0xFFFF  }
0x57: {  	s2 =	simm.s32 $0x0  }
.LBB2_19:
0x58: {  	s0 =	sand.u32 $0x1, s8  }
0x59: {  	s1 =	simm.s32 $0x2;
	p1 =	seq.s32 s0, $0x1;
	s0 =	simm.s32 $0x3  }
0x5a: {  	s5 =	simm.s32 $0x2100;
	s1 =	simm.s32 @!p1 $0x3;
	s0 =	simm.s32 @!p1 $0x2  }
.LBB2_20:
0x5b: {  	_ =	swait.ge [sflag:s1], $0x2000  }
0x5c: {  	[sflag:s1] =	ssyncset.done $0x0  }
0x5d: {  	[sflag:s1] =	ssyncadd.s32 $0xFFFFE000  }
0x5e: {  	_ =	swait.ge @!p0 [sflag:s0], $0x2000  }
0x5f: {  	[sflag:s0] =	ssyncset.done @!p0 $0x0  }
0x60: {  	[sflag:s0] =	ssyncadd.s32 @!p0 $0xFFFFE000  }
.LBB2_21:
0x61: {  	s2 =	rddreg [dreg:$0x1e]  }
0x62: {  	s2 =	sadd.s32 $0x1, s2  }
0x63: {  	p0 =	sne.s32 s2, $0x19  }
.Ltmp1:
0x64: {  	_ = 	snop;
	(pc) =	sbr.rel @!p0 .LBB2_22-.Ltmp1, $1  }
0x65: {  	_ =	sdelay $0x3  }
.LBB2_2:
0x66: {  	s0 =	sshll.u32 s2, $0xB;
	s1 =	rddreg [dreg:$0xe]  }
0x67: {  	s0 =	sadd.s32 s1, s0  }
0x68: {  	s29 =	rddreg [dreg:$0x6];
	s0 =	sshrl.u32 s0, $0x3  }
0x69: {  	s3 =	simm.s32 $0x0;
	s1 =	sadd.s32 s29, s0  }
0x6a: {  	[tilespmem:s3], [sflag:$0x4] =	stream.linear.gather [hbm4b:s1+s3], $0x800, $0x38;
	[tilespmem:$0x1E900] =	vst v63  }
0x6b: {  	_ =	swait.ge [sflag:s12], $0x800  }
0x6c: {  	[sflag:s12] =	ssyncset.done $0x0;
	s30 =	rddreg [dreg:$0x7]  }
0x6d: {  	s31 =	simm.s32 $0x800;
	[sflag:s12] =	ssyncadd.s32 $0xFFFFF800;
	s0 =	sadd.s32 s30, s0  }
0x6e: {  	[tilespmem:s31], [sflag:$0x4] =	stream.linear.gather [hbm4b:s0+s3], $0x800, $0x38;
	[tilespmem:$0x1E900] =	vst v63  }
0x6f: {  	_ =	swait.ge [sflag:s12], $0x800  }
0x70: {  	[sflag:s12] =	ssyncset.done $0x0  }
0x71: {  	s13 =	simm.s32 $0x0;
	[sflag:s12] =	ssyncadd.s32 $0xFFFFF800  }
0x72: {  	v11 =	vimm.s32 $0x0;
	v10 =	vimm.s32 $0x0;
	s0 =	simm.s32 $0x40;
	v9 =	vld [tilespmem:s13+$0x800]  }
.LBB2_3:
0x73: {  	p0 =	sne.s32 s0, $0x1FC0;
	_ =	sdelay $0x3  }
0x74: {  	vm9 =	vge.s32 v9, v0;
	vm10 =	vlt.s32 v9, v1  }
0x75: {  	vm9 =	vmand vm9, vm10  }
0x76: {  	v12 =	vsel vm9, $0x1, v2;
	v13 =	vmpcnt.ones.xlane vm9  }
0x77: {  	(xrf0) =	vadd.scan.msk.s32 $0xffff, v12  }
0x78: {  	v11 =	vadd.s32 v11, v13;
	_ =	sdelay $0x4  }
0x79: {  	v12, _, _ =	vpop (xrf0)  }
0x7a: {  	v12 =	vadd.s32 v12, v10;
	v10 =	vmov v11  }
0x7b: {  	v13 =	vld [tilespmem:s13+$0x0];
	v12 =	vadd.s32 $0xFFFFFFFF, v12;
	_ =	sdelay $0x2  }
.Ltmp2:
0x7c: {  	(pc) =	sbr.rel @p0 .LBB2_3-.Ltmp2, $4  }
0x7d: {  	_ = 	snop  }
0x7e: {  	v9 =	vsub.s32 v9, v0;
	[tilespmem:v12+s24+$0x0] =	vst.idx.msk vm9, v13  }
0x7f: {  	s13 =	sshra.s32 s0, $0x2;
	[tilespmem:v12+s25+$0x0] =	vst.idx.msk vm9, v9  }
0x80: {  	s0 =	sadd.s32 $0x40, s0;
	v9 =	vld [tilespmem:s13+$0x800]  }
0x81: {  	_ =	sdelay $0x3  }
0x82: {  	vm9 =	vge.s32 v9, v0;
	vm10 =	vlt.s32 v9, v1  }
0x83: {  	vm11 =	vmand vm9, vm10  }
0x84: {  	v12 =	vmpcnt.ones.xlane vm11;
	_ =	sdelay $0x1  }
0x85: {  	v13 =	vadd.s32 v11, v12  }
0x86: {  	v11 =	vbroadcast v13, $0x0  }
0x87: {  	s0 =	rddreg [dreg:$0x10]  }
0x88: {  	s0 =	sadd.s32 s0, s2;
	v11 =	vadd.s32 v3, v11  }
0x89: {  	v58 =	vadd.s32 s0, v11  }
0x8a: {  	v12 =	vmul.u32 $0x31D, v58  }
0x8b: {  	(v2sf) =	vpush v13, $0x0  }
0x8c: {  	(v2sf) =	vpush v12, $0xD;
	_ =	sdelay $0x1  }
0x8d: {  	(v2sf) =	vpush v12, $0xC;
	_ =	sdelay $0x1  }
0x8e: {  	(v2sf) =	vpush v12, $0xE;
	_ =	sdelay $0x1  }
0x8f: {  	(v2sf) =	vpush v12, $0xF;
	_ =	sdelay $0x1  }
0x90: {  	(v2sf) =	vpush v12, $0x9;
	_ =	sdelay $0x1  }
0x91: {  	(v2sf) =	vpush v12, $0x8;
	_ =	sdelay $0x1  }
0x92: {  	(v2sf) =	vpush v12, $0xA;
	_ =	sdelay $0x1  }
0x93: {  	(v2sf) =	vpush v12, $0xB;
	s3 =	spop (v2sf)  }
0x94: {  	s26 =	spop (v2sf)  }
0x95: {  	s10 =	smov.u32 s0;
	(v2sf) =	vpush v12, $0x0;
	s6 =	smulhi.u32 $0x14F8B589, s26;
	s0 =	sshra.s32 s26, $0x1F  }
0x96: {  	s7 =	spop (v2sf);
	s0 =	smul.u32 $0x14F8B589, s0  }
0x97: {  	(v2sf) =	vpush v12, $0x1;
	s8 =	smulhi.u32 $0x14F8B589, s7;
	s7 =	sshra.s32 s7, $0x1F  }
0x98: {  	s9 =	spop (v2sf);
	s11 =	smul.u32 $0x14F8B589, s7  }
0x99: {  	(v2sf) =	vpush v12, $0x2;
	s12 =	smulhi.u32 $0x14F8B589, s9;
	s28 =	sshra.s32 s9, $0x1F  }
0x9a: {  	s29 =	spop (v2sf);
	s14 =	smul.u32 $0x14F8B589, s28  }
0x9b: {  	s16 =	smulhi.u32 $0x14F8B589, s29;
	s30 =	sshra.s32 s29, $0x1F  }
0x9c: {  	(v2sf) =	vpush v12, $0x3;
	s31 =	spop (v2sf);
	s19 =	smul.u32 $0x14F8B589, s30  }
0x9d: {  	(v2sf) =	vpush v12, $0x4;
	s20 =	smulhi.u32 $0x14F8B589, s31;
	s9 =	sshra.s32 s31, $0x1F  }
0x9e: {  	(v2sf) =	vpush v12, $0x5;
	s1 =	spop (v2sf);
	s9 =	smul.u32 $0x14F8B589, s9  }
0x9f: {  	[dreg:$0x1e] =	wrdreg s2;
	(v2sf) =	vpush v12, $0x6;
	s22 =	smulhi.u32 $0x14F8B589, s1;
	s7 =	sshra.s32 s1, $0x1F  }
0xa0: {  	p6 =	slt.s32 s3, $0x1;
	(v2sf) =	vpush v12, $0x7;
	s18 =	spop (v2sf);
	s25 =	smul.u32 $0x14F8B589, s7  }
0xa1: {  	s11 =	sadd.s32 s11, s8;
	s28 =	smulhi.u32 $0x14F8B589, s18;
	s2 =	sshra.s32 s18, $0x1F  }
0xa2: {  	s21 =	spop (v2sf);
	s7 =	sadd.s32 s0, s6;
	s30 =	smul.u32 $0x14F8B589, s2  }
0xa3: {  	s6 =	sadd.s32 s14, s12;
	s2 =	smulhi.u32 $0x14F8B589, s21;
	s4 =	sshra.s32 s21, $0x1F  }
0xa4: {  	s0 =	sadd.s32 s19, s16;
	s24 =	spop (v2sf);
	s15 =	smul.u32 $0x14F8B589, s4  }
0xa5: {  	s14 =	sadd.s32 s9, s20;
	s23 =	smulhi.u32 $0x14F8B589, s24;
	s24 =	sshra.s32 s24, $0x1F  }
0xa6: {  	s20 =	sshrl.u32 s11, $0x1F;
	s26 =	spop (v2sf);
	s24 =	smul.u32 $0x14F8B589, s24  }
0xa7: {  	s11 =	sshra.s32 s11, $0xC;
	s1 =	smulhi.u32 $0x14F8B589, s26;
	s8 =	sshra.s32 s26, $0x1F  }
0xa8: {  	s29 =	spop (v2sf);
	s26 =	sshrl.u32 s7, $0x1F;
	s4 =	smul.u32 $0x14F8B589, s8  }
0xa9: {  	s12 =	sadd.s32 s30, s28;
	s7 =	sshra.s32 s7, $0xC;
	s19 =	smulhi.u32 $0x14F8B589, s29  }
0xaa: {  	v59 =	vmov s20;
	s16 =	sshra.s32 s29, $0x1F;
	s8 =	sadd.s32 s15, s2;
	s20 =	sshrl.u32 s12, $0x1F  }
0xab: {  	s9 =	smul.u32 $0x14F8B589, s16;
	s16 =	sadd.s32 s25, s22;
	s17 =	spop (v2sf)  }
0xac: {  	s15 =	sadd.s32 s24, s23;
	s24 =	sshrl.u32 s6, $0x1F;
	s21 =	spop (v2sf)  }
0xad: {  	s22 =	smulhi.u32 $0x14F8B589, s17;
	s17 =	sshra.s32 s17, $0x1F;
	s31 =	spop (v2sf)  }
0xae: {  	s6 =	sshra.s32 s6, $0xC;
	s29 =	smul.u32 $0x14F8B589, s17;
	s18 =	spop (v2sf)  }
0xaf: {  	s1 =	sadd.s32 s4, s1;
	s30 =	smulhi.u32 $0x14F8B589, s21;
	s25 =	spop (v2sf)  }
0xb0: {  	s4 =	sshrl.u32 s16, $0x1F;
	s28 =	smulhi.u32 $0x14F8B589, s25;
	s23 =	sshra.s32 s25, $0x1F  }
0xb1: {  	v13 =	vsel vm0, s26, v59;
	s26 =	sshrl.u32 s15, $0x1F;
	s21 =	sshra.s32 s21, $0x1F;
	s23 =	smul.u32 $0x14F8B589, s23  }
0xb2: {  	s19 =	sadd.s32 s9, s19;
	s21 =	smul.u32 $0x14F8B589, s21;
	s2 =	sadd.s32 s29, s22  }
0xb3: {  	s22 =	sshrl.u32 s14, $0x1F;
	s25 =	sshrl.u32 s0, $0x1F;
	s9 =	sadd.s32 s23, s28  }
0xb4: {  	v15 =	vmov s26;
	s17 =	sadd.s32 s21, s30;
	s21 =	sshrl.u32 s8, $0x1F;
	s29 =	sshra.s32 s9, $0x1F  }
0xb5: {  	v15 =	vnsel vm3, $0x0, v15;
	s30 =	sshra.s32 s15, $0xC;
	s28 =	sshrl.u32 s1, $0x1F;
	s23 =	smulhi.u32 $0x14F8B589, s31;
	v14 =	vmov s29  }
0xb6: {  	vm10 =	vcmask $0x704;
	s15 =	sshra.s32 s15, $0x1F;
	s0 =	sshra.s32 s0, $0xC;
	v15 =	vsel vm0, s28, v15;
	s28 =	smulhi.u32 $0x14F8B589, s18;
	v14 =	vsel vm3, s30, v14  }
0xb7: {  	vm9 =	vcmask $0xF0C;
	v16 =	vmov s4;
	s18 =	sshra.s32 s18, $0x1F;
	s29 =	sshra.s32 s31, $0x1F;
	s30 =	sshra.s32 s1, $0xC;
	v14 =	vsel vm10, s15, v14  }
0xb8: {  	v13 =	vsel vm1, s24, v13;
	v16 =	vsel vm0, s22, v16;
	s31 =	sshrl.u32 s19, $0x1F;
	s24 =	smul.u32 $0x14F8B589, s29;
	s1 =	sshra.s32 s1, $0x1F;
	v14 =	vsel vm0, s30, v14  }
0xb9: {  	v16 =	vsel vm1, s20, v16;
	s29 =	sshra.s32 s19, $0xC;
	v15 =	vsel vm1, s31, v15;
	s31 =	smul.u32 $0x14F8B589, s18;
	s18 =	sadd.s32 $0x7F, s3;
	v14 =	vsel vm9, s1, v14  }
0xba: {  	s22 =	sshrl.u32 s17, $0x1F;
	v16 =	vsel vm2, s21, v16;
	s19 =	sshra.s32 s19, $0x1F;
	s21 =	sshra.s32 s18, $0x1F;
	vm9 =	vcmask $0x1714;
	v14 =	vsel vm1, s29, v14  }
0xbb: {  	v17 =	vsel vm11, $0x1, v2;
	p0 =	slt.s32 s18, $0x1;
	s20 =	sadd.s32 s24, s23;
	s23 =	sshra.s32 s2, $0xC;
	v14 =	vsel vm9, s19, v14  }
0xbc: {  	v60 =	vmov s11;
	v13 =	vsel vm2, s25, v13;
	s30 =	sshrl.u32 s2, $0x1F;
	s4 =	sadd.s32 s31, s28;
	s2 =	sshra.s32 s2, $0x1F;
	v14 =	vsel vm2, s23, v14  }
0xbd: {  	v13 =	vcombine.low v16, v13;
	s28 =	sshra.s32 s17, $0xC;
	s31 =	sshra.s32 s14, $0xC;
	v15 =	vsel vm2, s30, v15;
	s26 =	sshrl.u32 s20, $0x1F;
	v14 =	vsel vm12, s2, v14  }
0xbe: {  	v16 =	vsel vm0, s7, v60;
	s15 =	sshrl.u32 s4, $0x1F;
	s30 =	sshra.s32 s17, $0x1F;
	v15 =	vsel vm4, s22, v15;
	s29 =	sshra.s32 s16, $0xC;
	v14 =	vsel vm4, s28, v14  }
0xbf: {  	(xrf0) =	vadd.scan.msk.s32 $0xffff, v17;
	s14 =	sshra.s32 s20, $0xC;
	s1 =	sshra.s32 s20, $0x1F;
	s17 =	sshra.s32 s4, $0xC;
	v15 =	vsel vm5, s26, v15;
	v61 =	vmov s29;
	v14 =	vsel vm13, s30, v14  }
0xc0: {  	s20 =	sshra.s32 s4, $0x1F;
	s26 =	sand.u32 $0x7F, s18;
	v15 =	vsel vm6, s15, v15;
	v17 =	vsel vm0, s31, v61;
	s15 =	sshra.s32 s12, $0xC;
	v14 =	vsel vm5, s14, v14  }
0xc1: {  	v16 =	vsel vm1, s6, v16;
	s16 =	sshra.s32 s8, $0xC;
	s22 =	sshra.s32 s9, $0xC;
	p1 =	sne.s32 s26, $0x0;
	v17 =	vsel vm1, s15, v17;
	v14 =	vsel vm14, s1, v14  }
0xc2: {  	v16 =	vsel vm2, s0, v16;
	s19 =	sshrl.u32 s9, $0x1F;
	s29 =	sshra.s32 s3, $0x1F;
	p0 =	por !p0, !p1;
	v17 =	vsel vm2, s16, v17;
	v14 =	vsel vm6, s17, v14  }
0xc3: {  	v15 =	vsel vm7, s19, v15;
	s2 =	simm.s32 $0x1;
	s28 =	sand.u32 $0xF, s3;
	p0 =	por !p0, !p0;
	v16 =	vcombine.low v17, v16;
	v14 =	vsel vm15, s20, v14  }
0xc4: {  	v13 =	vperm.xlane v13, v4;
	v15 =	vperm.xlane v15, v5;
	p2 =	sne.s32 s28, $0x0;
	s2 =	simm.s32 @!p0 $0x0;
	s1 =	sshrl.u32 s21, $0x19;
	v14 =	vsel vm7, s22, v14  }
0xc5: {  	v62, _, _ =	vpop (xrf0);
	p1 =	por !p6, !p2;
	v16 =	vperm.xlane v16, v4;
	s23 =	sadd.s32 s1, s18;
	s1 =	sshrl.u32 s29, $0x1C;
	v14 =	vperm.xlane v14, v5  }
0xc6: {  	v10 =	vadd.s32 v62, v10;
	p1 =	por !p1, !p1;
	s1 =	sadd.s32 s1, s3;
	s3 =	simm.s32 $0x1  }
0xc7: {  	v63 =	vld [tilespmem:s13+$0x0];
	v10 =	vadd.s32 $0xFFFFFFFF, v10;
	v13 =	vsel vm8, v15, v13;
	s0 =	sshra.s32 s23, $0x7;
	s1 =	sshra.s32 s1, $0x4;
	s3 =	simm.s32 @!p1 $0x0;
	v14 =	vsel vm8, v14, v16  }
0xc8: {  	s8 =	ssub.s32 s0, s2;
	s30 =	ssub.s32 s1, s3;
	v13 =	vadd.s32 v13, v14  }
0xc9: {  	s31 =	sshll.u32 s8, $0x3;
	s0 =	sadd.s32 $0x1, s30;
	v13 =	vmul.u32 $0xC350, v13  }
0xca: {  	p0 =	sge.s32 s0, s31  }
.Ltmp3:
0xcb: {  	s24 =	simm.s32 $0x1000;
	v12 =	vsub.s32 v12, v13;
	(pc) =	sbr.rel @p0 .LBB2_12-.Ltmp3, $4  }
0xcc: {  	v9 =	vsub.s32 v9, v0;
	s25 =	simm.s32 $0x1880;
	[tilespmem:v10+s24+$0x0] =	vst.idx.msk vm11, v63;
	vm9 =	vlt.s32 v12, $0x0;
	v13 =	vadd.s32 $0xC350, v12  }
0xcd: {  	[tilespmem:v10+s25+$0x0] =	vst.idx.msk vm11, v9;
	v9 =	vsel vm9, v13, v12  }
0xce: {  	[tilespmem:v11+s24+$0x0] =	vst.idx.msk $0xffff, v9  }
0xcf: {  	[dreg:$0x4] =	wrdreg s31;
	[tilespmem:v11+s25+$0x0] =	vst.idx.msk $0xffff, v6  }
0xd0: {  	v12 =	vmov s10;
	s1 =	sshll.u32 s0, $0x4  }
0xd1: {  	v9 =	vadd.s32 s1, v12  }
0xd2: {  	v9 =	vadd.s32 v3, v9  }
0xd3: {  	s5 =	sadd.s32 $0x1, s0;
	s31 =	rddreg [dreg:$0x4];
	v10 =	vmul.u32 $0x31D, v9  }
0xd4: {  	p1 =	slt.s32 s5, s31  }
.Ltmp4:
0xd5: {  	(v2sf) =	vpush v10, $0x2;
	(pc) =	sbr.rel @!p1 .LBB2_6-.Ltmp4, $4  }
0xd6: {  	(v2sf) =	vpush v10, $0x1  }
0xd7: {  	v9 =	vmov s1;
	(v2sf) =	vpush v10, $0x0  }
0xd8: {  	v9 =	vand.u32 $0xFFFFFFF8, v9;
	(v2sf) =	vpush v10, $0x7  }
0xd9: {  	[dreg:$0x1f] =	wrdreg s8;
	p0 =	por $0x0, $0x0;
	v9 =	vor.u32 v7, v9;
	(v2sf) =	vpush v10, $0x3  }
0xda: {  	_ =	sdelay $0x3  }
0xdb: {  	(v2sf) =	vpush v10, $0x4  }
0xdc: {  	(v2sf) =	vpush v10, $0xC  }
0xdd: {  	(v2sf) =	vpush v10, $0x8;
	_ =	sdelay $0x1  }
0xde: {  	(v2sf) =	vpush v10, $0xD;
	_ =	sdelay $0x1  }
0xdf: {  	s2 =	spop (v2sf)  }
0xe0: {  	(v2sf) =	vpush v10, $0x9;
	s3 =	spop (v2sf);
	s4 =	smulhi.u32 $0x14F8B589, s2  }
0xe1: {  	s2 =	sshra.s32 s2, $0x1F;
	s7 =	smulhi.u32 $0x14F8B589, s3  }
0xe2: {  	s3 =	sshra.s32 s3, $0x1F;
	s2 =	smul.u32 $0x14F8B589, s2  }
0xe3: {  	s6 =	spop (v2sf);
	s3 =	smul.u32 $0x14F8B589, s3  }
0xe4: {  	s8 =	spop (v2sf);
	s31 =	smulhi.u32 $0x14F8B589, s6  }
0xe5: {  	s28 =	sadd.s32 $0x10, s1;
	s9 =	sshra.s32 s6, $0x1F;
	s11 =	smulhi.u32 $0x14F8B589, s8  }
0xe6: {  	(v2sf) =	vpush v10, $0x6;
	s8 =	sshra.s32 s8, $0x1F;
	s20 =	spop (v2sf);
	s9 =	smul.u32 $0x14F8B589, s9  }
0xe7: {  	(v2sf) =	vpush v10, $0xA;
	s2 =	sadd.s32 s2, s4;
	s8 =	smul.u32 $0x14F8B589, s8;
	s12 =	sshra.s32 s20, $0x1F  }
0xe8: {  	(v2sf) =	vpush v10, $0xE;
	s13 =	spop (v2sf);
	s3 =	sadd.s32 s3, s7;
	s1 =	smulhi.u32 $0x14F8B589, s20  }
0xe9: {  	(v2sf) =	vpush v10, $0xB;
	s14 =	sshra.s32 s13, $0x1F;
	s21 =	smul.u32 $0x14F8B589, s12;
	s16 =	spop (v2sf)  }
0xea: {  	s19 =	sshra.s32 s2, $0xC;
	s14 =	smul.u32 $0x14F8B589, s14;
	s22 =	spop (v2sf)  }
0xeb: {  	s7 =	sshra.s32 s2, $0x1F;
	s26 =	sadd.s32 s8, s11;
	s20 =	smulhi.u32 $0x14F8B589, s22  }
0xec: {  	s17 =	spop (v2sf);
	s23 =	sshra.s32 s22, $0x1F;
	s22 =	smulhi.u32 $0x14F8B589, s16  }
0xed: {  	s11 =	sshra.s32 s16, $0x1F;
	s12 =	sadd.s32 s21, s1;
	s29 =	smulhi.u32 $0x14F8B589, s17  }
0xee: {  	s21 =	sshrl.u32 s2, $0x1F;
	s16 =	sshra.s32 s3, $0x1F;
	s2 =	smul.u32 $0x14F8B589, s23  }
0xef: {  	(v2sf) =	vpush v10, $0x5;
	s8 =	sshra.s32 s17, $0x1F;
	s4 =	spop (v2sf);
	s17 =	sshrl.u32 s3, $0x1F  }
0xf0: {  	s23 =	sshra.s32 s3, $0xC;
	s3 =	sadd.s32 s9, s31;
	s9 =	smulhi.u32 $0x14F8B589, s13  }
0xf1: {  	(v2sf) =	vpush v10, $0xF;
	s15 =	sshra.s32 s26, $0x1F;
	s10 =	sshra.s32 s4, $0x1F;
	s4 =	smulhi.u32 $0x14F8B589, s4  }
0xf2: {  	vm9 =	vcmask $0xF0C;
	vm11 =	vmmov vm15;
	s31 =	sadd.s32 s14, s9;
	s9 =	smul.u32 $0x14F8B589, s10;
	s10 =	sshrl.u32 s3, $0x1F  }
0xf3: {  	vm15 =	vmmov vm14;
	v11 =	vmov s15;
	s14 =	sshra.s32 s3, $0x1F;
	s2 =	sadd.s32 s2, s20;
	s3 =	sshra.s32 s3, $0xC;
	v13 =	vmov s10  }
0xf4: {  	p0 =	por $0x1, $0x1;
	v15 =	vadd.s32 s28, v12;
	s11 =	smul.u32 $0x14F8B589, s11;
	s10 =	sshrl.u32 s2, $0x1F;
	v11 =	vsel vm3, s3, v11;
	v13 =	vnsel vm3, $0x0, v13  }
0xf5: {  	v15 =	vadd.s32 v3, v15;
	s2 =	sshra.s32 s2, $0xC;
	s3 =	sadd.s32 s9, s4;
	v16 =	vsel vm10, s14, v11;
	v13 =	vsel vm0, s17, v13;
	s0 =	spop (v2sf)  }
0xf6: {  	v11 =	vmul.u32 $0x31D, v15;
	s14 =	smul.u32 $0x14F8B589, s8;
	v15 =	vsel vm0, s23, v16;
	v13 =	vsel vm1, s21, v13;
	s21 =	sshra.s32 s31, $0xC;
	s13 =	spop (v2sf)  }
0xf7: {  	vm14 =	vmmov vm13;
	vm13 =	vmmov vm12;
	v15 =	vsel vm9, s16, v15;
	s30 =	sshra.s32 s13, $0x1F;
	s9 =	smulhi.u32 $0x14F8B589, s13;
	s20 =	spop (v2sf)  }
0xf8: {  	vm12 =	vcmask $0x1714;
	v14 =	vmov s10;
	v15 =	vsel vm1, s19, v15;
	s19 =	sshrl.u32 s31, $0x1F;
	s10 =	smul.u32 $0x14F8B589, s30;
	s4 =	spop (v2sf)  }
0xf9: {  	v15 =	vsel vm12, s7, v15;
	s7 =	sshra.s32 s31, $0x1F;
	s31 =	rddreg [dreg:$0x4];
	s13 =	sshra.s32 s4, $0x1F  }
0xfa: {  	v16 =	vmov s2;
	s2 =	sadd.s32 s10, s9;
	s9 =	smul.u32 $0x14F8B589, s13;
	s13 =	sadd.s32 $0x1, s5  }
0xfb: {  	s15 =	sshra.s32 s12, $0xC;
	s18 =	smulhi.u32 $0x14F8B589, s0;
	p1 =	slt.s32 s13, s31  }
.Ltmp5:
0xfc: {  	s23 =	sshra.s32 s3, $0xC;
	(v2sf) =	vpush v11, $0x2;
	s6 =	sshra.s32 s0, $0x1F;
	(pc) =	sbr.rel @!p1 .LBB2_8-.Ltmp5, $4  }
0xfd: {  	v17 =	vmov s28;
	v16 =	vsel vm0, s23, v16;
	s0 =	sshrl.u32 s12, $0x1F;
	(v2sf) =	vpush v11, $0x1;
	s1 =	smul.u32 $0x14F8B589, s6;
	s6 =	sshra.s32 s20, $0x1F  }
0xfe: {  	v13 =	vsel vm2, s0, v13;
	v18 =	vsel vm2, s15, v15;
	s20 =	smulhi.u32 $0x14F8B589, s20;
	s10 =	sshra.s32 s12, $0x1F;
	(v2sf) =	vpush v11, $0x0;
	s17 =	spop (v2sf)  }
0xff: {  	v15 =	vsel vm4, s19, v13;
	v13 =	vand.u32 $0xFFFFFFF8, v17;
	s12 =	smulhi.u32 $0x14F8B589, s4;
	s0 =	sshrl.u32 s2, $0x1F;
	(v2sf) =	vpush v11, $0x7;
	s8 =	sshra.s32 s2, $0xC  }
0x100: {  	v13 =	vor.u32 v7, v13;
	v17 =	vsel vm13, s10, v18;
	s16 =	smulhi.u32 $0x14F8B589, s17;
	s19 =	sshra.s32 s17, $0x1F;
	(v2sf) =	vpush v11, $0x3;
	s30 =	spop (v2sf)  }
.LBB2_9:
0x101: {  	_ = 	snop  }
0x102: {  	s4 =	smul.u32 $0x14F8B589, s19  }
0x103: {  	s3 =	sshrl.u32 s3, $0x1F;
	s10 =	sshra.s32 s30, $0x1F;
	s6 =	smul.u32 $0x14F8B589, s6  }
0x104: {  	v17 =	vsel vm4, s21, v17;
	s19 =	smulhi.u32 $0x14F8B589, s30;
	s21 =	sadd.s32 s1, s18;
	s5 =	sshrl.u32 s26, $0x1F  }
0x105: {  	(v2sf) =	vpush v11, $0x4;
	v16 =	vsel vm1, s8, v16;
	s2 =	sadd.s32 s14, s29;
	s8 =	sadd.s32 s11, s22;
	s9 =	sadd.s32 s9, s12  }
0x106: {  	s23 =	sshrl.u32 s21, $0x1F;
	s31 =	sshra.s32 s21, $0xC;
	s11 =	smul.u32 $0x14F8B589, s10  }
0x107: {  	s10 =	sshra.s32 s26, $0xC;
	s15 =	sshrl.u32 s8, $0x1F;
	s4 =	sadd.s32 s4, s16  }
0x108: {  	v14 =	vsel vm0, s3, v14;
	(v2sf) =	vpush v11, $0xC;
	s3 =	sshra.s32 s9, $0xC;
	s14 =	sshrl.u32 s2, $0x1F;
	s6 =	sadd.s32 s6, s20  }
0x109: {  	v17 =	vsel vm14, s7, v17;
	(v2sf) =	vpush v11, $0x8;
	v14 =	vsel vm1, s0, v14;
	s0 =	sshra.s32 s21, $0x1F;
	s9 =	sshrl.u32 s9, $0x1F;
	s17 =	sshra.s32 s4, $0xC  }
0x10a: {  	s16 =	sshra.s32 s8, $0xC;
	s2 =	sshra.s32 s2, $0xC;
	s22 =	sshra.s32 s4, $0x1F;
	v17 =	vsel vm5, s17, v17  }
0x10b: {  	v18 =	vmov s15;
	(v2sf) =	vpush v11, $0xD;
	s4 =	sshrl.u32 s4, $0x1F;
	s15 =	sshrl.u32 s6, $0x1F;
	v17 =	vsel vm15, s22, v17;
	s18 =	spop (v2sf)  }
0x10c: {  	s19 =	sadd.s32 s11, s19;
	v17 =	vsel vm6, s31, v17;
	s7 =	smulhi.u32 $0x14F8B589, s18;
	s20 =	spop (v2sf)  }
0x10d: {  	v19 =	vmov s16;
	s17 =	sshra.s32 s6, $0xC;
	v17 =	vsel vm11, s0, v17;
	s0 =	sshra.s32 s18, $0x1F;
	s22 =	smulhi.u32 $0x14F8B589, s20  }
0x10e: {  	v18 =	vsel vm0, s14, v18;
	v15 =	vsel vm5, s4, v15;
	(v2sf) =	vpush v11, $0x9;
	s21 =	sshrl.u32 s19, $0x1F;
	s8 =	sshra.s32 s20, $0x1F;
	s0 =	smul.u32 $0x14F8B589, s0  }
0x10f: {  	v19 =	vsel vm0, s2, v19;
	v18 =	vsel vm1, s15, v18;
	v15 =	vsel vm6, s23, v15;
	s23 =	sshra.s32 s19, $0xC;
	s1 =	spop (v2sf);
	s8 =	smul.u32 $0x14F8B589, s8  }
0x110: {  	v14 =	vsel vm2, s9, v14;
	v19 =	vsel vm1, s17, v19;
	v18 =	vsel vm2, s21, v18;
	s6 =	sshra.s32 s1, $0x1F;
	s26 =	spop (v2sf);
	s1 =	smulhi.u32 $0x14F8B589, s1  }
0x111: {  	s28 =	sadd.s32 $0x10, s28;
	v16 =	vsel vm2, s3, v16;
	v14 =	vcombine.low v14, v18;
	v18 =	vsel vm2, s23, v19;
	s31 =	smulhi.u32 $0x14F8B589, s26  }
0x112: {  	s13 =	sadd.s32 $0x1, s13;
	v15 =	vsel vm7, s5, v15;
	v17 =	vsel vm7, s10, v17;
	v16 =	vcombine.low v16, v18;
	s5 =	sshra.s32 s26, $0x1F;
	s6 =	smul.u32 $0x14F8B589, s6  }
0x113: {  	v15 =	vperm.xlane v15, v5;
	v17 =	vperm.xlane v17, v5;
	(v2sf) =	vpush v11, $0x6;
	s10 =	spop (v2sf);
	s7 =	sadd.s32 s0, s7;
	s9 =	smul.u32 $0x14F8B589, s5  }
0x114: {  	v14 =	vperm.xlane v14, v4;
	v16 =	vperm.xlane v16, v4;
	(v2sf) =	vpush v11, $0xA;
	s18 =	sshra.s32 s10, $0x1F;
	s3 =	spop (v2sf);
	s17 =	sadd.s32 s8, s22  }
0x115: {  	s22 =	smulhi.u32 $0x14F8B589, s10;
	s0 =	sshra.s32 s7, $0xC;
	s12 =	sshrl.u32 s7, $0x1F  }
0x116: {  	v14 =	vsel vm8, v15, v14;
	v15 =	vsel vm8, v17, v16;
	(v2sf) =	vpush v11, $0xE;
	s7 =	sshra.s32 s7, $0x1F;
	s19 =	sshra.s32 s3, $0x1F;
	s20 =	smul.u32 $0x14F8B589, s18  }
0x117: {  	v14 =	vadd.s32 v14, v15;
	(v2sf) =	vpush v11, $0xB;
	s15 =	spop (v2sf);
	s14 =	sshra.s32 s17, $0x1F;
	s3 =	smulhi.u32 $0x14F8B589, s3  }
0x118: {  	v15 =	vor.u32 v8, v9;
	v14 =	vmul.u32 $0xC350, v14;
	s26 =	sadd.s32 s9, s31;
	s16 =	smul.u32 $0x14F8B589, s19;
	s21 =	spop (v2sf)  }
0x119: {  	s11 =	sshra.s32 s15, $0x1F;
	(v2sf) =	vpush v11, $0x5;
	s4 =	sshra.s32 s26, $0x1F;
	s23 =	sshra.s32 s21, $0x1F  }
0x11a: {  	v14 =	vsub.s32 v10, v14;
	s31 =	spop (v2sf);
	s9 =	sadd.s32 s20, s22;
	s2 =	smulhi.u32 $0x14F8B589, s21  }
0x11b: {  	v10 =	vmov v11;
	vm9 =	vlt.s32 v14, $0x0;
	v11 =	vadd.s32 $0xC350, v14;
	s21 =	sshrl.u32 s17, $0x1F;
	s22 =	smulhi.u32 $0x14F8B589, s15;
	s15 =	sshra.s32 s17, $0xC  }
0x11c: {  	v11 =	vsel vm9, v11, v14;
	s20 =	sadd.s32 s6, s1;
	s29 =	smulhi.u32 $0x14F8B589, s31;
	s8 =	sshra.s32 s31, $0x1F  }
0x11d: {  	v18 =	vmov s28;
	v19 =	vmov s4;
	s4 =	smul.u32 $0x14F8B589, s23;
	s19 =	spop (v2sf);
	[tilespmem:v15+s24+$0x0] =	vst.idx.msk $0xffff, v11;
	s31 =	sshra.s32 s20, $0x1F  }
0x11e: {  	v18 =	vand.u32 $0xFFFFFFF8, v18;
	[tilespmem:v15+s25+$0x0] =	vst.idx.msk $0xffff, v6;
	s10 =	sshra.s32 s19, $0x1F;
	s19 =	smulhi.u32 $0x14F8B589, s19;
	s25 =	sshrl.u32 s20, $0x1F  }
0x11f: {  	v16 =	vor.u32 v7, v18;
	s17 =	smul.u32 $0x14F8B589, s10;
	s2 =	sadd.s32 s4, s2;
	v15 =	vmov s25;
	s25 =	sshra.s32 s20, $0xC  }
0x120: {  	v9 =	vmovc v13;
	v13 =	vmov v16;
	(v2sf) =	vpush v10, $0xF;
	s24 =	sshrl.u32 s9, $0x1F;
	s16 =	sadd.s32 s16, s3;
	s10 =	sshrl.u32 s2, $0x1F;
	v16 =	vsel vm3, s25, v19  }
0x121: {  	s2 =	sshra.s32 s2, $0xC;
	s25 =	sshra.s32 s9, $0xC;
	v15 =	vnsel vm3, $0x0, v15;
	s3 =	sadd.s32 s17, s19;
	v16 =	vsel vm10, s31, v16  }
0x122: {  	vm9 =	vcmask $0xF0C;
	v15 =	vsel vm0, s21, v15;
	s21 =	sshra.s32 s16, $0xC;
	s17 =	sshra.s32 s3, $0xC;
	v16 =	vsel vm0, s15, v16;
	s5 =	spop (v2sf)  }
0x123: {  	v17 =	vmov s2;
	s15 =	sshra.s32 s9, $0x1F;
	v18 =	vsel vm9, s14, v16;
	s18 =	smulhi.u32 $0x14F8B589, s5;
	s23 =	spop (v2sf)  }
0x124: {  	v14 =	vmov s10;
	v16 =	vsel vm0, s17, v17;
	v17 =	vsel vm1, s0, v18;
	s6 =	sshra.s32 s5, $0x1F;
	s30 =	sshra.s32 s23, $0x1F;
	s10 =	smulhi.u32 $0x14F8B589, s23  }
0x125: {  	v17 =	vsel vm12, s7, v17;
	s7 =	sshra.s32 s16, $0x1F;
	s5 =	spop (v2sf);
	s19 =	smul.u32 $0x14F8B589, s30  }
0x126: {  	s1 =	smul.u32 $0x14F8B589, s6;
	s6 =	sshra.s32 s5, $0x1F;
	s4 =	spop (v2sf)  }
0x127: {  	v11 =	vadd.s32 s28, v12;
	s20 =	smulhi.u32 $0x14F8B589, s5;
	s23 =	sshra.s32 s4, $0x1F;
	s5 =	sadd.s32 s19, s10  }
0x128: {  	v11 =	vadd.s32 v3, v11;
	s31 =	spop (v2sf);
	s9 =	smul.u32 $0x14F8B589, s23;
	s23 =	sshrl.u32 s16, $0x1F  }
0x129: {  	v11 =	vmul.u32 $0x31D, v11;
	s16 =	smulhi.u32 $0x14F8B589, s31;
	s19 =	sshra.s32 s31, $0x1F;
	s31 =	rddreg [dreg:$0x4]  }
0x12a: {  	p1 =	slt.s32 s13, s31  }
.Ltmp6:
0x12b: {  	(v2sf) =	vpush v11, $0x2;
	(pc) =	sbr.rel @p1 .LBB2_9-.Ltmp6, $4  }
0x12c: {  	s11 =	smul.u32 $0x14F8B589, s11;
	(v2sf) =	vpush v11, $0x1  }
0x12d: {  	v15 =	vsel vm1, s12, v15;
	s14 =	smul.u32 $0x14F8B589, s8;
	(v2sf) =	vpush v11, $0x0  }
0x12e: {  	v15 =	vsel vm2, s24, v15;
	s24 =	simm.s32 $0x1000;
	v17 =	vsel vm2, s25, v17;
	s25 =	simm.s32 $0x1880;
	s12 =	smulhi.u32 $0x14F8B589, s4;
	(v2sf) =	vpush v11, $0x7  }
0x12f: {  	v17 =	vsel vm13, s15, v17;
	s0 =	sshrl.u32 s5, $0x1F;
	s8 =	sshra.s32 s5, $0xC;
	v15 =	vsel vm4, s23, v15;
	s30 =	spop (v2sf);
	(v2sf) =	vpush v11, $0x3  }
0x130: {  	vm12 =	vmmov vm13  }
0x131: {  	v12 =	vmovc v9;
	v9 =	vmovc v13;
	vm13 =	vmmov vm14;
	vm14 =	vmmov vm15;
	vm15 =	vmmov vm11  }
.LBB2_11:
0x132: {  	_ =	sdelay $0x3  }
0x133: {  	(v2sf) =	vpush v11, $0x4  }
0x134: {  	(v2sf) =	vpush v11, $0xC  }
0x135: {  	(v2sf) =	vpush v11, $0x8  }
0x136: {  	(v2sf) =	vpush v11, $0xD  }
0x137: {  	s2 =	smul.u32 @p0 $0x14F8B589, s6;
	s5 =	spop (v2sf);
	(v2sf) =	vpush v11, $0x9  }
0x138: {  	s10 =	smul.u32 @p0 $0x14F8B589, s19;
	s6 =	sshra.s32 @p0 s30, $0x1F  }
0x139: {  	s6 =	smul.u32 @p0 $0x14F8B589, s6;
	[smem:$0x7F2] =	sst s2  }
0x13a: {  	s2 =	smulhi.u32 @p0 $0x14F8B589, s30;
	s13 =	spop (v2sf);
	(v2sf) =	vpush v11, $0x6  }
0x13b: {  	s17 =	smulhi.u32 $0x14F8B589, s5;
	s15 =	spop (v2sf);
	(v2sf) =	vpush v11, $0xA  }
0x13c: {  	[smem:$0x7F3] =	sst s2;
	s5 =	sshra.s32 s5, $0x1F;
	s28 =	smulhi.u32 $0x14F8B589, s13  }
0x13d: {  	s23 =	smul.u32 $0x14F8B589, s5;
	s30 =	spop (v2sf)  }
0x13e: {  	[smem:$0x7F7] =	sst s17;
	s17 =	smulhi.u32 $0x14F8B589, s15  }
0x13f: {  	s31 =	smulhi.u32 $0x14F8B589, s30;
	s19 =	sshra.s32 s30, $0x1F;
	s25 =	spop (v2sf)  }
0x140: {  	[smem:$0x7F6] =	sst s28;
	s4 =	smul.u32 $0x14F8B589, s19;
	s28 =	sshra.s32 s25, $0x1F  }
0x141: {  	s29 =	sadd.s32 @p0 s14, s29;
	[smem:$0x7F4] =	sst s31;
	s19 =	smul.u32 $0x14F8B589, s28  }
0x142: {  	s9 =	sadd.s32 @p0 s9, s12;
	[smem:$0x7F5] =	sst s4;
	s30 =	spop (v2sf)  }
0x143: {  	[smem:$0x7F8] =	sst s19;
	s31 =	sshra.s32 s30, $0x1F;
	s5 =	spop (v2sf)  }
0x144: {  	s28 =	sshra.s32 s15, $0x1F;
	s24 =	smul.u32 $0x14F8B589, s31;
	s31 =	spop (v2sf)  }
0x145: {  	s12 =	smulhi.u32 $0x14F8B589, s30;
	s4 =	sshra.s32 s31, $0x1F;
	s15 =	spop (v2sf)  }
0x146: {  	s14 =	sadd.s32 @p0 s11, s22;
	s19 =	smul.u32 $0x14F8B589, s4;
	s2 =	spop (v2sf)  }
0x147: {  	s4 =	sshra.s32 s2, $0x1F;
	s11 =	smulhi.u32 $0x14F8B589, s2;
	s2 =	sld [smem:$0x7F2]  }
0x148: {  	[smem:$0x7F9] =	sst s24;
	s24 =	smul.u32 $0x14F8B589, s28  }
0x149: {  	s16 =	sadd.s32 @p0 s10, s16;
	s28 =	smulhi.u32 $0x14F8B589, s31;
	s22 =	spop (v2sf)  }
0x14a: {  	s10 =	spop (v2sf);
	s20 =	sadd.s32 @p0 s2, s20;
	s2 =	sld [smem:$0x7F3]  }
0x14b: {  	s30 =	smul.u32 $0x14F8B589, s4;
	s31 =	sshra.s32 s10, $0x1F  }
0x14c: {  	s4 =	smul.u32 $0x14F8B589, s31;
	s31 =	sld [smem:$0x7F5]  }
0x14d: {  	s6 =	sadd.s32 @p0 s6, s2;
	s2 =	sld [smem:$0x7F4];
	_ =	sdelay $0x1  }
0x14e: {  	s18 =	sadd.s32 @p0 s1, s18;
	v13 =	vsel @p0 vm4, s21, v17;
	s21 =	sshra.s32 @p0 s29, $0xC;
	s13 =	sshra.s32 s13, $0x1F  }
0x14f: {  	s13 =	smul.u32 $0x14F8B589, s13;
	s1 =	sadd.s32 s31, s2;
	s31 =	sld [smem:$0x7F7]  }
0x150: {  	s25 =	smulhi.u32 $0x14F8B589, s25;
	s17 =	sadd.s32 s24, s17;
	s2 =	sld [smem:$0x7F6]  }
0x151: {  	(v2sf) =	vpush v11, $0xE;
	s10 =	smulhi.u32 $0x14F8B589, s10;
	s11 =	sadd.s32 s30, s11;
	[smem:$0x7FA] =	sst s1  }
0x152: {  	s1 =	smulhi.u32 $0x14F8B589, s5;
	s23 =	sadd.s32 s23, s31;
	s31 =	sld [smem:$0x7F8]  }
0x153: {  	s13 =	sadd.s32 s13, s2;
	s2 =	smulhi.u32 $0x14F8B589, s15;
	s15 =	sshra.s32 s15, $0x1F  }
0x154: {  	(v2sf) =	vpush v11, $0xB;
	s30 =	sshrl.u32 @p0 s16, $0x1F;
	s5 =	sshra.s32 s5, $0x1F;
	s15 =	smul.u32 $0x14F8B589, s15  }
0x155: {  	v13 =	vsel @p0 vm13, s7, v13;
	(v2sf) =	vpush v11, $0x5;
	s7 =	sshrl.u32 s23, $0x1F;
	s25 =	sadd.s32 s31, s25;
	s31 =	sld [smem:$0x7F9]  }
0x156: {  	v16 =	vsel @p0 vm1, s8, v16;
	s8 =	sshra.s32 s13, $0x1F;
	s2 =	sadd.s32 s15, s2;
	s15 =	sshra.s32 @p0 s18, $0xC  }
0x157: {  	[smem:$0x7FD] =	sst s2;
	s2 =	sshrl.u32 @p0 s20, $0x1F;
	s20 =	sshra.s32 @p0 s20, $0xC  }
0x158: {  	s24 =	sadd.s32 s31, s12;
	s31 =	smul.u32 $0x14F8B589, s5;
	s5 =	sadd.s32 s19, s28  }
0x159: {  	s12 =	sadd.s32 s4, s10;
	s4 =	sshrl.u32 @p0 s3, $0x1F;
	s10 =	sshrl.u32 @p0 s18, $0x1F  }
0x15a: {  	s19 =	sshra.s32 @p0 s18, $0x1F;
	s18 =	sshra.s32 @p0 s16, $0xC;
	s28 =	sshra.s32 @p0 s16, $0x1F  }
0x15b: {  	s16 =	sshrl.u32 @p0 s14, $0x1F;
	s14 =	sshra.s32 @p0 s14, $0xC;
	s3 =	sshra.s32 s23, $0xC  }
0x15c: {  	(v2sf) =	vpush v11, $0xF;
	v15 =	vsel @p0 vm5, s30, v15;
	s23 =	sshra.s32 s23, $0x1F;
	v13 =	vsel @p0 vm5, s18, v13;
	s18 =	sshrl.u32 s13, $0x1F;
	s13 =	sshra.s32 s13, $0xC  }
0x15d: {  	v14 =	vsel @p0 vm0, s4, v14;
	v17 =	vmov @p0 s16;
	s4 =	smulhi.u32 $0x14F8B589, s22;
	s16 =	sshra.s32 s22, $0x1F;
	v15 =	vsel @p0 vm6, s10, v15;
	s10 =	sshrl.u32 s25, $0x1F  }
0x15e: {  	v19 =	vmov @p0 s14;
	s1 =	sadd.s32 s31, s1;
	s31 =	sshrl.u32 @p0 s26, $0x1F;
	v13 =	vsel @p0 vm14, s28, v13;
	s28 =	sld [smem:$0x7FA]  }
0x15f: {  	s26 =	sshra.s32 @p0 s26, $0xC;
	v19 =	vsel @p0 vm0, s21, v19;
	s21 =	sshra.s32 s25, $0x1F;
	[smem:$0x7FC] =	sst s1  }
0x160: {  	s1 =	sshra.s32 @p0 s9, $0xC;
	s9 =	sshrl.u32 @p0 s9, $0x1F;
	v13 =	vsel @p0 vm6, s15, v13;
	s15 =	spop (v2sf)  }
0x161: {  	v14 =	vsel @p0 vm1, s0, v14;
	[smem:$0x7FB] =	sst s1;
	s1 =	sshrl.u32 @p0 s29, $0x1F;
	s29 =	sshrl.u32 @p0 s6, $0x1F  }
0x162: {  	s6 =	sshra.s32 @p0 s6, $0xC;
	v14 =	vsel @p0 vm2, s9, v14;
	s9 =	sshra.s32 s15, $0x1F;
	s15 =	smulhi.u32 $0x14F8B589, s15  }
0x163: {  	v13 =	vsel @p0 vm15, s19, v13;
	s19 =	spop (v2sf);
	s22 =	sshra.s32 s28, $0x1F;
	v17 =	vsel @p0 vm0, s1, v17;
	s1 =	smul.u32 $0x14F8B589, s16  }
0x164: {  	s16 =	sshrl.u32 s17, $0x1F;
	v13 =	vsel @p0 vm7, s26, v13;
	s26 =	smulhi.u32 $0x14F8B589, s19;
	s30 =	spop (v2sf)  }
0x165: {  	v15 =	vsel @p0 vm7, s31, v15;
	v19 =	vsel @p0 vm1, s20, v19;
	s20 =	sld [smem:$0x7FB];
	s9 =	smul.u32 $0x14F8B589, s9;
	v18 =	vmov s22;
	s22 =	sshra.s32 s17, $0xC  }
0x166: {  	v15 =	vperm.xlane @p0 v15, v5;
	v17 =	vsel @p0 vm1, s2, v17;
	s2 =	sshrl.u32 s5, $0x1F;
	s5 =	sshra.s32 s5, $0xC;
	s31 =	smulhi.u32 $0x14F8B589, s30  }
0x167: {  	v19 =	vsel @p0 vm2, s6, v19;
	v18 =	vsel vm3, s22, v18;
	s22 =	sshra.s32 s17, $0x1F;
	v17 =	vsel @p0 vm2, s29, v17;
	s17 =	sshra.s32 s11, $0xC;
	s29 =	sshra.s32 s12, $0xC  }
0x168: {  	v20 =	vmov s16;
	v13 =	vperm.xlane @p0 v13, v5;
	s1 =	sadd.s32 s1, s4;
	v18 =	vsel vm10, s22, v18;
	s22 =	sshra.s32 s19, $0x1F;
	s19 =	sshra.s32 s25, $0xC  }
0x169: {  	v20 =	vnsel vm3, $0x0, v20;
	v21 =	vmov s2;
	v22 =	vmov s5;
	s25 =	sshrl.u32 s12, $0x1F;
	s12 =	sadd.s32 s9, s15;
	s15 =	sld [smem:$0x7FC]  }
0x16a: {  	v16 =	vsel @p0 vm2, s20, v16;
	v20 =	vsel vm0, s18, v20;
	v22 =	vsel vm0, s17, v22;
	s17 =	sshra.s32 s1, $0xC;
	s18 =	sld [smem:$0x7FD];
	s20 =	sshra.s32 s1, $0x1F  }
0x16b: {  	s1 =	sshrl.u32 s1, $0x1F;
	v14 =	vcombine.low @p0 v14, v17;
	v18 =	vsel vm0, s13, v18;
	s0 =	smul.u32 $0x14F8B589, s22;
	s13 =	sshra.s32 s30, $0x1F;
	v20 =	vsel vm1, s7, v20  }
0x16c: {  	s22 =	sshrl.u32 s24, $0x1F;
	s30 =	spop (v2sf);
	v16 =	vcombine.low @p0 v16, v19;
	v18 =	vsel vm9, s8, v18;
	vm9 =	vcmask $0x1714;
	s13 =	smul.u32 $0x14F8B589, s13  }
0x16d: {  	v20 =	vsel vm2, s10, v20;
	s8 =	smulhi.u32 $0x14F8B589, s30;
	v14 =	vperm.xlane @p0 v14, v4;
	v18 =	vsel vm1, s3, v18;
	s0 =	sadd.s32 s0, s26;
	s26 =	sshra.s32 s24, $0x1F  }
0x16e: {  	v22 =	vsel vm1, s29, v22;
	v20 =	vsel vm4, s22, v20;
	s16 =	sshrl.u32 s15, $0x1F;
	v18 =	vsel vm9, s23, v18;
	s23 =	sshra.s32 s24, $0xC;
	s3 =	sadd.s32 s13, s31  }
0x16f: {  	v16 =	vperm.xlane @p0 v16, v4;
	s31 =	sshrl.u32 s11, $0x1F;
	s11 =	sshra.s32 s30, $0x1F;
	v23 =	vmov s16;
	s24 =	sshra.s32 s15, $0xC;
	v14 =	vsel @p0 vm8, v15, v14  }
0x170: {  	v18 =	vsel vm2, s19, v18;
	s7 =	sshra.s32 s3, $0xC;
	s13 =	sshra.s32 s3, $0x1F;
	v21 =	vsel vm0, s31, v21;
	s19 =	sshrl.u32 s18, $0x1F;
	v24 =	vmov s24  }
0x171: {  	s4 =	smul.u32 $0x14F8B589, s11;
	s3 =	sshrl.u32 s3, $0x1F;
	v18 =	vsel vm12, s21, v18;
	v23 =	vsel vm0, s19, v23;
	v21 =	vsel vm1, s25, v21;
	s21 =	sshrl.u32 s0, $0x1F  }
0x172: {  	s22 =	sshra.s32 s28, $0xC;
	v20 =	vsel vm5, s3, v20;
	s0 =	sshra.s32 s0, $0xC;
	v18 =	vsel vm4, s23, v18;
	v21 =	vsel vm2, s21, v21;
	s23 =	sshrl.u32 s12, $0x1F  }
0x173: {  	s25 =	sadd.s32 s4, s8;
	v20 =	vsel vm6, s1, v20;
	v57 =	vsel vm2, s0, v22;
	v18 =	vsel vm13, s26, v18;
	s26 =	sshrl.u32 s28, $0x1F;
	s28 =	sshra.s32 s18, $0xC  }
0x174: {  	s29 =	sshra.s32 s12, $0xC;
	v23 =	vsel vm1, s23, v23;
	s30 =	sshrl.u32 s25, $0x1F;
	v18 =	vsel vm5, s7, v18;
	v56 =	vsel vm0, s28, v24  }
0x175: {  	s31 =	sshra.s32 s25, $0xC;
	v23 =	vsel vm2, s30, v23;
	v18 =	vsel vm14, s13, v18;
	v17 =	vsel vm1, s29, v56  }
0x176: {  	v58 =	vcombine.low v21, v23;
	v18 =	vsel vm6, s17, v18;
	v17 =	vsel vm2, s31, v17  }
0x177: {  	v20 =	vsel vm7, s26, v20;
	v18 =	vsel vm15, s20, v18;
	v17 =	vcombine.low v57, v17  }
0x178: {  	v60 =	vperm.xlane v20, v5;
	v61 =	vperm.xlane v58, v4;
	v18 =	vsel vm7, s22, v18  }
0x179: {  	v13 =	vsel @p0 vm8, v13, v16;
	v59 =	vperm.xlane v18, v5;
	v62 =	vperm.xlane v17, v4  }
0x17a: {  	v12 =	vor.u32 @p0 v8, v12;
	v13 =	vadd.s32 @p0 v14, v13  }
0x17b: {  	v13 =	vmul.u32 @p0 $0xC350, v13;
	v14 =	vsel vm8, v60, v61;
	v15 =	vsel vm8, v59, v62  }
0x17c: {  	v14 =	vadd.s32 v14, v15  }
0x17d: {  	v9 =	vor.u32 v8, v9;
	v10 =	vsub.s32 @p0 v10, v13;
	v63 =	vmul.u32 $0xC350, v14  }
0x17e: {  	vm9 =	vlt.s32 @p0 v10, $0x0;
	v14 =	vadd.s32 @p0 $0xC350, v10  }
0x17f: {  	s24 =	simm.s32 $0x1000;
	v10 =	vsel @p0 vm9, v14, v10;
	v11 =	vsub.s32 v11, v63  }
0x180: {  	s25 =	simm.s32 $0x1880;
	[tilespmem:v12+s24+$0x0] =	vst.idx.msk @p0 $0xffff, v10;
	vm9 =	vlt.s32 v11, $0x0;
	v10 =	vadd.s32 $0xC350, v11  }
0x181: {  	[tilespmem:v12+s25+$0x0] =	vst.idx.msk @p0 $0xffff, v6;
	v10 =	vsel vm9, v10, v11  }
0x182: {  	[tilespmem:v9+s24+$0x0] =	vst.idx.msk $0xffff, v10  }
0x183: {  	s5 =	simm.s32 $0x2100;
	s8 =	rddreg [dreg:$0x1f];
	[tilespmem:v9+s25+$0x0] =	vst.idx.msk $0xffff, v6  }
.LBB2_12:
0x184: {  	p0 =	slt.s32 s8, $0x1  }
.Ltmp7:
0x185: {  	_ = 	snop;
	(pc) =	sbr.rel @p0 .LBB2_21-.Ltmp7, $4  }
0x186: {  	_ = 	snop  }
0x187: {  	s9 =	rddreg [dreg:$0x2]  }
0x188: {  	s11 =	rddreg [dreg:$0x5];
	s12 =	simm.s32 $0x4  }
0x189: {  	s6 =	simm.s32 $0x1;
	s7 =	simm.s32 $0x80;
	s13 =	simm.s32 $0x4100  }
0x18a: {  	[tilespmem:s5], [sflag:$0x1] =	stream.indirect.gather [hbm4b:s11+s7], $0x40, s24, s7, $0xb8;
	[tilespmem:$0x1E900] =	vst v63  }
0x18b: {  	p0 =	seq.s32 s8, $0x1  }
.Ltmp8:
0x18c: {  	_ = 	snop;
	(pc) =	sbr.rel @!p0 .LBB2_15-.Ltmp8, $4  }
0x18d: {  	_ =	swait.ge [sflag:s6], $0x2000  }
0x18e: {  	[sflag:s6] =	ssyncset.done $0x0  }
0x18f: {  	[sflag:s6] =	ssyncadd.s32 $0xFFFFE000  }
0x190: {  	[spmem:s9] =	stream.indirect.scatter.add.f32 [tilespmem:s5], [sflag:$0x2], $0x40, s25, s7, $0xb8;
	[tilespmem:$0x1E900] =	vst v63  }
.Ltmp9:
0x191: {  	(pc) =	sbr.rel .LBB2_20-.Ltmp9, $2  }
0x192: {  	_ =	sdelay $0x2  }
0x193: {  	s0 =	simm.s32 $0x3;
	s1 =	simm.s32 $0x2  }
.LBB2_15:
.Ltmp10:
0x194: {  	(pc) =	sbr.rel .LBB2_16-.Ltmp10, $4  }
0x195: {  	_ = 	snop  }
0x196: {  	s0 =	simm.s32 $0x1080  }
0x197: {  	[tilespmem:s13], [sflag:$0x1] =	stream.indirect.gather [hbm4b:s11+s7], $0x40, s0, s7, $0xb8;
	[tilespmem:$0x1E900] =	vst v63  }
0x198: {  	s3 =	simm.s32 $0x1;
	s1 =	simm.s32 $0x1100;
	s0 =	simm.s32 $0x1900  }
.LBB2_18:
0x199: {  	p1 =	sne.s32 s8, s3  }
.Ltmp11:
0x19a: {  	_ = 	snop;
	(pc) =	sbr.rel @!p1 .LBB2_19-.Ltmp11, $2  }
0x19b: {  	_ =	sdelay $0x2  }
0x19c: {  	s0 =	sadd.s32 $0x80, s0;
	s1 =	sadd.s32 $0x80, s1  }
.LBB2_16:
0x19d: {  	s2 =	sand.u32 $0x1, s3  }
0x19e: {  	p1 =	seq.s32 s2, $0x1  }
0x19f: {  	s4 =	simm.s32 @!p1 $0x1  }
0x1a0: {  	s3 =	sadd.s32 $0x1, s3;
	_ =	swait.ge @!p1 [sflag:s4], $0x2000  }
0x1a1: {  	s5 =	simm.s32 @!p1 $0x2100;
	p2 =	sge.s32 @!p1 s3, s8;
	[sflag:s4] =	ssyncset.done @!p1 $0x0  }
0x1a2: {  	p2 =	por p2, p1;
	[sflag:s4] =	ssyncadd.s32 @!p1 $0xFFFFE000;
	s4 =	simm.s32 @!p1 $0x80  }
0x1a3: {  	[spmem:s9] =	stream.indirect.scatter.add.f32 @!p1 [tilespmem:s5], [sflag:$0x2], $0x40, s0, s4, $0xb8;
	[tilespmem:$0x1E900] =	vst v63  }
0x1a4: {  	s4 =	simm.s32 @!p2 $0x3  }
0x1a5: {  	_ =	swait.ge @!p2 [sflag:s4], $0x2000  }
0x1a6: {  	[sflag:s4] =	ssyncset.done @!p2 $0x0  }
0x1a7: {  	s5 =	simm.s32 @!p2 $0x4100;
	[sflag:s4] =	ssyncadd.s32 @!p2 $0xFFFFE000;
	s4 =	simm.s32 @!p2 $0x80  }
0x1a8: {  	[tilespmem:s5], [sflag:$0x1] =	stream.indirect.gather @!p2 [hbm4b:s11+s4], $0x40, s1, s4, $0xb8;
	[tilespmem:$0x1E900] =	vst v63  }
0x1a9: {  	p2 =	seq.s32 @!p1 s2, $0x0  }
0x1aa: {  	p1 =	por p1, !p2  }
.Ltmp12:
0x1ab: {  	_ = 	snop;
	(pc) =	sbr.rel @!p1 .LBB2_18-.Ltmp12, $1  }
0x1ac: {  	_ =	sdelay $0x3  }
0x1ad: {  	_ =	swait.ge [sflag:s6], $0x2000  }
0x1ae: {  	[sflag:s6] =	ssyncset.done $0x0  }
0x1af: {  	p1 =	sge.s32 s3, s8;
	[sflag:s6] =	ssyncadd.s32 $0xFFFFE000  }
0x1b0: {  	[spmem:s9] =	stream.indirect.scatter.add.f32 [tilespmem:s13], [sflag:$0x3], $0x40, s0, s7, $0xb8;
	[tilespmem:$0x1E900] =	vst v63  }
.Ltmp13:
0x1b1: {  	s2 =	simm.s32 @!p1 $0x2;
	(pc) =	sbr.rel .LBB2_18-.Ltmp13, $4  }
0x1b2: {  	_ =	swait.ge @!p1 [sflag:s2], $0x2000  }
0x1b3: {  	[sflag:s2] =	ssyncset.done @!p1 $0x0  }
0x1b4: {  	s4 =	simm.s32 @!p1 $0x2100;
	[sflag:s2] =	ssyncadd.s32 @!p1 $0xFFFFE000;
	s2 =	simm.s32 @!p1 $0x80  }
0x1b5: {  	[tilespmem:s4], [sflag:$0x1] =	stream.indirect.gather @!p1 [hbm4b:s11+s2], $0x40, s1, s2, $0xb8;
	[tilespmem:$0x1E900] =	vst v63  }
.LBB2_6:
.Ltmp14:
0x1b6: {  	(pc) =	sbr.rel .LBB2_11-.Ltmp14, $2  }
0x1b7: {  	_ =	sdelay $0x2  }
0x1b8: {  	v11 =	vmov v10;
	vm9 =	vcmask $0xF0C  }
.LBB2_8:
.Ltmp15:
0x1b9: {  	(pc) =	sbr.rel .LBB2_11-.Ltmp15, $3  }
0x1ba: {  	_ =	sdelay $0x1  }
0x1bb: {  	vm12 =	vmmov vm13  }
0x1bc: {  	v12 =	vmovc v9;
	v9 =	vmovc v13;
	vm13 =	vmmov vm14;
	vm14 =	vmmov vm15;
	vm15 =	vmmov vm11  }
.LBB2_22:
0x1bd: {  	[bflag:$0x0] =	sbarrier.arrive $0xFFFF  }
0x1be: {  	s0 =	simm.s32 $0x0;
	s1 =	simm.s32 $0x0;
	s10 =	rddreg [dreg:$0x1]  }
.LBB2_23:
0x1bf: {  	s2 =	sshll.u32 s1, $0x6  }
0x1c0: {  	s3 =	rddreg [dreg:$0xc];
	s2 =	smin.u32 s2, $0x5E0  }
0x1c1: {  	s2 =	sadd.s32 s3, s2  }
0x1c2: {  	s2 =	smin.u32 s2, $0x6168  }
0x1c3: {  	s28 =	sshll.u32 s2, $0x6  }
0x1c4: {  	s3 =	sadd.s32 s28, s9  }
0x1c5: {  	[tilespmem:s5], [sflag:$0x4] =	stream.linear.gather [spmem:s3], $0x1000, $0x38;
	[tilespmem:$0x1E900] =	vst v63  }
0x1c6: {  	_ =	swait.ge [sflag:s12], $0x1000  }
0x1c7: {  	s29 =	rddreg [dreg:$0xb]  }
0x1c8: {  	s2 =	sadd.s32 s29, s2  }
0x1c9: {  	[sflag:s12] =	ssyncset.done $0x0;
	s30 =	rddreg [dreg:$0x9];
	s3 =	sshll.u32 s2, $0x3  }
0x1ca: {  	s4 =	simm.s32 $0x3100;
	[sflag:s12] =	ssyncadd.s32 $0xFFFFF000;
	s2 =	sadd.s32 s30, s3  }
0x1cb: {  	[tilespmem:s4], [sflag:$0x4] =	stream.linear.gather [hbm4b:s2+s0], $0x1000, $0x38;
	[tilespmem:$0x1E900] =	vst v63  }
0x1cc: {  	_ =	swait.ge [sflag:s12], $0x1000  }
0x1cd: {  	[sflag:s12] =	ssyncset.done $0x0;
	s31 =	rddreg [dreg:$0x8]  }
0x1ce: {  	[sflag:s12] =	ssyncadd.s32 $0xFFFFF000;
	s2 =	sadd.s32 s31, s3  }
0x1cf: {  	[tilespmem:s13], [sflag:$0x4] =	stream.linear.gather [hbm4b:s2+s0], $0x1000, $0x38;
	[tilespmem:$0x1E900] =	vst v63  }
0x1d0: {  	_ =	swait.ge [sflag:s12], $0x1000  }
0x1d1: {  	[sflag:s12] =	ssyncset.done $0x0  }
0x1d2: {  	s6 =	simm.s32 $0x0;
	[sflag:s12] =	ssyncadd.s32 $0xFFFFF000  }
0x1d3: {  	v9 =	vld [tilespmem:s6+$0x2130]  }
0x1d4: {  	v10 =	vld [tilespmem:s6+$0x4130]  }
0x1d5: {  	v15 =	vld [tilespmem:s6+$0x2100]  }
0x1d6: {  	v12 =	vld [tilespmem:s6+$0x3130]  }
0x1d7: {  	v16 =	vld [tilespmem:s6+$0x4100]  }
0x1d8: {  	v17 =	vld [tilespmem:s6+$0x2110]  }
0x1d9: {  	v18 =	vld [tilespmem:s6+$0x4110]  }
0x1da: {  	v11 =	vld [tilespmem:s6+$0x4120];
	v10 =	vmul.f32 v10, v9  }
0x1db: {  	v9 =	vld [tilespmem:s6+$0x2120]  }
0x1dc: {  	v14 =	vld [tilespmem:s6+$0x3100];
	v10 =	vadd.f32 v10, v12  }
0x1dd: {  	v12 =	vld [tilespmem:s6+$0x3110]  }
0x1de: {  	s7 =	simm.s32 $0x40;
	v13 =	vld [tilespmem:s6+$0x3120];
	[tilespmem:s6+$0x5130] =	vst v10  }
0x1df: {  	s8 =	simm.s32 $0x200;
	v15 =	vmul.f32 v16, v15;
	v16 =	vmul.f32 v18, v17;
	v10 =	vld [tilespmem:s7+$0x2130]  }
.LBB2_24:
0x1e0: {  	p0 =	sne.s32 s8, $0x3F00;
	v17 =	vld [tilespmem:s7+$0x4130];
	v9 =	vmul.f32 v11, v9  }
0x1e1: {  	v18 =	vld [tilespmem:s7+$0x2100];
	v11 =	vadd.f32 v15, v14  }
0x1e2: {  	v14 =	vld [tilespmem:s7+$0x3130];
	v12 =	vadd.f32 v16, v12  }
0x1e3: {  	v15 =	vld [tilespmem:s7+$0x4100];
	[tilespmem:s6+$0x5100] =	vst v11;
	v9 =	vadd.f32 v9, v13  }
0x1e4: {  	v13 =	vld [tilespmem:s7+$0x2110];
	[tilespmem:s6+$0x5110] =	vst v12  }
0x1e5: {  	v16 =	vld [tilespmem:s7+$0x4110];
	v10 =	vmul.f32 v17, v10;
	[tilespmem:s6+$0x5120] =	vst v9;
	s6 =	smov.u32 s7  }
0x1e6: {  	v9 =	vld [tilespmem:s6+$0x2120]  }
.Ltmp16:
0x1e7: {  	v11 =	vld [tilespmem:s6+$0x4120];
	v10 =	vadd.f32 v10, v14;
	(pc) =	sbr.rel @p0 .LBB2_24-.Ltmp16, $4  }
0x1e8: {  	v14 =	vld [tilespmem:s6+$0x3100];
	v15 =	vmul.f32 v15, v18  }
0x1e9: {  	v12 =	vld [tilespmem:s6+$0x3110];
	[tilespmem:s6+$0x5130] =	vst v10  }
0x1ea: {  	s7 =	sshra.s32 s8, $0x2;
	v16 =	vmul.f32 v16, v13;
	v13 =	vld [tilespmem:s6+$0x3120]  }
0x1eb: {  	s8 =	sadd.s32 $0x100, s8;
	v10 =	vld [tilespmem:s7+$0x2130]  }
0x1ec: {  	v17 =	vld [tilespmem:s7+$0x4130]  }
0x1ed: {  	v18 =	vld [tilespmem:s7+$0x2100];
	v9 =	vmul.f32 v11, v9;
	v14 =	vadd.f32 v15, v14  }
0x1ee: {  	v58 =	vld [tilespmem:s7+$0x3130];
	v11 =	vadd.f32 v16, v12  }
0x1ef: {  	v19 =	vld [tilespmem:s7+$0x4100];
	[tilespmem:s6+$0x5100] =	vst v14;
	v9 =	vadd.f32 v9, v13  }
0x1f0: {  	v59 =	vld [tilespmem:s7+$0x2110];
	[tilespmem:s6+$0x5110] =	vst v11  }
0x1f1: {  	v11 =	vld [tilespmem:s7+$0x4110];
	[tilespmem:s6+$0x5120] =	vst v9  }
0x1f2: {  	v9 =	vmul.f32 v17, v10;
	v10 =	vld [tilespmem:s7+$0x2120]  }
0x1f3: {  	v60 =	vld [tilespmem:s7+$0x4120]  }
0x1f4: {  	v14 =	vld [tilespmem:s7+$0x3100];
	v9 =	vadd.f32 v9, v58  }
0x1f5: {  	v61 =	vld [tilespmem:s7+$0x3110]  }
0x1f6: {  	[tilespmem:s7+$0x5130] =	vst v9;
	v9 =	vld [tilespmem:s7+$0x3120]  }
0x1f7: {  	v62 =	vmul.f32 v19, v18  }
0x1f8: {  	v11 =	vmul.f32 v11, v59  }
0x1f9: {  	v10 =	vmul.f32 v60, v10;
	v63 =	vadd.f32 v62, v14  }
0x1fa: {  	v11 =	vadd.f32 v11, v61  }
0x1fb: {  	s1 =	sadd.s32 $0x1, s1;
	[tilespmem:s7+$0x5100] =	vst v63;
	v9 =	vadd.f32 v10, v9  }
0x1fc: {  	s2 =	sadd.s32 s10, s3;
	p0 =	sne.s32 s1, $0x19;
	[tilespmem:s7+$0x5110] =	vst v11  }
.Ltmp17:
0x1fd: {  	s31 =	simm.s32 $0x0;
	s4 =	simm.s32 $0x5100;
	[tilespmem:s7+$0x5120] =	vst v9;
	(pc) =	sbr.rel @p0 .LBB2_23-.Ltmp17, $4  }
0x1fe: {  	[hbm4b:s2+s31] =	stream.linear.scatter [tilespmem:s4], [sflag:$0x4], $0x1000, $0x38;
	[tilespmem:$0x1E900] =	vst v63  }
0x1ff: {  	_ =	swait.ge [sflag:s12], $0x1000  }
0x200: {  	[sflag:s12] =	ssyncset.done $0x0  }
0x201: {  	[sflag:s12] =	ssyncadd.s32 $0xFFFFF000  }
0x202: {  	s1 =	rddreg [dreg:$0x1d]  }
0x203: {  	s0 =	rddreg [dreg:$0x11];
	s1 =	sadd.s32 $0x1, s1  }
0x204: {  	p0 =	sne.s32 s1, s0  }
.Ltmp18:
0x205: {  	_ = 	snop;
	(pc) =	sbr.rel @p0 .LBB2_1-.Ltmp18, $1  }
0x206: {  	_ =	sdelay $0x3  }
0x207: {  	_ =	sfence.sel $0x180000  }
0x208: {  	[bflag:$0x0] =	sbarrier.arrive $0xFFFF  }
0x209: {  	_ =	strace $0x9000004D  }
0x20a: {  	s0 =	stileid.u32;
	[bflag:$0x2] =	sbarrier.arrive $0xFFFF  }
0x20b: {  	p0 =	sne.s32 s0, $0x0;
	s0 =	rddreg [dreg:$0x3]  }
0x20c: {  	s0 =	sadd.s32 @!p0 $0x100000, s0  }
0x20d: {  	[sflag:s0] =	ssyncadd.tile.s32 @!p0 $0x1;
	_ =	shalt  }
.Lfunc_end2:
_tile_overlayer_lowered:
.L_overlay_start_2:
0x20e: {  	(tag) =	ssettag $0x2  }
0x20f: {  	s0 =	rddreg [dreg:$0x0];
	s2 =	stileid.u32  }
0x210: {  	s1 =	rddreg [dreg:$0x1];
	p0 =	sne.s32 s2, $0x0  }
0x211: {  	s3 =	rddreg [dreg:$0x2];
	[bflag:$0x3] =	sbarrier.arrive $0xFFFF;
	s2 =	simm.s32 @!p0 $0x1C04  }
0x212: {  	[timem:s3], [sflag:s2] =	dma.local @!p0 [hbm:s0], s1  }
0x213: {  	s0 =	simm.s32 @!p0 $0x4  }
0x214: {  	_ =	swait.ge @!p0 [sflag:s0], s1  }
0x215: {  	s1 =	ssub.s32 @!p0 $0x0, s1;
	[sflag:s0] =	ssyncset.done @!p0 $0x0  }
0x216: {  	[sflag:s0] =	ssyncadd.s32 @!p0 s1  }
0x217: {  	[bflag:$0x3] =	sbarrier.arrive $0xFFFF  }
0x218: {  	_ =	shalt  }

// kernel: kernel.6.cloned.1.call-start
scs
__scs_entry_jumppad:
0x0: {  	(pc) =	sbr.rel $0x88, $3  }
0x1: {  	(tag) =	ssettag $0x0;
	lr =	simm.s32 $0x1  }
0x2: {  	[smem:$0x3F9A] =	sst lr;
	_ =	strace $0xD0000000  }
0x3: {  	_ = 	snop  }
0x4: {  	_ = 	snop  }
0x5: {  	_ = 	snop  }
0x6: {  	_ = 	snop  }
0x7: {  	_ = 	snop  }
__scs_overlays_trampoline_lowered:
0x8: {  	[smem:$0x3FA9] =	sst s0  }
0x9: {  	[smem:$0x3FAA] =	sst s1  }
0xa: {  	[smem:$0x3FAB] =	sst s2  }
0xb: {  	[smem:$0x3FAC] =	sst s3  }
0xc: {  	[smem:$0x3FAD] =	sst s4  }
0xd: {  	[smem:$0x3FAE] =	sst s5  }
0xe: {  	[smem:$0x3FAF] =	sst s6  }
0xf: {  	[smem:$0x3FB0] =	sst s7  }
0x10: {  	[smem:$0x3FB1] =	sst s8  }
0x11: {  	[smem:$0x3FB2] =	sst s9;
	s0 =	simm.s32 @!p0 $0x0  }
0x12: {  	s1 =	sld [smem:$0x3F98];
	s0 =	simm.s32 @p0 $0x1  }
0x13: {  	[smem:$0x3FB3] =	sst s0;
	s0 =	simm.s32 @!p1 $0x0  }
0x14: {  	s2 =	sld [smem:$0x3F97];
	s0 =	simm.s32 @p1 $0x1  }
0x15: {  	[smem:$0x3FB4] =	sst s0;
	s0 =	simm.s32 @!p2 $0x0  }
0x16: {  	s3 =	sld [smem:$0x3FDB];
	s0 =	simm.s32 @p2 $0x1  }
0x17: {  	s4 =	simm.s32 $0x1BF5;
	[smem:$0x3FB6] =	sst s0  }
0x18: {  	s0 =	sld [smem:$0x3F99];
	_ =	swait.ge [sflag:s4], $0x0  }
0x19: {  	s7 =	sld [smem:$0x3F9A]  }
0x1a: {  	s8 =	sadd.s32 $0xFFFFE003, lr  }
0x1b: {  	s9 =	sadd.s32 $0xFFFFFEF7, lr;
	s5 =	simm.s32 $0xFFFFFFFF;
	p2 =	slt.u32 s8, $0xFFFFF086  }
0x1c: {  	p1 =	slt.u32 s9, $0xF7A;
	s5 =	simm.s32 @!p2 $0x0  }
0x1d: {  	s5 =	simm.s32 @p1 $0x1;
	p0 =	seq.s32 s7, s2  }
0x1e: {  	s7 =	smul.u32 @!p0 $0xF7A, s2;
	p2 =	seq.s32 @!p0 s5, $0x0  }
0x1f: {  	s9 =	smul.u32 $0xF7A, s1;
	s8 =	simm.s32 @!p0 $0x1BF5;
	p2 =	por !p2, p0  }
0x20: {  	[sflag:s8] =	ssyncset.s32 @!p0 $0xFFFFF086;
	s6 =	sadd.s32 @!p0 s3, s7;
	s7 =	simm.s32 @!p0 $0x108  }
0x21: {  	s3 =	sadd.s32 s3, s9;
	s6 =	sadd.s32 @!p0 $0x88, s6;
	s7 =	simm.s32 @p2 $0x1082  }
0x22: {  	[simem:s7], [sflag:s8] =	dma.local @!p0 [hbm:s6], $0xF7A  }
0x23: {  	s9 =	sor.u32 $0xD0000000, s2;
	s6 =	simm.s32 $0x108;
	_ =	swait.ge @!p0 [sflag:s8], $0x0  }
0x24: {  	s3 =	sadd.s32 $0x88, s3;
	s6 =	simm.s32 @!p1 $0x1082;
	[sflag:s4] =	ssyncset.s32 $0xFFFFF086  }
0x25: {  	[simem:s6], [sflag:s4] =	dma.local [hbm:s3], $0xF7A  }
0x26: {  	[smem:$0x3F9A] =	sst s1;
	(tag) =	ssettag s2;
	_ =	strace s9  }
0x27: {  	s1 =	sld [smem:$0x3FAA]  }
0x28: {  	s2 =	sld [smem:$0x3FAB]  }
0x29: {  	s4 =	sld [smem:$0x3FAD]  }
0x2a: {  	p0 =	seq.s32 s5, $0x0;
	s5 =	sld [smem:$0x3FAE]  }
0x2b: {  	s6 =	sld [smem:$0x3FAF]  }
0x2c: {  	s7 =	sld [smem:$0x3FB0]  }
0x2d: {  	s3 =	simm.s32 $0x108;
	s8 =	sld [smem:$0x3FB1]  }
0x2e: {  	s3 =	simm.s32 @!p0 $0x1082;
	s9 =	sld [smem:$0x3FB2]  }
0x2f: {  	lr =	sadd.s32 s0, s3;
	s0 =	sld [smem:$0x3FA9]  }
0x30: {  	s3 =	sld [smem:$0x3FAC]  }
0x31: {  	[smem:$0x3FB5] =	sst s10  }
0x32: {  	s10 =	sld [smem:$0x3FB3];
	_ =	sdelay $0x3  }
0x33: {  	p0 =	seq.s32 s10, $0x1;
	s10 =	sld [smem:$0x3FB5];
	_ =	sdelay $0x3  }
0x34: {  	[smem:$0x3FB5] =	sst s10  }
0x35: {  	s10 =	sld [smem:$0x3FB4];
	_ =	sdelay $0x3  }
0x36: {  	p1 =	seq.s32 s10, $0x1;
	s10 =	sld [smem:$0x3FB5];
	_ =	sdelay $0x3  }
0x37: {  	[smem:$0x3FB5] =	sst s10  }
0x38: {  	s10 =	sld [smem:$0x3FB6]  }
0x39: {  	_ = 	snop;
	(pc) =	sbr.ind lr, $3  }
0x3a: {  	_ = 	snop  }
0x3b: {  	_ = 	snop  }
0x3c: {  	p2 =	seq.s32 s10, $0x1;
	s10 =	sld [smem:$0x3FB5]  }
0x3d: {  	_ =	shalt  }
0x3e: {  	_ =	shalt  }
0x3f: {  	_ =	shalt  }
0x40: {  	_ =	shalt  }
0x41: {  	_ =	shalt  }
0x42: {  	_ =	shalt  }
0x43: {  	_ =	shalt  }
0x44: {  	_ =	shalt  }
0x45: {  	_ =	shalt  }
0x46: {  	_ =	shalt  }
0x47: {  	_ =	shalt  }
0x48: {  	_ =	shalt  }
0x49: {  	_ =	shalt  }
0x4a: {  	_ =	shalt  }
0x4b: {  	_ =	shalt  }
0x4c: {  	_ =	shalt  }
0x4d: {  	_ =	shalt  }
0x4e: {  	_ =	shalt  }
0x4f: {  	_ =	shalt  }
0x50: {  	_ =	shalt  }
0x51: {  	_ =	shalt  }
0x52: {  	_ =	shalt  }
0x53: {  	_ =	shalt  }
0x54: {  	_ =	shalt  }
0x55: {  	_ =	shalt  }
0x56: {  	_ =	shalt  }
0x57: {  	_ =	shalt  }
0x58: {  	_ =	shalt  }
0x59: {  	_ =	shalt  }
0x5a: {  	_ =	shalt  }
0x5b: {  	_ =	shalt  }
0x5c: {  	_ =	shalt  }
0x5d: {  	_ =	shalt  }
0x5e: {  	_ =	shalt  }
0x5f: {  	_ =	shalt  }
0x60: {  	_ =	shalt  }
0x61: {  	_ =	shalt  }
0x62: {  	_ =	shalt  }
0x63: {  	_ =	shalt  }
0x64: {  	_ =	shalt  }
0x65: {  	_ =	shalt  }
0x66: {  	_ =	shalt  }
0x67: {  	_ =	shalt  }
0x68: {  	_ =	shalt  }
0x69: {  	_ =	shalt  }
0x6a: {  	_ =	shalt  }
0x6b: {  	_ =	shalt  }
0x6c: {  	_ =	shalt  }
0x6d: {  	_ =	shalt  }
0x6e: {  	_ =	shalt  }
0x6f: {  	_ =	shalt  }
0x70: {  	_ =	shalt  }
0x71: {  	_ =	shalt  }
0x72: {  	_ =	shalt  }
0x73: {  	_ =	shalt  }
0x74: {  	_ =	shalt  }
0x75: {  	_ =	shalt  }
0x76: {  	_ =	shalt  }
0x77: {  	_ =	shalt  }
0x78: {  	_ =	shalt  }
0x79: {  	_ =	shalt  }
0x7a: {  	_ =	shalt  }
0x7b: {  	_ =	shalt  }
0x7c: {  	_ =	shalt  }
0x7d: {  	_ =	shalt  }
0x7e: {  	_ =	shalt  }
0x7f: {  	_ =	shalt  }
0x80: {  	_ =	shalt  }
0x81: {  	_ =	shalt  }
0x82: {  	_ =	shalt  }
0x83: {  	_ =	shalt  }
0x84: {  	_ =	shalt  }
0x85: {  	_ =	shalt  }
0x86: {  	_ =	shalt  }
0x87: {  	_ =	shalt  }
.Lfunc_end0:
.L_simem_size_0:
called_computation_lowered:
.L_overlay_start_0:
0x88: {  	s2 =	sld [smem:$0x3FD9]  }
0x89: {  	s3 =	sld [smem:$0x3FFE];
	_ =	sdelay $0x1  }
0x8a: {  	s1 =	srdreg.scid  }
0x8b: {  	s0 =	sand.u32 $0x1, s1  }
0x8c: {  	s17 =	sshll.u32 s0, $0xA;
	s2 =	sadd.s32 s3, s2  }
0x8d: {  	s2 =	sadd.s32 s2, s17  }
0x8e: {  	[smem:$0x3FC1] =	sst s2  }
0x8f: {  	_ = 	snop  }
0x90: {  	s2 =	sld [smem:$0x3FD0];
	(tm) =	ssettm $0x1  }
0x91: {  	s18 =	sld [smem:$0x3FFB];
	_ =	sdelay $0x3  }
0x92: {  	_ =	strace s18  }
0x93: {  	s3 =	sld [smem:$0x3FFC];
	_ =	sdelay $0x3  }
0x94: {  	_ =	strace s3  }
0x95: {  	s3 =	sld [smem:$0x3FFD];
	_ =	sdelay $0x3  }
0x96: {  	_ =	strace s3  }
0x97: {  	_ =	strace $0x8FFFFFFF  }
0x98: {  	s19 =	sld [smem:$0x3FDB];
	_ =	sdelay $0x1  }
0x99: {  	s4 =	simm.s32 $_scs_section_size  }
0x9a: {  	s5 =	simm.s32 $_size__tile_overlayer_lowered;
	s6 =	simm.s32 $_tile_overlayer_lowered  }
0x9b: {  	s22 =	simm.s32 $0x1BFF;
	s21 =	sshll.u32 s6, $0x1;
	s3 =	sadd.s32 s4, s19  }
0x9c: {  	s7 =	simm.s32 $0x0;
	s20 =	sshll.u32 s5, $0x1;
	s5 =	sadd.s32 s21, s3  }
0x9d: {  	[timem:s7], [sflag:s22] =	dma.local [hbm:s5], s20  }
0x9e: {  	_ =	swait.ge [sflag:s22], s20  }
0x9f: {  	s4 =	ssub.s32 $0x0, s20;
	[sflag:s22] =	ssyncset.done $0x0  }
0xa0: {  	[sflag:s22] =	ssyncadd.s32 s4;
	_ =	sdelay $0x1  }
0xa1: {  	s23 =	simm.s32 $0x1B8B  }
0xa2: {  	_ =	swait.ge [sflag:s23], $0x1  }
0xa3: {  	[sflag:s23] =	ssyncset.done $0x0  }
0xa4: {  	s25 =	simm.s32 $0x1B8E;
	s24 =	sld [smem:$0x3FFE];
	[sflag:s23] =	ssyncadd.s32 $0xFFFFFFFF  }
0xa5: {  	s26 =	simm.s32 $execute0_lowered;
	[smem:$0x3FD2] =	sst s25  }
0xa6: {  	s5 =	sshll.u32 s26, $0x1;
	_ =	strace $0x80000046;
	[dreg:$0x1] =	wrdreg $0xFFFFFFFF  }
0xa7: {  	s28 =	simm.s32 $_size_execute0_lowered;
	s3 =	sadd.s32 s3, s5;
	[dreg:$0x0] =	wrdreg $0x0  }
0xa8: {  	s5 =	sshll.u32 s28, $0x1;
	[dreg:$0x2] =	wrdreg s3  }
0xa9: {  	[dreg:$0x3] =	wrdreg s5  }
0xaa: {  	[dreg:$0x4] =	wrdreg $0xC0  }
0xab: {  	_ =	task [dreg:s7], $0x5FFFF  }
0xac: {  	[dreg:$0x1] =	wrdreg $0xFFFFFFFF  }
0xad: {  	[dreg:$0x0] =	wrdreg $0x60  }
0xae: {  	[dreg:$0x2] =	wrdreg s24  }
0xaf: {  	[dreg:$0x3] =	wrdreg s2  }
0xb0: {  	[dreg:$0x4] =	wrdreg $0x19000  }
0xb1: {  	[dreg:$0x5] =	wrdreg $0x9  }
0xb2: {  	_ =	task.clear_ibuf [dreg:s7], $0x6FFFF;
	_ =	strace $0x90000046  }
0xb3: {  	s29 =	simm.s32 $0x9;
	_ =	strace $0x80000048  }
0xb4: {  	_ =	swait.ge [sflag:s29], $0x1  }
0xb5: {  	[sflag:s29] =	ssyncadd.s32 $0xFFFFFFFF  }
0xb6: {  	_ =	strace $0x90000048  }
0xb7: {  	_ =	sfence  }
0xb8: {  	s30 =	sld [smem:$0x0];
	_ =	sdelay $0x2  }
0xb9: {  	s31 =	sshll.u32 s1, $0xD;
	s1 =	sshrl.u32 s1, $0x2  }
0xba: {  	s3 =	sand.u32 $0x4000, s31;
	s1 =	sadd.s32 s1, s30  }
0xbb: {  	s0 =	sor.u32 s3, s0;
	s1 =	sshll.u32 s1, $0x11  }
0xbc: {  	s0 =	sor.u32 s1, s0  }
0xbd: {  	s0 =	sadd.s32 $0x8F2B, s0  }
0xbe: {  	[sflag:s0] =	ssyncadd.remote.s32 $0x1  }
0xbf: {  	_ =	sfence.sel $0xFFFF  }
0xc0: {  	[dreg:$0x0] =	wrdreg $0xFFFFFFFF;
	(pc) =	sbr.abs _section_cstart, $3  }
0xc1: {  	[dreg:$0x1] =	wrdreg $0xFFFFFFFF  }
0xc2: {  	_ =	task.clear_ibuf [dreg:s7], $0x2FFFF;
	_ =	strace $0x9FFFFFFF  }
0xc3: {  	(tm) =	ssettm $0x7FFFFFFF  }
tec
execute0_lowered:
.L_overlay_start_1:
0x0: {  	(tag) =	ssettag $0x1  }
0x1: {  	s0 =	rddreg [dreg:$0x0]  }
0x2: {  	s2 =	rddreg [dreg:$0x1]  }
0x3: {  	s3 =	rddreg [dreg:$0x2];
	s4 =	simm.s32 $0x0;
	s6 =	stileid.u32  }
0x4: {  	s5 =	srdreg.scid;
	s28 =	simm.s32 $0x3;
	s29 =	simm.s32 $0x1100  }
0x5: {  	s30 =	simm.s32 $0x1;
	s31 =	simm.s32 $0x2;
	s1 =	smul.u32 $0x1900, s6  }
0x6: {  	[smem:$0x7FF] =	sst s4;
	s5 =	sand.u32 $0x1, s5;
	s7 =	smul.u32 $0x18800, s6  }
0x7: {  	s8 =	sadd.s32 $0x1C800, s0;
	s6 =	smul.u32 $0x620, s6;
	_ =	strace $0x80000047  }
0x8: {  	[dreg:$0x4] =	wrdreg s8;
	s10 =	ssub.s32 $0x2, s5;
	s8 =	smul.u32 $0x61A8, s5  }
0x9: {  	s1 =	sadd.s32 s1, s0;
	s0 =	sadd.s32 $0x1C600, s0;
	s13 =	sshrl.u32 s10, $0x1  }
0xa: {  	s7 =	sshrl.u32 s7, $0x2;
	s14 =	smin.u32 s6, $0x5B88;
	[dreg:$0x5] =	wrdreg s0  }
0xb: {  	s9 =	sadd.s32 s7, s3;
	s0 =	ssub.s32 s10, s13;
	s5 =	sadd.s32 $0x5A0, s14  }
0xc: {  	s15 =	sadd.s32 $0x61A8, s8;
	s7 =	sadd.s32 $0x6000, s9;
	s0 =	smax.u32 s0, $0x1  }
0xd: {  	s22 =	sshll.u32 s5, $0x4;
	s23 =	sadd.s32 $0x800, s9;
	s24 =	sadd.s32 $0x1000, s9  }
0xe: {  	s25 =	sadd.s32 $0x1800, s9;
	s16 =	sadd.s32 $0x2000, s9;
	[dreg:$0x6] =	wrdreg s7  }
0xf: {  	s17 =	sadd.s32 $0x2800, s9;
	s18 =	sadd.s32 $0x3000, s9;
	[dreg:$0x7] =	wrdreg s0  }
0x10: {  	s19 =	sadd.s32 $0x3800, s9;
	s26 =	sadd.s32 s8, s5;
	[dreg:$0x9] =	wrdreg s23  }
0x11: {  	s20 =	sadd.s32 $0x4000, s9;
	s21 =	sadd.s32 $0x4800, s9;
	[dreg:$0xa] =	wrdreg s24  }
0x12: {  	s5 =	simm.s32 $0x0;
	s0 =	sadd.s32 s22, s3;
	[dreg:$0xb] =	wrdreg s25  }
0x13: {  	v5 =	vlaneseq.u32;
	s22 =	sadd.s32 $0x5000, s9;
	s7 =	sadd.s32 $0x3600, s1;
	s25 =	sadd.s32 $0x5800, s9  }
0x14: {  	v2 =	vadd.s32 $0x61A8, v5;
	v3 =	vadd.s32 $0x61B8, v5;
	v4 =	vadd.s32 $0x61C8, v5;
	s1 =	simm.s32 $0x880;
	[dreg:$0x8] =	wrdreg s0;
	s0 =	sshll.u32 s26, $0x1  }
0x15: {  	v5 =	vadd.s32 $0x61D8, v5;
	v1 =	vmov s8;
	v0 =	vmov s15;
	s26 =	simm.s32 $0x900;
	s23 =	sadd.s32 s2, s0;
	s0 =	simm.s32 $0x80  }
.LBB2_1:
0x16: {  	s10 =	rddreg [dreg:$0x4]  }
0x17: {  	[tilespmem:s26], [sflag:$0x3] =	stream.linear.gather [hbm4b:s10+s4], $0x800, $0x38;
	[tilespmem:$0x7B00] =	vst v63  }
0x18: {  	_ =	swait.ge [sflag:s28], $0x800  }
0x19: {  	[sflag:s28] =	ssyncset.done $0x0  }
0x1a: {  	s12 =	rddreg [dreg:$0x5];
	[sflag:s28] =	ssyncadd.s32 $0xFFFFF800  }
0x1b: {  	[tilespmem:s29], [sflag:$0x3] =	stream.linear.gather [hbm4b:s12+s4], $0x800, $0x38;
	[tilespmem:$0x7B00] =	vst v63  }
0x1c: {  	_ =	swait.ge [sflag:s28], $0x800  }
0x1d: {  	[sflag:s28] =	ssyncset.done $0x0  }
0x1e: {  	[sflag:s28] =	ssyncadd.s32 $0xFFFFF800  }
0x1f: {  	[spmem:s9] =	stream.linear.scatter [tilespmem:s29], [sflag:$0x3], $0x800, $0x38;
	[tilespmem:$0x7B00] =	vst v63  }
0x20: {  	_ =	swait.ge [sflag:s28], $0x800  }
0x21: {  	[sflag:s28] =	ssyncset.done $0x0  }
0x22: {  	s13 =	rddreg [dreg:$0x9];
	[sflag:s28] =	ssyncadd.s32 $0xFFFFF800  }
0x23: {  	[spmem:s13] =	stream.linear.scatter [tilespmem:s29], [sflag:$0x3], $0x800, $0x38;
	[tilespmem:$0x7B00] =	vst v63  }
0x24: {  	_ =	swait.ge [sflag:s28], $0x800  }
0x25: {  	[sflag:s28] =	ssyncset.done $0x0  }
0x26: {  	s14 =	rddreg [dreg:$0xa];
	[sflag:s28] =	ssyncadd.s32 $0xFFFFF800  }
0x27: {  	[spmem:s14] =	stream.linear.scatter [tilespmem:s29], [sflag:$0x3], $0x800, $0x38;
	[tilespmem:$0x7B00] =	vst v63  }
0x28: {  	_ =	swait.ge [sflag:s28], $0x800  }
0x29: {  	[sflag:s28] =	ssyncset.done $0x0  }
0x2a: {  	s15 =	rddreg [dreg:$0xb];
	[sflag:s28] =	ssyncadd.s32 $0xFFFFF800  }
0x2b: {  	[spmem:s15] =	stream.linear.scatter [tilespmem:s29], [sflag:$0x3], $0x800, $0x38;
	[tilespmem:$0x7B00] =	vst v63  }
0x2c: {  	_ =	swait.ge [sflag:s28], $0x800  }
0x2d: {  	[sflag:s28] =	ssyncset.done $0x0  }
0x2e: {  	[sflag:s28] =	ssyncadd.s32 $0xFFFFF800  }
0x2f: {  	[spmem:s16] =	stream.linear.scatter [tilespmem:s29], [sflag:$0x3], $0x800, $0x38;
	[tilespmem:$0x7B00] =	vst v63  }
0x30: {  	_ =	swait.ge [sflag:s28], $0x800  }
0x31: {  	[sflag:s28] =	ssyncset.done $0x0  }
0x32: {  	[sflag:s28] =	ssyncadd.s32 $0xFFFFF800  }
0x33: {  	[spmem:s17] =	stream.linear.scatter [tilespmem:s29], [sflag:$0x3], $0x800, $0x38;
	[tilespmem:$0x7B00] =	vst v63  }
0x34: {  	_ =	swait.ge [sflag:s28], $0x800  }
0x35: {  	[sflag:s28] =	ssyncset.done $0x0  }
0x36: {  	[sflag:s28] =	ssyncadd.s32 $0xFFFFF800  }
0x37: {  	[spmem:s18] =	stream.linear.scatter [tilespmem:s29], [sflag:$0x3], $0x800, $0x38;
	[tilespmem:$0x7B00] =	vst v63  }
0x38: {  	_ =	swait.ge [sflag:s28], $0x800  }
0x39: {  	[sflag:s28] =	ssyncset.done $0x0  }
0x3a: {  	[sflag:s28] =	ssyncadd.s32 $0xFFFFF800  }
0x3b: {  	[spmem:s19] =	stream.linear.scatter [tilespmem:s29], [sflag:$0x3], $0x800, $0x38;
	[tilespmem:$0x7B00] =	vst v63  }
0x3c: {  	_ =	swait.ge [sflag:s28], $0x800  }
0x3d: {  	[sflag:s28] =	ssyncset.done $0x0  }
0x3e: {  	[sflag:s28] =	ssyncadd.s32 $0xFFFFF800  }
0x3f: {  	[spmem:s20] =	stream.linear.scatter [tilespmem:s29], [sflag:$0x3], $0x800, $0x38;
	[tilespmem:$0x7B00] =	vst v63  }
0x40: {  	_ =	swait.ge [sflag:s28], $0x800  }
0x41: {  	[sflag:s28] =	ssyncset.done $0x0  }
0x42: {  	[sflag:s28] =	ssyncadd.s32 $0xFFFFF800  }
0x43: {  	[spmem:s21] =	stream.linear.scatter [tilespmem:s29], [sflag:$0x3], $0x800, $0x38;
	[tilespmem:$0x7B00] =	vst v63  }
0x44: {  	_ =	swait.ge [sflag:s28], $0x800  }
0x45: {  	[sflag:s28] =	ssyncset.done $0x0  }
0x46: {  	[sflag:s28] =	ssyncadd.s32 $0xFFFFF800  }
0x47: {  	[spmem:s22] =	stream.linear.scatter [tilespmem:s29], [sflag:$0x3], $0x800, $0x38;
	[tilespmem:$0x7B00] =	vst v63  }
0x48: {  	_ =	swait.ge [sflag:s28], $0x800  }
0x49: {  	[sflag:s28] =	ssyncset.done $0x0  }
0x4a: {  	[sflag:s28] =	ssyncadd.s32 $0xFFFFF800  }
0x4b: {  	[spmem:s25] =	stream.linear.scatter [tilespmem:s29], [sflag:$0x3], $0x800, $0x38;
	[tilespmem:$0x7B00] =	vst v63  }
0x4c: {  	_ =	swait.ge [sflag:s28], $0x800  }
0x4d: {  	[sflag:s28] =	ssyncset.done $0x0  }
0x4e: {  	s24 =	rddreg [dreg:$0x6];
	[sflag:s28] =	ssyncadd.s32 $0xFFFFF800  }
0x4f: {  	[spmem:s24] =	stream.linear.scatter [tilespmem:s29], [sflag:$0x3], $0x200, $0x38;
	[tilespmem:$0x7B00] =	vst v63  }
.Ltmp0:
0x50: {  	_ =	swait.ge [sflag:s28], $0x200;
	(pc) =	sbr.rel .LBB2_2-.Ltmp0, $4  }
0x51: {  	[sflag:s28] =	ssyncset.done $0x0  }
0x52: {  	[sflag:s28] =	ssyncadd.s32 $0xFFFFFE00  }
0x53: {  	[bflag:$0x0] =	sbarrier.arrive $0xFFFF  }
0x54: {  	s10 =	simm.s32 $0x0;
	s24 =	smov.u32 s7  }
.LBB2_4:
0x55: {  	s10 =	sadd.s32 $0x1, s10  }
0x56: {  	p0 =	sne.s32 s10, $0x190  }
.Ltmp1:
0x57: {  	_ = 	snop;
	(pc) =	sbr.rel @!p0 .LBB2_5-.Ltmp1, $2  }
0x58: {  	_ =	sdelay $0x2  }
0x59: {  	s24 =	sadd.s32 $0x10, s24  }
.LBB2_2:
0x5a: {  	s11 =	sand.u32 $0xF, s10  }
0x5b: {  	p1 =	sne.s32 s11, $0x0  }
0x5c: {  	s12 =	simm.s32 @!p1 $0x0  }
0x5d: {  	[tilespmem:s12], [sflag:$0x3] =	stream.linear.gather @!p1 [hbm4b:s24+s12], $0x800, $0x38;
	[tilespmem:$0x7B00] =	vst v63  }
0x5e: {  	s12 =	sand.u32 $0x1, s10  }
0x5f: {  	s13 =	simm.s32 @!p1 $0x3;
	p0 =	seq.s32 s12, $0x1  }
0x60: {  	_ =	swait.ge @!p1 [sflag:s13], $0x800;
	p2 =	slt.u32 @!p0 s10, $0x2  }
0x61: {  	[sflag:s13] =	ssyncset.done @!p1 $0x0;
	p2 =	por p2, p0  }
0x62: {  	[sflag:s13] =	ssyncadd.s32 @!p1 $0xFFFFF800;
	s13 =	simm.s32 @!p2 $0x1  }
0x63: {  	_ =	swait.ge @!p2 [sflag:s13], $0x800  }
0x64: {  	[sflag:s13] =	ssyncset.done @!p2 $0x0  }
0x65: {  	[sflag:s13] =	ssyncadd.s32 @!p2 $0xFFFFF800;
	s13 =	sshll.u32 @!p0 s11, $0x7  }
0x66: {  	v6 =	vld @!p0 [tilespmem:s13+$0x0];
	_ =	sdelay $0x4  }
0x67: {  	v7 =	vlaneseq.u32 @!p0;
	vm0 =	vge.s32 @!p0 v6, v1;
	vm1 =	vlt.s32 @!p0 v6, v0  }
0x68: {  	v8 =	vadd.s32 @!p0 $0x61A8, v7;
	v6 =	vsub.s32 @!p0 v6, v1;
	vm0 =	vmand @!p0 vm0, vm1  }
0x69: {  	v6 =	vsel @!p0 vm0, v6, v8  }
0x6a: {  	[tilespmem:$0x800] =	vst @!p0 v6  }
0x6b: {  	v6 =	vld @!p0 [tilespmem:s13+$0x10];
	_ =	sdelay $0x4  }
0x6c: {  	vm0 =	vge.s32 @!p0 v6, v1;
	vm1 =	vlt.s32 @!p0 v6, v0  }
0x6d: {  	v9 =	vadd.s32 @!p0 $0x61B8, v7;
	v6 =	vsub.s32 @!p0 v6, v1;
	vm0 =	vmand @!p0 vm0, vm1  }
0x6e: {  	v6 =	vsel @!p0 vm0, v6, v9  }
0x6f: {  	[tilespmem:$0x810] =	vst @!p0 v6  }
0x70: {  	v6 =	vld @!p0 [tilespmem:s13+$0x20];
	_ =	sdelay $0x4  }
0x71: {  	vm0 =	vge.s32 @!p0 v6, v1;
	vm1 =	vlt.s32 @!p0 v6, v0  }
0x72: {  	v10 =	vadd.s32 @!p0 $0x61C8, v7;
	v6 =	vsub.s32 @!p0 v6, v1;
	vm0 =	vmand @!p0 vm0, vm1  }
0x73: {  	v6 =	vsel @!p0 vm0, v6, v10  }
0x74: {  	[tilespmem:$0x820] =	vst @!p0 v6  }
0x75: {  	v6 =	vld @!p0 [tilespmem:s13+$0x30];
	_ =	sdelay $0x4  }
0x76: {  	vm0 =	vge.s32 @!p0 v6, v1;
	vm1 =	vlt.s32 @!p0 v6, v0  }
0x77: {  	v7 =	vadd.s32 @!p0 $0x61D8, v7;
	v6 =	vsub.s32 @!p0 v6, v1;
	vm0 =	vmand @!p0 vm0, vm1  }
0x78: {  	v6 =	vsel @!p0 vm0, v6, v7  }
0x79: {  	[tilespmem:$0x830] =	vst @!p0 v6  }
0x7a: {  	v6 =	vld @!p0 [tilespmem:s13+$0x40];
	_ =	sdelay $0x4  }
0x7b: {  	vm0 =	vge.s32 @!p0 v6, v1;
	vm1 =	vlt.s32 @!p0 v6, v0  }
0x7c: {  	v6 =	vsub.s32 @!p0 v6, v1;
	vm0 =	vmand @!p0 vm0, vm1  }
0x7d: {  	v6 =	vsel @!p0 vm0, v6, v8  }
0x7e: {  	[tilespmem:$0x840] =	vst @!p0 v6  }
0x7f: {  	v6 =	vld @!p0 [tilespmem:s13+$0x50];
	_ =	sdelay $0x4  }
0x80: {  	vm0 =	vge.s32 @!p0 v6, v1;
	vm1 =	vlt.s32 @!p0 v6, v0  }
0x81: {  	v6 =	vsub.s32 @!p0 v6, v1;
	vm0 =	vmand @!p0 vm0, vm1  }
0x82: {  	v6 =	vsel @!p0 vm0, v6, v9  }
0x83: {  	[tilespmem:$0x850] =	vst @!p0 v6  }
0x84: {  	v6 =	vld @!p0 [tilespmem:s13+$0x60];
	_ =	sdelay $0x4  }
0x85: {  	vm0 =	vge.s32 @!p0 v6, v1;
	vm1 =	vlt.s32 @!p0 v6, v0  }
0x86: {  	v6 =	vsub.s32 @!p0 v6, v1;
	vm0 =	vmand @!p0 vm0, vm1  }
0x87: {  	v6 =	vsel @!p0 vm0, v6, v10  }
0x88: {  	[tilespmem:$0x860] =	vst @!p0 v6  }
0x89: {  	v6 =	vld @!p0 [tilespmem:s13+$0x70];
	_ =	sdelay $0x4  }
0x8a: {  	vm0 =	vge.s32 @!p0 v6, v1;
	vm1 =	vlt.s32 @!p0 v6, v0  }
0x8b: {  	v6 =	vsub.s32 @!p0 v6, v1;
	vm0 =	vmand @!p0 vm0, vm1  }
0x8c: {  	s14 =	simm.s32 @!p0 $0x800;
	v6 =	vsel @!p0 vm0, v6, v7  }
0x8d: {  	s15 =	simm.s32 @!p0 $0x900;
	p1 =	seq.s32 @!p0 s12, $0x0;
	s13 =	simm.s32 @!p0 $0x80;
	[tilespmem:$0x870] =	vst @!p0 v6  }
0x8e: {  	[spmem:s3] =	stream.indirect.scatter.add.f32 @!p0 [tilespmem:s15], [sflag:$0x1], $0x10, s14, s13, $0xb8;
	[tilespmem:$0x7B00] =	vst v63  }
0x8f: {  	p0 =	por p0, !p1  }
.Ltmp2:
0x90: {  	_ = 	snop;
	(pc) =	sbr.rel @!p0 .LBB2_4-.Ltmp2, $1  }
0x91: {  	_ =	sdelay $0x3  }
0x92: {  	p0 =	slt.u32 s10, $0x2  }
0x93: {  	s12 =	simm.s32 @!p0 $0x2  }
0x94: {  	_ =	swait.ge @!p0 [sflag:s12], $0x800  }
0x95: {  	[sflag:s12] =	ssyncset.done @!p0 $0x0  }
0x96: {  	s11 =	sshll.u32 s11, $0x7;
	[sflag:s12] =	ssyncadd.s32 @!p0 $0xFFFFF800  }
0x97: {  	v6 =	vld [tilespmem:s11+$0x0];
	_ =	sdelay $0x4  }
0x98: {  	vm0 =	vge.s32 v6, v1;
	vm1 =	vlt.s32 v6, v0  }
0x99: {  	v6 =	vsub.s32 v6, v1;
	vm0 =	vmand vm0, vm1  }
0x9a: {  	v6 =	vsel vm0, v6, v2  }
0x9b: {  	[tilespmem:$0x880] =	vst v6  }
0x9c: {  	v6 =	vld [tilespmem:s11+$0x10];
	_ =	sdelay $0x4  }
0x9d: {  	vm14 =	vge.s32 v6, v1;
	vm15 =	vlt.s32 v6, v0  }
0x9e: {  	v6 =	vsub.s32 v6, v1;
	vm0 =	vmand vm14, vm15  }
0x9f: {  	v6 =	vsel vm0, v6, v3  }
0xa0: {  	[tilespmem:$0x890] =	vst v6  }
0xa1: {  	v6 =	vld [tilespmem:s11+$0x20];
	_ =	sdelay $0x4  }
0xa2: {  	vm4 =	vge.s32 v6, v1;
	vm5 =	vlt.s32 v6, v0  }
0xa3: {  	v6 =	vsub.s32 v6, v1;
	vm0 =	vmand vm4, vm5  }
0xa4: {  	v6 =	vsel vm0, v6, v4  }
0xa5: {  	[tilespmem:$0x8A0] =	vst v6  }
0xa6: {  	v6 =	vld [tilespmem:s11+$0x30];
	_ =	sdelay $0x4  }
0xa7: {  	vm6 =	vge.s32 v6, v1;
	vm7 =	vlt.s32 v6, v0  }
0xa8: {  	v6 =	vsub.s32 v6, v1;
	vm0 =	vmand vm6, vm7  }
0xa9: {  	v6 =	vsel vm0, v6, v5  }
0xaa: {  	[tilespmem:$0x8B0] =	vst v6  }
0xab: {  	v6 =	vld [tilespmem:s11+$0x40];
	_ =	sdelay $0x4  }
0xac: {  	vm8 =	vge.s32 v6, v1;
	vm9 =	vlt.s32 v6, v0  }
0xad: {  	v6 =	vsub.s32 v6, v1;
	vm0 =	vmand vm8, vm9  }
0xae: {  	v6 =	vsel vm0, v6, v2  }
0xaf: {  	[tilespmem:$0x8C0] =	vst v6  }
0xb0: {  	v6 =	vld [tilespmem:s11+$0x50];
	_ =	sdelay $0x4  }
0xb1: {  	vm10 =	vge.s32 v6, v1;
	vm11 =	vlt.s32 v6, v0  }
0xb2: {  	v6 =	vsub.s32 v6, v1;
	vm0 =	vmand vm10, vm11  }
0xb3: {  	v6 =	vsel vm0, v6, v3  }
0xb4: {  	[tilespmem:$0x8D0] =	vst v6  }
0xb5: {  	v6 =	vld [tilespmem:s11+$0x60];
	_ =	sdelay $0x4  }
0xb6: {  	vm12 =	vge.s32 v6, v1;
	vm13 =	vlt.s32 v6, v0  }
0xb7: {  	v6 =	vsub.s32 v6, v1;
	vm0 =	vmand vm12, vm13  }
0xb8: {  	v6 =	vsel vm0, v6, v4  }
0xb9: {  	[tilespmem:$0x8E0] =	vst v6  }
0xba: {  	v6 =	vld [tilespmem:s11+$0x70];
	_ =	sdelay $0x4  }
.Ltmp3:
0xbb: {  	vm14 =	vge.s32 v6, v1;
	vm15 =	vlt.s32 v6, v0;
	(pc) =	sbr.rel .LBB2_4-.Ltmp3, $4  }
0xbc: {  	v6 =	vsub.s32 v6, v1;
	vm0 =	vmand vm14, vm15  }
0xbd: {  	v6 =	vsel vm0, v6, v5  }
0xbe: {  	[tilespmem:$0x8F0] =	vst v6  }
0xbf: {  	[spmem:s3] =	stream.indirect.scatter.add.f32 [tilespmem:s26], [sflag:$0x2], $0x10, s1, s0, $0xb8;
	[tilespmem:$0x7B00] =	vst v63  }
.LBB2_5:
0xc0: {  	_ =	swait.ge [sflag:s30], $0x800  }
0xc1: {  	s10 =	sadd.s32 $0x0, s6;
	[sflag:s30] =	ssyncset.done $0x0  }
0xc2: {  	p0 =	slt.s32 s10, $0x6128;
	[sflag:s30] =	ssyncadd.s32 $0xFFFFF800  }
0xc3: {  	s13 =	sadd.s32 $0x80, s6;
	s10 =	simm.s32 @!p0 $0x6128;
	_ =	swait.ge [sflag:s31], $0x800  }
0xc4: {  	p0 =	slt.s32 s13, $0x6128;
	s11 =	sshll.u32 s10, $0x4;
	[sflag:s31] =	ssyncset.done $0x0  }
0xc5: {  	s10 =	sadd.s32 s8, s10;
	s11 =	sand.u32 $0x3FFFFFF0, s11;
	[sflag:s31] =	ssyncadd.s32 $0xFFFFF800  }
0xc6: {  	s13 =	simm.s32 @!p0 $0x6128;
	s11 =	sadd.s32 s11, s3;
	[bflag:$0x0] =	sbarrier.arrive $0xFFFF  }
0xc7: {  	[tilespmem:s29], [sflag:$0x3] =	stream.linear.gather [spmem:s11], $0x800, $0x38;
	[tilespmem:$0x7B00] =	vst v63  }
0xc8: {  	s12 =	sshll.u32 s10, $0x1;
	s24 =	sshll.u32 s13, $0x4;
	_ =	swait.ge [sflag:s28], $0x800  }
0xc9: {  	s10 =	sadd.s32 s8, s13;
	s11 =	simm.s32 $0x100;
	[sflag:s28] =	ssyncset.done $0x0  }
.LBB2_6:
0xca: {  	s13 =	sand.u32 $0x3FFFFFF0, s24  }
0xcb: {  	[sflag:s28] =	ssyncadd.s32 $0xFFFFF800;
	s12 =	sadd.s32 s2, s12;
	s14 =	smov.u32 s11  }
0xcc: {  	[hbm4b:s12+s4] =	stream.linear.scatter [tilespmem:s29], [sflag:$0x3], $0x800, $0x38;
	[tilespmem:$0x7B00] =	vst v63  }
0xcd: {  	p0 =	sne.s32 s11, $0x580;
	s11 =	sadd.s32 $0x80, s11;
	_ =	swait.ge [sflag:s28], $0x800  }
0xce: {  	s14 =	sadd.s32 s14, s6;
	[sflag:s28] =	ssyncset.done $0x0  }
.Ltmp4:
0xcf: {  	s12 =	sadd.s32 s13, s3;
	[sflag:s28] =	ssyncadd.s32 $0xFFFFF800;
	(pc) =	sbr.rel @p0 .LBB2_6-.Ltmp4, $4  }
0xd0: {  	[tilespmem:s29], [sflag:$0x3] =	stream.linear.gather [spmem:s12], $0x800, $0x38;
	[tilespmem:$0x7B00] =	vst v63  }
0xd1: {  	p1 =	slt.s32 s14, $0x6128  }
0xd2: {  	s14 =	simm.s32 @!p1 $0x6128;
	s12 =	sshll.u32 s10, $0x1;
	_ =	swait.ge [sflag:s28], $0x800  }
0xd3: {  	s24 =	sshll.u32 s14, $0x4;
	s10 =	sadd.s32 s8, s14;
	[sflag:s28] =	ssyncset.done $0x0  }
0xd4: {  	[sflag:s28] =	ssyncadd.s32 $0xFFFFF800;
	s11 =	sadd.s32 s2, s12  }
0xd5: {  	[hbm4b:s11+s4] =	stream.linear.scatter [tilespmem:s29], [sflag:$0x3], $0x800, $0x38;
	[tilespmem:$0x7B00] =	vst v63  }
0xd6: {  	_ =	swait.ge [sflag:s28], $0x800  }
0xd7: {  	s14 =	sand.u32 $0x3FFFFFF0, s24;
	[sflag:s28] =	ssyncset.done $0x0  }
0xd8: {  	s11 =	sadd.s32 s14, s3;
	[sflag:s28] =	ssyncadd.s32 $0xFFFFF800  }
0xd9: {  	[tilespmem:s29], [sflag:$0x3] =	stream.linear.gather [spmem:s11], $0x800, $0x38;
	[tilespmem:$0x7B00] =	vst v63  }
0xda: {  	_ =	swait.ge [sflag:s28], $0x800  }
0xdb: {  	s10 =	sshll.u32 s10, $0x1;
	[sflag:s28] =	ssyncset.done $0x0  }
0xdc: {  	s10 =	sadd.s32 s2, s10;
	[sflag:s28] =	ssyncadd.s32 $0xFFFFF800  }
0xdd: {  	[hbm4b:s10+s4] =	stream.linear.scatter [tilespmem:s29], [sflag:$0x3], $0x800, $0x38;
	[tilespmem:$0x7B00] =	vst v63  }
0xde: {  	_ =	swait.ge [sflag:s28], $0x800  }
0xdf: {  	[sflag:s28] =	ssyncset.done $0x0  }
0xe0: {  	s15 =	rddreg [dreg:$0x8];
	[sflag:s28] =	ssyncadd.s32 $0xFFFFF800  }
0xe1: {  	[tilespmem:s29], [sflag:$0x3] =	stream.linear.gather [spmem:s15], $0x800, $0x38;
	[tilespmem:$0x7B00] =	vst v63  }
0xe2: {  	_ =	swait.ge [sflag:s28], $0x800  }
0xe3: {  	[sflag:s28] =	ssyncset.done $0x0  }
0xe4: {  	[sflag:s28] =	ssyncadd.s32 $0xFFFFF800  }
0xe5: {  	[hbm4b:s23+s4] =	stream.linear.scatter [tilespmem:s29], [sflag:$0x3], $0x800, $0x38;
	[tilespmem:$0x7B00] =	vst v63  }
0xe6: {  	_ =	swait.ge [sflag:s28], $0x800  }
0xe7: {  	s5 =	sadd.s32 $0x1, s5;
	s24 =	rddreg [dreg:$0x7]  }
0xe8: {  	p0 =	sne.s32 s5, s24  }
.Ltmp5:
0xe9: {  	_ = 	snop;
	(pc) =	sbr.rel @p0 .LBB2_1-.Ltmp5, $3  }
0xea: {  	_ =	sdelay $0x1  }
0xeb: {  	[sflag:s28] =	ssyncset.done $0x0  }
0xec: {  	[sflag:s28] =	ssyncadd.s32 $0xFFFFF800  }
0xed: {  	_ =	sfence.sel $0x180000  }
0xee: {  	[bflag:$0x0] =	sbarrier.arrive $0xFFFF  }
0xef: {  	_ =	strace $0x90000047  }
0xf0: {  	s0 =	stileid.u32;
	[bflag:$0x2] =	sbarrier.arrive $0xFFFF  }
0xf1: {  	p0 =	sne.s32 s0, $0x0;
	s0 =	rddreg [dreg:$0x3]  }
0xf2: {  	s0 =	sadd.s32 @!p0 $0x100000, s0  }
0xf3: {  	[sflag:s0] =	ssyncadd.tile.s32 @!p0 $0x1;
	_ =	shalt  }
.Lfunc_end2:
_tile_overlayer_lowered:
.L_overlay_start_2:
0xf4: {  	(tag) =	ssettag $0x2  }
0xf5: {  	s0 =	rddreg [dreg:$0x0];
	s2 =	stileid.u32  }
0xf6: {  	s1 =	rddreg [dreg:$0x1];
	p0 =	sne.s32 s2, $0x0  }
0xf7: {  	s3 =	rddreg [dreg:$0x2];
	[bflag:$0x3] =	sbarrier.arrive $0xFFFF;
	s2 =	simm.s32 @!p0 $0x1C03  }
0xf8: {  	[timem:s3], [sflag:s2] =	dma.local @!p0 [hbm:s0], s1  }
0xf9: {  	s0 =	simm.s32 @!p0 $0x3  }
0xfa: {  	_ =	swait.ge @!p0 [sflag:s0], s1  }
0xfb: {  	s1 =	ssub.s32 @!p0 $0x0, s1;
	[sflag:s0] =	ssyncset.done @!p0 $0x0  }
0xfc: {  	[sflag:s0] =	ssyncadd.s32 @!p0 s1  }
0xfd: {  	[bflag:$0x3] =	sbarrier.arrive $0xFFFF  }
0xfe: {  	_ =	shalt  }

// kernel: kernel.9.cloned.1.call-start
scs
__scs_entry_jumppad:
0x0: {  	(pc) =	sbr.rel $0x88, $3  }
0x1: {  	(tag) =	ssettag $0x0;
	lr =	simm.s32 $0x1  }
0x2: {  	[smem:$0x3F9A] =	sst lr;
	_ =	strace $0xD0000000  }
0x3: {  	_ = 	snop  }
0x4: {  	_ = 	snop  }
0x5: {  	_ = 	snop  }
0x6: {  	_ = 	snop  }
0x7: {  	_ = 	snop  }
__scs_overlays_trampoline_lowered:
0x8: {  	[smem:$0x3FA9] =	sst s0  }
0x9: {  	[smem:$0x3FAA] =	sst s1  }
0xa: {  	[smem:$0x3FAB] =	sst s2  }
0xb: {  	[smem:$0x3FAC] =	sst s3  }
0xc: {  	[smem:$0x3FAD] =	sst s4  }
0xd: {  	[smem:$0x3FAE] =	sst s5  }
0xe: {  	[smem:$0x3FAF] =	sst s6  }
0xf: {  	[smem:$0x3FB0] =	sst s7  }
0x10: {  	[smem:$0x3FB1] =	sst s8  }
0x11: {  	[smem:$0x3FB2] =	sst s9;
	s0 =	simm.s32 @!p0 $0x0  }
0x12: {  	s1 =	sld [smem:$0x3F98];
	s0 =	simm.s32 @p0 $0x1  }
0x13: {  	[smem:$0x3FB3] =	sst s0;
	s0 =	simm.s32 @!p1 $0x0  }
0x14: {  	s2 =	sld [smem:$0x3F97];
	s0 =	simm.s32 @p1 $0x1  }
0x15: {  	[smem:$0x3FB4] =	sst s0;
	s0 =	simm.s32 @!p2 $0x0  }
0x16: {  	s3 =	sld [smem:$0x3FDB];
	s0 =	simm.s32 @p2 $0x1  }
0x17: {  	s4 =	simm.s32 $0x1BF5;
	[smem:$0x3FB6] =	sst s0  }
0x18: {  	s0 =	sld [smem:$0x3F99];
	_ =	swait.ge [sflag:s4], $0x0  }
0x19: {  	s7 =	sld [smem:$0x3F9A]  }
0x1a: {  	s8 =	sadd.s32 $0xFFFFE003, lr  }
0x1b: {  	s9 =	sadd.s32 $0xFFFFFEF7, lr;
	s5 =	simm.s32 $0xFFFFFFFF;
	p2 =	slt.u32 s8, $0xFFFFF086  }
0x1c: {  	p1 =	slt.u32 s9, $0xF7A;
	s5 =	simm.s32 @!p2 $0x0  }
0x1d: {  	s5 =	simm.s32 @p1 $0x1;
	p0 =	seq.s32 s7, s2  }
0x1e: {  	s7 =	smul.u32 @!p0 $0xF7A, s2;
	p2 =	seq.s32 @!p0 s5, $0x0  }
0x1f: {  	s9 =	smul.u32 $0xF7A, s1;
	s8 =	simm.s32 @!p0 $0x1BF5;
	p2 =	por !p2, p0  }
0x20: {  	[sflag:s8] =	ssyncset.s32 @!p0 $0xFFFFF086;
	s6 =	sadd.s32 @!p0 s3, s7;
	s7 =	simm.s32 @!p0 $0x108  }
0x21: {  	s3 =	sadd.s32 s3, s9;
	s6 =	sadd.s32 @!p0 $0x88, s6;
	s7 =	simm.s32 @p2 $0x1082  }
0x22: {  	[simem:s7], [sflag:s8] =	dma.local @!p0 [hbm:s6], $0xF7A  }
0x23: {  	s9 =	sor.u32 $0xD0000000, s2;
	s6 =	simm.s32 $0x108;
	_ =	swait.ge @!p0 [sflag:s8], $0x0  }
0x24: {  	s3 =	sadd.s32 $0x88, s3;
	s6 =	simm.s32 @!p1 $0x1082;
	[sflag:s4] =	ssyncset.s32 $0xFFFFF086  }
0x25: {  	[simem:s6], [sflag:s4] =	dma.local [hbm:s3], $0xF7A  }
0x26: {  	[smem:$0x3F9A] =	sst s1;
	(tag) =	ssettag s2;
	_ =	strace s9  }
0x27: {  	s1 =	sld [smem:$0x3FAA]  }
0x28: {  	s2 =	sld [smem:$0x3FAB]  }
0x29: {  	s4 =	sld [smem:$0x3FAD]  }
0x2a: {  	p0 =	seq.s32 s5, $0x0;
	s5 =	sld [smem:$0x3FAE]  }
0x2b: {  	s6 =	sld [smem:$0x3FAF]  }
0x2c: {  	s7 =	sld [smem:$0x3FB0]  }
0x2d: {  	s3 =	simm.s32 $0x108;
	s8 =	sld [smem:$0x3FB1]  }
0x2e: {  	s3 =	simm.s32 @!p0 $0x1082;
	s9 =	sld [smem:$0x3FB2]  }
0x2f: {  	lr =	sadd.s32 s0, s3;
	s0 =	sld [smem:$0x3FA9]  }
0x30: {  	s3 =	sld [smem:$0x3FAC]  }
0x31: {  	[smem:$0x3FB5] =	sst s10  }
0x32: {  	s10 =	sld [smem:$0x3FB3];
	_ =	sdelay $0x3  }
0x33: {  	p0 =	seq.s32 s10, $0x1;
	s10 =	sld [smem:$0x3FB5];
	_ =	sdelay $0x3  }
0x34: {  	[smem:$0x3FB5] =	sst s10  }
0x35: {  	s10 =	sld [smem:$0x3FB4];
	_ =	sdelay $0x3  }
0x36: {  	p1 =	seq.s32 s10, $0x1;
	s10 =	sld [smem:$0x3FB5];
	_ =	sdelay $0x3  }
0x37: {  	[smem:$0x3FB5] =	sst s10  }
0x38: {  	s10 =	sld [smem:$0x3FB6]  }
0x39: {  	_ = 	snop;
	(pc) =	sbr.ind lr, $3  }
0x3a: {  	_ = 	snop  }
0x3b: {  	_ = 	snop  }
0x3c: {  	p2 =	seq.s32 s10, $0x1;
	s10 =	sld [smem:$0x3FB5]  }
0x3d: {  	_ =	shalt  }
0x3e: {  	_ =	shalt  }
0x3f: {  	_ =	shalt  }
0x40: {  	_ =	shalt  }
0x41: {  	_ =	shalt  }
0x42: {  	_ =	shalt  }
0x43: {  	_ =	shalt  }
0x44: {  	_ =	shalt  }
0x45: {  	_ =	shalt  }
0x46: {  	_ =	shalt  }
0x47: {  	_ =	shalt  }
0x48: {  	_ =	shalt  }
0x49: {  	_ =	shalt  }
0x4a: {  	_ =	shalt  }
0x4b: {  	_ =	shalt  }
0x4c: {  	_ =	shalt  }
0x4d: {  	_ =	shalt  }
0x4e: {  	_ =	shalt  }
0x4f: {  	_ =	shalt  }
0x50: {  	_ =	shalt  }
0x51: {  	_ =	shalt  }
0x52: {  	_ =	shalt  }
0x53: {  	_ =	shalt  }
0x54: {  	_ =	shalt  }
0x55: {  	_ =	shalt  }
0x56: {  	_ =	shalt  }
0x57: {  	_ =	shalt  }
0x58: {  	_ =	shalt  }
0x59: {  	_ =	shalt  }
0x5a: {  	_ =	shalt  }
0x5b: {  	_ =	shalt  }
0x5c: {  	_ =	shalt  }
0x5d: {  	_ =	shalt  }
0x5e: {  	_ =	shalt  }
0x5f: {  	_ =	shalt  }
0x60: {  	_ =	shalt  }
0x61: {  	_ =	shalt  }
0x62: {  	_ =	shalt  }
0x63: {  	_ =	shalt  }
0x64: {  	_ =	shalt  }
0x65: {  	_ =	shalt  }
0x66: {  	_ =	shalt  }
0x67: {  	_ =	shalt  }
0x68: {  	_ =	shalt  }
0x69: {  	_ =	shalt  }
0x6a: {  	_ =	shalt  }
0x6b: {  	_ =	shalt  }
0x6c: {  	_ =	shalt  }
0x6d: {  	_ =	shalt  }
0x6e: {  	_ =	shalt  }
0x6f: {  	_ =	shalt  }
0x70: {  	_ =	shalt  }
0x71: {  	_ =	shalt  }
0x72: {  	_ =	shalt  }
0x73: {  	_ =	shalt  }
0x74: {  	_ =	shalt  }
0x75: {  	_ =	shalt  }
0x76: {  	_ =	shalt  }
0x77: {  	_ =	shalt  }
0x78: {  	_ =	shalt  }
0x79: {  	_ =	shalt  }
0x7a: {  	_ =	shalt  }
0x7b: {  	_ =	shalt  }
0x7c: {  	_ =	shalt  }
0x7d: {  	_ =	shalt  }
0x7e: {  	_ =	shalt  }
0x7f: {  	_ =	shalt  }
0x80: {  	_ =	shalt  }
0x81: {  	_ =	shalt  }
0x82: {  	_ =	shalt  }
0x83: {  	_ =	shalt  }
0x84: {  	_ =	shalt  }
0x85: {  	_ =	shalt  }
0x86: {  	_ =	shalt  }
0x87: {  	_ =	shalt  }
.Lfunc_end0:
.L_simem_size_0:
called_computation.1_lowered:
.L_overlay_start_0:
0x88: {  	s2 =	sld [smem:$0x3FD9]  }
0x89: {  	s3 =	sld [smem:$0x3FFE];
	_ =	sdelay $0x1  }
0x8a: {  	s1 =	srdreg.scid  }
0x8b: {  	s0 =	sand.u32 $0x1, s1  }
0x8c: {  	s17 =	sshll.u32 s0, $0xA;
	s2 =	sadd.s32 s3, s2  }
0x8d: {  	s2 =	sadd.s32 s2, s17  }
0x8e: {  	[smem:$0x3FC1] =	sst s2  }
0x8f: {  	_ = 	snop  }
0x90: {  	s2 =	sld [smem:$0x3FD0];
	(tm) =	ssettm $0x1  }
0x91: {  	s18 =	sld [smem:$0x3FFB];
	_ =	sdelay $0x3  }
0x92: {  	_ =	strace s18  }
0x93: {  	s3 =	sld [smem:$0x3FFC];
	_ =	sdelay $0x3  }
0x94: {  	_ =	strace s3  }
0x95: {  	s3 =	sld [smem:$0x3FFD];
	_ =	sdelay $0x3  }
0x96: {  	_ =	strace s3  }
0x97: {  	_ =	strace $0x8FFFFFFF  }
0x98: {  	s19 =	sld [smem:$0x3FDB];
	_ =	sdelay $0x1  }
0x99: {  	s4 =	simm.s32 $_scs_section_size  }
0x9a: {  	s5 =	simm.s32 $_size__tile_overlayer_lowered;
	s6 =	simm.s32 $_tile_overlayer_lowered  }
0x9b: {  	s22 =	simm.s32 $0x1BFF;
	s21 =	sshll.u32 s6, $0x1;
	s3 =	sadd.s32 s4, s19  }
0x9c: {  	s7 =	simm.s32 $0x0;
	s20 =	sshll.u32 s5, $0x1;
	s5 =	sadd.s32 s21, s3  }
0x9d: {  	[timem:s7], [sflag:s22] =	dma.local [hbm:s5], s20  }
0x9e: {  	_ =	swait.ge [sflag:s22], s20  }
0x9f: {  	s4 =	ssub.s32 $0x0, s20;
	[sflag:s22] =	ssyncset.done $0x0  }
0xa0: {  	[sflag:s22] =	ssyncadd.s32 s4;
	_ =	sdelay $0x1  }
0xa1: {  	s23 =	simm.s32 $0x1B8B  }
0xa2: {  	_ =	swait.ge [sflag:s23], $0x1  }
0xa3: {  	[sflag:s23] =	ssyncset.done $0x0  }
0xa4: {  	s25 =	simm.s32 $0x1B8E;
	s24 =	sld [smem:$0x3FFE];
	[sflag:s23] =	ssyncadd.s32 $0xFFFFFFFF  }
0xa5: {  	s26 =	simm.s32 $execute0_lowered;
	[smem:$0x3FD2] =	sst s25  }
0xa6: {  	s5 =	sshll.u32 s26, $0x1;
	_ =	strace $0x80000049;
	[dreg:$0x1] =	wrdreg $0xFFFFFFFF  }
0xa7: {  	s28 =	simm.s32 $_size_execute0_lowered;
	s3 =	sadd.s32 s3, s5;
	[dreg:$0x0] =	wrdreg $0x0  }
0xa8: {  	s5 =	sshll.u32 s28, $0x1;
	[dreg:$0x2] =	wrdreg s3  }
0xa9: {  	[dreg:$0x3] =	wrdreg s5  }
0xaa: {  	[dreg:$0x4] =	wrdreg $0xC0  }
0xab: {  	_ =	task [dreg:s7], $0x5FFFF  }
0xac: {  	[dreg:$0x1] =	wrdreg $0xFFFFFFFF  }
0xad: {  	[dreg:$0x0] =	wrdreg $0x60  }
0xae: {  	[dreg:$0x2] =	wrdreg s2  }
0xaf: {  	[dreg:$0x3] =	wrdreg s24  }
0xb0: {  	[dreg:$0x4] =	wrdreg $0x61000  }
0xb1: {  	[dreg:$0x5] =	wrdreg $0x9  }
0xb2: {  	_ =	task.clear_ibuf [dreg:s7], $0x6FFFF;
	_ =	strace $0x90000049  }
0xb3: {  	s29 =	simm.s32 $0x9;
	_ =	strace $0x8000004B  }
0xb4: {  	_ =	swait.ge [sflag:s29], $0x1  }
0xb5: {  	[sflag:s29] =	ssyncadd.s32 $0xFFFFFFFF  }
0xb6: {  	_ =	strace $0x9000004B  }
0xb7: {  	_ =	sfence  }
0xb8: {  	s30 =	sld [smem:$0x0];
	_ =	sdelay $0x2  }
0xb9: {  	s31 =	sshll.u32 s1, $0xD;
	s1 =	sshrl.u32 s1, $0x2  }
0xba: {  	s3 =	sand.u32 $0x4000, s31;
	s1 =	sadd.s32 s1, s30  }
0xbb: {  	s0 =	sor.u32 s3, s0;
	s1 =	sshll.u32 s1, $0x11  }
0xbc: {  	s0 =	sor.u32 s1, s0  }
0xbd: {  	s0 =	sadd.s32 $0x8F2B, s0  }
0xbe: {  	[sflag:s0] =	ssyncadd.remote.s32 $0x1  }
0xbf: {  	_ =	sfence.sel $0xFFFF  }
0xc0: {  	[dreg:$0x0] =	wrdreg $0xFFFFFFFF;
	(pc) =	sbr.abs _section_cstart, $3  }
0xc1: {  	[dreg:$0x1] =	wrdreg $0xFFFFFFFF  }
0xc2: {  	_ =	task.clear_ibuf [dreg:s7], $0x2FFFF;
	_ =	strace $0x9FFFFFFF  }
0xc3: {  	(tm) =	ssettm $0x7FFFFFFF  }
tec
execute0_lowered:
.L_overlay_start_1:
0x0: {  	(tag) =	ssettag $0x1  }
0x1: {  	s9 =	rddreg [dreg:$0x0]  }
0x2: {  	s0 =	rddreg [dreg:$0x1]  }
0x3: {  	s16 =	rddreg [dreg:$0x2];
	s8 =	simm.s32 $0x0  }
0x4: {  	[smem:$0x7FF] =	sst s8;
	s1 =	sadd.s32 $0x3600, s0  }
0x5: {  	s4 =	sadd.s32 $0x1CA00, s0;
	_ =	strace $0x8000004A;
	[dreg:$0x5] =	wrdreg s1  }
0x6: {  	s5 =	sadd.s32 $0x35A00, s0;
	[dreg:$0x6] =	wrdreg s4  }
0x7: {  	s3 =	srdreg.scid;
	s6 =	sadd.s32 $0x97600, s0;
	[dreg:$0x7] =	wrdreg s5  }
0x8: {  	s10 =	stileid.u32;
	s7 =	sadd.s32 $0xF9200, s0;
	[dreg:$0x8] =	wrdreg s6  }
0x9: {  	s2 =	sadd.s32 $0xF9600, s0;
	s15 =	smul.u32 $0xC800, s10;
	[dreg:$0x9] =	wrdreg s7  }
0xa: {  	s0 =	sadd.s32 $0x15B200, s0;
	[dreg:$0xa] =	wrdreg s2;
	s4 =	smul.u32 $0x62000, s10  }
0xb: {  	s3 =	sand.u32 $0x1, s3;
	[dreg:$0xb] =	wrdreg s0;
	s5 =	smul.u32 $0x620, s10  }
0xc: {  	s11 =	ssub.s32 $0x2, s3;
	s12 =	smul.u32 $0x61A8, s3;
	[dreg:$0xf] =	wrdreg s15  }
0xd: {  	s1 =	smul.u32 $0x25, s10;
	s13 =	sshrl.u32 s11, $0x1;
	[dreg:$0xd] =	wrdreg s5  }
0xe: {  	s0 =	ssub.s32 s11, s13;
	[dreg:$0xc] =	wrdreg s12  }
0xf: {  	s4 =	sshrl.u32 s4, $0x2;
	[dreg:$0x11] =	wrdreg s1;
	s0 =	smax.u32 s0, $0x1  }
0x10: {  	s14 =	sadd.s32 s4, s16;
	[dreg:$0x12] =	wrdreg s0  }
0x11: {  	s18 =	sadd.s32 $0x18000, s14;
	[dreg:$0xe] =	wrdreg s14  }
0x12: {  	s19 =	sadd.s32 $0x2000, s14;
	[dreg:$0x10] =	wrdreg s18  }
0x13: {  	s20 =	sadd.s32 $0x4000, s14;
	[dreg:$0x13] =	wrdreg s19  }
0x14: {  	s21 =	sadd.s32 $0x6000, s14;
	[dreg:$0x14] =	wrdreg s20  }
0x15: {  	v2 =	vimm.s32 $0xECA86420;
	s22 =	sadd.s32 $0x8000, s14;
	[dreg:$0x15] =	wrdreg s21  }
0x16: {  	v3 =	vlaneseq.u32;
	vm0 =	vcmask $0xB08;
	vm1 =	vcmask $0x1310;
	s23 =	sadd.s32 $0xA000, s14;
	[dreg:$0x16] =	wrdreg s22  }
0x17: {  	vm2 =	vcmask $0x1B18;
	vm3 =	vcmask $0x300;
	vm4 =	vcmask $0x2320;
	s24 =	sadd.s32 $0xC000, s14;
	[dreg:$0x17] =	wrdreg s23  }
0x18: {  	vm5 =	vcmask $0x2B28;
	vm6 =	vcmask $0x3330;
	vm7 =	vcmask $0x3B38;
	s25 =	sadd.s32 $0xE000, s14;
	[dreg:$0x18] =	wrdreg s24  }
0x19: {  	vm8 =	vmmov $0xff;
	vm12 =	vcmask $0x1F1C;
	vm13 =	vcmask $0x2724;
	s28 =	simm.s32 $0x1880;
	s26 =	sadd.s32 $0x10000, s14;
	[dreg:$0x19] =	wrdreg s25  }
0x1a: {  	vm14 =	vcmask $0x2F2C;
	vm15 =	vcmask $0x3734;
	v4 =	vunpack.c.l.s4.s8 v2;
	s10 =	simm.s32 $0x2100;
	s29 =	sadd.s32 $0x12000, s14;
	[dreg:$0x1a] =	wrdreg s26  }
0x1b: {  	v2 =	vimm.s32 $0x0;
	v5 =	vmul.u32 $0x2, v3;
	v7 =	vshrl.u32 v3, $0x3;
	s17 =	sadd.s32 $0x61A8, s12;
	s30 =	sadd.s32 $0x14000, s14;
	[dreg:$0x1b] =	wrdreg s29  }
0x1c: {  	v6 =	vadd.s32 $0x61A8, v3;
	v8 =	vand.u32 $0x7, v3;
	v7 =	vmul.u32 $0x8, v7;
	s11 =	simm.s32 $0x4;
	s31 =	sadd.s32 $0x16000, s14;
	[dreg:$0x1c] =	wrdreg s30  }
0x1d: {  	v4 =	vunpack.c.0.s8.s32 v4;
	v0 =	vmov s12;
	s1 =	simm.s32 $0x0;
	v1 =	vmov s17;
	[dreg:$0x1d] =	wrdreg s31;
	s26 =	simm.s32 $0x1000  }
.LBB2_1:
0x1e: {  	[dreg:$0x1e] =	wrdreg s1  }
0x1f: {  	s0 =	rddreg [dreg:$0x9]  }
0x20: {  	[tilespmem:s10], [sflag:$0x4] =	stream.linear.gather [hbm4b:s0+s8], $0x2000, $0x38;
	[tilespmem:$0x1E900] =	vst v63  }
0x21: {  	_ =	swait.ge [sflag:s11], $0x2000  }
0x22: {  	[sflag:s11] =	ssyncset.done $0x0  }
0x23: {  	s15 =	rddreg [dreg:$0xe];
	[sflag:s11] =	ssyncadd.s32 $0xFFFFE000  }
0x24: {  	[spmem:s15] =	stream.linear.scatter [tilespmem:s10], [sflag:$0x4], $0x2000, $0x38;
	[tilespmem:$0x1E900] =	vst v63  }
0x25: {  	_ =	swait.ge [sflag:s11], $0x2000  }
0x26: {  	[sflag:s11] =	ssyncset.done $0x0  }
0x27: {  	s17 =	rddreg [dreg:$0x13];
	[sflag:s11] =	ssyncadd.s32 $0xFFFFE000  }
0x28: {  	[spmem:s17] =	stream.linear.scatter [tilespmem:s10], [sflag:$0x4], $0x2000, $0x38;
	[tilespmem:$0x1E900] =	vst v63  }
0x29: {  	_ =	swait.ge [sflag:s11], $0x2000  }
0x2a: {  	[sflag:s11] =	ssyncset.done $0x0  }
0x2b: {  	s18 =	rddreg [dreg:$0x14];
	[sflag:s11] =	ssyncadd.s32 $0xFFFFE000  }
0x2c: {  	[spmem:s18] =	stream.linear.scatter [tilespmem:s10], [sflag:$0x4], $0x2000, $0x38;
	[tilespmem:$0x1E900] =	vst v63  }
0x2d: {  	_ =	swait.ge [sflag:s11], $0x2000  }
0x2e: {  	[sflag:s11] =	ssyncset.done $0x0  }
0x2f: {  	s19 =	rddreg [dreg:$0x15];
	[sflag:s11] =	ssyncadd.s32 $0xFFFFE000  }
0x30: {  	[spmem:s19] =	stream.linear.scatter [tilespmem:s10], [sflag:$0x4], $0x2000, $0x38;
	[tilespmem:$0x1E900] =	vst v63  }
0x31: {  	_ =	swait.ge [sflag:s11], $0x2000  }
0x32: {  	[sflag:s11] =	ssyncset.done $0x0  }
0x33: {  	s20 =	rddreg [dreg:$0x16];
	[sflag:s11] =	ssyncadd.s32 $0xFFFFE000  }
0x34: {  	[spmem:s20] =	stream.linear.scatter [tilespmem:s10], [sflag:$0x4], $0x2000, $0x38;
	[tilespmem:$0x1E900] =	vst v63  }
0x35: {  	_ =	swait.ge [sflag:s11], $0x2000  }
0x36: {  	[sflag:s11] =	ssyncset.done $0x0  }
0x37: {  	s21 =	rddreg [dreg:$0x17];
	[sflag:s11] =	ssyncadd.s32 $0xFFFFE000  }
0x38: {  	[spmem:s21] =	stream.linear.scatter [tilespmem:s10], [sflag:$0x4], $0x2000, $0x38;
	[tilespmem:$0x1E900] =	vst v63  }
0x39: {  	_ =	swait.ge [sflag:s11], $0x2000  }
0x3a: {  	[sflag:s11] =	ssyncset.done $0x0  }
0x3b: {  	s22 =	rddreg [dreg:$0x18];
	[sflag:s11] =	ssyncadd.s32 $0xFFFFE000  }
0x3c: {  	[spmem:s22] =	stream.linear.scatter [tilespmem:s10], [sflag:$0x4], $0x2000, $0x38;
	[tilespmem:$0x1E900] =	vst v63  }
0x3d: {  	_ =	swait.ge [sflag:s11], $0x2000  }
0x3e: {  	[sflag:s11] =	ssyncset.done $0x0  }
0x3f: {  	s23 =	rddreg [dreg:$0x19];
	[sflag:s11] =	ssyncadd.s32 $0xFFFFE000  }
0x40: {  	[spmem:s23] =	stream.linear.scatter [tilespmem:s10], [sflag:$0x4], $0x2000, $0x38;
	[tilespmem:$0x1E900] =	vst v63  }
0x41: {  	_ =	swait.ge [sflag:s11], $0x2000  }
0x42: {  	[sflag:s11] =	ssyncset.done $0x0  }
0x43: {  	s24 =	rddreg [dreg:$0x1a];
	[sflag:s11] =	ssyncadd.s32 $0xFFFFE000  }
0x44: {  	[spmem:s24] =	stream.linear.scatter [tilespmem:s10], [sflag:$0x4], $0x2000, $0x38;
	[tilespmem:$0x1E900] =	vst v63  }
0x45: {  	_ =	swait.ge [sflag:s11], $0x2000  }
0x46: {  	[sflag:s11] =	ssyncset.done $0x0  }
0x47: {  	s25 =	rddreg [dreg:$0x1b];
	[sflag:s11] =	ssyncadd.s32 $0xFFFFE000  }
0x48: {  	[spmem:s25] =	stream.linear.scatter [tilespmem:s10], [sflag:$0x4], $0x2000, $0x38;
	[tilespmem:$0x1E900] =	vst v63  }
0x49: {  	_ =	swait.ge [sflag:s11], $0x2000  }
0x4a: {  	[sflag:s11] =	ssyncset.done $0x0  }
0x4b: {  	s29 =	rddreg [dreg:$0x1c];
	[sflag:s11] =	ssyncadd.s32 $0xFFFFE000  }
0x4c: {  	[spmem:s29] =	stream.linear.scatter [tilespmem:s10], [sflag:$0x4], $0x2000, $0x38;
	[tilespmem:$0x1E900] =	vst v63  }
0x4d: {  	_ =	swait.ge [sflag:s11], $0x2000  }
0x4e: {  	[sflag:s11] =	ssyncset.done $0x0  }
0x4f: {  	s30 =	rddreg [dreg:$0x1d];
	[sflag:s11] =	ssyncadd.s32 $0xFFFFE000  }
0x50: {  	[spmem:s30] =	stream.linear.scatter [tilespmem:s10], [sflag:$0x4], $0x2000, $0x38;
	[tilespmem:$0x1E900] =	vst v63  }
0x51: {  	_ =	swait.ge [sflag:s11], $0x2000  }
0x52: {  	[sflag:s11] =	ssyncset.done $0x0  }
0x53: {  	s31 =	rddreg [dreg:$0x10];
	[sflag:s11] =	ssyncadd.s32 $0xFFFFE000  }
0x54: {  	[spmem:s31] =	stream.linear.scatter [tilespmem:s10], [sflag:$0x4], $0x800, $0x38;
	[tilespmem:$0x1E900] =	vst v63  }
.Ltmp0:
0x55: {  	_ =	swait.ge [sflag:s11], $0x800;
	(pc) =	sbr.rel .LBB2_2-.Ltmp0, $4  }
0x56: {  	[sflag:s11] =	ssyncset.done $0x0  }
0x57: {  	[sflag:s11] =	ssyncadd.s32 $0xFFFFF800  }
0x58: {  	[bflag:$0x0] =	sbarrier.arrive $0xFFFF  }
0x59: {  	s1 =	simm.s32 $0x0  }
.LBB2_19:
0x5a: {  	s0 =	sand.u32 $0x1, s13  }
0x5b: {  	s4 =	simm.s32 $0x2;
	s3 =	simm.s32 $0x3;
	p1 =	seq.s32 s0, $0x1  }
0x5c: {  	s4 =	simm.s32 @!p1 $0x3;
	s3 =	simm.s32 @!p1 $0x2  }
.LBB2_20:
0x5d: {  	_ =	swait.ge [sflag:s4], $0x2000  }
0x5e: {  	[sflag:s4] =	ssyncset.done $0x0  }
0x5f: {  	[sflag:s4] =	ssyncadd.s32 $0xFFFFE000  }
0x60: {  	_ =	swait.ge @!p0 [sflag:s3], $0x2000  }
0x61: {  	[sflag:s3] =	ssyncset.done @!p0 $0x0  }
0x62: {  	[sflag:s3] =	ssyncadd.s32 @!p0 $0xFFFFE000  }
.LBB2_21:
0x63: {  	s1 =	rddreg [dreg:$0x1f]  }
0x64: {  	s1 =	sadd.s32 $0x1, s1  }
0x65: {  	p0 =	sne.s32 s1, $0x19  }
.Ltmp1:
0x66: {  	_ = 	snop;
	(pc) =	sbr.rel @!p0 .LBB2_22-.Ltmp1, $1  }
0x67: {  	_ =	sdelay $0x3  }
.LBB2_2:
0x68: {  	s3 =	sshll.u32 s1, $0xB;
	s0 =	rddreg [dreg:$0xf]  }
0x69: {  	s3 =	sadd.s32 s0, s3  }
0x6a: {  	s29 =	rddreg [dreg:$0x5];
	s3 =	sshrl.u32 s3, $0x3  }
0x6b: {  	s5 =	simm.s32 $0x0;
	s4 =	sadd.s32 s29, s3  }
0x6c: {  	[tilespmem:s5], [sflag:$0x4] =	stream.linear.gather [hbm4b:s4+s5], $0x800, $0x38;
	[tilespmem:$0x1E900] =	vst v63  }
0x6d: {  	_ =	swait.ge [sflag:s11], $0x800  }
0x6e: {  	[sflag:s11] =	ssyncset.done $0x0;
	s30 =	rddreg [dreg:$0x6]  }
0x6f: {  	s31 =	simm.s32 $0x800;
	[sflag:s11] =	ssyncadd.s32 $0xFFFFF800;
	s3 =	sadd.s32 s30, s3  }
0x70: {  	[tilespmem:s31], [sflag:$0x4] =	stream.linear.gather [hbm4b:s3+s5], $0x800, $0x38;
	[tilespmem:$0x1E900] =	vst v63  }
0x71: {  	_ =	swait.ge [sflag:s11], $0x800  }
0x72: {  	[sflag:s11] =	ssyncset.done $0x0  }
0x73: {  	s14 =	simm.s32 $0x0;
	[sflag:s11] =	ssyncadd.s32 $0xFFFFF800  }
0x74: {  	v11 =	vimm.s32 $0x0;
	v10 =	vimm.s32 $0x0;
	s3 =	simm.s32 $0x40;
	v9 =	vld [tilespmem:s14+$0x800]  }
.LBB2_3:
0x75: {  	p0 =	sne.s32 s3, $0x1FC0;
	_ =	sdelay $0x3  }
0x76: {  	vm9 =	vge.s32 v9, v0;
	vm10 =	vlt.s32 v9, v1  }
0x77: {  	vm9 =	vmand vm9, vm10  }
0x78: {  	v12 =	vsel vm9, $0x1, v2;
	v13 =	vmpcnt.ones.xlane vm9  }
0x79: {  	(xrf0) =	vadd.scan.msk.s32 $0xffff, v12  }
0x7a: {  	v11 =	vadd.s32 v11, v13;
	_ =	sdelay $0x4  }
0x7b: {  	v12, _, _ =	vpop (xrf0)  }
0x7c: {  	v12 =	vadd.s32 v12, v10;
	v10 =	vmov v11  }
0x7d: {  	v13 =	vld [tilespmem:s14+$0x0];
	v12 =	vadd.s32 $0xFFFFFFFF, v12;
	_ =	sdelay $0x2  }
.Ltmp2:
0x7e: {  	(pc) =	sbr.rel @p0 .LBB2_3-.Ltmp2, $4  }
0x7f: {  	_ = 	snop  }
0x80: {  	v9 =	vsub.s32 v9, v0;
	[tilespmem:v12+s26+$0x0] =	vst.idx.msk vm9, v13  }
0x81: {  	s14 =	sshra.s32 s3, $0x2;
	[tilespmem:v12+s28+$0x0] =	vst.idx.msk vm9, v9  }
0x82: {  	s3 =	sadd.s32 $0x40, s3;
	v9 =	vld [tilespmem:s14+$0x800]  }
0x83: {  	_ =	sdelay $0x3  }
0x84: {  	vm9 =	vge.s32 v9, v0;
	vm10 =	vlt.s32 v9, v1  }
0x85: {  	vm11 =	vmand vm9, vm10  }
0x86: {  	v12 =	vmpcnt.ones.xlane vm11;
	_ =	sdelay $0x1  }
0x87: {  	v13 =	vadd.s32 v11, v12  }
0x88: {  	v11 =	vbroadcast v13, $0x0  }
0x89: {  	s0 =	rddreg [dreg:$0x11]  }
0x8a: {  	s0 =	sadd.s32 s0, s1;
	v11 =	vadd.s32 v3, v11  }
0x8b: {  	v58 =	vadd.s32 s0, v11  }
0x8c: {  	v12 =	vmul.u32 $0x31D, v58  }
0x8d: {  	(v2sf) =	vpush v13, $0x0  }
0x8e: {  	(v2sf) =	vpush v12, $0xD;
	_ =	sdelay $0x1  }
0x8f: {  	(v2sf) =	vpush v12, $0xC;
	_ =	sdelay $0x1  }
0x90: {  	(v2sf) =	vpush v12, $0xE;
	_ =	sdelay $0x1  }
0x91: {  	(v2sf) =	vpush v12, $0xF;
	_ =	sdelay $0x1  }
0x92: {  	(v2sf) =	vpush v12, $0x9;
	_ =	sdelay $0x1  }
0x93: {  	(v2sf) =	vpush v12, $0x8;
	_ =	sdelay $0x1  }
0x94: {  	(v2sf) =	vpush v12, $0xA;
	_ =	sdelay $0x1  }
0x95: {  	(v2sf) =	vpush v12, $0xB;
	s20 =	spop (v2sf)  }
0x96: {  	s3 =	spop (v2sf)  }
0x97: {  	(v2sf) =	vpush v12, $0x0;
	s4 =	smulhi.u32 $0x14F8B589, s3;
	s3 =	sshra.s32 s3, $0x1F  }
0x98: {  	s5 =	spop (v2sf);
	s3 =	smul.u32 $0x14F8B589, s3  }
0x99: {  	(v2sf) =	vpush v12, $0x1;
	s8 =	smulhi.u32 $0x14F8B589, s5;
	s5 =	sshra.s32 s5, $0x1F  }
0x9a: {  	(v2sf) =	vpush v12, $0x2;
	s7 =	spop (v2sf);
	s5 =	smul.u32 $0x14F8B589, s5  }
0x9b: {  	s10 =	smulhi.u32 $0x14F8B589, s7;
	s7 =	sshra.s32 s7, $0x1F  }
0x9c: {  	s11 =	spop (v2sf);
	s12 =	smul.u32 $0x14F8B589, s7  }
0x9d: {  	s13 =	smulhi.u32 $0x14F8B589, s11;
	s29 =	sshra.s32 s11, $0x1F  }
0x9e: {  	(v2sf) =	vpush v12, $0x3;
	s30 =	spop (v2sf);
	s15 =	smul.u32 $0x14F8B589, s29  }
0x9f: {  	[dreg:$0x1f] =	wrdreg s1;
	(v2sf) =	vpush v12, $0x4;
	s17 =	smulhi.u32 $0x14F8B589, s30;
	s11 =	sshra.s32 s30, $0x1F  }
0xa0: {  	(v2sf) =	vpush v12, $0x5;
	s31 =	spop (v2sf);
	s21 =	smul.u32 $0x14F8B589, s11  }
0xa1: {  	[smem:$0x7FD] =	sst s0;
	(v2sf) =	vpush v12, $0x6;
	s23 =	smulhi.u32 $0x14F8B589, s31;
	s7 =	sshra.s32 s31, $0x1F  }
0xa2: {  	p6 =	slt.s32 s20, $0x1;
	(v2sf) =	vpush v12, $0x7;
	s0 =	spop (v2sf);
	s26 =	smul.u32 $0x14F8B589, s7  }
0xa3: {  	s11 =	sadd.s32 s5, s8;
	s29 =	smulhi.u32 $0x14F8B589, s0;
	s1 =	sshra.s32 s0, $0x1F  }
0xa4: {  	s5 =	sadd.s32 s12, s10;
	s22 =	spop (v2sf);
	s31 =	smul.u32 $0x14F8B589, s1  }
0xa5: {  	s7 =	sadd.s32 s3, s4;
	s1 =	smulhi.u32 $0x14F8B589, s22;
	s2 =	sshra.s32 s22, $0x1F  }
0xa6: {  	s4 =	sadd.s32 s15, s13;
	s24 =	spop (v2sf);
	s2 =	smul.u32 $0x14F8B589, s2  }
0xa7: {  	s13 =	sadd.s32 s21, s17;
	s25 =	smulhi.u32 $0x14F8B589, s24;
	s6 =	sshra.s32 s24, $0x1F  }
0xa8: {  	s17 =	sshrl.u32 s11, $0x1F;
	s28 =	spop (v2sf);
	s24 =	smul.u32 $0x14F8B589, s6  }
0xa9: {  	s30 =	spop (v2sf);
	s0 =	smulhi.u32 $0x14F8B589, s28;
	s8 =	sshra.s32 s28, $0x1F  }
0xaa: {  	s28 =	sshrl.u32 s7, $0x1F;
	s12 =	sadd.s32 s31, s29;
	s10 =	smul.u32 $0x14F8B589, s8  }
0xab: {  	s7 =	sshra.s32 s7, $0xC;
	s6 =	smulhi.u32 $0x14F8B589, s30;
	s15 =	sshra.s32 s30, $0x1F  }
0xac: {  	v59 =	vmov s17;
	s8 =	sadd.s32 s2, s1;
	s17 =	sshrl.u32 s12, $0x1F;
	s21 =	smul.u32 $0x14F8B589, s15  }
0xad: {  	s15 =	sadd.s32 s26, s23;
	s2 =	sadd.s32 s24, s25;
	s19 =	spop (v2sf)  }
0xae: {  	s22 =	spop (v2sf);
	s23 =	smulhi.u32 $0x14F8B589, s19;
	s19 =	sshra.s32 s19, $0x1F  }
0xaf: {  	s0 =	sadd.s32 s10, s0;
	s18 =	spop (v2sf);
	s30 =	smul.u32 $0x14F8B589, s19  }
0xb0: {  	s31 =	smulhi.u32 $0x14F8B589, s22;
	s22 =	sshra.s32 s22, $0x1F;
	s3 =	spop (v2sf)  }
0xb1: {  	s6 =	sadd.s32 s21, s6;
	s22 =	smul.u32 $0x14F8B589, s22;
	s25 =	spop (v2sf)  }
0xb2: {  	s21 =	sshrl.u32 s4, $0x1F;
	s26 =	smulhi.u32 $0x14F8B589, s25;
	s24 =	sshra.s32 s25, $0x1F  }
0xb3: {  	v13 =	vsel vm0, s28, v59;
	s28 =	sshrl.u32 s0, $0x1F;
	s1 =	sadd.s32 s30, s23;
	s24 =	smul.u32 $0x14F8B589, s24  }
0xb4: {  	s23 =	sshrl.u32 s13, $0x1F;
	s30 =	sshra.s32 s2, $0xC;
	s25 =	sshrl.u32 s5, $0x1F  }
0xb5: {  	s19 =	sadd.s32 s22, s31;
	s22 =	sshrl.u32 s8, $0x1F;
	s10 =	sadd.s32 s24, s26  }
0xb6: {  	vm10 =	vcmask $0x704;
	vm9 =	vcmask $0xF0C;
	s31 =	sshrl.u32 s2, $0x1F;
	s2 =	sshra.s32 s2, $0x1F;
	s29 =	sshra.s32 s10, $0x1F  }
0xb7: {  	v13 =	vsel vm1, s25, v13;
	v15 =	vmov s31;
	s25 =	smulhi.u32 $0x14F8B589, s18;
	s18 =	sshra.s32 s18, $0x1F;
	s24 =	sshrl.u32 s15, $0x1F;
	v14 =	vmov s29  }
0xb8: {  	s5 =	sshra.s32 s5, $0xC;
	s31 =	sshra.s32 s6, $0xC;
	v13 =	vsel vm2, s21, v13;
	s18 =	smul.u32 $0x14F8B589, s18;
	v16 =	vmov s24;
	v14 =	vsel vm3, s30, v14  }
0xb9: {  	v15 =	vnsel vm3, $0x0, v15;
	s21 =	smulhi.u32 $0x14F8B589, s3;
	s3 =	sshra.s32 s3, $0x1F;
	s29 =	sshra.s32 s0, $0xC;
	v16 =	vsel vm0, s23, v16;
	v14 =	vsel vm10, s2, v14  }
0xba: {  	v15 =	vsel vm0, s28, v15;
	s24 =	sshrl.u32 s1, $0x1F;
	s0 =	sshra.s32 s0, $0x1F;
	s30 =	sshrl.u32 s6, $0x1F;
	v16 =	vsel vm1, s17, v16;
	v14 =	vsel vm0, s29, v14  }
0xbb: {  	s17 =	sshra.s32 s1, $0xC;
	s1 =	sshra.s32 s1, $0x1F;
	v15 =	vsel vm1, s30, v15;
	s30 =	sshra.s32 s6, $0x1F;
	v16 =	vsel vm2, s22, v16;
	v14 =	vsel vm9, s0, v14  }
0xbc: {  	s22 =	sshra.s32 s10, $0xC;
	s29 =	smul.u32 $0x14F8B589, s3;
	v15 =	vsel vm2, s24, v15;
	s24 =	sshra.s32 s19, $0xC;
	vm9 =	vcmask $0x1714;
	v14 =	vsel vm1, s31, v14  }
0xbd: {  	s3 =	simm.s32 $0x1;
	s0 =	sadd.s32 s18, s25;
	s25 =	sshra.s32 s11, $0xC;
	v14 =	vsel vm9, s30, v14  }
0xbe: {  	v17 =	vsel vm11, $0x1, v2;
	s11 =	sshra.s32 s12, $0xC;
	s12 =	sshra.s32 s4, $0xC;
	s31 =	sshrl.u32 s19, $0x1F;
	v14 =	vsel vm2, s17, v14  }
0xbf: {  	v13 =	vcombine.low v16, v13;
	s18 =	sshrl.u32 s0, $0x1F;
	s2 =	sadd.s32 s29, s21;
	s29 =	sshra.s32 s15, $0xC;
	v60 =	vmov s25;
	v14 =	vsel vm12, s1, v14  }
0xc0: {  	s6 =	sshra.s32 s0, $0xC;
	s0 =	sshra.s32 s0, $0x1F;
	v15 =	vsel vm4, s31, v15;
	s30 =	sshra.s32 s19, $0x1F;
	v61 =	vmov s29;
	v14 =	vsel vm4, s24, v14  }
0xc1: {  	(xrf0) =	vadd.scan.msk.s32 $0xffff, v17;
	s25 =	sand.u32 $0xF, s20;
	s23 =	sshrl.u32 s2, $0x1F;
	s31 =	sshra.s32 s13, $0xC;
	v16 =	vsel vm0, s7, v60;
	v15 =	vsel vm5, s18, v15;
	v14 =	vsel vm13, s30, v14  }
0xc2: {  	s13 =	sshra.s32 s8, $0xC;
	s15 =	sshra.s32 s2, $0xC;
	s19 =	sshra.s32 s2, $0x1F;
	v17 =	vsel vm0, s31, v61;
	v16 =	vsel vm1, s5, v16;
	v14 =	vsel vm5, s6, v14  }
0xc3: {  	p2 =	sne.s32 s25, $0x0;
	s29 =	sshra.s32 s20, $0x1F;
	s17 =	sadd.s32 $0x7F, s20;
	v15 =	vsel vm6, s23, v15;
	v17 =	vsel vm1, s11, v17;
	v14 =	vsel vm14, s0, v14  }
0xc4: {  	s2 =	simm.s32 $0x1;
	s18 =	sshrl.u32 s10, $0x1F;
	v16 =	vsel vm2, s12, v16;
	s21 =	sshra.s32 s17, $0x1F;
	v17 =	vsel vm2, s13, v17;
	v14 =	vsel vm6, s15, v14  }
0xc5: {  	p0 =	slt.s32 s17, $0x1;
	v15 =	vsel vm7, s18, v15;
	s1 =	sshrl.u32 s21, $0x19;
	s24 =	sand.u32 $0x7F, s17;
	v16 =	vcombine.low v17, v16;
	v14 =	vsel vm15, s19, v14  }
0xc6: {  	v13 =	vperm.xlane v13, v4;
	v15 =	vperm.xlane v15, v5;
	s23 =	sadd.s32 s1, s17;
	p1 =	sne.s32 s24, $0x0;
	s1 =	sshrl.u32 s29, $0x1C;
	v14 =	vsel vm7, s22, v14  }
0xc7: {  	v62, _, _ =	vpop (xrf0);
	p0 =	por !p0, !p1;
	p1 =	por !p6, !p2;
	s1 =	sadd.s32 s1, s20;
	v16 =	vperm.xlane v16, v4;
	v14 =	vperm.xlane v14, v5  }
0xc8: {  	v10 =	vadd.s32 v62, v10;
	s0 =	sshra.s32 s23, $0x7;
	p0 =	por !p0, !p0;
	p1 =	por !p1, !p1  }
0xc9: {  	v63 =	vld [tilespmem:s14+$0x0];
	v10 =	vadd.s32 $0xFFFFFFFF, v10;
	v13 =	vsel vm8, v15, v13;
	s1 =	sshra.s32 s1, $0x4;
	s2 =	simm.s32 @!p0 $0x0;
	s3 =	simm.s32 @!p1 $0x0;
	v14 =	vsel vm8, v14, v16  }
0xca: {  	s13 =	ssub.s32 s0, s2;
	s30 =	ssub.s32 s1, s3;
	v13 =	vadd.s32 v13, v14  }
0xcb: {  	s31 =	sshll.u32 s13, $0x3;
	s4 =	sadd.s32 $0x1, s30;
	v13 =	vmul.u32 $0xC350, v13  }
0xcc: {  	p0 =	sge.s32 s4, s31  }
.Ltmp3:
0xcd: {  	s26 =	simm.s32 $0x1000;
	v12 =	vsub.s32 v12, v13;
	(pc) =	sbr.rel @p0 .LBB2_12-.Ltmp3, $4  }
0xce: {  	v9 =	vsub.s32 v9, v0;
	s28 =	simm.s32 $0x1880;
	[tilespmem:v10+s26+$0x0] =	vst.idx.msk vm11, v63;
	vm9 =	vlt.s32 v12, $0x0;
	v13 =	vadd.s32 $0xC350, v12  }
0xcf: {  	[tilespmem:v10+s28+$0x0] =	vst.idx.msk vm11, v9;
	v9 =	vsel vm9, v13, v12  }
0xd0: {  	[tilespmem:v11+s26+$0x0] =	vst.idx.msk $0xffff, v9  }
0xd1: {  	[dreg:$0x4] =	wrdreg s31;
	[tilespmem:v11+s28+$0x0] =	vst.idx.msk $0xffff, v6  }
0xd2: {  	s0 =	sld [smem:$0x7FD];
	_ =	sdelay $0x2  }
0xd3: {  	s3 =	sshll.u32 s4, $0x4;
	v12 =	vmov s0  }
0xd4: {  	v9 =	vadd.s32 s3, v12  }
0xd5: {  	v9 =	vadd.s32 v3, v9  }
0xd6: {  	s9 =	sadd.s32 $0x1, s4;
	s31 =	rddreg [dreg:$0x4];
	v10 =	vmul.u32 $0x31D, v9  }
0xd7: {  	p1 =	slt.s32 s9, s31  }
.Ltmp4:
0xd8: {  	(v2sf) =	vpush v10, $0x2;
	(pc) =	sbr.rel @!p1 .LBB2_6-.Ltmp4, $4  }
0xd9: {  	(v2sf) =	vpush v10, $0x1  }
0xda: {  	v9 =	vmov s3;
	(v2sf) =	vpush v10, $0x0  }
0xdb: {  	v9 =	vand.u32 $0xFFFFFFF8, v9;
	(v2sf) =	vpush v10, $0x7  }
0xdc: {  	[smem:$0x7FC] =	sst s13;
	p0 =	por $0x0, $0x0;
	v9 =	vor.u32 v7, v9;
	(v2sf) =	vpush v10, $0x3  }
0xdd: {  	_ =	sdelay $0x2  }
0xde: {  	(v2sf) =	vpush v10, $0x4;
	_ =	sdelay $0x2  }
0xdf: {  	(v2sf) =	vpush v10, $0xC;
	_ =	sdelay $0x1  }
0xe0: {  	(v2sf) =	vpush v10, $0x8  }
0xe1: {  	(v2sf) =	vpush v10, $0xD  }
0xe2: {  	s0 =	spop (v2sf)  }
0xe3: {  	s1 =	spop (v2sf);
	s2 =	smulhi.u32 $0x14F8B589, s0  }
0xe4: {  	(v2sf) =	vpush v10, $0x9;
	s0 =	sshra.s32 s0, $0x1F;
	s6 =	smulhi.u32 $0x14F8B589, s1  }
0xe5: {  	(v2sf) =	vpush v10, $0x6;
	s1 =	sshra.s32 s1, $0x1F;
	s0 =	smul.u32 $0x14F8B589, s0  }
0xe6: {  	s5 =	spop (v2sf);
	s1 =	smul.u32 $0x14F8B589, s1  }
0xe7: {  	s30 =	sadd.s32 $0x10, s3;
	(v2sf) =	vpush v10, $0xA;
	s7 =	spop (v2sf);
	s4 =	smulhi.u32 $0x14F8B589, s5  }
0xe8: {  	s8 =	sshra.s32 s5, $0x1F;
	s10 =	smulhi.u32 $0x14F8B589, s7;
	s7 =	sshra.s32 s7, $0x1F  }
0xe9: {  	s21 =	spop (v2sf);
	s8 =	smul.u32 $0x14F8B589, s8;
	s0 =	sadd.s32 s0, s2  }
0xea: {  	s7 =	smul.u32 $0x14F8B589, s7;
	s11 =	sshra.s32 s21, $0x1F;
	s12 =	spop (v2sf)  }
0xeb: {  	(v2sf) =	vpush v10, $0xE;
	s1 =	sadd.s32 s1, s6;
	s3 =	smulhi.u32 $0x14F8B589, s21;
	s18 =	sshra.s32 s0, $0xC  }
0xec: {  	(v2sf) =	vpush v10, $0xB;
	s20 =	sshrl.u32 s0, $0x1F;
	s13 =	sshra.s32 s12, $0x1F;
	s22 =	smul.u32 $0x14F8B589, s11  }
0xed: {  	s17 =	spop (v2sf);
	s21 =	sshrl.u32 s1, $0x1F;
	s12 =	smulhi.u32 $0x14F8B589, s12  }
0xee: {  	s2 =	sadd.s32 s8, s4;
	s29 =	sadd.s32 s7, s10;
	s13 =	smul.u32 $0x14F8B589, s13  }
0xef: {  	s23 =	spop (v2sf);
	s16 =	sshra.s32 s17, $0x1F;
	s6 =	smulhi.u32 $0x14F8B589, s17  }
0xf0: {  	s11 =	sshra.s32 s29, $0x1F;
	s24 =	spop (v2sf);
	s19 =	smulhi.u32 $0x14F8B589, s23  }
0xf1: {  	s25 =	sshra.s32 s23, $0x1F;
	s7 =	sadd.s32 s22, s3;
	s14 =	smulhi.u32 $0x14F8B589, s24  }
0xf2: {  	(v2sf) =	vpush v10, $0x5;
	s3 =	sshra.s32 s0, $0x1F;
	s0 =	smul.u32 $0x14F8B589, s25;
	s10 =	sshra.s32 s24, $0x1F  }
0xf3: {  	s5 =	spop (v2sf);
	s25 =	sshra.s32 s1, $0x1F;
	s1 =	sshra.s32 s1, $0xC  }
0xf4: {  	(v2sf) =	vpush v10, $0xF;
	s23 =	sshra.s32 s5, $0x1F;
	s5 =	smulhi.u32 $0x14F8B589, s5;
	s15 =	spop (v2sf)  }
0xf5: {  	s0 =	sadd.s32 s0, s19;
	s19 =	sshrl.u32 s7, $0x1F;
	s24 =	smulhi.u32 $0x14F8B589, s15  }
0xf6: {  	s22 =	sshra.s32 s15, $0x1F;
	s31 =	spop (v2sf);
	s15 =	sadd.s32 s13, s12  }
0xf7: {  	s12 =	sshra.s32 s2, $0x1F;
	s13 =	smul.u32 $0x14F8B589, s23;
	s23 =	sshrl.u32 s2, $0x1F  }
0xf8: {  	vm9 =	vcmask $0xF0C;
	v15 =	vadd.s32 s30, v12;
	v11 =	vmov s11;
	s2 =	sshra.s32 s2, $0xC;
	s22 =	smul.u32 $0x14F8B589, s22;
	s4 =	sshra.s32 s31, $0x1F  }
0xf9: {  	v15 =	vadd.s32 v3, v15;
	v13 =	vmov s23;
	s23 =	sshrl.u32 s0, $0x1F;
	v11 =	vsel vm3, s2, v11;
	s11 =	smulhi.u32 $0x14F8B589, s31;
	s0 =	sshra.s32 s0, $0xC  }
0xfa: {  	v14 =	vmov s23;
	s23 =	sadd.s32 s13, s5;
	v16 =	vsel vm10, s12, v11;
	v13 =	vnsel vm3, $0x0, v13;
	s4 =	smul.u32 $0x14F8B589, s4;
	s17 =	spop (v2sf)  }
0xfb: {  	v11 =	vmul.u32 $0x31D, v15;
	v13 =	vsel vm0, s21, v13;
	s21 =	sshra.s32 s7, $0xC;
	v15 =	vsel vm0, s1, v16;
	s8 =	sshra.s32 s17, $0x1F;
	s2 =	spop (v2sf)  }
0xfc: {  	v16 =	vmov s0;
	s5 =	smulhi.u32 $0x14F8B589, s17;
	v15 =	vsel vm9, s25, v15;
	s0 =	sadd.s32 s4, s11;
	s25 =	sshra.s32 s23, $0xC  }
0xfd: {  	vm11 =	vmmov vm15;
	v13 =	vsel vm1, s20, v13;
	s20 =	sadd.s32 $0x1, s9;
	s17 =	smul.u32 $0x14F8B589, s10;
	v16 =	vsel vm0, s25, v16;
	s25 =	rddreg [dreg:$0x4]  }
0xfe: {  	vm15 =	vmmov vm14;
	vm14 =	vmmov vm13;
	vm13 =	vmmov vm12;
	s11 =	sshrl.u32 s15, $0x1F;
	s12 =	smulhi.u32 $0x14F8B589, s2;
	p1 =	slt.s32 s20, s25  }
.Ltmp5:
0xff: {  	vm12 =	vcmask $0x1714;
	(v2sf) =	vpush v11, $0x2;
	s10 =	sshra.s32 s15, $0x1F;
	s13 =	sshra.s32 s2, $0x1F;
	v15 =	vsel vm1, s18, v15;
	(pc) =	sbr.rel @!p1 .LBB2_8-.Ltmp5, $4  }
0x100: {  	v17 =	vmov s30;
	s18 =	sshra.s32 s7, $0x1F;
	(v2sf) =	vpush v11, $0x1;
	s7 =	sshra.s32 s15, $0xC;
	s15 =	smul.u32 $0x14F8B589, s16;
	v15 =	vsel vm12, s3, v15  }
0x101: {  	s1 =	spop (v2sf);
	v13 =	vsel vm2, s19, v13;
	s13 =	smul.u32 $0x14F8B589, s13;
	(v2sf) =	vpush v11, $0x0;
	v18 =	vsel vm2, s21, v15  }
0x102: {  	p0 =	por $0x1, $0x1;
	s4 =	sshrl.u32 s0, $0x1F;
	s31 =	smulhi.u32 $0x14F8B589, s1;
	v15 =	vsel vm4, s11, v13;
	v13 =	vand.u32 $0xFFFFFFF8, v17;
	(v2sf) =	vpush v11, $0x7  }
0x103: {  	s3 =	spop (v2sf);
	s21 =	sshra.s32 s1, $0x1F;
	s11 =	sshra.s32 s0, $0xC;
	v13 =	vor.u32 v7, v13;
	(v2sf) =	vpush v11, $0x3;
	v17 =	vsel vm13, s18, v18  }
.LBB2_9:
0x104: {  	_ = 	snop  }
0x105: {  	s2 =	smul.u32 $0x14F8B589, s21  }
0x106: {  	s1 =	sshrl.u32 s23, $0x1F;
	s21 =	sshra.s32 s3, $0x1F;
	s8 =	smul.u32 $0x14F8B589, s8  }
0x107: {  	v16 =	vsel vm1, s11, v16;
	s30 =	sadd.s32 $0x10, s30;
	s0 =	sadd.s32 s17, s14;
	s11 =	sadd.s32 s15, s6  }
0x108: {  	(v2sf) =	vpush v11, $0x4;
	s23 =	sadd.s32 s13, s12;
	s13 =	smulhi.u32 $0x14F8B589, s3;
	s15 =	sadd.s32 s22, s24  }
0x109: {  	s19 =	smul.u32 $0x14F8B589, s21;
	s22 =	sshra.s32 s29, $0xC;
	s25 =	sshrl.u32 s11, $0x1F  }
0x10a: {  	(v2sf) =	vpush v11, $0xC;
	s2 =	sadd.s32 s2, s31;
	s6 =	sshra.s32 s23, $0xC;
	s9 =	sshrl.u32 s0, $0x1F  }
0x10b: {  	v14 =	vsel vm0, s1, v14;
	s5 =	sadd.s32 s8, s5;
	s17 =	sshrl.u32 s15, $0x1F;
	s18 =	sshra.s32 s15, $0xC  }
0x10c: {  	(v2sf) =	vpush v11, $0x8;
	v14 =	vsel vm1, s4, v14;
	s4 =	sshra.s32 s15, $0x1F;
	s1 =	sshrl.u32 s23, $0x1F;
	s24 =	sshra.s32 s11, $0xC  }
0x10d: {  	v17 =	vsel vm4, s7, v17;
	s0 =	sshra.s32 s0, $0xC;
	v18 =	vmov s25;
	s12 =	sshra.s32 s2, $0xC;
	s16 =	sshra.s32 s2, $0x1F  }
0x10e: {  	v17 =	vsel vm14, s10, v17;
	(v2sf) =	vpush v11, $0xD;
	s2 =	sshrl.u32 s2, $0x1F;
	s23 =	sshrl.u32 s5, $0x1F;
	v18 =	vsel vm0, s9, v18;
	s9 =	spop (v2sf)  }
0x10f: {  	v14 =	vsel vm2, s1, v14;
	s25 =	sshra.s32 s5, $0xC;
	v19 =	vmov s24;
	v17 =	vsel vm5, s12, v17;
	s7 =	smulhi.u32 $0x14F8B589, s9;
	s11 =	spop (v2sf)  }
0x110: {  	s3 =	sadd.s32 s19, s13;
	v16 =	vsel vm2, s6, v16;
	v17 =	vsel vm15, s16, v17;
	v18 =	vsel vm1, s23, v18;
	s23 =	sshra.s32 s9, $0x1F;
	s13 =	smulhi.u32 $0x14F8B589, s11  }
0x111: {  	v15 =	vsel vm5, s2, v15;
	(v2sf) =	vpush v11, $0x9;
	s10 =	sshrl.u32 s3, $0x1F;
	v17 =	vsel vm6, s18, v17;
	s8 =	sshra.s32 s11, $0x1F;
	s2 =	smul.u32 $0x14F8B589, s23  }
0x112: {  	v19 =	vsel vm0, s0, v19;
	v15 =	vsel vm6, s17, v15;
	s16 =	sshra.s32 s3, $0xC;
	v17 =	vsel vm11, s4, v17;
	s5 =	spop (v2sf);
	s14 =	smul.u32 $0x14F8B589, s8  }
0x113: {  	v19 =	vsel vm1, s25, v19;
	v18 =	vsel vm2, s10, v18;
	v17 =	vsel vm7, s22, v17;
	s17 =	sshra.s32 s5, $0x1F;
	s22 =	spop (v2sf);
	s5 =	smulhi.u32 $0x14F8B589, s5  }
0x114: {  	s21 =	sshrl.u32 s29, $0x1F;
	v14 =	vcombine.low v14, v18;
	v18 =	vsel vm2, s16, v19;
	(v2sf) =	vpush v11, $0x6;
	s24 =	smulhi.u32 $0x14F8B589, s22;
	s25 =	sshra.s32 s22, $0x1F  }
0x115: {  	s20 =	sadd.s32 $0x1, s20;
	v15 =	vsel vm7, s21, v15;
	v16 =	vcombine.low v16, v18;
	s9 =	spop (v2sf);
	s6 =	smul.u32 $0x14F8B589, s25  }
0x116: {  	v15 =	vperm.xlane v15, v5;
	v17 =	vperm.xlane v17, v5;
	(v2sf) =	vpush v11, $0xA;
	s2 =	sadd.s32 s2, s7;
	s15 =	sshra.s32 s9, $0x1F;
	s23 =	smulhi.u32 $0x14F8B589, s9  }
0x117: {  	v14 =	vperm.xlane v14, v4;
	v16 =	vperm.xlane v16, v4;
	s16 =	spop (v2sf);
	s1 =	sadd.s32 s14, s13;
	s21 =	smul.u32 $0x14F8B589, s15  }
0x118: {  	(v2sf) =	vpush v11, $0xE;
	s7 =	sshrl.u32 s2, $0x1F;
	s19 =	sshra.s32 s16, $0x1F;
	s16 =	smulhi.u32 $0x14F8B589, s16  }
0x119: {  	v14 =	vsel vm8, v15, v14;
	v15 =	vsel vm8, v17, v16;
	s10 =	sshra.s32 s2, $0x1F;
	s18 =	spop (v2sf);
	s13 =	smul.u32 $0x14F8B589, s19  }
0x11a: {  	v14 =	vadd.s32 v14, v15;
	s3 =	sshrl.u32 s1, $0x1F;
	s29 =	sadd.s32 s6, s24;
	s19 =	smul.u32 $0x14F8B589, s17  }
0x11b: {  	v15 =	vor.u32 v8, v9;
	v14 =	vmul.u32 $0xC350, v14;
	(v2sf) =	vpush v11, $0xB;
	s22 =	spop (v2sf);
	s15 =	sshra.s32 s18, $0x1F;
	s6 =	smulhi.u32 $0x14F8B589, s18  }
0x11c: {  	(v2sf) =	vpush v11, $0x5;
	s17 =	sshra.s32 s1, $0x1F;
	s1 =	sshra.s32 s1, $0xC;
	s0 =	smulhi.u32 $0x14F8B589, s22  }
0x11d: {  	v14 =	vsub.s32 v10, v14;
	s4 =	sshra.s32 s29, $0x1F;
	s25 =	spop (v2sf);
	s15 =	smul.u32 $0x14F8B589, s15  }
0x11e: {  	v10 =	vmov v11;
	vm9 =	vlt.s32 v14, $0x0;
	v11 =	vadd.s32 $0xC350, v14;
	s24 =	sshra.s32 s22, $0x1F;
	s12 =	sadd.s32 s21, s23;
	s14 =	smulhi.u32 $0x14F8B589, s25  }
0x11f: {  	v11 =	vsel vm9, v11, v14;
	v19 =	vmov s4;
	s4 =	sshra.s32 s2, $0xC;
	s11 =	sshra.s32 s25, $0x1F;
	s2 =	smul.u32 $0x14F8B589, s24  }
0x120: {  	s9 =	spop (v2sf);
	(v2sf) =	vpush v10, $0xF;
	[tilespmem:v15+s26+$0x0] =	vst.idx.msk $0xffff, v11;
	s5 =	sadd.s32 s19, s5;
	s26 =	sshrl.u32 s12, $0x1F  }
0x121: {  	s16 =	sadd.s32 s13, s16;
	s23 =	sshra.s32 s9, $0x1F;
	s21 =	smulhi.u32 $0x14F8B589, s9  }
0x122: {  	s31 =	sshra.s32 s5, $0x1F;
	s19 =	smul.u32 $0x14F8B589, s23;
	s0 =	sadd.s32 s2, s0  }
0x123: {  	s23 =	sshrl.u32 s5, $0x1F;
	s2 =	sshra.s32 s12, $0xC;
	s22 =	spop (v2sf)  }
0x124: {  	v18 =	vmov s30;
	s13 =	sshrl.u32 s0, $0x1F;
	s24 =	smulhi.u32 $0x14F8B589, s22;
	s18 =	sshra.s32 s22, $0x1F  }
0x125: {  	v18 =	vand.u32 $0xFFFFFFF8, v18;
	s0 =	sshra.s32 s0, $0xC;
	s22 =	smul.u32 $0x14F8B589, s18;
	s18 =	spop (v2sf)  }
0x126: {  	v16 =	vor.u32 v7, v18;
	[tilespmem:v15+s28+$0x0] =	vst.idx.msk $0xffff, v6;
	v15 =	vmov s23;
	s23 =	sshra.s32 s5, $0xC;
	s25 =	sshra.s32 s18, $0x1F;
	s18 =	smulhi.u32 $0x14F8B589, s18  }
0x127: {  	v9 =	vmovc v13;
	v13 =	vmov v16;
	v11 =	vadd.s32 s30, v12;
	v16 =	vsel vm3, s23, v19;
	s23 =	sadd.s32 s19, s21;
	s9 =	spop (v2sf);
	s25 =	smul.u32 $0x14F8B589, s25  }
0x128: {  	vm9 =	vcmask $0xF0C;
	v11 =	vadd.s32 v3, v11;
	s19 =	sshrl.u32 s16, $0x1F;
	v16 =	vsel vm10, s31, v16;
	s21 =	sshra.s32 s23, $0xC;
	s8 =	sshra.s32 s9, $0x1F  }
0x129: {  	v11 =	vmul.u32 $0x31D, v11;
	v15 =	vnsel vm3, $0x0, v15;
	v16 =	vsel vm0, s1, v16;
	s5 =	smulhi.u32 $0x14F8B589, s9;
	s9 =	sadd.s32 s25, s18;
	s25 =	rddreg [dreg:$0x4]  }
0x12a: {  	v14 =	vmov s13;
	v15 =	vsel vm0, s3, v15;
	v18 =	vsel vm9, s17, v16;
	s17 =	smul.u32 $0x14F8B589, s11;
	s28 =	spop (v2sf);
	p1 =	slt.s32 s20, s25  }
.Ltmp6:
0x12b: {  	v17 =	vmov s0;
	s1 =	sshra.s32 s12, $0x1F;
	v15 =	vsel vm1, s7, v15;
	s0 =	spop (v2sf);
	(v2sf) =	vpush v11, $0x2;
	(pc) =	sbr.rel @p1 .LBB2_9-.Ltmp6, $4  }
0x12c: {  	s7 =	sshra.s32 s16, $0xC;
	v16 =	vsel vm0, s21, v17;
	v17 =	vsel vm1, s4, v18;
	s13 =	sshra.s32 s28, $0x1F;
	s12 =	smulhi.u32 $0x14F8B589, s28;
	(v2sf) =	vpush v11, $0x1  }
0x12d: {  	v15 =	vsel vm2, s26, v15;
	s26 =	simm.s32 $0x1000;
	v17 =	vsel vm12, s10, v17;
	s10 =	sshra.s32 s16, $0x1F;
	s13 =	smul.u32 $0x14F8B589, s13;
	(v2sf) =	vpush v11, $0x0  }
0x12e: {  	v17 =	vsel vm2, s2, v17;
	s28 =	simm.s32 $0x1880;
	s4 =	sshrl.u32 s9, $0x1F;
	s31 =	smulhi.u32 $0x14F8B589, s0;
	(v2sf) =	vpush v11, $0x7  }
0x12f: {  	v15 =	vsel vm4, s19, v15;
	v17 =	vsel vm13, s1, v17;
	s21 =	sshra.s32 s0, $0x1F;
	s11 =	sshra.s32 s9, $0xC;
	s3 =	spop (v2sf);
	(v2sf) =	vpush v11, $0x3  }
0x130: {  	vm12 =	vmmov vm13  }
0x131: {  	v12 =	vmovc v9;
	v9 =	vmovc v13;
	vm13 =	vmmov vm14;
	vm14 =	vmmov vm15;
	vm15 =	vmmov vm11  }
.LBB2_11:
0x132: {  	_ =	sdelay $0x2  }
0x133: {  	s0 =	smul.u32 @p0 $0x14F8B589, s21  }
0x134: {  	(v2sf) =	vpush v11, $0x4  }
0x135: {  	(v2sf) =	vpush v11, $0xC;
	[smem:$0x7EF] =	sst s0;
	s0 =	smul.u32 @p0 $0x14F8B589, s8  }
0x136: {  	(v2sf) =	vpush v11, $0x8  }
0x137: {  	(v2sf) =	vpush v11, $0xD;
	[smem:$0x7F0] =	sst s0  }
0x138: {  	s0 =	smulhi.u32 @p0 $0x14F8B589, s3;
	s2 =	spop (v2sf);
	(v2sf) =	vpush v11, $0x9  }
0x139: {  	s8 =	sshra.s32 @p0 s3, $0x1F  }
0x13a: {  	[smem:$0x7F1] =	sst s0;
	s0 =	smul.u32 @p0 $0x14F8B589, s8  }
0x13b: {  	s20 =	spop (v2sf);
	s30 =	smulhi.u32 $0x14F8B589, s2  }
0x13c: {  	s16 =	spop (v2sf);
	s21 =	smulhi.u32 $0x14F8B589, s20  }
0x13d: {  	s17 =	sadd.s32 @p0 s17, s14;
	s19 =	spop (v2sf);
	s14 =	smulhi.u32 $0x14F8B589, s16  }
0x13e: {  	[smem:$0x7F2] =	sst s0;
	s2 =	sshra.s32 s2, $0x1F;
	s25 =	smulhi.u32 $0x14F8B589, s19  }
0x13f: {  	s8 =	sshra.s32 s16, $0x1F;
	[smem:$0x7F5] =	sst s21;
	s21 =	smul.u32 $0x14F8B589, s2  }
0x140: {  	s3 =	sshra.s32 s20, $0x1F;
	s19 =	sshra.s32 s19, $0x1F;
	s20 =	smul.u32 $0x14F8B589, s8  }
0x141: {  	s1 =	spop (v2sf);
	s26 =	smul.u32 $0x14F8B589, s19  }
0x142: {  	(v2sf) =	vpush v11, $0x6;
	[smem:$0x7F6] =	sst s30;
	s19 =	smulhi.u32 $0x14F8B589, s1  }
0x143: {  	(v2sf) =	vpush v11, $0xA;
	[smem:$0x7F4] =	sst s26;
	s28 =	spop (v2sf)  }
0x144: {  	s26 =	sshra.s32 s1, $0x1F;
	s30 =	sshra.s32 s28, $0x1F;
	s1 =	spop (v2sf)  }
0x145: {  	s16 =	sadd.s32 @p0 s13, s12;
	s2 =	smul.u32 $0x14F8B589, s30;
	s9 =	spop (v2sf)  }
0x146: {  	s8 =	sadd.s32 @p0 s15, s6;
	s12 =	smulhi.u32 $0x14F8B589, s28;
	s15 =	spop (v2sf)  }
0x147: {  	[smem:$0x7F7] =	sst s2;
	s0 =	spop (v2sf)  }
0x148: {  	s2 =	sshra.s32 s0, $0x1F;
	s28 =	smulhi.u32 $0x14F8B589, s0;
	s0 =	sld [smem:$0x7EF]  }
0x149: {  	_ =	sdelay $0x1  }
0x14a: {  	s31 =	sadd.s32 @p0 s0, s31;
	s0 =	sld [smem:$0x7F0]  }
0x14b: {  	[smem:$0x7F3] =	sst s25;
	s25 =	smul.u32 $0x14F8B589, s3  }
0x14c: {  	s24 =	sadd.s32 @p0 s22, s24;
	s13 =	smul.u32 $0x14F8B589, s2;
	s2 =	sld [smem:$0x7F2]  }
0x14d: {  	s26 =	smul.u32 $0x14F8B589, s26;
	s3 =	sadd.s32 @p0 s0, s5;
	s0 =	sld [smem:$0x7F1]  }
0x14e: {  	s20 =	sadd.s32 s20, s14;
	s18 =	sshra.s32 s9, $0x1F;
	s30 =	smulhi.u32 $0x14F8B589, s9  }
0x14f: {  	s26 =	sadd.s32 s26, s19;
	s9 =	smul.u32 $0x14F8B589, s18;
	s19 =	sld [smem:$0x7F7]  }
0x150: {  	s18 =	spop (v2sf);
	s5 =	sadd.s32 @p0 s2, s0;
	s0 =	sld [smem:$0x7F3]  }
0x151: {  	s9 =	sadd.s32 s9, s30;
	s6 =	spop (v2sf);
	s2 =	sld [smem:$0x7F4]  }
0x152: {  	s30 =	sshrl.u32 @p0 s29, $0x1F;
	s22 =	sshra.s32 s6, $0x1F;
	s6 =	smulhi.u32 $0x14F8B589, s6  }
0x153: {  	(v2sf) =	vpush v11, $0xE;
	s29 =	sshra.s32 @p0 s29, $0xC;
	s19 =	sadd.s32 s19, s12;
	s22 =	smul.u32 $0x14F8B589, s22  }
0x154: {  	s12 =	sadd.s32 s13, s28;
	s0 =	sadd.s32 s2, s0;
	s2 =	sld [smem:$0x7F5]  }
0x155: {  	(v2sf) =	vpush v11, $0xB;
	s13 =	sshrl.u32 @p0 s23, $0x1F;
	s23 =	sshra.s32 @p0 s31, $0xC;
	[smem:$0x7F8] =	sst s0  }
0x156: {  	s28 =	sshrl.u32 @p0 s31, $0x1F;
	v14 =	vsel @p0 vm0, s13, v14;
	s13 =	smulhi.u32 $0x14F8B589, s18;
	s0 =	sld [smem:$0x7F6]  }
0x157: {  	s18 =	sshra.s32 s18, $0x1F;
	s14 =	sadd.s32 s22, s6;
	s6 =	sshrl.u32 @p0 s24, $0x1F  }
0x158: {  	s22 =	sshra.s32 @p0 s24, $0x1F;
	v15 =	vsel @p0 vm5, s28, v15;
	s25 =	sadd.s32 s25, s2;
	s2 =	smulhi.u32 $0x14F8B589, s15  }
0x159: {  	v13 =	vsel @p0 vm4, s7, v17;
	v15 =	vsel @p0 vm6, s6, v15;
	s15 =	sshra.s32 s15, $0x1F;
	s21 =	sadd.s32 s21, s0;
	s0 =	smulhi.u32 $0x14F8B589, s1  }
0x15a: {  	v13 =	vsel @p0 vm13, s10, v13;
	v15 =	vsel @p0 vm7, s30, v15;
	s30 =	sshra.s32 s26, $0x1F;
	s1 =	sshra.s32 s1, $0x1F;
	s15 =	smul.u32 $0x14F8B589, s15  }
0x15b: {  	v16 =	vsel @p0 vm1, s11, v16;
	v13 =	vsel @p0 vm5, s23, v13;
	s11 =	sshrl.u32 s25, $0x1F;
	s23 =	sshra.s32 s25, $0x1F;
	s25 =	sshra.s32 s25, $0xC  }
0x15c: {  	(v2sf) =	vpush v11, $0x5;
	s1 =	smul.u32 $0x14F8B589, s1;
	s10 =	sshra.s32 s21, $0xC;
	s7 =	sshrl.u32 s21, $0x1F  }
0x15d: {  	s21 =	sshra.s32 s21, $0x1F;
	s2 =	sadd.s32 s15, s2;
	s15 =	sshra.s32 @p0 s24, $0xC  }
0x15e: {  	(v2sf) =	vpush v11, $0xF;
	s24 =	sshra.s32 @p0 s31, $0x1F;
	s31 =	sshrl.u32 @p0 s8, $0x1F;
	s8 =	sshra.s32 @p0 s8, $0xC  }
0x15f: {  	[smem:$0x7FB] =	sst s2;
	s0 =	sadd.s32 s1, s0;
	s1 =	sshrl.u32 @p0 s3, $0x1F  }
0x160: {  	s3 =	sshra.s32 @p0 s3, $0xC;
	s2 =	sshrl.u32 @p0 s5, $0x1F;
	v17 =	vmov @p0 s31;
	s31 =	sld [smem:$0x7F8]  }
0x161: {  	s5 =	sshra.s32 @p0 s5, $0xC;
	v13 =	vsel @p0 vm14, s24, v13;
	v19 =	vmov @p0 s8;
	s8 =	sshrl.u32 s26, $0x1F;
	[smem:$0x7FA] =	sst s0  }
0x162: {  	s0 =	sshra.s32 @p0 s16, $0xC;
	s16 =	sshrl.u32 @p0 s16, $0x1F;
	v13 =	vsel @p0 vm6, s15, v13;
	s15 =	spop (v2sf)  }
0x163: {  	[smem:$0x7F9] =	sst s0;
	s0 =	sshrl.u32 @p0 s17, $0x1F;
	s17 =	sshra.s32 @p0 s17, $0xC  }
0x164: {  	v14 =	vsel @p0 vm1, s4, v14;
	v13 =	vsel @p0 vm15, s22, v13;
	s22 =	spop (v2sf);
	s4 =	sshra.s32 s15, $0x1F;
	s15 =	smulhi.u32 $0x14F8B589, s15  }
0x165: {  	v15 =	vperm.xlane @p0 v15, v5;
	s24 =	sshra.s32 s31, $0x1F;
	v17 =	vsel @p0 vm0, s0, v17;
	s0 =	smul.u32 $0x14F8B589, s18;
	s18 =	sshrl.u32 s20, $0x1F  }
0x166: {  	v13 =	vsel @p0 vm7, s29, v13;
	v19 =	vsel @p0 vm0, s17, v19;
	s29 =	sshra.s32 s26, $0xC;
	s4 =	smul.u32 $0x14F8B589, s4;
	v18 =	vmov s24;
	s24 =	sshra.s32 s20, $0xC  }
0x167: {  	v14 =	vsel @p0 vm2, s16, v14;
	v17 =	vsel @p0 vm1, s1, v17;
	s1 =	sshrl.u32 s9, $0x1F;
	s9 =	sshra.s32 s9, $0xC;
	v19 =	vsel @p0 vm1, s3, v19;
	s3 =	sld [smem:$0x7F9]  }
0x168: {  	v20 =	vmov s18;
	s18 =	sshrl.u32 s19, $0x1F;
	v18 =	vsel vm3, s24, v18;
	s24 =	sshra.s32 s20, $0x1F;
	v17 =	vsel @p0 vm2, s2, v17;
	s2 =	sshra.s32 s12, $0xC  }
0x169: {  	v13 =	vperm.xlane @p0 v13, v5;
	s20 =	sshra.s32 s19, $0xC;
	v19 =	vsel @p0 vm2, s5, v19;
	v18 =	vsel vm10, s24, v18;
	s24 =	sshra.s32 s22, $0x1F;
	s22 =	smulhi.u32 $0x14F8B589, s22  }
0x16a: {  	v20 =	vnsel vm3, $0x0, v20;
	v21 =	vmov s1;
	s0 =	sadd.s32 s0, s13;
	s4 =	sadd.s32 s4, s15;
	v18 =	vsel vm0, s25, v18;
	s16 =	smul.u32 $0x14F8B589, s24  }
0x16b: {  	v22 =	vmov s9;
	s13 =	sld [smem:$0x7FA];
	v20 =	vsel vm0, s11, v20;
	s15 =	sshra.s32 s0, $0xC;
	v18 =	vsel vm9, s23, v18;
	s23 =	spop (v2sf)  }
0x16c: {  	v14 =	vcombine.low @p0 v14, v17;
	v16 =	vsel @p0 vm2, s3, v16;
	v20 =	vsel vm1, s7, v20;
	s24 =	smulhi.u32 $0x14F8B589, s23;
	s25 =	sshra.s32 s23, $0x1F;
	s3 =	sadd.s32 s16, s22  }
0x16d: {  	vm9 =	vcmask $0x1714;
	v20 =	vsel vm2, s8, v20;
	v16 =	vcombine.low @p0 v16, v19;
	s23 =	sshrl.u32 s14, $0x1F;
	s26 =	spop (v2sf);
	s16 =	sld [smem:$0x7FB]  }
0x16e: {  	v14 =	vperm.xlane @p0 v14, v4;
	v18 =	vsel vm1, s10, v18;
	v20 =	vsel vm4, s18, v20;
	s18 =	sshra.s32 s0, $0x1F;
	s17 =	smul.u32 $0x14F8B589, s25;
	s25 =	sshra.s32 s14, $0xC  }
0x16f: {  	v22 =	vsel vm0, s2, v22;
	v18 =	vsel vm9, s21, v18;
	s11 =	sshra.s32 s26, $0x1F;
	s14 =	sshrl.u32 s13, $0x1F;
	s6 =	smulhi.u32 $0x14F8B589, s26;
	v16 =	vperm.xlane @p0 v16, v4  }
0x170: {  	s21 =	sshrl.u32 s4, $0x1F;
	v14 =	vsel @p0 vm8, v15, v14;
	v18 =	vsel vm2, s29, v18;
	s29 =	sshrl.u32 s12, $0x1F;
	v22 =	vsel vm1, s25, v22;
	s2 =	smul.u32 $0x14F8B589, s11  }
0x171: {  	v23 =	vmov s14;
	v18 =	vsel vm12, s30, v18;
	s22 =	sadd.s32 s17, s24;
	s24 =	sshra.s32 s19, $0x1F;
	v21 =	vsel vm0, s29, v21;
	s17 =	sshrl.u32 s16, $0x1F  }
0x172: {  	s19 =	sshrl.u32 s3, $0x1F;
	v18 =	vsel vm4, s20, v18;
	s30 =	sshra.s32 s22, $0xC;
	v23 =	vsel vm0, s17, v23;
	v21 =	vsel vm1, s23, v21;
	s5 =	sshrl.u32 s22, $0x1F  }
0x173: {  	s12 =	sshra.s32 s22, $0x1F;
	s22 =	sshra.s32 s13, $0xC;
	s23 =	sadd.s32 s2, s6;
	v18 =	vsel vm13, s24, v18;
	v21 =	vsel vm2, s19, v21;
	v20 =	vsel vm5, s5, v20  }
0x174: {  	s0 =	sshrl.u32 s0, $0x1F;
	s25 =	sshra.s32 s16, $0xC;
	v23 =	vsel vm1, s21, v23;
	v24 =	vmov s22;
	s29 =	sshrl.u32 s23, $0x1F;
	v18 =	vsel vm5, s30, v18  }
0x175: {  	s26 =	sshra.s32 s4, $0xC;
	v20 =	vsel vm6, s0, v20;
	v56 =	vsel vm0, s25, v24;
	v23 =	vsel vm2, s29, v23;
	s30 =	sshra.s32 s3, $0xC  }
0x176: {  	s20 =	sshra.s32 s31, $0xC;
	s24 =	sshrl.u32 s31, $0x1F;
	s31 =	sshra.s32 s23, $0xC;
	v18 =	vsel vm14, s12, v18;
	v17 =	vsel vm1, s26, v56;
	v57 =	vsel vm2, s30, v22  }
0x177: {  	v58 =	vcombine.low v21, v23;
	v18 =	vsel vm6, s15, v18;
	v17 =	vsel vm2, s31, v17  }
0x178: {  	v20 =	vsel vm7, s24, v20;
	v18 =	vsel vm15, s18, v18;
	v17 =	vcombine.low v57, v17  }
0x179: {  	v60 =	vperm.xlane v20, v5;
	v61 =	vperm.xlane v58, v4;
	v18 =	vsel vm7, s20, v18  }
0x17a: {  	v13 =	vsel @p0 vm8, v13, v16;
	v59 =	vperm.xlane v18, v5;
	v62 =	vperm.xlane v17, v4  }
0x17b: {  	v12 =	vor.u32 @p0 v8, v12;
	v13 =	vadd.s32 @p0 v14, v13  }
0x17c: {  	v13 =	vmul.u32 @p0 $0xC350, v13;
	v14 =	vsel vm8, v60, v61;
	v15 =	vsel vm8, v59, v62  }
0x17d: {  	v14 =	vadd.s32 v14, v15  }
0x17e: {  	v9 =	vor.u32 v8, v9;
	v10 =	vsub.s32 @p0 v10, v13;
	v63 =	vmul.u32 $0xC350, v14  }
0x17f: {  	vm9 =	vlt.s32 @p0 v10, $0x0;
	v14 =	vadd.s32 @p0 $0xC350, v10  }
0x180: {  	s26 =	simm.s32 $0x1000;
	v10 =	vsel @p0 vm9, v14, v10;
	v11 =	vsub.s32 v11, v63  }
0x181: {  	s28 =	simm.s32 $0x1880;
	[tilespmem:v12+s26+$0x0] =	vst.idx.msk @p0 $0xffff, v10;
	vm9 =	vlt.s32 v11, $0x0;
	v10 =	vadd.s32 $0xC350, v11  }
0x182: {  	s13 =	sld [smem:$0x7FC];
	[tilespmem:v12+s28+$0x0] =	vst.idx.msk @p0 $0xffff, v6;
	v10 =	vsel vm9, v10, v11  }
0x183: {  	s9 =	rddreg [dreg:$0x0];
	[tilespmem:v9+s26+$0x0] =	vst.idx.msk $0xffff, v10  }
0x184: {  	s16 =	rddreg [dreg:$0x2];
	[tilespmem:v9+s28+$0x0] =	vst.idx.msk $0xffff, v6  }
.LBB2_12:
0x185: {  	p0 =	slt.s32 s13, $0x1  }
.Ltmp7:
0x186: {  	_ = 	snop;
	(pc) =	sbr.rel @p0 .LBB2_21-.Ltmp7, $3  }
0x187: {  	_ =	sdelay $0x1  }
0x188: {  	s8 =	simm.s32 $0x0;
	s10 =	simm.s32 $0x2100;
	s11 =	simm.s32 $0x4  }
0x189: {  	s6 =	simm.s32 $0x1;
	s7 =	simm.s32 $0x80;
	s12 =	simm.s32 $0x4100  }
0x18a: {  	[tilespmem:s10], [sflag:$0x1] =	stream.indirect.gather [hbm4b:s9+s7], $0x40, s26, s7, $0xb8;
	[tilespmem:$0x1E900] =	vst v63  }
0x18b: {  	p0 =	seq.s32 s13, $0x1  }
.Ltmp8:
0x18c: {  	_ = 	snop;
	(pc) =	sbr.rel @!p0 .LBB2_15-.Ltmp8, $4  }
0x18d: {  	_ =	swait.ge [sflag:s6], $0x2000  }
0x18e: {  	[sflag:s6] =	ssyncset.done $0x0  }
0x18f: {  	[sflag:s6] =	ssyncadd.s32 $0xFFFFE000  }
0x190: {  	[spmem:s16] =	stream.indirect.scatter.add.f32 [tilespmem:s10], [sflag:$0x2], $0x40, s28, s7, $0xb8;
	[tilespmem:$0x1E900] =	vst v63  }
.Ltmp9:
0x191: {  	(pc) =	sbr.rel .LBB2_20-.Ltmp9, $2  }
0x192: {  	_ =	sdelay $0x2  }
0x193: {  	s3 =	simm.s32 $0x3;
	s4 =	simm.s32 $0x2  }
.LBB2_15:
.Ltmp10:
0x194: {  	(pc) =	sbr.rel .LBB2_16-.Ltmp10, $4  }
0x195: {  	_ = 	snop  }
0x196: {  	s0 =	simm.s32 $0x1080  }
0x197: {  	s5 =	simm.s32 $0x1;
	s3 =	simm.s32 $0x1900;
	s4 =	simm.s32 $0x1100  }
0x198: {  	[tilespmem:s12], [sflag:$0x1] =	stream.indirect.gather [hbm4b:s9+s7], $0x40, s0, s7, $0xb8;
	[tilespmem:$0x1E900] =	vst v63  }
.LBB2_18:
0x199: {  	p1 =	sne.s32 s13, s5  }
.Ltmp11:
0x19a: {  	_ = 	snop;
	(pc) =	sbr.rel @!p1 .LBB2_19-.Ltmp11, $2  }
0x19b: {  	_ =	sdelay $0x2  }
0x19c: {  	s3 =	sadd.s32 $0x80, s3;
	s4 =	sadd.s32 $0x80, s4  }
.LBB2_16:
0x19d: {  	s0 =	sand.u32 $0x1, s5  }
0x19e: {  	p1 =	seq.s32 s0, $0x1  }
0x19f: {  	s1 =	simm.s32 @!p1 $0x1  }
0x1a0: {  	s5 =	sadd.s32 $0x1, s5;
	_ =	swait.ge @!p1 [sflag:s1], $0x2000  }
0x1a1: {  	s2 =	simm.s32 @!p1 $0x2100;
	p2 =	sge.s32 @!p1 s5, s13;
	[sflag:s1] =	ssyncset.done @!p1 $0x0  }
0x1a2: {  	p2 =	por p2, p1;
	[sflag:s1] =	ssyncadd.s32 @!p1 $0xFFFFE000;
	s1 =	simm.s32 @!p1 $0x80  }
0x1a3: {  	[spmem:s16] =	stream.indirect.scatter.add.f32 @!p1 [tilespmem:s2], [sflag:$0x2], $0x40, s3, s1, $0xb8;
	[tilespmem:$0x1E900] =	vst v63  }
0x1a4: {  	s1 =	simm.s32 @!p2 $0x3  }
0x1a5: {  	_ =	swait.ge @!p2 [sflag:s1], $0x2000  }
0x1a6: {  	[sflag:s1] =	ssyncset.done @!p2 $0x0  }
0x1a7: {  	s2 =	simm.s32 @!p2 $0x4100;
	[sflag:s1] =	ssyncadd.s32 @!p2 $0xFFFFE000;
	s1 =	simm.s32 @!p2 $0x80  }
0x1a8: {  	[tilespmem:s2], [sflag:$0x1] =	stream.indirect.gather @!p2 [hbm4b:s9+s1], $0x40, s4, s1, $0xb8;
	[tilespmem:$0x1E900] =	vst v63  }
0x1a9: {  	p2 =	seq.s32 @!p1 s0, $0x0  }
0x1aa: {  	p1 =	por p1, !p2  }
.Ltmp12:
0x1ab: {  	_ = 	snop;
	(pc) =	sbr.rel @!p1 .LBB2_18-.Ltmp12, $1  }
0x1ac: {  	_ =	sdelay $0x3  }
0x1ad: {  	_ =	swait.ge [sflag:s6], $0x2000  }
0x1ae: {  	[sflag:s6] =	ssyncset.done $0x0  }
0x1af: {  	p1 =	sge.s32 s5, s13;
	[sflag:s6] =	ssyncadd.s32 $0xFFFFE000  }
0x1b0: {  	[spmem:s16] =	stream.indirect.scatter.add.f32 [tilespmem:s12], [sflag:$0x3], $0x40, s3, s7, $0xb8;
	[tilespmem:$0x1E900] =	vst v63  }
.Ltmp13:
0x1b1: {  	s0 =	simm.s32 @!p1 $0x2;
	(pc) =	sbr.rel .LBB2_18-.Ltmp13, $4  }
0x1b2: {  	_ =	swait.ge @!p1 [sflag:s0], $0x2000  }
0x1b3: {  	[sflag:s0] =	ssyncset.done @!p1 $0x0  }
0x1b4: {  	s1 =	simm.s32 @!p1 $0x2100;
	[sflag:s0] =	ssyncadd.s32 @!p1 $0xFFFFE000;
	s0 =	simm.s32 @!p1 $0x80  }
0x1b5: {  	[tilespmem:s1], [sflag:$0x1] =	stream.indirect.gather @!p1 [hbm4b:s9+s0], $0x40, s4, s0, $0xb8;
	[tilespmem:$0x1E900] =	vst v63  }
.LBB2_6:
.Ltmp14:
0x1b6: {  	(pc) =	sbr.rel .LBB2_11-.Ltmp14, $2  }
0x1b7: {  	_ =	sdelay $0x2  }
0x1b8: {  	v11 =	vmov v10;
	vm9 =	vcmask $0xF0C  }
.LBB2_8:
.Ltmp15:
0x1b9: {  	(pc) =	sbr.rel .LBB2_11-.Ltmp15, $3  }
0x1ba: {  	_ =	sdelay $0x1  }
0x1bb: {  	vm12 =	vmmov vm13  }
0x1bc: {  	v12 =	vmovc v9;
	v9 =	vmovc v13;
	vm13 =	vmmov vm14;
	vm14 =	vmmov vm15;
	vm15 =	vmmov vm11  }
.LBB2_22:
0x1bd: {  	[bflag:$0x0] =	sbarrier.arrive $0xFFFF;
	s4 =	simm.s32 $0x0  }
.LBB2_23:
0x1be: {  	s0 =	sshll.u32 s4, $0x6  }
0x1bf: {  	s1 =	rddreg [dreg:$0xd];
	s0 =	smin.u32 s0, $0x5E0  }
0x1c0: {  	s0 =	sadd.s32 s1, s0  }
0x1c1: {  	s0 =	smin.u32 s0, $0x6168  }
0x1c2: {  	s24 =	sshll.u32 s0, $0x6  }
0x1c3: {  	s1 =	sadd.s32 s24, s16  }
0x1c4: {  	[tilespmem:s10], [sflag:$0x4] =	stream.linear.gather [spmem:s1], $0x1000, $0x38;
	[tilespmem:$0x1E900] =	vst v63  }
0x1c5: {  	_ =	swait.ge [sflag:s11], $0x1000  }
0x1c6: {  	s25 =	rddreg [dreg:$0xc]  }
0x1c7: {  	s0 =	sadd.s32 s25, s0  }
0x1c8: {  	[sflag:s11] =	ssyncset.done $0x0;
	s29 =	rddreg [dreg:$0x8];
	s5 =	sshll.u32 s0, $0x3  }
0x1c9: {  	s30 =	simm.s32 $0x3100;
	[sflag:s11] =	ssyncadd.s32 $0xFFFFF000;
	s0 =	sadd.s32 s29, s5  }
0x1ca: {  	[tilespmem:s30], [sflag:$0x4] =	stream.linear.gather [hbm4b:s0+s8], $0x1000, $0x38;
	[tilespmem:$0x1E900] =	vst v63  }
0x1cb: {  	_ =	swait.ge [sflag:s11], $0x1000  }
0x1cc: {  	[sflag:s11] =	ssyncset.done $0x0;
	s31 =	rddreg [dreg:$0x7]  }
0x1cd: {  	[sflag:s11] =	ssyncadd.s32 $0xFFFFF000;
	s0 =	sadd.s32 s31, s5  }
0x1ce: {  	[tilespmem:s12], [sflag:$0x4] =	stream.linear.gather [hbm4b:s0+s8], $0x1000, $0x38;
	[tilespmem:$0x1E900] =	vst v63  }
0x1cf: {  	_ =	swait.ge [sflag:s11], $0x1000  }
0x1d0: {  	[sflag:s11] =	ssyncset.done $0x0  }
0x1d1: {  	s7 =	simm.s32 $0xFFFFF000;
	[sflag:s11] =	ssyncadd.s32 $0xFFFFF000  }
0x1d2: {  	v9 =	vld [tilespmem:s7+$0x5100]  }
0x1d3: {  	v10 =	vld [tilespmem:s7+$0x5110]  }
0x1d4: {  	v11 =	vld [tilespmem:s7+$0x5120]  }
0x1d5: {  	v13 =	vld [tilespmem:s7+$0x5130]  }
0x1d6: {  	v12 =	vld [tilespmem:s7+$0x3100]  }
0x1d7: {  	v14 =	vld [tilespmem:s7+$0x3110]  }
0x1d8: {  	v15 =	vld [tilespmem:s7+$0x3120]  }
0x1d9: {  	v16 =	vld [tilespmem:s7+$0x3130]  }
0x1da: {  	v17 =	vld [tilespmem:s7+$0x4100]  }
0x1db: {  	v18 =	vld [tilespmem:s7+$0x4110];
	v19 =	vmul.f32 v9, v12  }
0x1dc: {  	v20 =	vld [tilespmem:s7+$0x4120];
	v14 =	vmul.f32 v10, v14  }
0x1dd: {  	s6 =	simm.s32 $0xFFFFF040;
	v21 =	vld [tilespmem:s7+$0x4130];
	v23 =	vmul.f32 v11, v15;
	v22 =	vmul.f32 v19, v9  }
0x1de: {  	v12 =	vld [tilespmem:s6+$0x5100];
	v63 =	vmul.f32 v13, v16;
	v15 =	vmul.f32 v14, v10  }
0x1df: {  	v9 =	vld [tilespmem:s6+$0x5110];
	v16 =	vmul.f32 v23, v11;
	[tilespmem:s7+$0x3100] =	vst v22  }
0x1e0: {  	v10 =	vld [tilespmem:s6+$0x5120];
	[tilespmem:s7+$0x3110] =	vst v15;
	v15 =	vmul.f32 v63, v13  }
0x1e1: {  	v11 =	vld [tilespmem:s6+$0x5130];
	[tilespmem:s7+$0x3120] =	vst v16;
	v16 =	vadd.f32 v19, v17  }
0x1e2: {  	v18 =	vadd.f32 v14, v18;
	v13 =	vld [tilespmem:s6+$0x3100];
	[tilespmem:s7+$0x3130] =	vst v15  }
0x1e3: {  	v15 =	vld [tilespmem:s6+$0x3110];
	[tilespmem:s7+$0x6100] =	vst v16;
	v16 =	vadd.f32 v23, v20  }
0x1e4: {  	s3 =	simm.s32 $0xFFFFC200;
	v17 =	vadd.f32 v63, v21;
	v14 =	vld [tilespmem:s6+$0x3120];
	[tilespmem:s7+$0x6110] =	vst v18  }
.LBB2_24:
0x1e5: {  	p0 =	sne.s32 s3, $0xFFFFFF00;
	v18 =	vld [tilespmem:s6+$0x3130];
	[tilespmem:s7+$0x6120] =	vst v16  }
0x1e6: {  	v16 =	vld [tilespmem:s6+$0x4100];
	[tilespmem:s7+$0x6130] =	vst v17;
	s7 =	smov.u32 s6  }
0x1e7: {  	v13 =	vmul.f32 v12, v13;
	v17 =	vld [tilespmem:s7+$0x4110]  }
0x1e8: {  	v15 =	vmul.f32 v9, v15;
	v19 =	vld [tilespmem:s7+$0x4120]  }
0x1e9: {  	s6 =	sshra.s32 s3, $0x2;
	v20 =	vmul.f32 v13, v12;
	v14 =	vmul.f32 v10, v14;
	v21 =	vld [tilespmem:s7+$0x4130]  }
0x1ea: {  	v12 =	vld [tilespmem:s6+$0x5100];
	v22 =	vmul.f32 v15, v9;
	v18 =	vmul.f32 v11, v18  }
0x1eb: {  	v9 =	vld [tilespmem:s6+$0x5110];
	v23 =	vadd.f32 v13, v16;
	[tilespmem:s7+$0x3100] =	vst v20;
	v13 =	vmul.f32 v14, v10  }
.Ltmp16:
0x1ec: {  	v10 =	vld [tilespmem:s6+$0x5120];
	v20 =	vadd.f32 v15, v17;
	[tilespmem:s7+$0x3110] =	vst v22;
	v15 =	vmul.f32 v18, v11;
	(pc) =	sbr.rel @p0 .LBB2_24-.Ltmp16, $4  }
0x1ed: {  	v11 =	vld [tilespmem:s6+$0x5130];
	v16 =	vadd.f32 v14, v19;
	[tilespmem:s7+$0x3120] =	vst v13  }
0x1ee: {  	v13 =	vld [tilespmem:s6+$0x3100];
	v17 =	vadd.f32 v18, v21;
	[tilespmem:s7+$0x3130] =	vst v15  }
0x1ef: {  	v15 =	vld [tilespmem:s6+$0x3110];
	[tilespmem:s7+$0x6100] =	vst v23  }
0x1f0: {  	s3 =	sadd.s32 $0x100, s3;
	v14 =	vld [tilespmem:s6+$0x3120];
	[tilespmem:s7+$0x6110] =	vst v20  }
0x1f1: {  	v18 =	vld [tilespmem:s6+$0x3130];
	_ =	sdelay $0x1  }
0x1f2: {  	[tilespmem:s7+$0x6120] =	vst v16;
	v13 =	vmul.f32 v12, v13  }
0x1f3: {  	v16 =	vld [tilespmem:s6+$0x4100];
	[tilespmem:s7+$0x6130] =	vst v17;
	v15 =	vmul.f32 v9, v15  }
0x1f4: {  	v17 =	vld [tilespmem:s6+$0x4110];
	v12 =	vmul.f32 v13, v12;
	v14 =	vmul.f32 v10, v14  }
0x1f5: {  	v19 =	vld [tilespmem:s6+$0x4120];
	v9 =	vmul.f32 v15, v9;
	v18 =	vmul.f32 v11, v18  }
0x1f6: {  	v20 =	vld [tilespmem:s6+$0x4130];
	[tilespmem:s6+$0x3100] =	vst v12;
	v10 =	vmul.f32 v14, v10  }
0x1f7: {  	[tilespmem:s6+$0x3110] =	vst v9;
	v9 =	vmul.f32 v18, v11  }
0x1f8: {  	v11 =	vadd.f32 v13, v16;
	[tilespmem:s6+$0x3120] =	vst v10  }
0x1f9: {  	v10 =	vadd.f32 v15, v17;
	[tilespmem:s6+$0x3130] =	vst v9  }
0x1fa: {  	v9 =	vadd.f32 v14, v19;
	[tilespmem:s6+$0x6100] =	vst v11  }
0x1fb: {  	v11 =	vadd.f32 v18, v20;
	[tilespmem:s6+$0x6110] =	vst v10  }
0x1fc: {  	s0 =	rddreg [dreg:$0xa];
	[tilespmem:s6+$0x6120] =	vst v9  }
0x1fd: {  	s0 =	sadd.s32 s0, s5;
	[tilespmem:s6+$0x6130] =	vst v11  }
0x1fe: {  	[hbm4b:s0+s8] =	stream.linear.scatter [tilespmem:s10], [sflag:$0x4], $0x1000, $0x38;
	[tilespmem:$0x1E900] =	vst v63  }
0x1ff: {  	s1 =	simm.s32 $0x5100;
	s4 =	sadd.s32 $0x1, s4;
	_ =	swait.ge [sflag:s11], $0x1000  }
0x200: {  	p0 =	sne.s32 s4, $0x19;
	[sflag:s11] =	ssyncset.done $0x0;
	s31 =	rddreg [dreg:$0xb]  }
.Ltmp17:
0x201: {  	[sflag:s11] =	ssyncadd.s32 $0xFFFFF000;
	s0 =	sadd.s32 s31, s5;
	(pc) =	sbr.rel @p0 .LBB2_23-.Ltmp17, $4  }
0x202: {  	[hbm4b:s0+s8] =	stream.linear.scatter [tilespmem:s1], [sflag:$0x4], $0x1000, $0x38;
	[tilespmem:$0x1E900] =	vst v63  }
0x203: {  	_ =	swait.ge [sflag:s11], $0x1000  }
0x204: {  	[sflag:s11] =	ssyncset.done $0x0  }
0x205: {  	[sflag:s11] =	ssyncadd.s32 $0xFFFFF000  }
0x206: {  	s1 =	rddreg [dreg:$0x1e]  }
0x207: {  	s0 =	rddreg [dreg:$0x12];
	s1 =	sadd.s32 $0x1, s1  }
0x208: {  	p0 =	sne.s32 s1, s0  }
.Ltmp18:
0x209: {  	_ = 	snop;
	(pc) =	sbr.rel @p0 .LBB2_1-.Ltmp18, $1  }
0x20a: {  	_ =	sdelay $0x3  }
0x20b: {  	_ =	sfence.sel $0x180000  }
0x20c: {  	[bflag:$0x0] =	sbarrier.arrive $0xFFFF  }
0x20d: {  	_ =	strace $0x9000004A  }
0x20e: {  	s0 =	stileid.u32;
	[bflag:$0x2] =	sbarrier.arrive $0xFFFF  }
0x20f: {  	p0 =	sne.s32 s0, $0x0;
	s0 =	rddreg [dreg:$0x3]  }
0x210: {  	s0 =	sadd.s32 @!p0 $0x100000, s0  }
0x211: {  	[sflag:s0] =	ssyncadd.tile.s32 @!p0 $0x1;
	_ =	shalt  }
.Lfunc_end2:
_tile_overlayer_lowered:
.L_overlay_start_2:
0x212: {  	(tag) =	ssettag $0x2  }
0x213: {  	s0 =	rddreg [dreg:$0x0];
	s2 =	stileid.u32  }
0x214: {  	s1 =	rddreg [dreg:$0x1];
	p0 =	sne.s32 s2, $0x0  }
0x215: {  	s3 =	rddreg [dreg:$0x2];
	[bflag:$0x3] =	sbarrier.arrive $0xFFFF;
	s2 =	simm.s32 @!p0 $0x1C04  }
0x216: {  	[timem:s3], [sflag:s2] =	dma.local @!p0 [hbm:s0], s1  }
0x217: {  	s0 =	simm.s32 @!p0 $0x4  }
0x218: {  	_ =	swait.ge @!p0 [sflag:s0], s1  }
0x219: {  	s1 =	ssub.s32 @!p0 $0x0, s1;
	[sflag:s0] =	ssyncset.done @!p0 $0x0  }
0x21a: {  	[sflag:s0] =	ssyncadd.s32 @!p0 s1  }
0x21b: {  	[bflag:$0x3] =	sbarrier.arrive $0xFFFF  }
0x21c: {  	_ =	shalt  }

</sc_bundles>
